<compile_context>
chip_gen: v7x
topology: tpu7x:2x2x1
jax: 0.10.2.dev20260603
libtpu: 0.0.44.dev20260713+nightly
codegen_flags: <defaults>
</compile_context>

<pallas_src>
import functools

import jax
import jax.numpy as jnp
from jax import lax
from jax.experimental import pallas as pl
from jax.experimental.pallas import tpu as pltpu
from jax.experimental.pallas import tpu_sc as plsc

B = 16384
V = 1_000_000
D = 32
G = 16
CH = 32768
SH = 15
NBLK = (V + CH - 1) // CH
RPB = CH // G
NC, NS, L = 2, 16, 16
NW = NC * NS
NPW = B // NW
NSD = 2 * NPW
C = 64
NCH = NSD // C
NGC = C // L

_mesh = plsc.VectorSubcoreMesh(
    core_axis_name="c", subcore_axis_name="s", num_cores=NC, num_subcores=NS
)


def _tc_restage(t_ref, out_ref):
    out_ref[...] = t_ref[...].reshape(1, D, CH // 128, 128)


def _restage(t3):
    return pl.pallas_call(
        _tc_restage,
        grid=(NBLK,),
        in_specs=[pl.BlockSpec((1, D, CH), lambda i: (0, 0, i))],
        out_specs=pl.BlockSpec((1, D, CH // 128, 128), lambda i: (i, 0, 0, 0)),
        out_shape=jax.ShapeDtypeStruct((NBLK, D, CH // 128, 128), jnp.float32),
        compiler_params=pltpu.CompilerParams(
            dimension_semantics=("parallel",),
        ),
    )(t3)


def _rsqrt(x):
    i = plsc.bitcast(x, jnp.int32)
    i = jnp.int32(0x5F3759DF) - (i >> 1)
    y = plsc.bitcast(i, jnp.float32)
    for _ in range(3):
        y = y * (1.5 - 0.5 * x * y * y)
    return y


@functools.partial(
    pl.kernel,
    out_type=jax.ShapeDtypeStruct((B,), jnp.float32),
    mesh=_mesh,
    compiler_params=pltpu.CompilerParams(
        needs_layout_passes=False, use_tc_tiling_on_sc=False
    ),
    scratch_types=[
        pltpu.VMEM((NSD,), jnp.int32),
        pltpu.VMEM((D * C,), jnp.int32),
        pltpu.VMEM((D * C,), jnp.int32),
        pltpu.VMEM((D * C, G), jnp.float32),
        pltpu.VMEM((D * C, G), jnp.float32),
        pltpu.VMEM((NPW,), jnp.float32),
        pltpu.SemaphoreType.DMA,
        pltpu.SemaphoreType.DMA,
    ],
)
def _cosine_sc(x_hbm, t_hbm, out_hbm, vid_v, idx_a, idx_b, rows_a, rows_b,
               out_v, sem_a, sem_b):
    wid = lax.axis_index("s") * NC + lax.axis_index("c")
    base = wid * NPW
    pltpu.sync_copy(x_hbm.at[pl.ds(2 * base, NSD)], vid_v)
    lane = lax.iota(jnp.int32, L)

    def build(c, idx_ref):
        for g in range(NGC):
            vk = vid_v[pl.ds(c * C + g * L, L)]
            rb = (vk >> SH) * (D * RPB) + ((vk >> 4) & (RPB - 1))
            for d in range(D):
                idx_ref[pl.ds(d * C + g * L, L)] = rb + d * RPB

    def extract(c, rows_ref):
        for g in range(NGC // 2):
            k1 = 32 * g + 2 * lane
            k2 = k1 + 1
            v1 = plsc.load_gather(vid_v, [c * C + k1])
            v2 = plsc.load_gather(vid_v, [c * C + k2])
            c1 = v1 & (G - 1)
            c2 = v2 & (G - 1)
            dot = jnp.zeros((L,), jnp.float32)
            s1 = jnp.zeros((L,), jnp.float32)
            s2 = jnp.zeros((L,), jnp.float32)
            for d in range(D):
                e1 = plsc.load_gather(rows_ref, [d * C + k1, c1])
                e2 = plsc.load_gather(rows_ref, [d * C + k2, c2])
                dot = dot + e1 * e2
                s1 = s1 + e1 * e1
                s2 = s2 + e2 * e2
            sim = dot * _rsqrt(jnp.maximum(s1, 1e-16)) * _rsqrt(
                jnp.maximum(s2, 1e-16))
            out_v[pl.ds(c * (C // 2) + g * L, L)] = 0.5 + 0.5 * sim

    build(0, idx_a)
    pltpu.async_copy(t_hbm.at[idx_a], rows_a, sem_a)

    def two_chunks(i, carry):
        ca = 2 * i
        cb = 2 * i + 1
        build(cb, idx_b)
        pltpu.async_copy(t_hbm.at[idx_b], rows_b, sem_b)
        pltpu.make_async_copy(t_hbm.at[idx_a], rows_a, sem_a).wait()
        extract(ca, rows_a)
        cn = (ca + 2) & (NCH - 1)
        build(cn, idx_a)
        pltpu.async_copy(t_hbm.at[idx_a], rows_a, sem_a)
        pltpu.make_async_copy(t_hbm.at[idx_b], rows_b, sem_b).wait()
        extract(cb, rows_b)
        return carry

    lax.fori_loop(0, NCH // 2, two_chunks, 0)
    pltpu.make_async_copy(t_hbm.at[idx_a], rows_a, sem_a).wait()

    pltpu.sync_copy(out_v, out_hbm.at[pl.ds(base, NPW)])


def kernel(x, table):
    t_lin = _restage(table.T.reshape(1, D, V))
    t16 = t_lin.reshape(NBLK * D * RPB, G)
    return _cosine_sc(x.reshape(-1).astype(jnp.int32), t16)

# --- scband reference (transcript-rebuilt; emitter-appended) ---
"""Pipeline reference for scband-regression-model-5841155522662 (READ-ONLY COPY).

The authoritative reference and input builder live on the scoring server;
editing this copy changes nothing except your own understanding.
"""

import jax, jax.numpy as jnp
import numpy as np

NUM_EMBEDDINGS = 1000000
EMBED_DIM = 32
BATCH = 16384


def setup_inputs(seed: int = 0) -> dict:
    key = jax.random.key(seed)
    k1, k2 = jax.random.split(key)
    x = jax.random.randint(k1, (BATCH, 2), 0, NUM_EMBEDDINGS, dtype=jnp.int64 if jax.config.jax_enable_x64 else jnp.int32).astype(jnp.int32)
    table = jax.random.normal(k2, (NUM_EMBEDDINGS, EMBED_DIM), dtype=jnp.float32)
    return {"x": x, "table": table}


def reference(x, table):
    # x: int[B, 2] pairs of indices; table: float32[V, D] embedding weight
    x = x.reshape(-1, 2)
    idx_d1 = x[:, 0]
    idx_d2 = x[:, 1]
    e1 = jnp.take(table, idx_d1, axis=0)
    e2 = jnp.take(table, idx_d2, axis=0)
    eps = 1e-8
    # torch.nn.CosineSimilarity(dim=1, eps=1e-8):
    # sim = sum(e1*e2) / (max(||e1||, eps) * max(||e2||, eps))
    n1 = jnp.maximum(jnp.sqrt(jnp.sum(e1 * e1, axis=1)), eps)
    n2 = jnp.maximum(jnp.sqrt(jnp.sum(e2 * e2, axis=1)), eps)
    sim = jnp.sum(e1 * e2, axis=1) / (n1 * n2)
    return 0.5 + 0.5 * sim

if __name__ == "__main__":
    import jax
    _d = setup_inputs()
    print(jax.jit(kernel)(*tuple(_d.values())))

</pallas_src>

<mosaic_0001>
#map = affine_map<(d0, d1) -> (0)>
#map1 = affine_map<(d0, d1) -> (0, 0)>
module attributes {stable_mosaic.version = 14 : i64} {
  func.func @_cosine_sc(%arg0: i32, %arg1: i32, %arg2: memref<32768xi32, #tpu.memory_space<hbm>>, %arg3: memref<2031616x16xf32, #tpu.memory_space<hbm>>, %arg4: memref<16384xf32, #tpu.memory_space<hbm>>, %arg5: memref<1024xi32, #tpu.memory_space<vmem>>, %arg6: memref<2048xi32, #tpu.memory_space<vmem>>, %arg7: memref<2048xi32, #tpu.memory_space<vmem>>, %arg8: memref<2048x16xf32, #tpu.memory_space<vmem>>, %arg9: memref<2048x16xf32, #tpu.memory_space<vmem>>, %arg10: memref<512xf32, #tpu.memory_space<vmem>>, %arg11: memref<!tpu.dma_semaphore, #tpu.memory_space<semaphore_mem>>, %arg12: memref<!tpu.dma_semaphore, #tpu.memory_space<semaphore_mem>>) attributes {dimension_semantics = [#tpu.dimension_semantics<core_parallel>, #tpu.dimension_semantics<subcore_parallel>], iteration_bounds = array<i64: 2, 16>, scalar_prefetch = 0 : i64, scratch_operands = 8 : i64, tpu.core_type = #tpu.core_type<sc_vector_subcore>, window_params = [{transform_indices = #map}, {transform_indices = #map1}, {transform_indices = #map}]} {
    %mul3A = arith.constant 2 : i32
    %mul3A_0 = arith.muli %arg1, %mul3A : i32
    %add3A = arith.addi %mul3A_0, %arg0 : i32
    %mul3A_1 = arith.constant 512 : i32
    %mul3A_2 = arith.muli %add3A, %mul3A_1 : i32
    %mul3A_3 = arith.constant 2 : i32
    %mul3A_4 = arith.muli %mul3A_3, %mul3A_2 : i32
    "tpu.region"() ({
      %run_scoped3A = tpu.sem_alloc : memref<!tpu.dma_semaphore, #tpu.memory_space<semaphore_mem>>
      %dma_start3A_710 = tpu.memref_slice %arg2[%mul3A_4] : memref<32768xi32, #tpu.memory_space<hbm>> -> memref<1024xi32, #tpu.memory_space<hbm>>
      %dma_start3A_711 = tpu.memref_slice %arg2[%mul3A_4] : memref<32768xi32, #tpu.memory_space<hbm>> -> memref<1024xi32, #tpu.memory_space<hbm>>
      tpu.enqueue_dma source(%dma_start3A_711 : memref<1024xi32, #tpu.memory_space<hbm>>) target(%arg5 : memref<1024xi32, #tpu.memory_space<vmem>>) target_semaphore(%run_scoped3A : memref<!tpu.dma_semaphore, #tpu.memory_space<semaphore_mem>>)
      %dma_wait3A_712 = tpu.memref_slice %arg2[%mul3A_4] : memref<32768xi32, #tpu.memory_space<hbm>> -> memref<1024xi32, #tpu.memory_space<hbm>>
      %dma_wait3A_713 = tpu.memref_slice %arg2[%mul3A_4] : memref<32768xi32, #tpu.memory_space<hbm>> -> memref<1024xi32, #tpu.memory_space<hbm>>
      tpu.wait_dma2 semaphore(%run_scoped3A : memref<!tpu.dma_semaphore, #tpu.memory_space<semaphore_mem>>) src(%dma_wait3A_713 : memref<1024xi32, #tpu.memory_space<hbm>>) dst(%arg5 : memref<1024xi32, #tpu.memory_space<vmem>>)
      tpu.yield
    }) : () -> ()
    %iota3A = tpu.iota {dimensions = array<i32: 0>} : vector<16xi32>
    %get3A = arith.constant 0 : index
    %get3A_5 = tpu.vector_load %arg5[%get3A] {strides = array<i32>} : memref<1024xi32, #tpu.memory_space<vmem>>, vector<16xi32>,
    %shift_right_arithmetic3A = arith.constant 15 : i32
    %shift_right_arithmetic3A_6 = vector.broadcast %shift_right_arithmetic3A : i32 to vector<16xi32>
    %shift_right_arithmetic3A_7 = arith.shrsi %get3A_5, %shift_right_arithmetic3A_6 : vector<16xi32>
    %mul3A_8 = arith.constant 65536 : i32
    %mul3A_9 = vector.broadcast %mul3A_8 : i32 to vector<16xi32>
    %mul3A_10 = arith.muli %shift_right_arithmetic3A_7, %mul3A_9 : vector<16xi32>
    %shift_right_arithmetic3A_11 = arith.constant 4 : i32
    %shift_right_arithmetic3A_12 = vector.broadcast %shift_right_arithmetic3A_11 : i32 to vector<16xi32>
    %shift_right_arithmetic3A_13 = arith.shrsi %get3A_5, %shift_right_arithmetic3A_12 : vector<16xi32>
    %and3A = arith.constant 2047 : i32
    %and3A_14 = vector.broadcast %and3A : i32 to vector<16xi32>
    %and3A_15 = arith.andi %shift_right_arithmetic3A_13, %and3A_14 : vector<16xi32>
    %add3A_16 = arith.addi %mul3A_10, %and3A_15 : vector<16xi32>
    %add3A_17 = arith.constant 0 : i32
    %add3A_18 = vector.broadcast %add3A_17 : i32 to vector<16xi32>
    %add3A_19 = arith.addi %add3A_16, %add3A_18 : vector<16xi32>
    %swap3A = arith.constant 0 : index
    %swap3A_20 = tpu.vector_load %arg6[%swap3A] {strides = array<i32>} : memref<2048xi32, #tpu.memory_space<vmem>>, vector<16xi32>,
    tpu.vector_store %arg6[%swap3A], %add3A_19 {strides = array<i32>} : memref<2048xi32, #tpu.memory_space<vmem>>, vector<16xi32>,
    %add3A_21 = arith.constant 2048 : i32
    %add3A_22 = vector.broadcast %add3A_21 : i32 to vector<16xi32>
    %add3A_23 = arith.addi %add3A_16, %add3A_22 : vector<16xi32>
    %swap3A_24 = arith.constant 64 : index
    %swap3A_25 = tpu.vector_load %arg6[%swap3A_24] {strides = array<i32>} : memref<2048xi32, #tpu.memory_space<vmem>>, vector<16xi32>,
    tpu.vector_store %arg6[%swap3A_24], %add3A_23 {strides = array<i32>} : memref<2048xi32, #tpu.memory_space<vmem>>, vector<16xi32>,
    %add3A_26 = arith.constant 4096 : i32
    %add3A_27 = vector.broadcast %add3A_26 : i32 to vector<16xi32>
    %add3A_28 = arith.addi %add3A_16, %add3A_27 : vector<16xi32>
    %swap3A_29 = arith.constant 128 : index
    %swap3A_30 = tpu.vector_load %arg6[%swap3A_29] {strides = array<i32>} : memref<2048xi32, #tpu.memory_space<vmem>>, vector<16xi32>,
    tpu.vector_store %arg6[%swap3A_29], %add3A_28 {strides = array<i32>} : memref<2048xi32, #tpu.memory_space<vmem>>, vector<16xi32>,
    %add3A_31 = arith.constant 6144 : i32
    %add3A_32 = vector.broadcast %add3A_31 : i32 to vector<16xi32>
    %add3A_33 = arith.addi %add3A_16, %add3A_32 : vector<16xi32>
    %swap3A_34 = arith.constant 192 : index
    %swap3A_35 = tpu.vector_load %arg6[%swap3A_34] {strides = array<i32>} : memref<2048xi32, #tpu.memory_space<vmem>>, vector<16xi32>,
    tpu.vector_store %arg6[%swap3A_34], %add3A_33 {strides = array<i32>} : memref<2048xi32, #tpu.memory_space<vmem>>, vector<16xi32>,
    %add3A_36 = arith.constant 8192 : i32
    %add3A_37 = vector.broadcast %add3A_36 : i32 to vector<16xi32>
    %add3A_38 = arith.addi %add3A_16, %add3A_37 : vector<16xi32>
    %swap3A_39 = arith.constant 256 : index
    %swap3A_40 = tpu.vector_load %arg6[%swap3A_39] {strides = array<i32>} : memref<2048xi32, #tpu.memory_space<vmem>>, vector<16xi32>,
    tpu.vector_store %arg6[%swap3A_39], %add3A_38 {strides = array<i32>} : memref<2048xi32, #tpu.memory_space<vmem>>, vector<16xi32>,
    %add3A_41 = arith.constant 10240 : i32
    %add3A_42 = vector.broadcast %add3A_41 : i32 to vector<16xi32>
    %add3A_43 = arith.addi %add3A_16, %add3A_42 : vector<16xi32>
    %swap3A_44 = arith.constant 320 : index
    %swap3A_45 = tpu.vector_load %arg6[%swap3A_44] {strides = array<i32>} : memref<2048xi32, #tpu.memory_space<vmem>>, vector<16xi32>,
    tpu.vector_store %arg6[%swap3A_44], %add3A_43 {strides = array<i32>} : memref<2048xi32, #tpu.memory_space<vmem>>, vector<16xi32>,
    %add3A_46 = arith.constant 12288 : i32
    %add3A_47 = vector.broadcast %add3A_46 : i32 to vector<16xi32>
    %add3A_48 = arith.addi %add3A_16, %add3A_47 : vector<16xi32>
    %swap3A_49 = arith.constant 384 : index
    %swap3A_50 = tpu.vector_load %arg6[%swap3A_49] {strides = array<i32>} : memref<2048xi32, #tpu.memory_space<vmem>>, vector<16xi32>,
    tpu.vector_store %arg6[%swap3A_49], %add3A_48 {strides = array<i32>} : memref<2048xi32, #tpu.memory_space<vmem>>, vector<16xi32>,
    %add3A_51 = arith.constant 14336 : i32
    %add3A_52 = vector.broadcast %add3A_51 : i32 to vector<16xi32>
    %add3A_53 = arith.addi %add3A_16, %add3A_52 : vector<16xi32>
    %swap3A_54 = arith.constant 448 : index
    %swap3A_55 = tpu.vector_load %arg6[%swap3A_54] {strides = array<i32>} : memref<2048xi32, #tpu.memory_space<vmem>>, vector<16xi32>,
    tpu.vector_store %arg6[%swap3A_54], %add3A_53 {strides = array<i32>} : memref<2048xi32, #tpu.memory_space<vmem>>, vector<16xi32>,
    %add3A_56 = arith.constant 16384 : i32
    %add3A_57 = vector.broadcast %add3A_56 : i32 to vector<16xi32>
    %add3A_58 = arith.addi %add3A_16, %add3A_57 : vector<16xi32>
    %swap3A_59 = arith.constant 512 : index
    %swap3A_60 = tpu.vector_load %arg6[%swap3A_59] {strides = array<i32>} : memref<2048xi32, #tpu.memory_space<vmem>>, vector<16xi32>,
    tpu.vector_store %arg6[%swap3A_59], %add3A_58 {strides = array<i32>} : memref<2048xi32, #tpu.memory_space<vmem>>, vector<16xi32>,
    %add3A_61 = arith.constant 18432 : i32
    %add3A_62 = vector.broadcast %add3A_61 : i32 to vector<16xi32>
    %add3A_63 = arith.addi %add3A_16, %add3A_62 : vector<16xi32>
    %swap3A_64 = arith.constant 576 : index
    %swap3A_65 = tpu.vector_load %arg6[%swap3A_64] {strides = array<i32>} : memref<2048xi32, #tpu.memory_space<vmem>>, vector<16xi32>,
    tpu.vector_store %arg6[%swap3A_64], %add3A_63 {strides = array<i32>} : memref<2048xi32, #tpu.memory_space<vmem>>, vector<16xi32>,
    %add3A_66 = arith.constant 20480 : i32
    %add3A_67 = vector.broadcast %add3A_66 : i32 to vector<16xi32>
    %add3A_68 = arith.addi %add3A_16, %add3A_67 : vector<16xi32>
    %swap3A_69 = arith.constant 640 : index
    %swap3A_70 = tpu.vector_load %arg6[%swap3A_69] {strides = array<i32>} : memref<2048xi32, #tpu.memory_space<vmem>>, vector<16xi32>,
    tpu.vector_store %arg6[%swap3A_69], %add3A_68 {strides = array<i32>} : memref<2048xi32, #tpu.memory_space<vmem>>, vector<16xi32>,
    %add3A_71 = arith.constant 22528 : i32
    %add3A_72 = vector.broadcast %add3A_71 : i32 to vector<16xi32>
    %add3A_73 = arith.addi %add3A_16, %add3A_72 : vector<16xi32>
    %swap3A_74 = arith.constant 704 : index
    %swap3A_75 = tpu.vector_load %arg6[%swap3A_74] {strides = array<i32>} : memref<2048xi32, #tpu.memory_space<vmem>>, vector<16xi32>,
    tpu.vector_store %arg6[%swap3A_74], %add3A_73 {strides = array<i32>} : memref<2048xi32, #tpu.memory_space<vmem>>, vector<16xi32>,
    %add3A_76 = arith.constant 24576 : i32
    %add3A_77 = vector.broadcast %add3A_76 : i32 to vector<16xi32>
    %add3A_78 = arith.addi %add3A_16, %add3A_77 : vector<16xi32>
    %swap3A_79 = arith.constant 768 : index
    %swap3A_80 = tpu.vector_load %arg6[%swap3A_79] {strides = array<i32>} : memref<2048xi32, #tpu.memory_space<vmem>>, vector<16xi32>,
    tpu.vector_store %arg6[%swap3A_79], %add3A_78 {strides = array<i32>} : memref<2048xi32, #tpu.memory_space<vmem>>, vector<16xi32>,
    %add3A_81 = arith.constant 26624 : i32
    %add3A_82 = vector.broadcast %add3A_81 : i32 to vector<16xi32>
    %add3A_83 = arith.addi %add3A_16, %add3A_82 : vector<16xi32>
    %swap3A_84 = arith.constant 832 : index
    %swap3A_85 = tpu.vector_load %arg6[%swap3A_84] {strides = array<i32>} : memref<2048xi32, #tpu.memory_space<vmem>>, vector<16xi32>,
    tpu.vector_store %arg6[%swap3A_84], %add3A_83 {strides = array<i32>} : memref<2048xi32, #tpu.memory_space<vmem>>, vector<16xi32>,
    %add3A_86 = arith.constant 28672 : i32
    %add3A_87 = vector.broadcast %add3A_86 : i32 to vector<16xi32>
    %add3A_88 = arith.addi %add3A_16, %add3A_87 : vector<16xi32>
    %swap3A_89 = arith.constant 896 : index
    %swap3A_90 = tpu.vector_load %arg6[%swap3A_89] {strides = array<i32>} : memref<2048xi32, #tpu.memory_space<vmem>>, vector<16xi32>,
    tpu.vector_store %arg6[%swap3A_89], %add3A_88 {strides = array<i32>} : memref<2048xi32, #tpu.memory_space<vmem>>, vector<16xi32>,
    %add3A_91 = arith.constant 30720 : i32
    %add3A_92 = vector.broadcast %add3A_91 : i32 to vector<16xi32>
    %add3A_93 = arith.addi %add3A_16, %add3A_92 : vector<16xi32>
    %swap3A_94 = arith.constant 960 : index
    %swap3A_95 = tpu.vector_load %arg6[%swap3A_94] {strides = array<i32>} : memref<2048xi32, #tpu.memory_space<vmem>>, vector<16xi32>,
    tpu.vector_store %arg6[%swap3A_94], %add3A_93 {strides = array<i32>} : memref<2048xi32, #tpu.memory_space<vmem>>, vector<16xi32>,
    %add3A_96 = arith.constant 32768 : i32
    %add3A_97 = vector.broadcast %add3A_96 : i32 to vector<16xi32>
    %add3A_98 = arith.addi %add3A_16, %add3A_97 : vector<16xi32>
    %swap3A_99 = arith.constant 1024 : index
    %swap3A_100 = tpu.vector_load %arg6[%swap3A_99] {strides = array<i32>} : memref<2048xi32, #tpu.memory_space<vmem>>, vector<16xi32>,
    tpu.vector_store %arg6[%swap3A_99], %add3A_98 {strides = array<i32>} : memref<2048xi32, #tpu.memory_space<vmem>>, vector<16xi32>,
    %add3A_101 = arith.constant 34816 : i32
    %add3A_102 = vector.broadcast %add3A_101 : i32 to vector<16xi32>
    %add3A_103 = arith.addi %add3A_16, %add3A_102 : vector<16xi32>
    %swap3A_104 = arith.constant 1088 : index
    %swap3A_105 = tpu.vector_load %arg6[%swap3A_104] {strides = array<i32>} : memref<2048xi32, #tpu.memory_space<vmem>>, vector<16xi32>,
    tpu.vector_store %arg6[%swap3A_104], %add3A_103 {strides = array<i32>} : memref<2048xi32, #tpu.memory_space<vmem>>, vector<16xi32>,
    %add3A_106 = arith.constant 36864 : i32
    %add3A_107 = vector.broadcast %add3A_106 : i32 to vector<16xi32>
    %add3A_108 = arith.addi %add3A_16, %add3A_107 : vector<16xi32>
    %swap3A_109 = arith.constant 1152 : index
    %swap3A_110 = tpu.vector_load %arg6[%swap3A_109] {strides = array<i32>} : memref<2048xi32, #tpu.memory_space<vmem>>, vector<16xi32>,
    tpu.vector_store %arg6[%swap3A_109], %add3A_108 {strides = array<i32>} : memref<2048xi32, #tpu.memory_space<vmem>>, vector<16xi32>,
    %add3A_111 = arith.constant 38912 : i32
    %add3A_112 = vector.broadcast %add3A_111 : i32 to vector<16xi32>
    %add3A_113 = arith.addi %add3A_16, %add3A_112 : vector<16xi32>
    %swap3A_114 = arith.constant 1216 : index
    %swap3A_115 = tpu.vector_load %arg6[%swap3A_114] {strides = array<i32>} : memref<2048xi32, #tpu.memory_space<vmem>>, vector<16xi32>,
    tpu.vector_store %arg6[%swap3A_114], %add3A_113 {strides = array<i32>} : memref<2048xi32, #tpu.memory_space<vmem>>, vector<16xi32>,
    %add3A_116 = arith.constant 40960 : i32
    %add3A_117 = vector.broadcast %add3A_116 : i32 to vector<16xi32>
    %add3A_118 = arith.addi %add3A_16, %add3A_117 : vector<16xi32>
    %swap3A_119 = arith.constant 1280 : index
    %swap3A_120 = tpu.vector_load %arg6[%swap3A_119] {strides = array<i32>} : memref<2048xi32, #tpu.memory_space<vmem>>, vector<16xi32>,
    tpu.vector_store %arg6[%swap3A_119], %add3A_118 {strides = array<i32>} : memref<2048xi32, #tpu.memory_space<vmem>>, vector<16xi32>,
    %add3A_121 = arith.constant 43008 : i32
    %add3A_122 = vector.broadcast %add3A_121 : i32 to vector<16xi32>
    %add3A_123 = arith.addi %add3A_16, %add3A_122 : vector<16xi32>
    %swap3A_124 = arith.constant 1344 : index
    %swap3A_125 = tpu.vector_load %arg6[%swap3A_124] {strides = array<i32>} : memref<2048xi32, #tpu.memory_space<vmem>>, vector<16xi32>,
    tpu.vector_store %arg6[%swap3A_124], %add3A_123 {strides = array<i32>} : memref<2048xi32, #tpu.memory_space<vmem>>, vector<16xi32>,
    %add3A_126 = arith.constant 45056 : i32
    %add3A_127 = vector.broadcast %add3A_126 : i32 to vector<16xi32>
    %add3A_128 = arith.addi %add3A_16, %add3A_127 : vector<16xi32>
    %swap3A_129 = arith.constant 1408 : index
    %swap3A_130 = tpu.vector_load %arg6[%swap3A_129] {strides = array<i32>} : memref<2048xi32, #tpu.memory_space<vmem>>, vector<16xi32>,
    tpu.vector_store %arg6[%swap3A_129], %add3A_128 {strides = array<i32>} : memref<2048xi32, #tpu.memory_space<vmem>>, vector<16xi32>,
    %add3A_131 = arith.constant 47104 : i32
    %add3A_132 = vector.broadcast %add3A_131 : i32 to vector<16xi32>
    %add3A_133 = arith.addi %add3A_16, %add3A_132 : vector<16xi32>
    %swap3A_134 = arith.constant 1472 : index
    %swap3A_135 = tpu.vector_load %arg6[%swap3A_134] {strides = array<i32>} : memref<2048xi32, #tpu.memory_space<vmem>>, vector<16xi32>,
    tpu.vector_store %arg6[%swap3A_134], %add3A_133 {strides = array<i32>} : memref<2048xi32, #tpu.memory_space<vmem>>, vector<16xi32>,
    %add3A_136 = arith.constant 49152 : i32
    %add3A_137 = vector.broadcast %add3A_136 : i32 to vector<16xi32>
    %add3A_138 = arith.addi %add3A_16, %add3A_137 : vector<16xi32>
    %swap3A_139 = arith.constant 1536 : index
    %swap3A_140 = tpu.vector_load %arg6[%swap3A_139] {strides = array<i32>} : memref<2048xi32, #tpu.memory_space<vmem>>, vector<16xi32>,
    tpu.vector_store %arg6[%swap3A_139], %add3A_138 {strides = array<i32>} : memref<2048xi32, #tpu.memory_space<vmem>>, vector<16xi32>,
    %add3A_141 = arith.constant 51200 : i32
    %add3A_142 = vector.broadcast %add3A_141 : i32 to vector<16xi32>
    %add3A_143 = arith.addi %add3A_16, %add3A_142 : vector<16xi32>
    %swap3A_144 = arith.constant 1600 : index
    %swap3A_145 = tpu.vector_load %arg6[%swap3A_144] {strides = array<i32>} : memref<2048xi32, #tpu.memory_space<vmem>>, vector<16xi32>,
    tpu.vector_store %arg6[%swap3A_144], %add3A_143 {strides = array<i32>} : memref<2048xi32, #tpu.memory_space<vmem>>, vector<16xi32>,
    %add3A_146 = arith.constant 53248 : i32
    %add3A_147 = vector.broadcast %add3A_146 : i32 to vector<16xi32>
    %add3A_148 = arith.addi %add3A_16, %add3A_147 : vector<16xi32>
    %swap3A_149 = arith.constant 1664 : index
    %swap3A_150 = tpu.vector_load %arg6[%swap3A_149] {strides = array<i32>} : memref<2048xi32, #tpu.memory_space<vmem>>, vector<16xi32>,
    tpu.vector_store %arg6[%swap3A_149], %add3A_148 {strides = array<i32>} : memref<2048xi32, #tpu.memory_space<vmem>>, vector<16xi32>,
    %add3A_151 = arith.constant 55296 : i32
    %add3A_152 = vector.broadcast %add3A_151 : i32 to vector<16xi32>
    %add3A_153 = arith.addi %add3A_16, %add3A_152 : vector<16xi32>
    %swap3A_154 = arith.constant 1728 : index
    %swap3A_155 = tpu.vector_load %arg6[%swap3A_154] {strides = array<i32>} : memref<2048xi32, #tpu.memory_space<vmem>>, vector<16xi32>,
    tpu.vector_store %arg6[%swap3A_154], %add3A_153 {strides = array<i32>} : memref<2048xi32, #tpu.memory_space<vmem>>, vector<16xi32>,
    %add3A_156 = arith.constant 57344 : i32
    %add3A_157 = vector.broadcast %add3A_156 : i32 to vector<16xi32>
    %add3A_158 = arith.addi %add3A_16, %add3A_157 : vector<16xi32>
    %swap3A_159 = arith.constant 1792 : index
    %swap3A_160 = tpu.vector_load %arg6[%swap3A_159] {strides = array<i32>} : memref<2048xi32, #tpu.memory_space<vmem>>, vector<16xi32>,
    tpu.vector_store %arg6[%swap3A_159], %add3A_158 {strides = array<i32>} : memref<2048xi32, #tpu.memory_space<vmem>>, vector<16xi32>,
    %add3A_161 = arith.constant 59392 : i32
    %add3A_162 = vector.broadcast %add3A_161 : i32 to vector<16xi32>
    %add3A_163 = arith.addi %add3A_16, %add3A_162 : vector<16xi32>
    %swap3A_164 = arith.constant 1856 : index
    %swap3A_165 = tpu.vector_load %arg6[%swap3A_164] {strides = array<i32>} : memref<2048xi32, #tpu.memory_space<vmem>>, vector<16xi32>,
    tpu.vector_store %arg6[%swap3A_164], %add3A_163 {strides = array<i32>} : memref<2048xi32, #tpu.memory_space<vmem>>, vector<16xi32>,
    %add3A_166 = arith.constant 61440 : i32
    %add3A_167 = vector.broadcast %add3A_166 : i32 to vector<16xi32>
    %add3A_168 = arith.addi %add3A_16, %add3A_167 : vector<16xi32>
    %swap3A_169 = arith.constant 1920 : index
    %swap3A_170 = tpu.vector_load %arg6[%swap3A_169] {strides = array<i32>} : memref<2048xi32, #tpu.memory_space<vmem>>, vector<16xi32>,
    tpu.vector_store %arg6[%swap3A_169], %add3A_168 {strides = array<i32>} : memref<2048xi32, #tpu.memory_space<vmem>>, vector<16xi32>,
    %add3A_171 = arith.constant 63488 : i32
    %add3A_172 = vector.broadcast %add3A_171 : i32 to vector<16xi32>
    %add3A_173 = arith.addi %add3A_16, %add3A_172 : vector<16xi32>
    %swap3A_174 = arith.constant 1984 : index
    %swap3A_175 = tpu.vector_load %arg6[%swap3A_174] {strides = array<i32>} : memref<2048xi32, #tpu.memory_space<vmem>>, vector<16xi32>,
    tpu.vector_store %arg6[%swap3A_174], %add3A_173 {strides = array<i32>} : memref<2048xi32, #tpu.memory_space<vmem>>, vector<16xi32>,
    %get3A_176 = arith.constant 16 : index
    %get3A_177 = tpu.vector_load %arg5[%get3A_176] {strides = array<i32>} : memref<1024xi32, #tpu.memory_space<vmem>>, vector<16xi32>,
    %shift_right_arithmetic3A_178 = arith.constant 15 : i32
    %shift_right_arithmetic3A_179 = vector.broadcast %shift_right_arithmetic3A_178 : i32 to vector<16xi32>
    %shift_right_arithmetic3A_180 = arith.shrsi %get3A_177, %shift_right_arithmetic3A_179 : vector<16xi32>
    %mul3A_181 = arith.constant 65536 : i32
    %mul3A_182 = vector.broadcast %mul3A_181 : i32 to vector<16xi32>
    %mul3A_183 = arith.muli %shift_right_arithmetic3A_180, %mul3A_182 : vector<16xi32>
    %shift_right_arithmetic3A_184 = arith.constant 4 : i32
    %shift_right_arithmetic3A_185 = vector.broadcast %shift_right_arithmetic3A_184 : i32 to vector<16xi32>
    %shift_right_arithmetic3A_186 = arith.shrsi %get3A_177, %shift_right_arithmetic3A_185 : vector<16xi32>
    %and3A_187 = arith.constant 2047 : i32
    %and3A_188 = vector.broadcast %and3A_187 : i32 to vector<16xi32>
    %and3A_189 = arith.andi %shift_right_arithmetic3A_186, %and3A_188 : vector<16xi32>
    %add3A_190 = arith.addi %mul3A_183, %and3A_189 : vector<16xi32>
    %add3A_191 = arith.constant 0 : i32
    %add3A_192 = vector.broadcast %add3A_191 : i32 to vector<16xi32>
    %add3A_193 = arith.addi %add3A_190, %add3A_192 : vector<16xi32>
    %swap3A_194 = arith.constant 16 : index
    %swap3A_195 = tpu.vector_load %arg6[%swap3A_194] {strides = array<i32>} : memref<2048xi32, #tpu.memory_space<vmem>>, vector<16xi32>,
    tpu.vector_store %arg6[%swap3A_194], %add3A_193 {strides = array<i32>} : memref<2048xi32, #tpu.memory_space<vmem>>, vector<16xi32>,
    %add3A_196 = arith.constant 2048 : i32
    %add3A_197 = vector.broadcast %add3A_196 : i32 to vector<16xi32>
    %add3A_198 = arith.addi %add3A_190, %add3A_197 : vector<16xi32>
    %swap3A_199 = arith.constant 80 : index
    %swap3A_200 = tpu.vector_load %arg6[%swap3A_199] {strides = array<i32>} : memref<2048xi32, #tpu.memory_space<vmem>>, vector<16xi32>,
    tpu.vector_store %arg6[%swap3A_199], %add3A_198 {strides = array<i32>} : memref<2048xi32, #tpu.memory_space<vmem>>, vector<16xi32>,
    %add3A_201 = arith.constant 4096 : i32
    %add3A_202 = vector.broadcast %add3A_201 : i32 to vector<16xi32>
    %add3A_203 = arith.addi %add3A_190, %add3A_202 : vector<16xi32>
    %swap3A_204 = arith.constant 144 : index
    %swap3A_205 = tpu.vector_load %arg6[%swap3A_204] {strides = array<i32>} : memref<2048xi32, #tpu.memory_space<vmem>>, vector<16xi32>,
    tpu.vector_store %arg6[%swap3A_204], %add3A_203 {strides = array<i32>} : memref<2048xi32, #tpu.memory_space<vmem>>, vector<16xi32>,
    %add3A_206 = arith.constant 6144 : i32
    %add3A_207 = vector.broadcast %add3A_206 : i32 to vector<16xi32>
    %add3A_208 = arith.addi %add3A_190, %add3A_207 : vector<16xi32>
    %swap3A_209 = arith.constant 208 : index
    %swap3A_210 = tpu.vector_load %arg6[%swap3A_209] {strides = array<i32>} : memref<2048xi32, #tpu.memory_space<vmem>>, vector<16xi32>,
    tpu.vector_store %arg6[%swap3A_209], %add3A_208 {strides = array<i32>} : memref<2048xi32, #tpu.memory_space<vmem>>, vector<16xi32>,
    %add3A_211 = arith.constant 8192 : i32
    %add3A_212 = vector.broadcast %add3A_211 : i32 to vector<16xi32>
    %add3A_213 = arith.addi %add3A_190, %add3A_212 : vector<16xi32>
    %swap3A_214 = arith.constant 272 : index
    %swap3A_215 = tpu.vector_load %arg6[%swap3A_214] {strides = array<i32>} : memref<2048xi32, #tpu.memory_space<vmem>>, vector<16xi32>,
    tpu.vector_store %arg6[%swap3A_214], %add3A_213 {strides = array<i32>} : memref<2048xi32, #tpu.memory_space<vmem>>, vector<16xi32>,
    %add3A_216 = arith.constant 10240 : i32
    %add3A_217 = vector.broadcast %add3A_216 : i32 to vector<16xi32>
    %add3A_218 = arith.addi %add3A_190, %add3A_217 : vector<16xi32>
    %swap3A_219 = arith.constant 336 : index
    %swap3A_220 = tpu.vector_load %arg6[%swap3A_219] {strides = array<i32>} : memref<2048xi32, #tpu.memory_space<vmem>>, vector<16xi32>,
    tpu.vector_store %arg6[%swap3A_219], %add3A_218 {strides = array<i32>} : memref<2048xi32, #tpu.memory_space<vmem>>, vector<16xi32>,
    %add3A_221 = arith.constant 12288 : i32
    %add3A_222 = vector.broadcast %add3A_221 : i32 to vector<16xi32>
    %add3A_223 = arith.addi %add3A_190, %add3A_222 : vector<16xi32>
    %swap3A_224 = arith.constant 400 : index
    %swap3A_225 = tpu.vector_load %arg6[%swap3A_224] {strides = array<i32>} : memref<2048xi32, #tpu.memory_space<vmem>>, vector<16xi32>,
    tpu.vector_store %arg6[%swap3A_224], %add3A_223 {strides = array<i32>} : memref<2048xi32, #tpu.memory_space<vmem>>, vector<16xi32>,
    %add3A_226 = arith.constant 14336 : i32
    %add3A_227 = vector.broadcast %add3A_226 : i32 to vector<16xi32>
    %add3A_228 = arith.addi %add3A_190, %add3A_227 : vector<16xi32>
    %swap3A_229 = arith.constant 464 : index
    %swap3A_230 = tpu.vector_load %arg6[%swap3A_229] {strides = array<i32>} : memref<2048xi32, #tpu.memory_space<vmem>>, vector<16xi32>,
    tpu.vector_store %arg6[%swap3A_229], %add3A_228 {strides = array<i32>} : memref<2048xi32, #tpu.memory_space<vmem>>, vector<16xi32>,
    %add3A_231 = arith.constant 16384 : i32
    %add3A_232 = vector.broadcast %add3A_231 : i32 to vector<16xi32>
    %add3A_233 = arith.addi %add3A_190, %add3A_232 : vector<16xi32>
    %swap3A_234 = arith.constant 528 : index
    %swap3A_235 = tpu.vector_load %arg6[%swap3A_234] {strides = array<i32>} : memref<2048xi32, #tpu.memory_space<vmem>>, vector<16xi32>,
    tpu.vector_store %arg6[%swap3A_234], %add3A_233 {strides = array<i32>} : memref<2048xi32, #tpu.memory_space<vmem>>, vector<16xi32>,
    %add3A_236 = arith.constant 18432 : i32
    %add3A_237 = vector.broadcast %add3A_236 : i32 to vector<16xi32>
    %add3A_238 = arith.addi %add3A_190, %add3A_237 : vector<16xi32>
    %swap3A_239 = arith.constant 592 : index
    %swap3A_240 = tpu.vector_load %arg6[%swap3A_239] {strides = array<i32>} : memref<2048xi32, #tpu.memory_space<vmem>>, vector<16xi32>,
    tpu.vector_store %arg6[%swap3A_239], %add3A_238 {strides = array<i32>} : memref<2048xi32, #tpu.memory_space<vmem>>, vector<16xi32>,
    %add3A_241 = arith.constant 20480 : i32
    %add3A_242 = vector.broadcast %add3A_241 : i32 to vector<16xi32>
    %add3A_243 = arith.addi %add3A_190, %add3A_242 : vector<16xi32>
    %swap3A_244 = arith.constant 656 : index
    %swap3A_245 = tpu.vector_load %arg6[%swap3A_244] {strides = array<i32>} : memref<2048xi32, #tpu.memory_space<vmem>>, vector<16xi32>,
    tpu.vector_store %arg6[%swap3A_244], %add3A_243 {strides = array<i32>} : memref<2048xi32, #tpu.memory_space<vmem>>, vector<16xi32>,
    %add3A_246 = arith.constant 22528 : i32
    %add3A_247 = vector.broadcast %add3A_246 : i32 to vector<16xi32>
    %add3A_248 = arith.addi %add3A_190, %add3A_247 : vector<16xi32>
    %swap3A_249 = arith.constant 720 : index
    %swap3A_250 = tpu.vector_load %arg6[%swap3A_249] {strides = array<i32>} : memref<2048xi32, #tpu.memory_space<vmem>>, vector<16xi32>,
    tpu.vector_store %arg6[%swap3A_249], %add3A_248 {strides = array<i32>} : memref<2048xi32, #tpu.memory_space<vmem>>, vector<16xi32>,
    %add3A_251 = arith.constant 24576 : i32
    %add3A_252 = vector.broadcast %add3A_251 : i32 to vector<16xi32>
    %add3A_253 = arith.addi %add3A_190, %add3A_252 : vector<16xi32>
    %swap3A_254 = arith.constant 784 : index
    %swap3A_255 = tpu.vector_load %arg6[%swap3A_254] {strides = array<i32>} : memref<2048xi32, #tpu.memory_space<vmem>>, vector<16xi32>,
    tpu.vector_store %arg6[%swap3A_254], %add3A_253 {strides = array<i32>} : memref<2048xi32, #tpu.memory_space<vmem>>, vector<16xi32>,
    %add3A_256 = arith.constant 26624 : i32
    %add3A_257 = vector.broadcast %add3A_256 : i32 to vector<16xi32>
    %add3A_258 = arith.addi %add3A_190, %add3A_257 : vector<16xi32>
    %swap3A_259 = arith.constant 848 : index
    %swap3A_260 = tpu.vector_load %arg6[%swap3A_259] {strides = array<i32>} : memref<2048xi32, #tpu.memory_space<vmem>>, vector<16xi32>,
    tpu.vector_store %arg6[%swap3A_259], %add3A_258 {strides = array<i32>} : memref<2048xi32, #tpu.memory_space<vmem>>, vector<16xi32>,
    %add3A_261 = arith.constant 28672 : i32
    %add3A_262 = vector.broadcast %add3A_261 : i32 to vector<16xi32>
    %add3A_263 = arith.addi %add3A_190, %add3A_262 : vector<16xi32>
    %swap3A_264 = arith.constant 912 : index
    %swap3A_265 = tpu.vector_load %arg6[%swap3A_264] {strides = array<i32>} : memref<2048xi32, #tpu.memory_space<vmem>>, vector<16xi32>,
    tpu.vector_store %arg6[%swap3A_264], %add3A_263 {strides = array<i32>} : memref<2048xi32, #tpu.memory_space<vmem>>, vector<16xi32>,
    %add3A_266 = arith.constant 30720 : i32
    %add3A_267 = vector.broadcast %add3A_266 : i32 to vector<16xi32>
    %add3A_268 = arith.addi %add3A_190, %add3A_267 : vector<16xi32>
    %swap3A_269 = arith.constant 976 : index
    %swap3A_270 = tpu.vector_load %arg6[%swap3A_269] {strides = array<i32>} : memref<2048xi32, #tpu.memory_space<vmem>>, vector<16xi32>,
    tpu.vector_store %arg6[%swap3A_269], %add3A_268 {strides = array<i32>} : memref<2048xi32, #tpu.memory_space<vmem>>, vector<16xi32>,
    %add3A_271 = arith.constant 32768 : i32
    %add3A_272 = vector.broadcast %add3A_271 : i32 to vector<16xi32>
    %add3A_273 = arith.addi %add3A_190, %add3A_272 : vector<16xi32>
    %swap3A_274 = arith.constant 1040 : index
    %swap3A_275 = tpu.vector_load %arg6[%swap3A_274] {strides = array<i32>} : memref<2048xi32, #tpu.memory_space<vmem>>, vector<16xi32>,
    tpu.vector_store %arg6[%swap3A_274], %add3A_273 {strides = array<i32>} : memref<2048xi32, #tpu.memory_space<vmem>>, vector<16xi32>,
    %add3A_276 = arith.constant 34816 : i32
    %add3A_277 = vector.broadcast %add3A_276 : i32 to vector<16xi32>
    %add3A_278 = arith.addi %add3A_190, %add3A_277 : vector<16xi32>
    %swap3A_279 = arith.constant 1104 : index
    %swap3A_280 = tpu.vector_load %arg6[%swap3A_279] {strides = array<i32>} : memref<2048xi32, #tpu.memory_space<vmem>>, vector<16xi32>,
    tpu.vector_store %arg6[%swap3A_279], %add3A_278 {strides = array<i32>} : memref<2048xi32, #tpu.memory_space<vmem>>, vector<16xi32>,
    %add3A_281 = arith.constant 36864 : i32
    %add3A_282 = vector.broadcast %add3A_281 : i32 to vector<16xi32>
    %add3A_283 = arith.addi %add3A_190, %add3A_282 : vector<16xi32>
    %swap3A_284 = arith.constant 1168 : index
    %swap3A_285 = tpu.vector_load %arg6[%swap3A_284] {strides = array<i32>} : memref<2048xi32, #tpu.memory_space<vmem>>, vector<16xi32>,
    tpu.vector_store %arg6[%swap3A_284], %add3A_283 {strides = array<i32>} : memref<2048xi32, #tpu.memory_space<vmem>>, vector<16xi32>,
    %add3A_286 = arith.constant 38912 : i32
    %add3A_287 = vector.broadcast %add3A_286 : i32 to vector<16xi32>
    %add3A_288 = arith.addi %add3A_190, %add3A_287 : vector<16xi32>
    %swap3A_289 = arith.constant 1232 : index
    %swap3A_290 = tpu.vector_load %arg6[%swap3A_289] {strides = array<i32>} : memref<2048xi32, #tpu.memory_space<vmem>>, vector<16xi32>,
    tpu.vector_store %arg6[%swap3A_289], %add3A_288 {strides = array<i32>} : memref<2048xi32, #tpu.memory_space<vmem>>, vector<16xi32>,
    %add3A_291 = arith.constant 40960 : i32
    %add3A_292 = vector.broadcast %add3A_291 : i32 to vector<16xi32>
    %add3A_293 = arith.addi %add3A_190, %add3A_292 : vector<16xi32>
    %swap3A_294 = arith.constant 1296 : index
    %swap3A_295 = tpu.vector_load %arg6[%swap3A_294] {strides = array<i32>} : memref<2048xi32, #tpu.memory_space<vmem>>, vector<16xi32>,
    tpu.vector_store %arg6[%swap3A_294], %add3A_293 {strides = array<i32>} : memref<2048xi32, #tpu.memory_space<vmem>>, vector<16xi32>,
    %add3A_296 = arith.constant 43008 : i32
    %add3A_297 = vector.broadcast %add3A_296 : i32 to vector<16xi32>
    %add3A_298 = arith.addi %add3A_190, %add3A_297 : vector<16xi32>
    %swap3A_299 = arith.constant 1360 : index
    %swap3A_300 = tpu.vector_load %arg6[%swap3A_299] {strides = array<i32>} : memref<2048xi32, #tpu.memory_space<vmem>>, vector<16xi32>,
    tpu.vector_store %arg6[%swap3A_299], %add3A_298 {strides = array<i32>} : memref<2048xi32, #tpu.memory_space<vmem>>, vector<16xi32>,
    %add3A_301 = arith.constant 45056 : i32
    %add3A_302 = vector.broadcast %add3A_301 : i32 to vector<16xi32>
    %add3A_303 = arith.addi %add3A_190, %add3A_302 : vector<16xi32>
    %swap3A_304 = arith.constant 1424 : index
    %swap3A_305 = tpu.vector_load %arg6[%swap3A_304] {strides = array<i32>} : memref<2048xi32, #tpu.memory_space<vmem>>, vector<16xi32>,
    tpu.vector_store %arg6[%swap3A_304], %add3A_303 {strides = array<i32>} : memref<2048xi32, #tpu.memory_space<vmem>>, vector<16xi32>,
    %add3A_306 = arith.constant 47104 : i32
    %add3A_307 = vector.broadcast %add3A_306 : i32 to vector<16xi32>
    %add3A_308 = arith.addi %add3A_190, %add3A_307 : vector<16xi32>
    %swap3A_309 = arith.constant 1488 : index
    %swap3A_310 = tpu.vector_load %arg6[%swap3A_309] {strides = array<i32>} : memref<2048xi32, #tpu.memory_space<vmem>>, vector<16xi32>,
    tpu.vector_store %arg6[%swap3A_309], %add3A_308 {strides = array<i32>} : memref<2048xi32, #tpu.memory_space<vmem>>, vector<16xi32>,
    %add3A_311 = arith.constant 49152 : i32
    %add3A_312 = vector.broadcast %add3A_311 : i32 to vector<16xi32>
    %add3A_313 = arith.addi %add3A_190, %add3A_312 : vector<16xi32>
    %swap3A_314 = arith.constant 1552 : index
    %swap3A_315 = tpu.vector_load %arg6[%swap3A_314] {strides = array<i32>} : memref<2048xi32, #tpu.memory_space<vmem>>, vector<16xi32>,
    tpu.vector_store %arg6[%swap3A_314], %add3A_313 {strides = array<i32>} : memref<2048xi32, #tpu.memory_space<vmem>>, vector<16xi32>,
    %add3A_316 = arith.constant 51200 : i32
    %add3A_317 = vector.broadcast %add3A_316 : i32 to vector<16xi32>
    %add3A_318 = arith.addi %add3A_190, %add3A_317 : vector<16xi32>
    %swap3A_319 = arith.constant 1616 : index
    %swap3A_320 = tpu.vector_load %arg6[%swap3A_319] {strides = array<i32>} : memref<2048xi32, #tpu.memory_space<vmem>>, vector<16xi32>,
    tpu.vector_store %arg6[%swap3A_319], %add3A_318 {strides = array<i32>} : memref<2048xi32, #tpu.memory_space<vmem>>, vector<16xi32>,
    %add3A_321 = arith.constant 53248 : i32
    %add3A_322 = vector.broadcast %add3A_321 : i32 to vector<16xi32>
    %add3A_323 = arith.addi %add3A_190, %add3A_322 : vector<16xi32>
    %swap3A_324 = arith.constant 1680 : index
    %swap3A_325 = tpu.vector_load %arg6[%swap3A_324] {strides = array<i32>} : memref<2048xi32, #tpu.memory_space<vmem>>, vector<16xi32>,
    tpu.vector_store %arg6[%swap3A_324], %add3A_323 {strides = array<i32>} : memref<2048xi32, #tpu.memory_space<vmem>>, vector<16xi32>,
    %add3A_326 = arith.constant 55296 : i32
    %add3A_327 = vector.broadcast %add3A_326 : i32 to vector<16xi32>
    %add3A_328 = arith.addi %add3A_190, %add3A_327 : vector<16xi32>
    %swap3A_329 = arith.constant 1744 : index
    %swap3A_330 = tpu.vector_load %arg6[%swap3A_329] {strides = array<i32>} : memref<2048xi32, #tpu.memory_space<vmem>>, vector<16xi32>,
    tpu.vector_store %arg6[%swap3A_329], %add3A_328 {strides = array<i32>} : memref<2048xi32, #tpu.memory_space<vmem>>, vector<16xi32>,
    %add3A_331 = arith.constant 57344 : i32
    %add3A_332 = vector.broadcast %add3A_331 : i32 to vector<16xi32>
    %add3A_333 = arith.addi %add3A_190, %add3A_332 : vector<16xi32>
    %swap3A_334 = arith.constant 1808 : index
    %swap3A_335 = tpu.vector_load %arg6[%swap3A_334] {strides = array<i32>} : memref<2048xi32, #tpu.memory_space<vmem>>, vector<16xi32>,
    tpu.vector_store %arg6[%swap3A_334], %add3A_333 {strides = array<i32>} : memref<2048xi32, #tpu.memory_space<vmem>>, vector<16xi32>,
    %add3A_336 = arith.constant 59392 : i32
    %add3A_337 = vector.broadcast %add3A_336 : i32 to vector<16xi32>
    %add3A_338 = arith.addi %add3A_190, %add3A_337 : vector<16xi32>
    %swap3A_339 = arith.constant 1872 : index
    %swap3A_340 = tpu.vector_load %arg6[%swap3A_339] {strides = array<i32>} : memref<2048xi32, #tpu.memory_space<vmem>>, vector<16xi32>,
    tpu.vector_store %arg6[%swap3A_339], %add3A_338 {strides = array<i32>} : memref<2048xi32, #tpu.memory_space<vmem>>, vector<16xi32>,
    %add3A_341 = arith.constant 61440 : i32
    %add3A_342 = vector.broadcast %add3A_341 : i32 to vector<16xi32>
    %add3A_343 = arith.addi %add3A_190, %add3A_342 : vector<16xi32>
    %swap3A_344 = arith.constant 1936 : index
    %swap3A_345 = tpu.vector_load %arg6[%swap3A_344] {strides = array<i32>} : memref<2048xi32, #tpu.memory_space<vmem>>, vector<16xi32>,
    tpu.vector_store %arg6[%swap3A_344], %add3A_343 {strides = array<i32>} : memref<2048xi32, #tpu.memory_space<vmem>>, vector<16xi32>,
    %add3A_346 = arith.constant 63488 : i32
    %add3A_347 = vector.broadcast %add3A_346 : i32 to vector<16xi32>
    %add3A_348 = arith.addi %add3A_190, %add3A_347 : vector<16xi32>
    %swap3A_349 = arith.constant 2000 : index
    %swap3A_350 = tpu.vector_load %arg6[%swap3A_349] {strides = array<i32>} : memref<2048xi32, #tpu.memory_space<vmem>>, vector<16xi32>,
    tpu.vector_store %arg6[%swap3A_349], %add3A_348 {strides = array<i32>} : memref<2048xi32, #tpu.memory_space<vmem>>, vector<16xi32>,
    %get3A_351 = arith.constant 32 : index
    %get3A_352 = tpu.vector_load %arg5[%get3A_351] {strides = array<i32>} : memref<1024xi32, #tpu.memory_space<vmem>>, vector<16xi32>,
    %shift_right_arithmetic3A_353 = arith.constant 15 : i32
    %shift_right_arithmetic3A_354 = vector.broadcast %shift_right_arithmetic3A_353 : i32 to vector<16xi32>
    %shift_right_arithmetic3A_355 = arith.shrsi %get3A_352, %shift_right_arithmetic3A_354 : vector<16xi32>
    %mul3A_356 = arith.constant 65536 : i32
    %mul3A_357 = vector.broadcast %mul3A_356 : i32 to vector<16xi32>
    %mul3A_358 = arith.muli %shift_right_arithmetic3A_355, %mul3A_357 : vector<16xi32>
    %shift_right_arithmetic3A_359 = arith.constant 4 : i32
    %shift_right_arithmetic3A_360 = vector.broadcast %shift_right_arithmetic3A_359 : i32 to vector<16xi32>
    %shift_right_arithmetic3A_361 = arith.shrsi %get3A_352, %shift_right_arithmetic3A_360 : vector<16xi32>
    %and3A_362 = arith.constant 2047 : i32
    %and3A_363 = vector.broadcast %and3A_362 : i32 to vector<16xi32>
    %and3A_364 = arith.andi %shift_right_arithmetic3A_361, %and3A_363 : vector<16xi32>
    %add3A_365 = arith.addi %mul3A_358, %and3A_364 : vector<16xi32>
    %add3A_366 = arith.constant 0 : i32
    %add3A_367 = vector.broadcast %add3A_366 : i32 to vector<16xi32>
    %add3A_368 = arith.addi %add3A_365, %add3A_367 : vector<16xi32>
    %swap3A_369 = arith.constant 32 : index
    %swap3A_370 = tpu.vector_load %arg6[%swap3A_369] {strides = array<i32>} : memref<2048xi32, #tpu.memory_space<vmem>>, vector<16xi32>,
    tpu.vector_store %arg6[%swap3A_369], %add3A_368 {strides = array<i32>} : memref<2048xi32, #tpu.memory_space<vmem>>, vector<16xi32>,
    %add3A_371 = arith.constant 2048 : i32
    %add3A_372 = vector.broadcast %add3A_371 : i32 to vector<16xi32>
    %add3A_373 = arith.addi %add3A_365, %add3A_372 : vector<16xi32>
    %swap3A_374 = arith.constant 96 : index
    %swap3A_375 = tpu.vector_load %arg6[%swap3A_374] {strides = array<i32>} : memref<2048xi32, #tpu.memory_space<vmem>>, vector<16xi32>,
    tpu.vector_store %arg6[%swap3A_374], %add3A_373 {strides = array<i32>} : memref<2048xi32, #tpu.memory_space<vmem>>, vector<16xi32>,
    %add3A_376 = arith.constant 4096 : i32
    %add3A_377 = vector.broadcast %add3A_376 : i32 to vector<16xi32>
    %add3A_378 = arith.addi %add3A_365, %add3A_377 : vector<16xi32>
    %swap3A_379 = arith.constant 160 : index
    %swap3A_380 = tpu.vector_load %arg6[%swap3A_379] {strides = array<i32>} : memref<2048xi32, #tpu.memory_space<vmem>>, vector<16xi32>,
    tpu.vector_store %arg6[%swap3A_379], %add3A_378 {strides = array<i32>} : memref<2048xi32, #tpu.memory_space<vmem>>, vector<16xi32>,
    %add3A_381 = arith.constant 6144 : i32
    %add3A_382 = vector.broadcast %add3A_381 : i32 to vector<16xi32>
    %add3A_383 = arith.addi %add3A_365, %add3A_382 : vector<16xi32>
    %swap3A_384 = arith.constant 224 : index
    %swap3A_385 = tpu.vector_load %arg6[%swap3A_384] {strides = array<i32>} : memref<2048xi32, #tpu.memory_space<vmem>>, vector<16xi32>,
    tpu.vector_store %arg6[%swap3A_384], %add3A_383 {strides = array<i32>} : memref<2048xi32, #tpu.memory_space<vmem>>, vector<16xi32>,
    %add3A_386 = arith.constant 8192 : i32
    %add3A_387 = vector.broadcast %add3A_386 : i32 to vector<16xi32>
    %add3A_388 = arith.addi %add3A_365, %add3A_387 : vector<16xi32>
    %swap3A_389 = arith.constant 288 : index
    %swap3A_390 = tpu.vector_load %arg6[%swap3A_389] {strides = array<i32>} : memref<2048xi32, #tpu.memory_space<vmem>>, vector<16xi32>,
    tpu.vector_store %arg6[%swap3A_389], %add3A_388 {strides = array<i32>} : memref<2048xi32, #tpu.memory_space<vmem>>, vector<16xi32>,
    %add3A_391 = arith.constant 10240 : i32
    %add3A_392 = vector.broadcast %add3A_391 : i32 to vector<16xi32>
    %add3A_393 = arith.addi %add3A_365, %add3A_392 : vector<16xi32>
    %swap3A_394 = arith.constant 352 : index
    %swap3A_395 = tpu.vector_load %arg6[%swap3A_394] {strides = array<i32>} : memref<2048xi32, #tpu.memory_space<vmem>>, vector<16xi32>,
    tpu.vector_store %arg6[%swap3A_394], %add3A_393 {strides = array<i32>} : memref<2048xi32, #tpu.memory_space<vmem>>, vector<16xi32>,
    %add3A_396 = arith.constant 12288 : i32
    %add3A_397 = vector.broadcast %add3A_396 : i32 to vector<16xi32>
    %add3A_398 = arith.addi %add3A_365, %add3A_397 : vector<16xi32>
    %swap3A_399 = arith.constant 416 : index
    %swap3A_400 = tpu.vector_load %arg6[%swap3A_399] {strides = array<i32>} : memref<2048xi32, #tpu.memory_space<vmem>>, vector<16xi32>,
    tpu.vector_store %arg6[%swap3A_399], %add3A_398 {strides = array<i32>} : memref<2048xi32, #tpu.memory_space<vmem>>, vector<16xi32>,
    %add3A_401 = arith.constant 14336 : i32
    %add3A_402 = vector.broadcast %add3A_401 : i32 to vector<16xi32>
    %add3A_403 = arith.addi %add3A_365, %add3A_402 : vector<16xi32>
    %swap3A_404 = arith.constant 480 : index
    %swap3A_405 = tpu.vector_load %arg6[%swap3A_404] {strides = array<i32>} : memref<2048xi32, #tpu.memory_space<vmem>>, vector<16xi32>,
    tpu.vector_store %arg6[%swap3A_404], %add3A_403 {strides = array<i32>} : memref<2048xi32, #tpu.memory_space<vmem>>, vector<16xi32>,
    %add3A_406 = arith.constant 16384 : i32
    %add3A_407 = vector.broadcast %add3A_406 : i32 to vector<16xi32>
    %add3A_408 = arith.addi %add3A_365, %add3A_407 : vector<16xi32>
    %swap3A_409 = arith.constant 544 : index
    %swap3A_410 = tpu.vector_load %arg6[%swap3A_409] {strides = array<i32>} : memref<2048xi32, #tpu.memory_space<vmem>>, vector<16xi32>,
    tpu.vector_store %arg6[%swap3A_409], %add3A_408 {strides = array<i32>} : memref<2048xi32, #tpu.memory_space<vmem>>, vector<16xi32>,
    %add3A_411 = arith.constant 18432 : i32
    %add3A_412 = vector.broadcast %add3A_411 : i32 to vector<16xi32>
    %add3A_413 = arith.addi %add3A_365, %add3A_412 : vector<16xi32>
    %swap3A_414 = arith.constant 608 : index
    %swap3A_415 = tpu.vector_load %arg6[%swap3A_414] {strides = array<i32>} : memref<2048xi32, #tpu.memory_space<vmem>>, vector<16xi32>,
    tpu.vector_store %arg6[%swap3A_414], %add3A_413 {strides = array<i32>} : memref<2048xi32, #tpu.memory_space<vmem>>, vector<16xi32>,
    %add3A_416 = arith.constant 20480 : i32
    %add3A_417 = vector.broadcast %add3A_416 : i32 to vector<16xi32>
    %add3A_418 = arith.addi %add3A_365, %add3A_417 : vector<16xi32>
    %swap3A_419 = arith.constant 672 : index
    %swap3A_420 = tpu.vector_load %arg6[%swap3A_419] {strides = array<i32>} : memref<2048xi32, #tpu.memory_space<vmem>>, vector<16xi32>,
    tpu.vector_store %arg6[%swap3A_419], %add3A_418 {strides = array<i32>} : memref<2048xi32, #tpu.memory_space<vmem>>, vector<16xi32>,
    %add3A_421 = arith.constant 22528 : i32
    %add3A_422 = vector.broadcast %add3A_421 : i32 to vector<16xi32>
    %add3A_423 = arith.addi %add3A_365, %add3A_422 : vector<16xi32>
    %swap3A_424 = arith.constant 736 : index
    %swap3A_425 = tpu.vector_load %arg6[%swap3A_424] {strides = array<i32>} : memref<2048xi32, #tpu.memory_space<vmem>>, vector<16xi32>,
    tpu.vector_store %arg6[%swap3A_424], %add3A_423 {strides = array<i32>} : memref<2048xi32, #tpu.memory_space<vmem>>, vector<16xi32>,
    %add3A_426 = arith.constant 24576 : i32
    %add3A_427 = vector.broadcast %add3A_426 : i32 to vector<16xi32>
    %add3A_428 = arith.addi %add3A_365, %add3A_427 : vector<16xi32>
    %swap3A_429 = arith.constant 800 : index
    %swap3A_430 = tpu.vector_load %arg6[%swap3A_429] {strides = array<i32>} : memref<2048xi32, #tpu.memory_space<vmem>>, vector<16xi32>,
    tpu.vector_store %arg6[%swap3A_429], %add3A_428 {strides = array<i32>} : memref<2048xi32, #tpu.memory_space<vmem>>, vector<16xi32>,
    %add3A_431 = arith.constant 26624 : i32
    %add3A_432 = vector.broadcast %add3A_431 : i32 to vector<16xi32>
    %add3A_433 = arith.addi %add3A_365, %add3A_432 : vector<16xi32>
    %swap3A_434 = arith.constant 864 : index
    %swap3A_435 = tpu.vector_load %arg6[%swap3A_434] {strides = array<i32>} : memref<2048xi32, #tpu.memory_space<vmem>>, vector<16xi32>,
    tpu.vector_store %arg6[%swap3A_434], %add3A_433 {strides = array<i32>} : memref<2048xi32, #tpu.memory_space<vmem>>, vector<16xi32>,
    %add3A_436 = arith.constant 28672 : i32
    %add3A_437 = vector.broadcast %add3A_436 : i32 to vector<16xi32>
    %add3A_438 = arith.addi %add3A_365, %add3A_437 : vector<16xi32>
    %swap3A_439 = arith.constant 928 : index
    %swap3A_440 = tpu.vector_load %arg6[%swap3A_439] {strides = array<i32>} : memref<2048xi32, #tpu.memory_space<vmem>>, vector<16xi32>,
    tpu.vector_store %arg6[%swap3A_439], %add3A_438 {strides = array<i32>} : memref<2048xi32, #tpu.memory_space<vmem>>, vector<16xi32>,
    %add3A_441 = arith.constant 30720 : i32
    %add3A_442 = vector.broadcast %add3A_441 : i32 to vector<16xi32>
    %add3A_443 = arith.addi %add3A_365, %add3A_442 : vector<16xi32>
    %swap3A_444 = arith.constant 992 : index
    %swap3A_445 = tpu.vector_load %arg6[%swap3A_444] {strides = array<i32>} : memref<2048xi32, #tpu.memory_space<vmem>>, vector<16xi32>,
    tpu.vector_store %arg6[%swap3A_444], %add3A_443 {strides = array<i32>} : memref<2048xi32, #tpu.memory_space<vmem>>, vector<16xi32>,
    %add3A_446 = arith.constant 32768 : i32
    %add3A_447 = vector.broadcast %add3A_446 : i32 to vector<16xi32>
    %add3A_448 = arith.addi %add3A_365, %add3A_447 : vector<16xi32>
    %swap3A_449 = arith.constant 1056 : index
    %swap3A_450 = tpu.vector_load %arg6[%swap3A_449] {strides = array<i32>} : memref<2048xi32, #tpu.memory_space<vmem>>, vector<16xi32>,
    tpu.vector_store %arg6[%swap3A_449], %add3A_448 {strides = array<i32>} : memref<2048xi32, #tpu.memory_space<vmem>>, vector<16xi32>,
    %add3A_451 = arith.constant 34816 : i32
    %add3A_452 = vector.broadcast %add3A_451 : i32 to vector<16xi32>
    %add3A_453 = arith.addi %add3A_365, %add3A_452 : vector<16xi32>
    %swap3A_454 = arith.constant 1120 : index
    %swap3A_455 = tpu.vector_load %arg6[%swap3A_454] {strides = array<i32>} : memref<2048xi32, #tpu.memory_space<vmem>>, vector<16xi32>,
    tpu.vector_store %arg6[%swap3A_454], %add3A_453 {strides = array<i32>} : memref<2048xi32, #tpu.memory_space<vmem>>, vector<16xi32>,
    %add3A_456 = arith.constant 36864 : i32
    %add3A_457 = vector.broadcast %add3A_456 : i32 to vector<16xi32>
    %add3A_458 = arith.addi %add3A_365, %add3A_457 : vector<16xi32>
    %swap3A_459 = arith.constant 1184 : index
    %swap3A_460 = tpu.vector_load %arg6[%swap3A_459] {strides = array<i32>} : memref<2048xi32, #tpu.memory_space<vmem>>, vector<16xi32>,
    tpu.vector_store %arg6[%swap3A_459], %add3A_458 {strides = array<i32>} : memref<2048xi32, #tpu.memory_space<vmem>>, vector<16xi32>,
    %add3A_461 = arith.constant 38912 : i32
    %add3A_462 = vector.broadcast %add3A_461 : i32 to vector<16xi32>
    %add3A_463 = arith.addi %add3A_365, %add3A_462 : vector<16xi32>
    %swap3A_464 = arith.constant 1248 : index
    %swap3A_465 = tpu.vector_load %arg6[%swap3A_464] {strides = array<i32>} : memref<2048xi32, #tpu.memory_space<vmem>>, vector<16xi32>,
    tpu.vector_store %arg6[%swap3A_464], %add3A_463 {strides = array<i32>} : memref<2048xi32, #tpu.memory_space<vmem>>, vector<16xi32>,
    %add3A_466 = arith.constant 40960 : i32
    %add3A_467 = vector.broadcast %add3A_466 : i32 to vector<16xi32>
    %add3A_468 = arith.addi %add3A_365, %add3A_467 : vector<16xi32>
    %swap3A_469 = arith.constant 1312 : index
    %swap3A_470 = tpu.vector_load %arg6[%swap3A_469] {strides = array<i32>} : memref<2048xi32, #tpu.memory_space<vmem>>, vector<16xi32>,
    tpu.vector_store %arg6[%swap3A_469], %add3A_468 {strides = array<i32>} : memref<2048xi32, #tpu.memory_space<vmem>>, vector<16xi32>,
    %add3A_471 = arith.constant 43008 : i32
    %add3A_472 = vector.broadcast %add3A_471 : i32 to vector<16xi32>
    %add3A_473 = arith.addi %add3A_365, %add3A_472 : vector<16xi32>
    %swap3A_474 = arith.constant 1376 : index
    %swap3A_475 = tpu.vector_load %arg6[%swap3A_474] {strides = array<i32>} : memref<2048xi32, #tpu.memory_space<vmem>>, vector<16xi32>,
    tpu.vector_store %arg6[%swap3A_474], %add3A_473 {strides = array<i32>} : memref<2048xi32, #tpu.memory_space<vmem>>, vector<16xi32>,
    %add3A_476 = arith.constant 45056 : i32
    %add3A_477 = vector.broadcast %add3A_476 : i32 to vector<16xi32>
    %add3A_478 = arith.addi %add3A_365, %add3A_477 : vector<16xi32>
    %swap3A_479 = arith.constant 1440 : index
    %swap3A_480 = tpu.vector_load %arg6[%swap3A_479] {strides = array<i32>} : memref<2048xi32, #tpu.memory_space<vmem>>, vector<16xi32>,
    tpu.vector_store %arg6[%swap3A_479], %add3A_478 {strides = array<i32>} : memref<2048xi32, #tpu.memory_space<vmem>>, vector<16xi32>,
    %add3A_481 = arith.constant 47104 : i32
    %add3A_482 = vector.broadcast %add3A_481 : i32 to vector<16xi32>
    %add3A_483 = arith.addi %add3A_365, %add3A_482 : vector<16xi32>
    %swap3A_484 = arith.constant 1504 : index
    %swap3A_485 = tpu.vector_load %arg6[%swap3A_484] {strides = array<i32>} : memref<2048xi32, #tpu.memory_space<vmem>>, vector<16xi32>,
    tpu.vector_store %arg6[%swap3A_484], %add3A_483 {strides = array<i32>} : memref<2048xi32, #tpu.memory_space<vmem>>, vector<16xi32>,
    %add3A_486 = arith.constant 49152 : i32
    %add3A_487 = vector.broadcast %add3A_486 : i32 to vector<16xi32>
    %add3A_488 = arith.addi %add3A_365, %add3A_487 : vector<16xi32>
    %swap3A_489 = arith.constant 1568 : index
    %swap3A_490 = tpu.vector_load %arg6[%swap3A_489] {strides = array<i32>} : memref<2048xi32, #tpu.memory_space<vmem>>, vector<16xi32>,
    tpu.vector_store %arg6[%swap3A_489], %add3A_488 {strides = array<i32>} : memref<2048xi32, #tpu.memory_space<vmem>>, vector<16xi32>,
    %add3A_491 = arith.constant 51200 : i32
    %add3A_492 = vector.broadcast %add3A_491 : i32 to vector<16xi32>
    %add3A_493 = arith.addi %add3A_365, %add3A_492 : vector<16xi32>
    %swap3A_494 = arith.constant 1632 : index
    %swap3A_495 = tpu.vector_load %arg6[%swap3A_494] {strides = array<i32>} : memref<2048xi32, #tpu.memory_space<vmem>>, vector<16xi32>,
    tpu.vector_store %arg6[%swap3A_494], %add3A_493 {strides = array<i32>} : memref<2048xi32, #tpu.memory_space<vmem>>, vector<16xi32>,
    %add3A_496 = arith.constant 53248 : i32
    %add3A_497 = vector.broadcast %add3A_496 : i32 to vector<16xi32>
    %add3A_498 = arith.addi %add3A_365, %add3A_497 : vector<16xi32>
    %swap3A_499 = arith.constant 1696 : index
    %swap3A_500 = tpu.vector_load %arg6[%swap3A_499] {strides = array<i32>} : memref<2048xi32, #tpu.memory_space<vmem>>, vector<16xi32>,
    tpu.vector_store %arg6[%swap3A_499], %add3A_498 {strides = array<i32>} : memref<2048xi32, #tpu.memory_space<vmem>>, vector<16xi32>,
    %add3A_501 = arith.constant 55296 : i32
    %add3A_502 = vector.broadcast %add3A_501 : i32 to vector<16xi32>
    %add3A_503 = arith.addi %add3A_365, %add3A_502 : vector<16xi32>
    %swap3A_504 = arith.constant 1760 : index
    %swap3A_505 = tpu.vector_load %arg6[%swap3A_504] {strides = array<i32>} : memref<2048xi32, #tpu.memory_space<vmem>>, vector<16xi32>,
    tpu.vector_store %arg6[%swap3A_504], %add3A_503 {strides = array<i32>} : memref<2048xi32, #tpu.memory_space<vmem>>, vector<16xi32>,
    %add3A_506 = arith.constant 57344 : i32
    %add3A_507 = vector.broadcast %add3A_506 : i32 to vector<16xi32>
    %add3A_508 = arith.addi %add3A_365, %add3A_507 : vector<16xi32>
    %swap3A_509 = arith.constant 1824 : index
    %swap3A_510 = tpu.vector_load %arg6[%swap3A_509] {strides = array<i32>} : memref<2048xi32, #tpu.memory_space<vmem>>, vector<16xi32>,
    tpu.vector_store %arg6[%swap3A_509], %add3A_508 {strides = array<i32>} : memref<2048xi32, #tpu.memory_space<vmem>>, vector<16xi32>,
    %add3A_511 = arith.constant 59392 : i32
    %add3A_512 = vector.broadcast %add3A_511 : i32 to vector<16xi32>
    %add3A_513 = arith.addi %add3A_365, %add3A_512 : vector<16xi32>
    %swap3A_514 = arith.constant 1888 : index
    %swap3A_515 = tpu.vector_load %arg6[%swap3A_514] {strides = array<i32>} : memref<2048xi32, #tpu.memory_space<vmem>>, vector<16xi32>,
    tpu.vector_store %arg6[%swap3A_514], %add3A_513 {strides = array<i32>} : memref<2048xi32, #tpu.memory_space<vmem>>, vector<16xi32>,
    %add3A_516 = arith.constant 61440 : i32
    %add3A_517 = vector.broadcast %add3A_516 : i32 to vector<16xi32>
    %add3A_518 = arith.addi %add3A_365, %add3A_517 : vector<16xi32>
    %swap3A_519 = arith.constant 1952 : index
    %swap3A_520 = tpu.vector_load %arg6[%swap3A_519] {strides = array<i32>} : memref<2048xi32, #tpu.memory_space<vmem>>, vector<16xi32>,
    tpu.vector_store %arg6[%swap3A_519], %add3A_518 {strides = array<i32>} : memref<2048xi32, #tpu.memory_space<vmem>>, vector<16xi32>,
    %add3A_521 = arith.constant 63488 : i32
    %add3A_522 = vector.broadcast %add3A_521 : i32 to vector<16xi32>
    %add3A_523 = arith.addi %add3A_365, %add3A_522 : vector<16xi32>
    %swap3A_524 = arith.constant 2016 : index
    %swap3A_525 = tpu.vector_load %arg6[%swap3A_524] {strides = array<i32>} : memref<2048xi32, #tpu.memory_space<vmem>>, vector<16xi32>,
    tpu.vector_store %arg6[%swap3A_524], %add3A_523 {strides = array<i32>} : memref<2048xi32, #tpu.memory_space<vmem>>, vector<16xi32>,
    %get3A_526 = arith.constant 48 : index
    %get3A_527 = tpu.vector_load %arg5[%get3A_526] {strides = array<i32>} : memref<1024xi32, #tpu.memory_space<vmem>>, vector<16xi32>,
    %shift_right_arithmetic3A_528 = arith.constant 15 : i32
    %shift_right_arithmetic3A_529 = vector.broadcast %shift_right_arithmetic3A_528 : i32 to vector<16xi32>
    %shift_right_arithmetic3A_530 = arith.shrsi %get3A_527, %shift_right_arithmetic3A_529 : vector<16xi32>
    %mul3A_531 = arith.constant 65536 : i32
    %mul3A_532 = vector.broadcast %mul3A_531 : i32 to vector<16xi32>
    %mul3A_533 = arith.muli %shift_right_arithmetic3A_530, %mul3A_532 : vector<16xi32>
    %shift_right_arithmetic3A_534 = arith.constant 4 : i32
    %shift_right_arithmetic3A_535 = vector.broadcast %shift_right_arithmetic3A_534 : i32 to vector<16xi32>
    %shift_right_arithmetic3A_536 = arith.shrsi %get3A_527, %shift_right_arithmetic3A_535 : vector<16xi32>
    %and3A_537 = arith.constant 2047 : i32
    %and3A_538 = vector.broadcast %and3A_537 : i32 to vector<16xi32>
    %and3A_539 = arith.andi %shift_right_arithmetic3A_536, %and3A_538 : vector<16xi32>
    %add3A_540 = arith.addi %mul3A_533, %and3A_539 : vector<16xi32>
    %add3A_541 = arith.constant 0 : i32
    %add3A_542 = vector.broadcast %add3A_541 : i32 to vector<16xi32>
    %add3A_543 = arith.addi %add3A_540, %add3A_542 : vector<16xi32>
    %swap3A_544 = arith.constant 48 : index
    %swap3A_545 = tpu.vector_load %arg6[%swap3A_544] {strides = array<i32>} : memref<2048xi32, #tpu.memory_space<vmem>>, vector<16xi32>,
    tpu.vector_store %arg6[%swap3A_544], %add3A_543 {strides = array<i32>} : memref<2048xi32, #tpu.memory_space<vmem>>, vector<16xi32>,
    %add3A_546 = arith.constant 2048 : i32
    %add3A_547 = vector.broadcast %add3A_546 : i32 to vector<16xi32>
    %add3A_548 = arith.addi %add3A_540, %add3A_547 : vector<16xi32>
    %swap3A_549 = arith.constant 112 : index
    %swap3A_550 = tpu.vector_load %arg6[%swap3A_549] {strides = array<i32>} : memref<2048xi32, #tpu.memory_space<vmem>>, vector<16xi32>,
    tpu.vector_store %arg6[%swap3A_549], %add3A_548 {strides = array<i32>} : memref<2048xi32, #tpu.memory_space<vmem>>, vector<16xi32>,
    %add3A_551 = arith.constant 4096 : i32
    %add3A_552 = vector.broadcast %add3A_551 : i32 to vector<16xi32>
    %add3A_553 = arith.addi %add3A_540, %add3A_552 : vector<16xi32>
    %swap3A_554 = arith.constant 176 : index
    %swap3A_555 = tpu.vector_load %arg6[%swap3A_554] {strides = array<i32>} : memref<2048xi32, #tpu.memory_space<vmem>>, vector<16xi32>,
    tpu.vector_store %arg6[%swap3A_554], %add3A_553 {strides = array<i32>} : memref<2048xi32, #tpu.memory_space<vmem>>, vector<16xi32>,
    %add3A_556 = arith.constant 6144 : i32
    %add3A_557 = vector.broadcast %add3A_556 : i32 to vector<16xi32>
    %add3A_558 = arith.addi %add3A_540, %add3A_557 : vector<16xi32>
    %swap3A_559 = arith.constant 240 : index
    %swap3A_560 = tpu.vector_load %arg6[%swap3A_559] {strides = array<i32>} : memref<2048xi32, #tpu.memory_space<vmem>>, vector<16xi32>,
    tpu.vector_store %arg6[%swap3A_559], %add3A_558 {strides = array<i32>} : memref<2048xi32, #tpu.memory_space<vmem>>, vector<16xi32>,
    %add3A_561 = arith.constant 8192 : i32
    %add3A_562 = vector.broadcast %add3A_561 : i32 to vector<16xi32>
    %add3A_563 = arith.addi %add3A_540, %add3A_562 : vector<16xi32>
    %swap3A_564 = arith.constant 304 : index
    %swap3A_565 = tpu.vector_load %arg6[%swap3A_564] {strides = array<i32>} : memref<2048xi32, #tpu.memory_space<vmem>>, vector<16xi32>,
    tpu.vector_store %arg6[%swap3A_564], %add3A_563 {strides = array<i32>} : memref<2048xi32, #tpu.memory_space<vmem>>, vector<16xi32>,
    %add3A_566 = arith.constant 10240 : i32
    %add3A_567 = vector.broadcast %add3A_566 : i32 to vector<16xi32>
    %add3A_568 = arith.addi %add3A_540, %add3A_567 : vector<16xi32>
    %swap3A_569 = arith.constant 368 : index
    %swap3A_570 = tpu.vector_load %arg6[%swap3A_569] {strides = array<i32>} : memref<2048xi32, #tpu.memory_space<vmem>>, vector<16xi32>,
    tpu.vector_store %arg6[%swap3A_569], %add3A_568 {strides = array<i32>} : memref<2048xi32, #tpu.memory_space<vmem>>, vector<16xi32>,
    %add3A_571 = arith.constant 12288 : i32
    %add3A_572 = vector.broadcast %add3A_571 : i32 to vector<16xi32>
    %add3A_573 = arith.addi %add3A_540, %add3A_572 : vector<16xi32>
    %swap3A_574 = arith.constant 432 : index
    %swap3A_575 = tpu.vector_load %arg6[%swap3A_574] {strides = array<i32>} : memref<2048xi32, #tpu.memory_space<vmem>>, vector<16xi32>,
    tpu.vector_store %arg6[%swap3A_574], %add3A_573 {strides = array<i32>} : memref<2048xi32, #tpu.memory_space<vmem>>, vector<16xi32>,
    %add3A_576 = arith.constant 14336 : i32
    %add3A_577 = vector.broadcast %add3A_576 : i32 to vector<16xi32>
    %add3A_578 = arith.addi %add3A_540, %add3A_577 : vector<16xi32>
    %swap3A_579 = arith.constant 496 : index
    %swap3A_580 = tpu.vector_load %arg6[%swap3A_579] {strides = array<i32>} : memref<2048xi32, #tpu.memory_space<vmem>>, vector<16xi32>,
    tpu.vector_store %arg6[%swap3A_579], %add3A_578 {strides = array<i32>} : memref<2048xi32, #tpu.memory_space<vmem>>, vector<16xi32>,
    %add3A_581 = arith.constant 16384 : i32
    %add3A_582 = vector.broadcast %add3A_581 : i32 to vector<16xi32>
    %add3A_583 = arith.addi %add3A_540, %add3A_582 : vector<16xi32>
    %swap3A_584 = arith.constant 560 : index
    %swap3A_585 = tpu.vector_load %arg6[%swap3A_584] {strides = array<i32>} : memref<2048xi32, #tpu.memory_space<vmem>>, vector<16xi32>,
    tpu.vector_store %arg6[%swap3A_584], %add3A_583 {strides = array<i32>} : memref<2048xi32, #tpu.memory_space<vmem>>, vector<16xi32>,
    %add3A_586 = arith.constant 18432 : i32
    %add3A_587 = vector.broadcast %add3A_586 : i32 to vector<16xi32>
    %add3A_588 = arith.addi %add3A_540, %add3A_587 : vector<16xi32>
    %swap3A_589 = arith.constant 624 : index
    %swap3A_590 = tpu.vector_load %arg6[%swap3A_589] {strides = array<i32>} : memref<2048xi32, #tpu.memory_space<vmem>>, vector<16xi32>,
    tpu.vector_store %arg6[%swap3A_589], %add3A_588 {strides = array<i32>} : memref<2048xi32, #tpu.memory_space<vmem>>, vector<16xi32>,
    %add3A_591 = arith.constant 20480 : i32
    %add3A_592 = vector.broadcast %add3A_591 : i32 to vector<16xi32>
    %add3A_593 = arith.addi %add3A_540, %add3A_592 : vector<16xi32>
    %swap3A_594 = arith.constant 688 : index
    %swap3A_595 = tpu.vector_load %arg6[%swap3A_594] {strides = array<i32>} : memref<2048xi32, #tpu.memory_space<vmem>>, vector<16xi32>,
    tpu.vector_store %arg6[%swap3A_594], %add3A_593 {strides = array<i32>} : memref<2048xi32, #tpu.memory_space<vmem>>, vector<16xi32>,
    %add3A_596 = arith.constant 22528 : i32
    %add3A_597 = vector.broadcast %add3A_596 : i32 to vector<16xi32>
    %add3A_598 = arith.addi %add3A_540, %add3A_597 : vector<16xi32>
    %swap3A_599 = arith.constant 752 : index
    %swap3A_600 = tpu.vector_load %arg6[%swap3A_599] {strides = array<i32>} : memref<2048xi32, #tpu.memory_space<vmem>>, vector<16xi32>,
    tpu.vector_store %arg6[%swap3A_599], %add3A_598 {strides = array<i32>} : memref<2048xi32, #tpu.memory_space<vmem>>, vector<16xi32>,
    %add3A_601 = arith.constant 24576 : i32
    %add3A_602 = vector.broadcast %add3A_601 : i32 to vector<16xi32>
    %add3A_603 = arith.addi %add3A_540, %add3A_602 : vector<16xi32>
    %swap3A_604 = arith.constant 816 : index
    %swap3A_605 = tpu.vector_load %arg6[%swap3A_604] {strides = array<i32>} : memref<2048xi32, #tpu.memory_space<vmem>>, vector<16xi32>,
    tpu.vector_store %arg6[%swap3A_604], %add3A_603 {strides = array<i32>} : memref<2048xi32, #tpu.memory_space<vmem>>, vector<16xi32>,
    %add3A_606 = arith.constant 26624 : i32
    %add3A_607 = vector.broadcast %add3A_606 : i32 to vector<16xi32>
    %add3A_608 = arith.addi %add3A_540, %add3A_607 : vector<16xi32>
    %swap3A_609 = arith.constant 880 : index
    %swap3A_610 = tpu.vector_load %arg6[%swap3A_609] {strides = array<i32>} : memref<2048xi32, #tpu.memory_space<vmem>>, vector<16xi32>,
    tpu.vector_store %arg6[%swap3A_609], %add3A_608 {strides = array<i32>} : memref<2048xi32, #tpu.memory_space<vmem>>, vector<16xi32>,
    %add3A_611 = arith.constant 28672 : i32
    %add3A_612 = vector.broadcast %add3A_611 : i32 to vector<16xi32>
    %add3A_613 = arith.addi %add3A_540, %add3A_612 : vector<16xi32>
    %swap3A_614 = arith.constant 944 : index
    %swap3A_615 = tpu.vector_load %arg6[%swap3A_614] {strides = array<i32>} : memref<2048xi32, #tpu.memory_space<vmem>>, vector<16xi32>,
    tpu.vector_store %arg6[%swap3A_614], %add3A_613 {strides = array<i32>} : memref<2048xi32, #tpu.memory_space<vmem>>, vector<16xi32>,
    %add3A_616 = arith.constant 30720 : i32
    %add3A_617 = vector.broadcast %add3A_616 : i32 to vector<16xi32>
    %add3A_618 = arith.addi %add3A_540, %add3A_617 : vector<16xi32>
    %swap3A_619 = arith.constant 1008 : index
    %swap3A_620 = tpu.vector_load %arg6[%swap3A_619] {strides = array<i32>} : memref<2048xi32, #tpu.memory_space<vmem>>, vector<16xi32>,
    tpu.vector_store %arg6[%swap3A_619], %add3A_618 {strides = array<i32>} : memref<2048xi32, #tpu.memory_space<vmem>>, vector<16xi32>,
    %add3A_621 = arith.constant 32768 : i32
    %add3A_622 = vector.broadcast %add3A_621 : i32 to vector<16xi32>
    %add3A_623 = arith.addi %add3A_540, %add3A_622 : vector<16xi32>
    %swap3A_624 = arith.constant 1072 : index
    %swap3A_625 = tpu.vector_load %arg6[%swap3A_624] {strides = array<i32>} : memref<2048xi32, #tpu.memory_space<vmem>>, vector<16xi32>,
    tpu.vector_store %arg6[%swap3A_624], %add3A_623 {strides = array<i32>} : memref<2048xi32, #tpu.memory_space<vmem>>, vector<16xi32>,
    %add3A_626 = arith.constant 34816 : i32
    %add3A_627 = vector.broadcast %add3A_626 : i32 to vector<16xi32>
    %add3A_628 = arith.addi %add3A_540, %add3A_627 : vector<16xi32>
    %swap3A_629 = arith.constant 1136 : index
    %swap3A_630 = tpu.vector_load %arg6[%swap3A_629] {strides = array<i32>} : memref<2048xi32, #tpu.memory_space<vmem>>, vector<16xi32>,
    tpu.vector_store %arg6[%swap3A_629], %add3A_628 {strides = array<i32>} : memref<2048xi32, #tpu.memory_space<vmem>>, vector<16xi32>,
    %add3A_631 = arith.constant 36864 : i32
    %add3A_632 = vector.broadcast %add3A_631 : i32 to vector<16xi32>
    %add3A_633 = arith.addi %add3A_540, %add3A_632 : vector<16xi32>
    %swap3A_634 = arith.constant 1200 : index
    %swap3A_635 = tpu.vector_load %arg6[%swap3A_634] {strides = array<i32>} : memref<2048xi32, #tpu.memory_space<vmem>>, vector<16xi32>,
    tpu.vector_store %arg6[%swap3A_634], %add3A_633 {strides = array<i32>} : memref<2048xi32, #tpu.memory_space<vmem>>, vector<16xi32>,
    %add3A_636 = arith.constant 38912 : i32
    %add3A_637 = vector.broadcast %add3A_636 : i32 to vector<16xi32>
    %add3A_638 = arith.addi %add3A_540, %add3A_637 : vector<16xi32>
    %swap3A_639 = arith.constant 1264 : index
    %swap3A_640 = tpu.vector_load %arg6[%swap3A_639] {strides = array<i32>} : memref<2048xi32, #tpu.memory_space<vmem>>, vector<16xi32>,
    tpu.vector_store %arg6[%swap3A_639], %add3A_638 {strides = array<i32>} : memref<2048xi32, #tpu.memory_space<vmem>>, vector<16xi32>,
    %add3A_641 = arith.constant 40960 : i32
    %add3A_642 = vector.broadcast %add3A_641 : i32 to vector<16xi32>
    %add3A_643 = arith.addi %add3A_540, %add3A_642 : vector<16xi32>
    %swap3A_644 = arith.constant 1328 : index
    %swap3A_645 = tpu.vector_load %arg6[%swap3A_644] {strides = array<i32>} : memref<2048xi32, #tpu.memory_space<vmem>>, vector<16xi32>,
    tpu.vector_store %arg6[%swap3A_644], %add3A_643 {strides = array<i32>} : memref<2048xi32, #tpu.memory_space<vmem>>, vector<16xi32>,
    %add3A_646 = arith.constant 43008 : i32
    %add3A_647 = vector.broadcast %add3A_646 : i32 to vector<16xi32>
    %add3A_648 = arith.addi %add3A_540, %add3A_647 : vector<16xi32>
    %swap3A_649 = arith.constant 1392 : index
    %swap3A_650 = tpu.vector_load %arg6[%swap3A_649] {strides = array<i32>} : memref<2048xi32, #tpu.memory_space<vmem>>, vector<16xi32>,
    tpu.vector_store %arg6[%swap3A_649], %add3A_648 {strides = array<i32>} : memref<2048xi32, #tpu.memory_space<vmem>>, vector<16xi32>,
    %add3A_651 = arith.constant 45056 : i32
    %add3A_652 = vector.broadcast %add3A_651 : i32 to vector<16xi32>
    %add3A_653 = arith.addi %add3A_540, %add3A_652 : vector<16xi32>
    %swap3A_654 = arith.constant 1456 : index
    %swap3A_655 = tpu.vector_load %arg6[%swap3A_654] {strides = array<i32>} : memref<2048xi32, #tpu.memory_space<vmem>>, vector<16xi32>,
    tpu.vector_store %arg6[%swap3A_654], %add3A_653 {strides = array<i32>} : memref<2048xi32, #tpu.memory_space<vmem>>, vector<16xi32>,
    %add3A_656 = arith.constant 47104 : i32
    %add3A_657 = vector.broadcast %add3A_656 : i32 to vector<16xi32>
    %add3A_658 = arith.addi %add3A_540, %add3A_657 : vector<16xi32>
    %swap3A_659 = arith.constant 1520 : index
    %swap3A_660 = tpu.vector_load %arg6[%swap3A_659] {strides = array<i32>} : memref<2048xi32, #tpu.memory_space<vmem>>, vector<16xi32>,
    tpu.vector_store %arg6[%swap3A_659], %add3A_658 {strides = array<i32>} : memref<2048xi32, #tpu.memory_space<vmem>>, vector<16xi32>,
    %add3A_661 = arith.constant 49152 : i32
    %add3A_662 = vector.broadcast %add3A_661 : i32 to vector<16xi32>
    %add3A_663 = arith.addi %add3A_540, %add3A_662 : vector<16xi32>
    %swap3A_664 = arith.constant 1584 : index
    %swap3A_665 = tpu.vector_load %arg6[%swap3A_664] {strides = array<i32>} : memref<2048xi32, #tpu.memory_space<vmem>>, vector<16xi32>,
    tpu.vector_store %arg6[%swap3A_664], %add3A_663 {strides = array<i32>} : memref<2048xi32, #tpu.memory_space<vmem>>, vector<16xi32>,
    %add3A_666 = arith.constant 51200 : i32
    %add3A_667 = vector.broadcast %add3A_666 : i32 to vector<16xi32>
    %add3A_668 = arith.addi %add3A_540, %add3A_667 : vector<16xi32>
    %swap3A_669 = arith.constant 1648 : index
    %swap3A_670 = tpu.vector_load %arg6[%swap3A_669] {strides = array<i32>} : memref<2048xi32, #tpu.memory_space<vmem>>, vector<16xi32>,
    tpu.vector_store %arg6[%swap3A_669], %add3A_668 {strides = array<i32>} : memref<2048xi32, #tpu.memory_space<vmem>>, vector<16xi32>,
    %add3A_671 = arith.constant 53248 : i32
    %add3A_672 = vector.broadcast %add3A_671 : i32 to vector<16xi32>
    %add3A_673 = arith.addi %add3A_540, %add3A_672 : vector<16xi32>
    %swap3A_674 = arith.constant 1712 : index
    %swap3A_675 = tpu.vector_load %arg6[%swap3A_674] {strides = array<i32>} : memref<2048xi32, #tpu.memory_space<vmem>>, vector<16xi32>,
    tpu.vector_store %arg6[%swap3A_674], %add3A_673 {strides = array<i32>} : memref<2048xi32, #tpu.memory_space<vmem>>, vector<16xi32>,
    %add3A_676 = arith.constant 55296 : i32
    %add3A_677 = vector.broadcast %add3A_676 : i32 to vector<16xi32>
    %add3A_678 = arith.addi %add3A_540, %add3A_677 : vector<16xi32>
    %swap3A_679 = arith.constant 1776 : index
    %swap3A_680 = tpu.vector_load %arg6[%swap3A_679] {strides = array<i32>} : memref<2048xi32, #tpu.memory_space<vmem>>, vector<16xi32>,
    tpu.vector_store %arg6[%swap3A_679], %add3A_678 {strides = array<i32>} : memref<2048xi32, #tpu.memory_space<vmem>>, vector<16xi32>,
    %add3A_681 = arith.constant 57344 : i32
    %add3A_682 = vector.broadcast %add3A_681 : i32 to vector<16xi32>
    %add3A_683 = arith.addi %add3A_540, %add3A_682 : vector<16xi32>
    %swap3A_684 = arith.constant 1840 : index
    %swap3A_685 = tpu.vector_load %arg6[%swap3A_684] {strides = array<i32>} : memref<2048xi32, #tpu.memory_space<vmem>>, vector<16xi32>,
    tpu.vector_store %arg6[%swap3A_684], %add3A_683 {strides = array<i32>} : memref<2048xi32, #tpu.memory_space<vmem>>, vector<16xi32>,
    %add3A_686 = arith.constant 59392 : i32
    %add3A_687 = vector.broadcast %add3A_686 : i32 to vector<16xi32>
    %add3A_688 = arith.addi %add3A_540, %add3A_687 : vector<16xi32>
    %swap3A_689 = arith.constant 1904 : index
    %swap3A_690 = tpu.vector_load %arg6[%swap3A_689] {strides = array<i32>} : memref<2048xi32, #tpu.memory_space<vmem>>, vector<16xi32>,
    tpu.vector_store %arg6[%swap3A_689], %add3A_688 {strides = array<i32>} : memref<2048xi32, #tpu.memory_space<vmem>>, vector<16xi32>,
    %add3A_691 = arith.constant 61440 : i32
    %add3A_692 = vector.broadcast %add3A_691 : i32 to vector<16xi32>
    %add3A_693 = arith.addi %add3A_540, %add3A_692 : vector<16xi32>
    %swap3A_694 = arith.constant 1968 : index
    %swap3A_695 = tpu.vector_load %arg6[%swap3A_694] {strides = array<i32>} : memref<2048xi32, #tpu.memory_space<vmem>>, vector<16xi32>,
    tpu.vector_store %arg6[%swap3A_694], %add3A_693 {strides = array<i32>} : memref<2048xi32, #tpu.memory_space<vmem>>, vector<16xi32>,
    %add3A_696 = arith.constant 63488 : i32
    %add3A_697 = vector.broadcast %add3A_696 : i32 to vector<16xi32>
    %add3A_698 = arith.addi %add3A_540, %add3A_697 : vector<16xi32>
    %swap3A_699 = arith.constant 2032 : index
    %swap3A_700 = tpu.vector_load %arg6[%swap3A_699] {strides = array<i32>} : memref<2048xi32, #tpu.memory_space<vmem>>, vector<16xi32>,
    tpu.vector_store %arg6[%swap3A_699], %add3A_698 {strides = array<i32>} : memref<2048xi32, #tpu.memory_space<vmem>>, vector<16xi32>,
    %dma_start3A = arith.constant 0 : i32
    %dma_start3A_701 = arith.constant 0 : i32
    %dma_start3A_702 = tpu.memref_slice %arg3[%dma_start3A, %dma_start3A_701] : memref<2031616x16xf32, #tpu.memory_space<hbm>> -> memref<2031616x16xf32, #tpu.memory_space<hbm>>
    tpu.enqueue_indirect_dma source(%dma_start3A_702 : memref<2031616x16xf32, #tpu.memory_space<hbm>>) target(%arg8 : memref<2048x16xf32, #tpu.memory_space<vmem>>) offsets(%arg6 : memref<2048xi32, #tpu.memory_space<vmem>>) semaphore(%arg11 : memref<!tpu.dma_semaphore, #tpu.memory_space<semaphore_mem>>)
    %scan3A = arith.constant 0 : i32
    %scan3A_703 = arith.constant 0 : i32
    %scan3A_704 = arith.constant 8 : i32
    %scan3A_705 = arith.addi %scan3A_703, %scan3A_704 : i32
    %scan3A_706 = arith.constant 1 : i32
    scf.for %scan3A_710 = %scan3A_703 to %scan3A_705 step %scan3A_706  : i32 {
      %mul3A_711 = arith.constant 2 : i32
      %mul3A_712 = arith.muli %mul3A_711, %scan3A_710 : i32
      %mul3A_713 = arith.constant 2 : i32
      %mul3A_714 = arith.muli %mul3A_713, %scan3A_710 : i32
      %add3A_715 = arith.constant 1 : i32
      %add3A_716 = arith.addi %mul3A_714, %add3A_715 : i32
      %mul3A_717 = arith.constant 64 : i32
      %mul3A_718 = arith.muli %add3A_716, %mul3A_717 : i32
      %add3A_719 = arith.constant 0 : i32
      %add3A_720 = arith.addi %mul3A_718, %add3A_719 : i32
      %get3A_721 = arith.index_cast %add3A_720 : i32 to index
      %get3A_722 = tpu.vector_load %arg5[%get3A_721] {strides = array<i32>} : memref<1024xi32, #tpu.memory_space<vmem>>, vector<16xi32>,
      %shift_right_arithmetic3A_723 = arith.constant 15 : i32
      %shift_right_arithmetic3A_724 = vector.broadcast %shift_right_arithmetic3A_723 : i32 to vector<16xi32>
      %shift_right_arithmetic3A_725 = arith.shrsi %get3A_722, %shift_right_arithmetic3A_724 : vector<16xi32>
      %mul3A_726 = arith.constant 65536 : i32
      %mul3A_727 = vector.broadcast %mul3A_726 : i32 to vector<16xi32>
      %mul3A_728 = arith.muli %shift_right_arithmetic3A_725, %mul3A_727 : vector<16xi32>
      %shift_right_arithmetic3A_729 = arith.constant 4 : i32
      %shift_right_arithmetic3A_730 = vector.broadcast %shift_right_arithmetic3A_729 : i32 to vector<16xi32>
      %shift_right_arithmetic3A_731 = arith.shrsi %get3A_722, %shift_right_arithmetic3A_730 : vector<16xi32>
      %and3A_732 = arith.constant 2047 : i32
      %and3A_733 = vector.broadcast %and3A_732 : i32 to vector<16xi32>
      %and3A_734 = arith.andi %shift_right_arithmetic3A_731, %and3A_733 : vector<16xi32>
      %add3A_735 = arith.addi %mul3A_728, %and3A_734 : vector<16xi32>
      %add3A_736 = arith.constant 0 : i32
      %add3A_737 = vector.broadcast %add3A_736 : i32 to vector<16xi32>
      %add3A_738 = arith.addi %add3A_735, %add3A_737 : vector<16xi32>
      %swap3A_739 = arith.constant 0 : index
      %swap3A_740 = tpu.vector_load %arg7[%swap3A_739] {strides = array<i32>} : memref<2048xi32, #tpu.memory_space<vmem>>, vector<16xi32>,
      tpu.vector_store %arg7[%swap3A_739], %add3A_738 {strides = array<i32>} : memref<2048xi32, #tpu.memory_space<vmem>>, vector<16xi32>,
      %add3A_741 = arith.constant 2048 : i32
      %add3A_742 = vector.broadcast %add3A_741 : i32 to vector<16xi32>
      %add3A_743 = arith.addi %add3A_735, %add3A_742 : vector<16xi32>
      %swap3A_744 = arith.constant 64 : index
      %swap3A_745 = tpu.vector_load %arg7[%swap3A_744] {strides = array<i32>} : memref<2048xi32, #tpu.memory_space<vmem>>, vector<16xi32>,
      tpu.vector_store %arg7[%swap3A_744], %add3A_743 {strides = array<i32>} : memref<2048xi32, #tpu.memory_space<vmem>>, vector<16xi32>,
      %add3A_746 = arith.constant 4096 : i32
      %add3A_747 = vector.broadcast %add3A_746 : i32 to vector<16xi32>
      %add3A_748 = arith.addi %add3A_735, %add3A_747 : vector<16xi32>
      %swap3A_749 = arith.constant 128 : index
      %swap3A_750 = tpu.vector_load %arg7[%swap3A_749] {strides = array<i32>} : memref<2048xi32, #tpu.memory_space<vmem>>, vector<16xi32>,
      tpu.vector_store %arg7[%swap3A_749], %add3A_748 {strides = array<i32>} : memref<2048xi32, #tpu.memory_space<vmem>>, vector<16xi32>,
      %add3A_751 = arith.constant 6144 : i32
      %add3A_752 = vector.broadcast %add3A_751 : i32 to vector<16xi32>
      %add3A_753 = arith.addi %add3A_735, %add3A_752 : vector<16xi32>
      %swap3A_754 = arith.constant 192 : index
      %swap3A_755 = tpu.vector_load %arg7[%swap3A_754] {strides = array<i32>} : memref<2048xi32, #tpu.memory_space<vmem>>, vector<16xi32>,
      tpu.vector_store %arg7[%swap3A_754], %add3A_753 {strides = array<i32>} : memref<2048xi32, #tpu.memory_space<vmem>>, vector<16xi32>,
      %add3A_756 = arith.constant 8192 : i32
      %add3A_757 = vector.broadcast %add3A_756 : i32 to vector<16xi32>
      %add3A_758 = arith.addi %add3A_735, %add3A_757 : vector<16xi32>
      %swap3A_759 = arith.constant 256 : index
      %swap3A_760 = tpu.vector_load %arg7[%swap3A_759] {strides = array<i32>} : memref<2048xi32, #tpu.memory_space<vmem>>, vector<16xi32>,
      tpu.vector_store %arg7[%swap3A_759], %add3A_758 {strides = array<i32>} : memref<2048xi32, #tpu.memory_space<vmem>>, vector<16xi32>,
      %add3A_761 = arith.constant 10240 : i32
      %add3A_762 = vector.broadcast %add3A_761 : i32 to vector<16xi32>
      %add3A_763 = arith.addi %add3A_735, %add3A_762 : vector<16xi32>
      %swap3A_764 = arith.constant 320 : index
      %swap3A_765 = tpu.vector_load %arg7[%swap3A_764] {strides = array<i32>} : memref<2048xi32, #tpu.memory_space<vmem>>, vector<16xi32>,
      tpu.vector_store %arg7[%swap3A_764], %add3A_763 {strides = array<i32>} : memref<2048xi32, #tpu.memory_space<vmem>>, vector<16xi32>,
      %add3A_766 = arith.constant 12288 : i32
      %add3A_767 = vector.broadcast %add3A_766 : i32 to vector<16xi32>
      %add3A_768 = arith.addi %add3A_735, %add3A_767 : vector<16xi32>
      %swap3A_769 = arith.constant 384 : index
      %swap3A_770 = tpu.vector_load %arg7[%swap3A_769] {strides = array<i32>} : memref<2048xi32, #tpu.memory_space<vmem>>, vector<16xi32>,
      tpu.vector_store %arg7[%swap3A_769], %add3A_768 {strides = array<i32>} : memref<2048xi32, #tpu.memory_space<vmem>>, vector<16xi32>,
      %add3A_771 = arith.constant 14336 : i32
      %add3A_772 = vector.broadcast %add3A_771 : i32 to vector<16xi32>
      %add3A_773 = arith.addi %add3A_735, %add3A_772 : vector<16xi32>
      %swap3A_774 = arith.constant 448 : index
      %swap3A_775 = tpu.vector_load %arg7[%swap3A_774] {strides = array<i32>} : memref<2048xi32, #tpu.memory_space<vmem>>, vector<16xi32>,
      tpu.vector_store %arg7[%swap3A_774], %add3A_773 {strides = array<i32>} : memref<2048xi32, #tpu.memory_space<vmem>>, vector<16xi32>,
      %add3A_776 = arith.constant 16384 : i32
      %add3A_777 = vector.broadcast %add3A_776 : i32 to vector<16xi32>
      %add3A_778 = arith.addi %add3A_735, %add3A_777 : vector<16xi32>
      %swap3A_779 = arith.constant 512 : index
      %swap3A_780 = tpu.vector_load %arg7[%swap3A_779] {strides = array<i32>} : memref<2048xi32, #tpu.memory_space<vmem>>, vector<16xi32>,
      tpu.vector_store %arg7[%swap3A_779], %add3A_778 {strides = array<i32>} : memref<2048xi32, #tpu.memory_space<vmem>>, vector<16xi32>,
      %add3A_781 = arith.constant 18432 : i32
      %add3A_782 = vector.broadcast %add3A_781 : i32 to vector<16xi32>
      %add3A_783 = arith.addi %add3A_735, %add3A_782 : vector<16xi32>
      %swap3A_784 = arith.constant 576 : index
      %swap3A_785 = tpu.vector_load %arg7[%swap3A_784] {strides = array<i32>} : memref<2048xi32, #tpu.memory_space<vmem>>, vector<16xi32>,
      tpu.vector_store %arg7[%swap3A_784], %add3A_783 {strides = array<i32>} : memref<2048xi32, #tpu.memory_space<vmem>>, vector<16xi32>,
      %add3A_786 = arith.constant 20480 : i32
      %add3A_787 = vector.broadcast %add3A_786 : i32 to vector<16xi32>
      %add3A_788 = arith.addi %add3A_735, %add3A_787 : vector<16xi32>
      %swap3A_789 = arith.constant 640 : index
      %swap3A_790 = tpu.vector_load %arg7[%swap3A_789] {strides = array<i32>} : memref<2048xi32, #tpu.memory_space<vmem>>, vector<16xi32>,
      tpu.vector_store %arg7[%swap3A_789], %add3A_788 {strides = array<i32>} : memref<2048xi32, #tpu.memory_space<vmem>>, vector<16xi32>,
      %add3A_791 = arith.constant 22528 : i32
      %add3A_792 = vector.broadcast %add3A_791 : i32 to vector<16xi32>
      %add3A_793 = arith.addi %add3A_735, %add3A_792 : vector<16xi32>
      %swap3A_794 = arith.constant 704 : index
      %swap3A_795 = tpu.vector_load %arg7[%swap3A_794] {strides = array<i32>} : memref<2048xi32, #tpu.memory_space<vmem>>, vector<16xi32>,
      tpu.vector_store %arg7[%swap3A_794], %add3A_793 {strides = array<i32>} : memref<2048xi32, #tpu.memory_space<vmem>>, vector<16xi32>,
      %add3A_796 = arith.constant 24576 : i32
      %add3A_797 = vector.broadcast %add3A_796 : i32 to vector<16xi32>
      %add3A_798 = arith.addi %add3A_735, %add3A_797 : vector<16xi32>
      %swap3A_799 = arith.constant 768 : index
      %swap3A_800 = tpu.vector_load %arg7[%swap3A_799] {strides = array<i32>} : memref<2048xi32, #tpu.memory_space<vmem>>, vector<16xi32>,
      tpu.vector_store %arg7[%swap3A_799], %add3A_798 {strides = array<i32>} : memref<2048xi32, #tpu.memory_space<vmem>>, vector<16xi32>,
      %add3A_801 = arith.constant 26624 : i32
      %add3A_802 = vector.broadcast %add3A_801 : i32 to vector<16xi32>
      %add3A_803 = arith.addi %add3A_735, %add3A_802 : vector<16xi32>
      %swap3A_804 = arith.constant 832 : index
      %swap3A_805 = tpu.vector_load %arg7[%swap3A_804] {strides = array<i32>} : memref<2048xi32, #tpu.memory_space<vmem>>, vector<16xi32>,
      tpu.vector_store %arg7[%swap3A_804], %add3A_803 {strides = array<i32>} : memref<2048xi32, #tpu.memory_space<vmem>>, vector<16xi32>,
      %add3A_806 = arith.constant 28672 : i32
      %add3A_807 = vector.broadcast %add3A_806 : i32 to vector<16xi32>
      %add3A_808 = arith.addi %add3A_735, %add3A_807 : vector<16xi32>
      %swap3A_809 = arith.constant 896 : index
      %swap3A_810 = tpu.vector_load %arg7[%swap3A_809] {strides = array<i32>} : memref<2048xi32, #tpu.memory_space<vmem>>, vector<16xi32>,
      tpu.vector_store %arg7[%swap3A_809], %add3A_808 {strides = array<i32>} : memref<2048xi32, #tpu.memory_space<vmem>>, vector<16xi32>,
      %add3A_811 = arith.constant 30720 : i32
      %add3A_812 = vector.broadcast %add3A_811 : i32 to vector<16xi32>
      %add3A_813 = arith.addi %add3A_735, %add3A_812 : vector<16xi32>
      %swap3A_814 = arith.constant 960 : index
      %swap3A_815 = tpu.vector_load %arg7[%swap3A_814] {strides = array<i32>} : memref<2048xi32, #tpu.memory_space<vmem>>, vector<16xi32>,
      tpu.vector_store %arg7[%swap3A_814], %add3A_813 {strides = array<i32>} : memref<2048xi32, #tpu.memory_space<vmem>>, vector<16xi32>,
      %add3A_816 = arith.constant 32768 : i32
      %add3A_817 = vector.broadcast %add3A_816 : i32 to vector<16xi32>
      %add3A_818 = arith.addi %add3A_735, %add3A_817 : vector<16xi32>
      %swap3A_819 = arith.constant 1024 : index
      %swap3A_820 = tpu.vector_load %arg7[%swap3A_819] {strides = array<i32>} : memref<2048xi32, #tpu.memory_space<vmem>>, vector<16xi32>,
      tpu.vector_store %arg7[%swap3A_819], %add3A_818 {strides = array<i32>} : memref<2048xi32, #tpu.memory_space<vmem>>, vector<16xi32>,
      %add3A_821 = arith.constant 34816 : i32
      %add3A_822 = vector.broadcast %add3A_821 : i32 to vector<16xi32>
      %add3A_823 = arith.addi %add3A_735, %add3A_822 : vector<16xi32>
      %swap3A_824 = arith.constant 1088 : index
      %swap3A_825 = tpu.vector_load %arg7[%swap3A_824] {strides = array<i32>} : memref<2048xi32, #tpu.memory_space<vmem>>, vector<16xi32>,
      tpu.vector_store %arg7[%swap3A_824], %add3A_823 {strides = array<i32>} : memref<2048xi32, #tpu.memory_space<vmem>>, vector<16xi32>,
      %add3A_826 = arith.constant 36864 : i32
      %add3A_827 = vector.broadcast %add3A_826 : i32 to vector<16xi32>
      %add3A_828 = arith.addi %add3A_735, %add3A_827 : vector<16xi32>
      %swap3A_829 = arith.constant 1152 : index
      %swap3A_830 = tpu.vector_load %arg7[%swap3A_829] {strides = array<i32>} : memref<2048xi32, #tpu.memory_space<vmem>>, vector<16xi32>,
      tpu.vector_store %arg7[%swap3A_829], %add3A_828 {strides = array<i32>} : memref<2048xi32, #tpu.memory_space<vmem>>, vector<16xi32>,
      %add3A_831 = arith.constant 38912 : i32
      %add3A_832 = vector.broadcast %add3A_831 : i32 to vector<16xi32>
      %add3A_833 = arith.addi %add3A_735, %add3A_832 : vector<16xi32>
      %swap3A_834 = arith.constant 1216 : index
      %swap3A_835 = tpu.vector_load %arg7[%swap3A_834] {strides = array<i32>} : memref<2048xi32, #tpu.memory_space<vmem>>, vector<16xi32>,
      tpu.vector_store %arg7[%swap3A_834], %add3A_833 {strides = array<i32>} : memref<2048xi32, #tpu.memory_space<vmem>>, vector<16xi32>,
      %add3A_836 = arith.constant 40960 : i32
      %add3A_837 = vector.broadcast %add3A_836 : i32 to vector<16xi32>
      %add3A_838 = arith.addi %add3A_735, %add3A_837 : vector<16xi32>
      %swap3A_839 = arith.constant 1280 : index
      %swap3A_840 = tpu.vector_load %arg7[%swap3A_839] {strides = array<i32>} : memref<2048xi32, #tpu.memory_space<vmem>>, vector<16xi32>,
      tpu.vector_store %arg7[%swap3A_839], %add3A_838 {strides = array<i32>} : memref<2048xi32, #tpu.memory_space<vmem>>, vector<16xi32>,
      %add3A_841 = arith.constant 43008 : i32
      %add3A_842 = vector.broadcast %add3A_841 : i32 to vector<16xi32>
      %add3A_843 = arith.addi %add3A_735, %add3A_842 : vector<16xi32>
      %swap3A_844 = arith.constant 1344 : index
      %swap3A_845 = tpu.vector_load %arg7[%swap3A_844] {strides = array<i32>} : memref<2048xi32, #tpu.memory_space<vmem>>, vector<16xi32>,
      tpu.vector_store %arg7[%swap3A_844], %add3A_843 {strides = array<i32>} : memref<2048xi32, #tpu.memory_space<vmem>>, vector<16xi32>,
      %add3A_846 = arith.constant 45056 : i32
      %add3A_847 = vector.broadcast %add3A_846 : i32 to vector<16xi32>
      %add3A_848 = arith.addi %add3A_735, %add3A_847 : vector<16xi32>
      %swap3A_849 = arith.constant 1408 : index
      %swap3A_850 = tpu.vector_load %arg7[%swap3A_849] {strides = array<i32>} : memref<2048xi32, #tpu.memory_space<vmem>>, vector<16xi32>,
      tpu.vector_store %arg7[%swap3A_849], %add3A_848 {strides = array<i32>} : memref<2048xi32, #tpu.memory_space<vmem>>, vector<16xi32>,
      %add3A_851 = arith.constant 47104 : i32
      %add3A_852 = vector.broadcast %add3A_851 : i32 to vector<16xi32>
      %add3A_853 = arith.addi %add3A_735, %add3A_852 : vector<16xi32>
      %swap3A_854 = arith.constant 1472 : index
      %swap3A_855 = tpu.vector_load %arg7[%swap3A_854] {strides = array<i32>} : memref<2048xi32, #tpu.memory_space<vmem>>, vector<16xi32>,
      tpu.vector_store %arg7[%swap3A_854], %add3A_853 {strides = array<i32>} : memref<2048xi32, #tpu.memory_space<vmem>>, vector<16xi32>,
      %add3A_856 = arith.constant 49152 : i32
      %add3A_857 = vector.broadcast %add3A_856 : i32 to vector<16xi32>
      %add3A_858 = arith.addi %add3A_735, %add3A_857 : vector<16xi32>
      %swap3A_859 = arith.constant 1536 : index
      %swap3A_860 = tpu.vector_load %arg7[%swap3A_859] {strides = array<i32>} : memref<2048xi32, #tpu.memory_space<vmem>>, vector<16xi32>,
      tpu.vector_store %arg7[%swap3A_859], %add3A_858 {strides = array<i32>} : memref<2048xi32, #tpu.memory_space<vmem>>, vector<16xi32>,
      %add3A_861 = arith.constant 51200 : i32
      %add3A_862 = vector.broadcast %add3A_861 : i32 to vector<16xi32>
      %add3A_863 = arith.addi %add3A_735, %add3A_862 : vector<16xi32>
      %swap3A_864 = arith.constant 1600 : index
      %swap3A_865 = tpu.vector_load %arg7[%swap3A_864] {strides = array<i32>} : memref<2048xi32, #tpu.memory_space<vmem>>, vector<16xi32>,
      tpu.vector_store %arg7[%swap3A_864], %add3A_863 {strides = array<i32>} : memref<2048xi32, #tpu.memory_space<vmem>>, vector<16xi32>,
      %add3A_866 = arith.constant 53248 : i32
      %add3A_867 = vector.broadcast %add3A_866 : i32 to vector<16xi32>
      %add3A_868 = arith.addi %add3A_735, %add3A_867 : vector<16xi32>
      %swap3A_869 = arith.constant 1664 : index
      %swap3A_870 = tpu.vector_load %arg7[%swap3A_869] {strides = array<i32>} : memref<2048xi32, #tpu.memory_space<vmem>>, vector<16xi32>,
      tpu.vector_store %arg7[%swap3A_869], %add3A_868 {strides = array<i32>} : memref<2048xi32, #tpu.memory_space<vmem>>, vector<16xi32>,
      %add3A_871 = arith.constant 55296 : i32
      %add3A_872 = vector.broadcast %add3A_871 : i32 to vector<16xi32>
      %add3A_873 = arith.addi %add3A_735, %add3A_872 : vector<16xi32>
      %swap3A_874 = arith.constant 1728 : index
      %swap3A_875 = tpu.vector_load %arg7[%swap3A_874] {strides = array<i32>} : memref<2048xi32, #tpu.memory_space<vmem>>, vector<16xi32>,
      tpu.vector_store %arg7[%swap3A_874], %add3A_873 {strides = array<i32>} : memref<2048xi32, #tpu.memory_space<vmem>>, vector<16xi32>,
      %add3A_876 = arith.constant 57344 : i32
      %add3A_877 = vector.broadcast %add3A_876 : i32 to vector<16xi32>
      %add3A_878 = arith.addi %add3A_735, %add3A_877 : vector<16xi32>
      %swap3A_879 = arith.constant 1792 : index
      %swap3A_880 = tpu.vector_load %arg7[%swap3A_879] {strides = array<i32>} : memref<2048xi32, #tpu.memory_space<vmem>>, vector<16xi32>,
      tpu.vector_store %arg7[%swap3A_879], %add3A_878 {strides = array<i32>} : memref<2048xi32, #tpu.memory_space<vmem>>, vector<16xi32>,
      %add3A_881 = arith.constant 59392 : i32
      %add3A_882 = vector.broadcast %add3A_881 : i32 to vector<16xi32>
      %add3A_883 = arith.addi %add3A_735, %add3A_882 : vector<16xi32>
      %swap3A_884 = arith.constant 1856 : index
      %swap3A_885 = tpu.vector_load %arg7[%swap3A_884] {strides = array<i32>} : memref<2048xi32, #tpu.memory_space<vmem>>, vector<16xi32>,
      tpu.vector_store %arg7[%swap3A_884], %add3A_883 {strides = array<i32>} : memref<2048xi32, #tpu.memory_space<vmem>>, vector<16xi32>,
      %add3A_886 = arith.constant 61440 : i32
      %add3A_887 = vector.broadcast %add3A_886 : i32 to vector<16xi32>
      %add3A_888 = arith.addi %add3A_735, %add3A_887 : vector<16xi32>
      %swap3A_889 = arith.constant 1920 : index
      %swap3A_890 = tpu.vector_load %arg7[%swap3A_889] {strides = array<i32>} : memref<2048xi32, #tpu.memory_space<vmem>>, vector<16xi32>,
      tpu.vector_store %arg7[%swap3A_889], %add3A_888 {strides = array<i32>} : memref<2048xi32, #tpu.memory_space<vmem>>, vector<16xi32>,
      %add3A_891 = arith.constant 63488 : i32
      %add3A_892 = vector.broadcast %add3A_891 : i32 to vector<16xi32>
      %add3A_893 = arith.addi %add3A_735, %add3A_892 : vector<16xi32>
      %swap3A_894 = arith.constant 1984 : index
      %swap3A_895 = tpu.vector_load %arg7[%swap3A_894] {strides = array<i32>} : memref<2048xi32, #tpu.memory_space<vmem>>, vector<16xi32>,
      tpu.vector_store %arg7[%swap3A_894], %add3A_893 {strides = array<i32>} : memref<2048xi32, #tpu.memory_space<vmem>>, vector<16xi32>,
      %mul3A_896 = arith.constant 64 : i32
      %mul3A_897 = arith.muli %add3A_716, %mul3A_896 : i32
      %add3A_898 = arith.constant 16 : i32
      %add3A_899 = arith.addi %mul3A_897, %add3A_898 : i32
      %get3A_900 = arith.index_cast %add3A_899 : i32 to index
      %get3A_901 = tpu.vector_load %arg5[%get3A_900] {strides = array<i32>} : memref<1024xi32, #tpu.memory_space<vmem>>, vector<16xi32>,
      %shift_right_arithmetic3A_902 = arith.constant 15 : i32
      %shift_right_arithmetic3A_903 = vector.broadcast %shift_right_arithmetic3A_902 : i32 to vector<16xi32>
      %shift_right_arithmetic3A_904 = arith.shrsi %get3A_901, %shift_right_arithmetic3A_903 : vector<16xi32>
      %mul3A_905 = arith.constant 65536 : i32
      %mul3A_906 = vector.broadcast %mul3A_905 : i32 to vector<16xi32>
      %mul3A_907 = arith.muli %shift_right_arithmetic3A_904, %mul3A_906 : vector<16xi32>
      %shift_right_arithmetic3A_908 = arith.constant 4 : i32
      %shift_right_arithmetic3A_909 = vector.broadcast %shift_right_arithmetic3A_908 : i32 to vector<16xi32>
      %shift_right_arithmetic3A_910 = arith.shrsi %get3A_901, %shift_right_arithmetic3A_909 : vector<16xi32>
      %and3A_911 = arith.constant 2047 : i32
      %and3A_912 = vector.broadcast %and3A_911 : i32 to vector<16xi32>
      %and3A_913 = arith.andi %shift_right_arithmetic3A_910, %and3A_912 : vector<16xi32>
      %add3A_914 = arith.addi %mul3A_907, %and3A_913 : vector<16xi32>
      %add3A_915 = arith.constant 0 : i32
      %add3A_916 = vector.broadcast %add3A_915 : i32 to vector<16xi32>
      %add3A_917 = arith.addi %add3A_914, %add3A_916 : vector<16xi32>
      %swap3A_918 = arith.constant 16 : index
      %swap3A_919 = tpu.vector_load %arg7[%swap3A_918] {strides = array<i32>} : memref<2048xi32, #tpu.memory_space<vmem>>, vector<16xi32>,
      tpu.vector_store %arg7[%swap3A_918], %add3A_917 {strides = array<i32>} : memref<2048xi32, #tpu.memory_space<vmem>>, vector<16xi32>,
      %add3A_920 = arith.constant 2048 : i32
      %add3A_921 = vector.broadcast %add3A_920 : i32 to vector<16xi32>
      %add3A_922 = arith.addi %add3A_914, %add3A_921 : vector<16xi32>
      %swap3A_923 = arith.constant 80 : index
      %swap3A_924 = tpu.vector_load %arg7[%swap3A_923] {strides = array<i32>} : memref<2048xi32, #tpu.memory_space<vmem>>, vector<16xi32>,
      tpu.vector_store %arg7[%swap3A_923], %add3A_922 {strides = array<i32>} : memref<2048xi32, #tpu.memory_space<vmem>>, vector<16xi32>,
      %add3A_925 = arith.constant 4096 : i32
      %add3A_926 = vector.broadcast %add3A_925 : i32 to vector<16xi32>
      %add3A_927 = arith.addi %add3A_914, %add3A_926 : vector<16xi32>
      %swap3A_928 = arith.constant 144 : index
      %swap3A_929 = tpu.vector_load %arg7[%swap3A_928] {strides = array<i32>} : memref<2048xi32, #tpu.memory_space<vmem>>, vector<16xi32>,
      tpu.vector_store %arg7[%swap3A_928], %add3A_927 {strides = array<i32>} : memref<2048xi32, #tpu.memory_space<vmem>>, vector<16xi32>,
      %add3A_930 = arith.constant 6144 : i32
      %add3A_931 = vector.broadcast %add3A_930 : i32 to vector<16xi32>
      %add3A_932 = arith.addi %add3A_914, %add3A_931 : vector<16xi32>
      %swap3A_933 = arith.constant 208 : index
      %swap3A_934 = tpu.vector_load %arg7[%swap3A_933] {strides = array<i32>} : memref<2048xi32, #tpu.memory_space<vmem>>, vector<16xi32>,
      tpu.vector_store %arg7[%swap3A_933], %add3A_932 {strides = array<i32>} : memref<2048xi32, #tpu.memory_space<vmem>>, vector<16xi32>,
      %add3A_935 = arith.constant 8192 : i32
      %add3A_936 = vector.broadcast %add3A_935 : i32 to vector<16xi32>
      %add3A_937 = arith.addi %add3A_914, %add3A_936 : vector<16xi32>
      %swap3A_938 = arith.constant 272 : index
      %swap3A_939 = tpu.vector_load %arg7[%swap3A_938] {strides = array<i32>} : memref<2048xi32, #tpu.memory_space<vmem>>, vector<16xi32>,
      tpu.vector_store %arg7[%swap3A_938], %add3A_937 {strides = array<i32>} : memref<2048xi32, #tpu.memory_space<vmem>>, vector<16xi32>,
      %add3A_940 = arith.constant 10240 : i32
      %add3A_941 = vector.broadcast %add3A_940 : i32 to vector<16xi32>
      %add3A_942 = arith.addi %add3A_914, %add3A_941 : vector<16xi32>
      %swap3A_943 = arith.constant 336 : index
      %swap3A_944 = tpu.vector_load %arg7[%swap3A_943] {strides = array<i32>} : memref<2048xi32, #tpu.memory_space<vmem>>, vector<16xi32>,
      tpu.vector_store %arg7[%swap3A_943], %add3A_942 {strides = array<i32>} : memref<2048xi32, #tpu.memory_space<vmem>>, vector<16xi32>,
      %add3A_945 = arith.constant 12288 : i32
      %add3A_946 = vector.broadcast %add3A_945 : i32 to vector<16xi32>
      %add3A_947 = arith.addi %add3A_914, %add3A_946 : vector<16xi32>
      %swap3A_948 = arith.constant 400 : index
      %swap3A_949 = tpu.vector_load %arg7[%swap3A_948] {strides = array<i32>} : memref<2048xi32, #tpu.memory_space<vmem>>, vector<16xi32>,
      tpu.vector_store %arg7[%swap3A_948], %add3A_947 {strides = array<i32>} : memref<2048xi32, #tpu.memory_space<vmem>>, vector<16xi32>,
      %add3A_950 = arith.constant 14336 : i32
      %add3A_951 = vector.broadcast %add3A_950 : i32 to vector<16xi32>
      %add3A_952 = arith.addi %add3A_914, %add3A_951 : vector<16xi32>
      %swap3A_953 = arith.constant 464 : index
      %swap3A_954 = tpu.vector_load %arg7[%swap3A_953] {strides = array<i32>} : memref<2048xi32, #tpu.memory_space<vmem>>, vector<16xi32>,
      tpu.vector_store %arg7[%swap3A_953], %add3A_952 {strides = array<i32>} : memref<2048xi32, #tpu.memory_space<vmem>>, vector<16xi32>,
      %add3A_955 = arith.constant 16384 : i32
      %add3A_956 = vector.broadcast %add3A_955 : i32 to vector<16xi32>
      %add3A_957 = arith.addi %add3A_914, %add3A_956 : vector<16xi32>
      %swap3A_958 = arith.constant 528 : index
      %swap3A_959 = tpu.vector_load %arg7[%swap3A_958] {strides = array<i32>} : memref<2048xi32, #tpu.memory_space<vmem>>, vector<16xi32>,
      tpu.vector_store %arg7[%swap3A_958], %add3A_957 {strides = array<i32>} : memref<2048xi32, #tpu.memory_space<vmem>>, vector<16xi32>,
      %add3A_960 = arith.constant 18432 : i32
      %add3A_961 = vector.broadcast %add3A_960 : i32 to vector<16xi32>
      %add3A_962 = arith.addi %add3A_914, %add3A_961 : vector<16xi32>
      %swap3A_963 = arith.constant 592 : index
      %swap3A_964 = tpu.vector_load %arg7[%swap3A_963] {strides = array<i32>} : memref<2048xi32, #tpu.memory_space<vmem>>, vector<16xi32>,
      tpu.vector_store %arg7[%swap3A_963], %add3A_962 {strides = array<i32>} : memref<2048xi32, #tpu.memory_space<vmem>>, vector<16xi32>,
      %add3A_965 = arith.constant 20480 : i32
      %add3A_966 = vector.broadcast %add3A_965 : i32 to vector<16xi32>
      %add3A_967 = arith.addi %add3A_914, %add3A_966 : vector<16xi32>
      %swap3A_968 = arith.constant 656 : index
      %swap3A_969 = tpu.vector_load %arg7[%swap3A_968] {strides = array<i32>} : memref<2048xi32, #tpu.memory_space<vmem>>, vector<16xi32>,
      tpu.vector_store %arg7[%swap3A_968], %add3A_967 {strides = array<i32>} : memref<2048xi32, #tpu.memory_space<vmem>>, vector<16xi32>,
      %add3A_970 = arith.constant 22528 : i32
      %add3A_971 = vector.broadcast %add3A_970 : i32 to vector<16xi32>
      %add3A_972 = arith.addi %add3A_914, %add3A_971 : vector<16xi32>
      %swap3A_973 = arith.constant 720 : index
      %swap3A_974 = tpu.vector_load %arg7[%swap3A_973] {strides = array<i32>} : memref<2048xi32, #tpu.memory_space<vmem>>, vector<16xi32>,
      tpu.vector_store %arg7[%swap3A_973], %add3A_972 {strides = array<i32>} : memref<2048xi32, #tpu.memory_space<vmem>>, vector<16xi32>,
      %add3A_975 = arith.constant 24576 : i32
      %add3A_976 = vector.broadcast %add3A_975 : i32 to vector<16xi32>
      %add3A_977 = arith.addi %add3A_914, %add3A_976 : vector<16xi32>
      %swap3A_978 = arith.constant 784 : index
      %swap3A_979 = tpu.vector_load %arg7[%swap3A_978] {strides = array<i32>} : memref<2048xi32, #tpu.memory_space<vmem>>, vector<16xi32>,
      tpu.vector_store %arg7[%swap3A_978], %add3A_977 {strides = array<i32>} : memref<2048xi32, #tpu.memory_space<vmem>>, vector<16xi32>,
      %add3A_980 = arith.constant 26624 : i32
      %add3A_981 = vector.broadcast %add3A_980 : i32 to vector<16xi32>
      %add3A_982 = arith.addi %add3A_914, %add3A_981 : vector<16xi32>
      %swap3A_983 = arith.constant 848 : index
      %swap3A_984 = tpu.vector_load %arg7[%swap3A_983] {strides = array<i32>} : memref<2048xi32, #tpu.memory_space<vmem>>, vector<16xi32>,
      tpu.vector_store %arg7[%swap3A_983], %add3A_982 {strides = array<i32>} : memref<2048xi32, #tpu.memory_space<vmem>>, vector<16xi32>,
      %add3A_985 = arith.constant 28672 : i32
      %add3A_986 = vector.broadcast %add3A_985 : i32 to vector<16xi32>
      %add3A_987 = arith.addi %add3A_914, %add3A_986 : vector<16xi32>
      %swap3A_988 = arith.constant 912 : index
      %swap3A_989 = tpu.vector_load %arg7[%swap3A_988] {strides = array<i32>} : memref<2048xi32, #tpu.memory_space<vmem>>, vector<16xi32>,
      tpu.vector_store %arg7[%swap3A_988], %add3A_987 {strides = array<i32>} : memref<2048xi32, #tpu.memory_space<vmem>>, vector<16xi32>,
      %add3A_990 = arith.constant 30720 : i32
      %add3A_991 = vector.broadcast %add3A_990 : i32 to vector<16xi32>
      %add3A_992 = arith.addi %add3A_914, %add3A_991 : vector<16xi32>
      %swap3A_993 = arith.constant 976 : index
      %swap3A_994 = tpu.vector_load %arg7[%swap3A_993] {strides = array<i32>} : memref<2048xi32, #tpu.memory_space<vmem>>, vector<16xi32>,
      tpu.vector_store %arg7[%swap3A_993], %add3A_992 {strides = array<i32>} : memref<2048xi32, #tpu.memory_space<vmem>>, vector<16xi32>,
      %add3A_995 = arith.constant 32768 : i32
      %add3A_996 = vector.broadcast %add3A_995 : i32 to vector<16xi32>
      %add3A_997 = arith.addi %add3A_914, %add3A_996 : vector<16xi32>
      %swap3A_998 = arith.constant 1040 : index
      %swap3A_999 = tpu.vector_load %arg7[%swap3A_998] {strides = array<i32>} : memref<2048xi32, #tpu.memory_space<vmem>>, vector<16xi32>,
      tpu.vector_store %arg7[%swap3A_998], %add3A_997 {strides = array<i32>} : memref<2048xi32, #tpu.memory_space<vmem>>, vector<16xi32>,
      %add3A_1000 = arith.constant 34816 : i32
      %add3A_1001 = vector.broadcast %add3A_1000 : i32 to vector<16xi32>
      %add3A_1002 = arith.addi %add3A_914, %add3A_1001 : vector<16xi32>
      %swap3A_1003 = arith.constant 1104 : index
      %swap3A_1004 = tpu.vector_load %arg7[%swap3A_1003] {strides = array<i32>} : memref<2048xi32, #tpu.memory_space<vmem>>, vector<16xi32>,
      tpu.vector_store %arg7[%swap3A_1003], %add3A_1002 {strides = array<i32>} : memref<2048xi32, #tpu.memory_space<vmem>>, vector<16xi32>,
      %add3A_1005 = arith.constant 36864 : i32
      %add3A_1006 = vector.broadcast %add3A_1005 : i32 to vector<16xi32>
      %add3A_1007 = arith.addi %add3A_914, %add3A_1006 : vector<16xi32>
      %swap3A_1008 = arith.constant 1168 : index
      %swap3A_1009 = tpu.vector_load %arg7[%swap3A_1008] {strides = array<i32>} : memref<2048xi32, #tpu.memory_space<vmem>>, vector<16xi32>,
      tpu.vector_store %arg7[%swap3A_1008], %add3A_1007 {strides = array<i32>} : memref<2048xi32, #tpu.memory_space<vmem>>, vector<16xi32>,
      %add3A_1010 = arith.constant 38912 : i32
      %add3A_1011 = vector.broadcast %add3A_1010 : i32 to vector<16xi32>
      %add3A_1012 = arith.addi %add3A_914, %add3A_1011 : vector<16xi32>
      %swap3A_1013 = arith.constant 1232 : index
      %swap3A_1014 = tpu.vector_load %arg7[%swap3A_1013] {strides = array<i32>} : memref<2048xi32, #tpu.memory_space<vmem>>, vector<16xi32>,
      tpu.vector_store %arg7[%swap3A_1013], %add3A_1012 {strides = array<i32>} : memref<2048xi32, #tpu.memory_space<vmem>>, vector<16xi32>,
      %add3A_1015 = arith.constant 40960 : i32
      %add3A_1016 = vector.broadcast %add3A_1015 : i32 to vector<16xi32>
      %add3A_1017 = arith.addi %add3A_914, %add3A_1016 : vector<16xi32>
      %swap3A_1018 = arith.constant 1296 : index
      %swap3A_1019 = tpu.vector_load %arg7[%swap3A_1018] {strides = array<i32>} : memref<2048xi32, #tpu.memory_space<vmem>>, vector<16xi32>,
      tpu.vector_store %arg7[%swap3A_1018], %add3A_1017 {strides = array<i32>} : memref<2048xi32, #tpu.memory_space<vmem>>, vector<16xi32>,
      %add3A_1020 = arith.constant 43008 : i32
      %add3A_1021 = vector.broadcast %add3A_1020 : i32 to vector<16xi32>
      %add3A_1022 = arith.addi %add3A_914, %add3A_1021 : vector<16xi32>
      %swap3A_1023 = arith.constant 1360 : index
      %swap3A_1024 = tpu.vector_load %arg7[%swap3A_1023] {strides = array<i32>} : memref<2048xi32, #tpu.memory_space<vmem>>, vector<16xi32>,
      tpu.vector_store %arg7[%swap3A_1023], %add3A_1022 {strides = array<i32>} : memref<2048xi32, #tpu.memory_space<vmem>>, vector<16xi32>,
      %add3A_1025 = arith.constant 45056 : i32
      %add3A_1026 = vector.broadcast %add3A_1025 : i32 to vector<16xi32>
      %add3A_1027 = arith.addi %add3A_914, %add3A_1026 : vector<16xi32>
      %swap3A_1028 = arith.constant 1424 : index
      %swap3A_1029 = tpu.vector_load %arg7[%swap3A_1028] {strides = array<i32>} : memref<2048xi32, #tpu.memory_space<vmem>>, vector<16xi32>,
      tpu.vector_store %arg7[%swap3A_1028], %add3A_1027 {strides = array<i32>} : memref<2048xi32, #tpu.memory_space<vmem>>, vector<16xi32>,
      %add3A_1030 = arith.constant 47104 : i32
      %add3A_1031 = vector.broadcast %add3A_1030 : i32 to vector<16xi32>
      %add3A_1032 = arith.addi %add3A_914, %add3A_1031 : vector<16xi32>
      %swap3A_1033 = arith.constant 1488 : index
      %swap3A_1034 = tpu.vector_load %arg7[%swap3A_1033] {strides = array<i32>} : memref<2048xi32, #tpu.memory_space<vmem>>, vector<16xi32>,
      tpu.vector_store %arg7[%swap3A_1033], %add3A_1032 {strides = array<i32>} : memref<2048xi32, #tpu.memory_space<vmem>>, vector<16xi32>,
      %add3A_1035 = arith.constant 49152 : i32
      %add3A_1036 = vector.broadcast %add3A_1035 : i32 to vector<16xi32>
      %add3A_1037 = arith.addi %add3A_914, %add3A_1036 : vector<16xi32>
      %swap3A_1038 = arith.constant 1552 : index
      %swap3A_1039 = tpu.vector_load %arg7[%swap3A_1038] {strides = array<i32>} : memref<2048xi32, #tpu.memory_space<vmem>>, vector<16xi32>,
      tpu.vector_store %arg7[%swap3A_1038], %add3A_1037 {strides = array<i32>} : memref<2048xi32, #tpu.memory_space<vmem>>, vector<16xi32>,
      %add3A_1040 = arith.constant 51200 : i32
      %add3A_1041 = vector.broadcast %add3A_1040 : i32 to vector<16xi32>
      %add3A_1042 = arith.addi %add3A_914, %add3A_1041 : vector<16xi32>
      %swap3A_1043 = arith.constant 1616 : index
      %swap3A_1044 = tpu.vector_load %arg7[%swap3A_1043] {strides = array<i32>} : memref<2048xi32, #tpu.memory_space<vmem>>, vector<16xi32>,
      tpu.vector_store %arg7[%swap3A_1043], %add3A_1042 {strides = array<i32>} : memref<2048xi32, #tpu.memory_space<vmem>>, vector<16xi32>,
      %add3A_1045 = arith.constant 53248 : i32
      %add3A_1046 = vector.broadcast %add3A_1045 : i32 to vector<16xi32>
      %add3A_1047 = arith.addi %add3A_914, %add3A_1046 : vector<16xi32>
      %swap3A_1048 = arith.constant 1680 : index
      %swap3A_1049 = tpu.vector_load %arg7[%swap3A_1048] {strides = array<i32>} : memref<2048xi32, #tpu.memory_space<vmem>>, vector<16xi32>,
      tpu.vector_store %arg7[%swap3A_1048], %add3A_1047 {strides = array<i32>} : memref<2048xi32, #tpu.memory_space<vmem>>, vector<16xi32>,
      %add3A_1050 = arith.constant 55296 : i32
      %add3A_1051 = vector.broadcast %add3A_1050 : i32 to vector<16xi32>
      %add3A_1052 = arith.addi %add3A_914, %add3A_1051 : vector<16xi32>
      %swap3A_1053 = arith.constant 1744 : index
      %swap3A_1054 = tpu.vector_load %arg7[%swap3A_1053] {strides = array<i32>} : memref<2048xi32, #tpu.memory_space<vmem>>, vector<16xi32>,
      tpu.vector_store %arg7[%swap3A_1053], %add3A_1052 {strides = array<i32>} : memref<2048xi32, #tpu.memory_space<vmem>>, vector<16xi32>,
      %add3A_1055 = arith.constant 57344 : i32
      %add3A_1056 = vector.broadcast %add3A_1055 : i32 to vector<16xi32>
      %add3A_1057 = arith.addi %add3A_914, %add3A_1056 : vector<16xi32>
      %swap3A_1058 = arith.constant 1808 : index
      %swap3A_1059 = tpu.vector_load %arg7[%swap3A_1058] {strides = array<i32>} : memref<2048xi32, #tpu.memory_space<vmem>>, vector<16xi32>,
      tpu.vector_store %arg7[%swap3A_1058], %add3A_1057 {strides = array<i32>} : memref<2048xi32, #tpu.memory_space<vmem>>, vector<16xi32>,
      %add3A_1060 = arith.constant 59392 : i32
      %add3A_1061 = vector.broadcast %add3A_1060 : i32 to vector<16xi32>
      %add3A_1062 = arith.addi %add3A_914, %add3A_1061 : vector<16xi32>
      %swap3A_1063 = arith.constant 1872 : index
      %swap3A_1064 = tpu.vector_load %arg7[%swap3A_1063] {strides = array<i32>} : memref<2048xi32, #tpu.memory_space<vmem>>, vector<16xi32>,
      tpu.vector_store %arg7[%swap3A_1063], %add3A_1062 {strides = array<i32>} : memref<2048xi32, #tpu.memory_space<vmem>>, vector<16xi32>,
      %add3A_1065 = arith.constant 61440 : i32
      %add3A_1066 = vector.broadcast %add3A_1065 : i32 to vector<16xi32>
      %add3A_1067 = arith.addi %add3A_914, %add3A_1066 : vector<16xi32>
      %swap3A_1068 = arith.constant 1936 : index
      %swap3A_1069 = tpu.vector_load %arg7[%swap3A_1068] {strides = array<i32>} : memref<2048xi32, #tpu.memory_space<vmem>>, vector<16xi32>,
      tpu.vector_store %arg7[%swap3A_1068], %add3A_1067 {strides = array<i32>} : memref<2048xi32, #tpu.memory_space<vmem>>, vector<16xi32>,
      %add3A_1070 = arith.constant 63488 : i32
      %add3A_1071 = vector.broadcast %add3A_1070 : i32 to vector<16xi32>
      %add3A_1072 = arith.addi %add3A_914, %add3A_1071 : vector<16xi32>
      %swap3A_1073 = arith.constant 2000 : index
      %swap3A_1074 = tpu.vector_load %arg7[%swap3A_1073] {strides = array<i32>} : memref<2048xi32, #tpu.memory_space<vmem>>, vector<16xi32>,
      tpu.vector_store %arg7[%swap3A_1073], %add3A_1072 {strides = array<i32>} : memref<2048xi32, #tpu.memory_space<vmem>>, vector<16xi32>,
      %mul3A_1075 = arith.constant 64 : i32
      %mul3A_1076 = arith.muli %add3A_716, %mul3A_1075 : i32
      %add3A_1077 = arith.constant 32 : i32
      %add3A_1078 = arith.addi %mul3A_1076, %add3A_1077 : i32
      %get3A_1079 = arith.index_cast %add3A_1078 : i32 to index
      %get3A_1080 = tpu.vector_load %arg5[%get3A_1079] {strides = array<i32>} : memref<1024xi32, #tpu.memory_space<vmem>>, vector<16xi32>,
      %shift_right_arithmetic3A_1081 = arith.constant 15 : i32
      %shift_right_arithmetic3A_1082 = vector.broadcast %shift_right_arithmetic3A_1081 : i32 to vector<16xi32>
      %shift_right_arithmetic3A_1083 = arith.shrsi %get3A_1080, %shift_right_arithmetic3A_1082 : vector<16xi32>
      %mul3A_1084 = arith.constant 65536 : i32
      %mul3A_1085 = vector.broadcast %mul3A_1084 : i32 to vector<16xi32>
      %mul3A_1086 = arith.muli %shift_right_arithmetic3A_1083, %mul3A_1085 : vector<16xi32>
      %shift_right_arithmetic3A_1087 = arith.constant 4 : i32
      %shift_right_arithmetic3A_1088 = vector.broadcast %shift_right_arithmetic3A_1087 : i32 to vector<16xi32>
      %shift_right_arithmetic3A_1089 = arith.shrsi %get3A_1080, %shift_right_arithmetic3A_1088 : vector<16xi32>
      %and3A_1090 = arith.constant 2047 : i32
      %and3A_1091 = vector.broadcast %and3A_1090 : i32 to vector<16xi32>
      %and3A_1092 = arith.andi %shift_right_arithmetic3A_1089, %and3A_1091 : vector<16xi32>
      %add3A_1093 = arith.addi %mul3A_1086, %and3A_1092 : vector<16xi32>
      %add3A_1094 = arith.constant 0 : i32
      %add3A_1095 = vector.broadcast %add3A_1094 : i32 to vector<16xi32>
      %add3A_1096 = arith.addi %add3A_1093, %add3A_1095 : vector<16xi32>
      %swap3A_1097 = arith.constant 32 : index
      %swap3A_1098 = tpu.vector_load %arg7[%swap3A_1097] {strides = array<i32>} : memref<2048xi32, #tpu.memory_space<vmem>>, vector<16xi32>,
      tpu.vector_store %arg7[%swap3A_1097], %add3A_1096 {strides = array<i32>} : memref<2048xi32, #tpu.memory_space<vmem>>, vector<16xi32>,
      %add3A_1099 = arith.constant 2048 : i32
      %add3A_1100 = vector.broadcast %add3A_1099 : i32 to vector<16xi32>
      %add3A_1101 = arith.addi %add3A_1093, %add3A_1100 : vector<16xi32>
      %swap3A_1102 = arith.constant 96 : index
      %swap3A_1103 = tpu.vector_load %arg7[%swap3A_1102] {strides = array<i32>} : memref<2048xi32, #tpu.memory_space<vmem>>, vector<16xi32>,
      tpu.vector_store %arg7[%swap3A_1102], %add3A_1101 {strides = array<i32>} : memref<2048xi32, #tpu.memory_space<vmem>>, vector<16xi32>,
      %add3A_1104 = arith.constant 4096 : i32
      %add3A_1105 = vector.broadcast %add3A_1104 : i32 to vector<16xi32>
      %add3A_1106 = arith.addi %add3A_1093, %add3A_1105 : vector<16xi32>
      %swap3A_1107 = arith.constant 160 : index
      %swap3A_1108 = tpu.vector_load %arg7[%swap3A_1107] {strides = array<i32>} : memref<2048xi32, #tpu.memory_space<vmem>>, vector<16xi32>,
      tpu.vector_store %arg7[%swap3A_1107], %add3A_1106 {strides = array<i32>} : memref<2048xi32, #tpu.memory_space<vmem>>, vector<16xi32>,
      %add3A_1109 = arith.constant 6144 : i32
      %add3A_1110 = vector.broadcast %add3A_1109 : i32 to vector<16xi32>
      %add3A_1111 = arith.addi %add3A_1093, %add3A_1110 : vector<16xi32>
      %swap3A_1112 = arith.constant 224 : index
      %swap3A_1113 = tpu.vector_load %arg7[%swap3A_1112] {strides = array<i32>} : memref<2048xi32, #tpu.memory_space<vmem>>, vector<16xi32>,
      tpu.vector_store %arg7[%swap3A_1112], %add3A_1111 {strides = array<i32>} : memref<2048xi32, #tpu.memory_space<vmem>>, vector<16xi32>,
      %add3A_1114 = arith.constant 8192 : i32
      %add3A_1115 = vector.broadcast %add3A_1114 : i32 to vector<16xi32>
      %add3A_1116 = arith.addi %add3A_1093, %add3A_1115 : vector<16xi32>
      %swap3A_1117 = arith.constant 288 : index
      %swap3A_1118 = tpu.vector_load %arg7[%swap3A_1117] {strides = array<i32>} : memref<2048xi32, #tpu.memory_space<vmem>>, vector<16xi32>,
      tpu.vector_store %arg7[%swap3A_1117], %add3A_1116 {strides = array<i32>} : memref<2048xi32, #tpu.memory_space<vmem>>, vector<16xi32>,
      %add3A_1119 = arith.constant 10240 : i32
      %add3A_1120 = vector.broadcast %add3A_1119 : i32 to vector<16xi32>
      %add3A_1121 = arith.addi %add3A_1093, %add3A_1120 : vector<16xi32>
      %swap3A_1122 = arith.constant 352 : index
      %swap3A_1123 = tpu.vector_load %arg7[%swap3A_1122] {strides = array<i32>} : memref<2048xi32, #tpu.memory_space<vmem>>, vector<16xi32>,
      tpu.vector_store %arg7[%swap3A_1122], %add3A_1121 {strides = array<i32>} : memref<2048xi32, #tpu.memory_space<vmem>>, vector<16xi32>,
      %add3A_1124 = arith.constant 12288 : i32
      %add3A_1125 = vector.broadcast %add3A_1124 : i32 to vector<16xi32>
      %add3A_1126 = arith.addi %add3A_1093, %add3A_1125 : vector<16xi32>
      %swap3A_1127 = arith.constant 416 : index
      %swap3A_1128 = tpu.vector_load %arg7[%swap3A_1127] {strides = array<i32>} : memref<2048xi32, #tpu.memory_space<vmem>>, vector<16xi32>,
      tpu.vector_store %arg7[%swap3A_1127], %add3A_1126 {strides = array<i32>} : memref<2048xi32, #tpu.memory_space<vmem>>, vector<16xi32>,
      %add3A_1129 = arith.constant 14336 : i32
      %add3A_1130 = vector.broadcast %add3A_1129 : i32 to vector<16xi32>
      %add3A_1131 = arith.addi %add3A_1093, %add3A_1130 : vector<16xi32>
      %swap3A_1132 = arith.constant 480 : index
      %swap3A_1133 = tpu.vector_load %arg7[%swap3A_1132] {strides = array<i32>} : memref<2048xi32, #tpu.memory_space<vmem>>, vector<16xi32>,
      tpu.vector_store %arg7[%swap3A_1132], %add3A_1131 {strides = array<i32>} : memref<2048xi32, #tpu.memory_space<vmem>>, vector<16xi32>,
      %add3A_1134 = arith.constant 16384 : i32
      %add3A_1135 = vector.broadcast %add3A_1134 : i32 to vector<16xi32>
      %add3A_1136 = arith.addi %add3A_1093, %add3A_1135 : vector<16xi32>
      %swap3A_1137 = arith.constant 544 : index
      %swap3A_1138 = tpu.vector_load %arg7[%swap3A_1137] {strides = array<i32>} : memref<2048xi32, #tpu.memory_space<vmem>>, vector<16xi32>,
      tpu.vector_store %arg7[%swap3A_1137], %add3A_1136 {strides = array<i32>} : memref<2048xi32, #tpu.memory_space<vmem>>, vector<16xi32>,
      %add3A_1139 = arith.constant 18432 : i32
      %add3A_1140 = vector.broadcast %add3A_1139 : i32 to vector<16xi32>
      %add3A_1141 = arith.addi %add3A_1093, %add3A_1140 : vector<16xi32>
      %swap3A_1142 = arith.constant 608 : index
      %swap3A_1143 = tpu.vector_load %arg7[%swap3A_1142] {strides = array<i32>} : memref<2048xi32, #tpu.memory_space<vmem>>, vector<16xi32>,
      tpu.vector_store %arg7[%swap3A_1142], %add3A_1141 {strides = array<i32>} : memref<2048xi32, #tpu.memory_space<vmem>>, vector<16xi32>,
      %add3A_1144 = arith.constant 20480 : i32
      %add3A_1145 = vector.broadcast %add3A_1144 : i32 to vector<16xi32>
      %add3A_1146 = arith.addi %add3A_1093, %add3A_1145 : vector<16xi32>
      %swap3A_1147 = arith.constant 672 : index
      %swap3A_1148 = tpu.vector_load %arg7[%swap3A_1147] {strides = array<i32>} : memref<2048xi32, #tpu.memory_space<vmem>>, vector<16xi32>,
      tpu.vector_store %arg7[%swap3A_1147], %add3A_1146 {strides = array<i32>} : memref<2048xi32, #tpu.memory_space<vmem>>, vector<16xi32>,
      %add3A_1149 = arith.constant 22528 : i32
      %add3A_1150 = vector.broadcast %add3A_1149 : i32 to vector<16xi32>
      %add3A_1151 = arith.addi %add3A_1093, %add3A_1150 : vector<16xi32>
      %swap3A_1152 = arith.constant 736 : index
      %swap3A_1153 = tpu.vector_load %arg7[%swap3A_1152] {strides = array<i32>} : memref<2048xi32, #tpu.memory_space<vmem>>, vector<16xi32>,
      tpu.vector_store %arg7[%swap3A_1152], %add3A_1151 {strides = array<i32>} : memref<2048xi32, #tpu.memory_space<vmem>>, vector<16xi32>,
      %add3A_1154 = arith.constant 24576 : i32
      %add3A_1155 = vector.broadcast %add3A_1154 : i32 to vector<16xi32>
      %add3A_1156 = arith.addi %add3A_1093, %add3A_1155 : vector<16xi32>
      %swap3A_1157 = arith.constant 800 : index
      %swap3A_1158 = tpu.vector_load %arg7[%swap3A_1157] {strides = array<i32>} : memref<2048xi32, #tpu.memory_space<vmem>>, vector<16xi32>,
      tpu.vector_store %arg7[%swap3A_1157], %add3A_1156 {strides = array<i32>} : memref<2048xi32, #tpu.memory_space<vmem>>, vector<16xi32>,
      %add3A_1159 = arith.constant 26624 : i32
      %add3A_1160 = vector.broadcast %add3A_1159 : i32 to vector<16xi32>
      %add3A_1161 = arith.addi %add3A_1093, %add3A_1160 : vector<16xi32>
      %swap3A_1162 = arith.constant 864 : index
      %swap3A_1163 = tpu.vector_load %arg7[%swap3A_1162] {strides = array<i32>} : memref<2048xi32, #tpu.memory_space<vmem>>, vector<16xi32>,
      tpu.vector_store %arg7[%swap3A_1162], %add3A_1161 {strides = array<i32>} : memref<2048xi32, #tpu.memory_space<vmem>>, vector<16xi32>,
      %add3A_1164 = arith.constant 28672 : i32
      %add3A_1165 = vector.broadcast %add3A_1164 : i32 to vector<16xi32>
      %add3A_1166 = arith.addi %add3A_1093, %add3A_1165 : vector<16xi32>
      %swap3A_1167 = arith.constant 928 : index
      %swap3A_1168 = tpu.vector_load %arg7[%swap3A_1167] {strides = array<i32>} : memref<2048xi32, #tpu.memory_space<vmem>>, vector<16xi32>,
      tpu.vector_store %arg7[%swap3A_1167], %add3A_1166 {strides = array<i32>} : memref<2048xi32, #tpu.memory_space<vmem>>, vector<16xi32>,
      %add3A_1169 = arith.constant 30720 : i32
      %add3A_1170 = vector.broadcast %add3A_1169 : i32 to vector<16xi32>
      %add3A_1171 = arith.addi %add3A_1093, %add3A_1170 : vector<16xi32>
      %swap3A_1172 = arith.constant 992 : index
      %swap3A_1173 = tpu.vector_load %arg7[%swap3A_1172] {strides = array<i32>} : memref<2048xi32, #tpu.memory_space<vmem>>, vector<16xi32>,
      tpu.vector_store %arg7[%swap3A_1172], %add3A_1171 {strides = array<i32>} : memref<2048xi32, #tpu.memory_space<vmem>>, vector<16xi32>,
      %add3A_1174 = arith.constant 32768 : i32
      %add3A_1175 = vector.broadcast %add3A_1174 : i32 to vector<16xi32>
      %add3A_1176 = arith.addi %add3A_1093, %add3A_1175 : vector<16xi32>
      %swap3A_1177 = arith.constant 1056 : index
      %swap3A_1178 = tpu.vector_load %arg7[%swap3A_1177] {strides = array<i32>} : memref<2048xi32, #tpu.memory_space<vmem>>, vector<16xi32>,
      tpu.vector_store %arg7[%swap3A_1177], %add3A_1176 {strides = array<i32>} : memref<2048xi32, #tpu.memory_space<vmem>>, vector<16xi32>,
      %add3A_1179 = arith.constant 34816 : i32
      %add3A_1180 = vector.broadcast %add3A_1179 : i32 to vector<16xi32>
      %add3A_1181 = arith.addi %add3A_1093, %add3A_1180 : vector<16xi32>
      %swap3A_1182 = arith.constant 1120 : index
      %swap3A_1183 = tpu.vector_load %arg7[%swap3A_1182] {strides = array<i32>} : memref<2048xi32, #tpu.memory_space<vmem>>, vector<16xi32>,
      tpu.vector_store %arg7[%swap3A_1182], %add3A_1181 {strides = array<i32>} : memref<2048xi32, #tpu.memory_space<vmem>>, vector<16xi32>,
      %add3A_1184 = arith.constant 36864 : i32
      %add3A_1185 = vector.broadcast %add3A_1184 : i32 to vector<16xi32>
      %add3A_1186 = arith.addi %add3A_1093, %add3A_1185 : vector<16xi32>
      %swap3A_1187 = arith.constant 1184 : index
      %swap3A_1188 = tpu.vector_load %arg7[%swap3A_1187] {strides = array<i32>} : memref<2048xi32, #tpu.memory_space<vmem>>, vector<16xi32>,
      tpu.vector_store %arg7[%swap3A_1187], %add3A_1186 {strides = array<i32>} : memref<2048xi32, #tpu.memory_space<vmem>>, vector<16xi32>,
      %add3A_1189 = arith.constant 38912 : i32
      %add3A_1190 = vector.broadcast %add3A_1189 : i32 to vector<16xi32>
      %add3A_1191 = arith.addi %add3A_1093, %add3A_1190 : vector<16xi32>
      %swap3A_1192 = arith.constant 1248 : index
      %swap3A_1193 = tpu.vector_load %arg7[%swap3A_1192] {strides = array<i32>} : memref<2048xi32, #tpu.memory_space<vmem>>, vector<16xi32>,
      tpu.vector_store %arg7[%swap3A_1192], %add3A_1191 {strides = array<i32>} : memref<2048xi32, #tpu.memory_space<vmem>>, vector<16xi32>,
      %add3A_1194 = arith.constant 40960 : i32
      %add3A_1195 = vector.broadcast %add3A_1194 : i32 to vector<16xi32>
      %add3A_1196 = arith.addi %add3A_1093, %add3A_1195 : vector<16xi32>
      %swap3A_1197 = arith.constant 1312 : index
      %swap3A_1198 = tpu.vector_load %arg7[%swap3A_1197] {strides = array<i32>} : memref<2048xi32, #tpu.memory_space<vmem>>, vector<16xi32>,
      tpu.vector_store %arg7[%swap3A_1197], %add3A_1196 {strides = array<i32>} : memref<2048xi32, #tpu.memory_space<vmem>>, vector<16xi32>,
      %add3A_1199 = arith.constant 43008 : i32
      %add3A_1200 = vector.broadcast %add3A_1199 : i32 to vector<16xi32>
      %add3A_1201 = arith.addi %add3A_1093, %add3A_1200 : vector<16xi32>
      %swap3A_1202 = arith.constant 1376 : index
      %swap3A_1203 = tpu.vector_load %arg7[%swap3A_1202] {strides = array<i32>} : memref<2048xi32, #tpu.memory_space<vmem>>, vector<16xi32>,
      tpu.vector_store %arg7[%swap3A_1202], %add3A_1201 {strides = array<i32>} : memref<2048xi32, #tpu.memory_space<vmem>>, vector<16xi32>,
      %add3A_1204 = arith.constant 45056 : i32
      %add3A_1205 = vector.broadcast %add3A_1204 : i32 to vector<16xi32>
      %add3A_1206 = arith.addi %add3A_1093, %add3A_1205 : vector<16xi32>
      %swap3A_1207 = arith.constant 1440 : index
      %swap3A_1208 = tpu.vector_load %arg7[%swap3A_1207] {strides = array<i32>} : memref<2048xi32, #tpu.memory_space<vmem>>, vector<16xi32>,
      tpu.vector_store %arg7[%swap3A_1207], %add3A_1206 {strides = array<i32>} : memref<2048xi32, #tpu.memory_space<vmem>>, vector<16xi32>,
      %add3A_1209 = arith.constant 47104 : i32
      %add3A_1210 = vector.broadcast %add3A_1209 : i32 to vector<16xi32>
      %add3A_1211 = arith.addi %add3A_1093, %add3A_1210 : vector<16xi32>
      %swap3A_1212 = arith.constant 1504 : index
      %swap3A_1213 = tpu.vector_load %arg7[%swap3A_1212] {strides = array<i32>} : memref<2048xi32, #tpu.memory_space<vmem>>, vector<16xi32>,
      tpu.vector_store %arg7[%swap3A_1212], %add3A_1211 {strides = array<i32>} : memref<2048xi32, #tpu.memory_space<vmem>>, vector<16xi32>,
      %add3A_1214 = arith.constant 49152 : i32
      %add3A_1215 = vector.broadcast %add3A_1214 : i32 to vector<16xi32>
      %add3A_1216 = arith.addi %add3A_1093, %add3A_1215 : vector<16xi32>
      %swap3A_1217 = arith.constant 1568 : index
      %swap3A_1218 = tpu.vector_load %arg7[%swap3A_1217] {strides = array<i32>} : memref<2048xi32, #tpu.memory_space<vmem>>, vector<16xi32>,
      tpu.vector_store %arg7[%swap3A_1217], %add3A_1216 {strides = array<i32>} : memref<2048xi32, #tpu.memory_space<vmem>>, vector<16xi32>,
      %add3A_1219 = arith.constant 51200 : i32
      %add3A_1220 = vector.broadcast %add3A_1219 : i32 to vector<16xi32>
      %add3A_1221 = arith.addi %add3A_1093, %add3A_1220 : vector<16xi32>
      %swap3A_1222 = arith.constant 1632 : index
      %swap3A_1223 = tpu.vector_load %arg7[%swap3A_1222] {strides = array<i32>} : memref<2048xi32, #tpu.memory_space<vmem>>, vector<16xi32>,
      tpu.vector_store %arg7[%swap3A_1222], %add3A_1221 {strides = array<i32>} : memref<2048xi32, #tpu.memory_space<vmem>>, vector<16xi32>,
      %add3A_1224 = arith.constant 53248 : i32
      %add3A_1225 = vector.broadcast %add3A_1224 : i32 to vector<16xi32>
      %add3A_1226 = arith.addi %add3A_1093, %add3A_1225 : vector<16xi32>
      %swap3A_1227 = arith.constant 1696 : index
      %swap3A_1228 = tpu.vector_load %arg7[%swap3A_1227] {strides = array<i32>} : memref<2048xi32, #tpu.memory_space<vmem>>, vector<16xi32>,
      tpu.vector_store %arg7[%swap3A_1227], %add3A_1226 {strides = array<i32>} : memref<2048xi32, #tpu.memory_space<vmem>>, vector<16xi32>,
      %add3A_1229 = arith.constant 55296 : i32
      %add3A_1230 = vector.broadcast %add3A_1229 : i32 to vector<16xi32>
      %add3A_1231 = arith.addi %add3A_1093, %add3A_1230 : vector<16xi32>
      %swap3A_1232 = arith.constant 1760 : index
      %swap3A_1233 = tpu.vector_load %arg7[%swap3A_1232] {strides = array<i32>} : memref<2048xi32, #tpu.memory_space<vmem>>, vector<16xi32>,
      tpu.vector_store %arg7[%swap3A_1232], %add3A_1231 {strides = array<i32>} : memref<2048xi32, #tpu.memory_space<vmem>>, vector<16xi32>,
      %add3A_1234 = arith.constant 57344 : i32
      %add3A_1235 = vector.broadcast %add3A_1234 : i32 to vector<16xi32>
      %add3A_1236 = arith.addi %add3A_1093, %add3A_1235 : vector<16xi32>
      %swap3A_1237 = arith.constant 1824 : index
      %swap3A_1238 = tpu.vector_load %arg7[%swap3A_1237] {strides = array<i32>} : memref<2048xi32, #tpu.memory_space<vmem>>, vector<16xi32>,
      tpu.vector_store %arg7[%swap3A_1237], %add3A_1236 {strides = array<i32>} : memref<2048xi32, #tpu.memory_space<vmem>>, vector<16xi32>,
      %add3A_1239 = arith.constant 59392 : i32
      %add3A_1240 = vector.broadcast %add3A_1239 : i32 to vector<16xi32>
      %add3A_1241 = arith.addi %add3A_1093, %add3A_1240 : vector<16xi32>
      %swap3A_1242 = arith.constant 1888 : index
      %swap3A_1243 = tpu.vector_load %arg7[%swap3A_1242] {strides = array<i32>} : memref<2048xi32, #tpu.memory_space<vmem>>, vector<16xi32>,
      tpu.vector_store %arg7[%swap3A_1242], %add3A_1241 {strides = array<i32>} : memref<2048xi32, #tpu.memory_space<vmem>>, vector<16xi32>,
      %add3A_1244 = arith.constant 61440 : i32
      %add3A_1245 = vector.broadcast %add3A_1244 : i32 to vector<16xi32>
      %add3A_1246 = arith.addi %add3A_1093, %add3A_1245 : vector<16xi32>
      %swap3A_1247 = arith.constant 1952 : index
      %swap3A_1248 = tpu.vector_load %arg7[%swap3A_1247] {strides = array<i32>} : memref<2048xi32, #tpu.memory_space<vmem>>, vector<16xi32>,
      tpu.vector_store %arg7[%swap3A_1247], %add3A_1246 {strides = array<i32>} : memref<2048xi32, #tpu.memory_space<vmem>>, vector<16xi32>,
      %add3A_1249 = arith.constant 63488 : i32
      %add3A_1250 = vector.broadcast %add3A_1249 : i32 to vector<16xi32>
      %add3A_1251 = arith.addi %add3A_1093, %add3A_1250 : vector<16xi32>
      %swap3A_1252 = arith.constant 2016 : index
      %swap3A_1253 = tpu.vector_load %arg7[%swap3A_1252] {strides = array<i32>} : memref<2048xi32, #tpu.memory_space<vmem>>, vector<16xi32>,
      tpu.vector_store %arg7[%swap3A_1252], %add3A_1251 {strides = array<i32>} : memref<2048xi32, #tpu.memory_space<vmem>>, vector<16xi32>,
      %mul3A_1254 = arith.constant 64 : i32
      %mul3A_1255 = arith.muli %add3A_716, %mul3A_1254 : i32
      %add3A_1256 = arith.constant 48 : i32
      %add3A_1257 = arith.addi %mul3A_1255, %add3A_1256 : i32
      %get3A_1258 = arith.index_cast %add3A_1257 : i32 to index
      %get3A_1259 = tpu.vector_load %arg5[%get3A_1258] {strides = array<i32>} : memref<1024xi32, #tpu.memory_space<vmem>>, vector<16xi32>,
      %shift_right_arithmetic3A_1260 = arith.constant 15 : i32
      %shift_right_arithmetic3A_1261 = vector.broadcast %shift_right_arithmetic3A_1260 : i32 to vector<16xi32>
      %shift_right_arithmetic3A_1262 = arith.shrsi %get3A_1259, %shift_right_arithmetic3A_1261 : vector<16xi32>
      %mul3A_1263 = arith.constant 65536 : i32
      %mul3A_1264 = vector.broadcast %mul3A_1263 : i32 to vector<16xi32>
      %mul3A_1265 = arith.muli %shift_right_arithmetic3A_1262, %mul3A_1264 : vector<16xi32>
      %shift_right_arithmetic3A_1266 = arith.constant 4 : i32
      %shift_right_arithmetic3A_1267 = vector.broadcast %shift_right_arithmetic3A_1266 : i32 to vector<16xi32>
      %shift_right_arithmetic3A_1268 = arith.shrsi %get3A_1259, %shift_right_arithmetic3A_1267 : vector<16xi32>
      %and3A_1269 = arith.constant 2047 : i32
      %and3A_1270 = vector.broadcast %and3A_1269 : i32 to vector<16xi32>
      %and3A_1271 = arith.andi %shift_right_arithmetic3A_1268, %and3A_1270 : vector<16xi32>
      %add3A_1272 = arith.addi %mul3A_1265, %and3A_1271 : vector<16xi32>
      %add3A_1273 = arith.constant 0 : i32
      %add3A_1274 = vector.broadcast %add3A_1273 : i32 to vector<16xi32>
      %add3A_1275 = arith.addi %add3A_1272, %add3A_1274 : vector<16xi32>
      %swap3A_1276 = arith.constant 48 : index
      %swap3A_1277 = tpu.vector_load %arg7[%swap3A_1276] {strides = array<i32>} : memref<2048xi32, #tpu.memory_space<vmem>>, vector<16xi32>,
      tpu.vector_store %arg7[%swap3A_1276], %add3A_1275 {strides = array<i32>} : memref<2048xi32, #tpu.memory_space<vmem>>, vector<16xi32>,
      %add3A_1278 = arith.constant 2048 : i32
      %add3A_1279 = vector.broadcast %add3A_1278 : i32 to vector<16xi32>
      %add3A_1280 = arith.addi %add3A_1272, %add3A_1279 : vector<16xi32>
      %swap3A_1281 = arith.constant 112 : index
      %swap3A_1282 = tpu.vector_load %arg7[%swap3A_1281] {strides = array<i32>} : memref<2048xi32, #tpu.memory_space<vmem>>, vector<16xi32>,
      tpu.vector_store %arg7[%swap3A_1281], %add3A_1280 {strides = array<i32>} : memref<2048xi32, #tpu.memory_space<vmem>>, vector<16xi32>,
      %add3A_1283 = arith.constant 4096 : i32
      %add3A_1284 = vector.broadcast %add3A_1283 : i32 to vector<16xi32>
      %add3A_1285 = arith.addi %add3A_1272, %add3A_1284 : vector<16xi32>
      %swap3A_1286 = arith.constant 176 : index
      %swap3A_1287 = tpu.vector_load %arg7[%swap3A_1286] {strides = array<i32>} : memref<2048xi32, #tpu.memory_space<vmem>>, vector<16xi32>,
      tpu.vector_store %arg7[%swap3A_1286], %add3A_1285 {strides = array<i32>} : memref<2048xi32, #tpu.memory_space<vmem>>, vector<16xi32>,
      %add3A_1288 = arith.constant 6144 : i32
      %add3A_1289 = vector.broadcast %add3A_1288 : i32 to vector<16xi32>
      %add3A_1290 = arith.addi %add3A_1272, %add3A_1289 : vector<16xi32>
      %swap3A_1291 = arith.constant 240 : index
      %swap3A_1292 = tpu.vector_load %arg7[%swap3A_1291] {strides = array<i32>} : memref<2048xi32, #tpu.memory_space<vmem>>, vector<16xi32>,
      tpu.vector_store %arg7[%swap3A_1291], %add3A_1290 {strides = array<i32>} : memref<2048xi32, #tpu.memory_space<vmem>>, vector<16xi32>,
      %add3A_1293 = arith.constant 8192 : i32
      %add3A_1294 = vector.broadcast %add3A_1293 : i32 to vector<16xi32>
      %add3A_1295 = arith.addi %add3A_1272, %add3A_1294 : vector<16xi32>
      %swap3A_1296 = arith.constant 304 : index
      %swap3A_1297 = tpu.vector_load %arg7[%swap3A_1296] {strides = array<i32>} : memref<2048xi32, #tpu.memory_space<vmem>>, vector<16xi32>,
      tpu.vector_store %arg7[%swap3A_1296], %add3A_1295 {strides = array<i32>} : memref<2048xi32, #tpu.memory_space<vmem>>, vector<16xi32>,
      %add3A_1298 = arith.constant 10240 : i32
      %add3A_1299 = vector.broadcast %add3A_1298 : i32 to vector<16xi32>
      %add3A_1300 = arith.addi %add3A_1272, %add3A_1299 : vector<16xi32>
      %swap3A_1301 = arith.constant 368 : index
      %swap3A_1302 = tpu.vector_load %arg7[%swap3A_1301] {strides = array<i32>} : memref<2048xi32, #tpu.memory_space<vmem>>, vector<16xi32>,
      tpu.vector_store %arg7[%swap3A_1301], %add3A_1300 {strides = array<i32>} : memref<2048xi32, #tpu.memory_space<vmem>>, vector<16xi32>,
      %add3A_1303 = arith.constant 12288 : i32
      %add3A_1304 = vector.broadcast %add3A_1303 : i32 to vector<16xi32>
      %add3A_1305 = arith.addi %add3A_1272, %add3A_1304 : vector<16xi32>
      %swap3A_1306 = arith.constant 432 : index
      %swap3A_1307 = tpu.vector_load %arg7[%swap3A_1306] {strides = array<i32>} : memref<2048xi32, #tpu.memory_space<vmem>>, vector<16xi32>,
      tpu.vector_store %arg7[%swap3A_1306], %add3A_1305 {strides = array<i32>} : memref<2048xi32, #tpu.memory_space<vmem>>, vector<16xi32>,
      %add3A_1308 = arith.constant 14336 : i32
      %add3A_1309 = vector.broadcast %add3A_1308 : i32 to vector<16xi32>
      %add3A_1310 = arith.addi %add3A_1272, %add3A_1309 : vector<16xi32>
      %swap3A_1311 = arith.constant 496 : index
      %swap3A_1312 = tpu.vector_load %arg7[%swap3A_1311] {strides = array<i32>} : memref<2048xi32, #tpu.memory_space<vmem>>, vector<16xi32>,
      tpu.vector_store %arg7[%swap3A_1311], %add3A_1310 {strides = array<i32>} : memref<2048xi32, #tpu.memory_space<vmem>>, vector<16xi32>,
      %add3A_1313 = arith.constant 16384 : i32
      %add3A_1314 = vector.broadcast %add3A_1313 : i32 to vector<16xi32>
      %add3A_1315 = arith.addi %add3A_1272, %add3A_1314 : vector<16xi32>
      %swap3A_1316 = arith.constant 560 : index
      %swap3A_1317 = tpu.vector_load %arg7[%swap3A_1316] {strides = array<i32>} : memref<2048xi32, #tpu.memory_space<vmem>>, vector<16xi32>,
      tpu.vector_store %arg7[%swap3A_1316], %add3A_1315 {strides = array<i32>} : memref<2048xi32, #tpu.memory_space<vmem>>, vector<16xi32>,
      %add3A_1318 = arith.constant 18432 : i32
      %add3A_1319 = vector.broadcast %add3A_1318 : i32 to vector<16xi32>
      %add3A_1320 = arith.addi %add3A_1272, %add3A_1319 : vector<16xi32>
      %swap3A_1321 = arith.constant 624 : index
      %swap3A_1322 = tpu.vector_load %arg7[%swap3A_1321] {strides = array<i32>} : memref<2048xi32, #tpu.memory_space<vmem>>, vector<16xi32>,
      tpu.vector_store %arg7[%swap3A_1321], %add3A_1320 {strides = array<i32>} : memref<2048xi32, #tpu.memory_space<vmem>>, vector<16xi32>,
      %add3A_1323 = arith.constant 20480 : i32
      %add3A_1324 = vector.broadcast %add3A_1323 : i32 to vector<16xi32>
      %add3A_1325 = arith.addi %add3A_1272, %add3A_1324 : vector<16xi32>
      %swap3A_1326 = arith.constant 688 : index
      %swap3A_1327 = tpu.vector_load %arg7[%swap3A_1326] {strides = array<i32>} : memref<2048xi32, #tpu.memory_space<vmem>>, vector<16xi32>,
      tpu.vector_store %arg7[%swap3A_1326], %add3A_1325 {strides = array<i32>} : memref<2048xi32, #tpu.memory_space<vmem>>, vector<16xi32>,
      %add3A_1328 = arith.constant 22528 : i32
      %add3A_1329 = vector.broadcast %add3A_1328 : i32 to vector<16xi32>
      %add3A_1330 = arith.addi %add3A_1272, %add3A_1329 : vector<16xi32>
      %swap3A_1331 = arith.constant 752 : index
      %swap3A_1332 = tpu.vector_load %arg7[%swap3A_1331] {strides = array<i32>} : memref<2048xi32, #tpu.memory_space<vmem>>, vector<16xi32>,
      tpu.vector_store %arg7[%swap3A_1331], %add3A_1330 {strides = array<i32>} : memref<2048xi32, #tpu.memory_space<vmem>>, vector<16xi32>,
      %add3A_1333 = arith.constant 24576 : i32
      %add3A_1334 = vector.broadcast %add3A_1333 : i32 to vector<16xi32>
      %add3A_1335 = arith.addi %add3A_1272, %add3A_1334 : vector<16xi32>
      %swap3A_1336 = arith.constant 816 : index
      %swap3A_1337 = tpu.vector_load %arg7[%swap3A_1336] {strides = array<i32>} : memref<2048xi32, #tpu.memory_space<vmem>>, vector<16xi32>,
      tpu.vector_store %arg7[%swap3A_1336], %add3A_1335 {strides = array<i32>} : memref<2048xi32, #tpu.memory_space<vmem>>, vector<16xi32>,
      %add3A_1338 = arith.constant 26624 : i32
      %add3A_1339 = vector.broadcast %add3A_1338 : i32 to vector<16xi32>
      %add3A_1340 = arith.addi %add3A_1272, %add3A_1339 : vector<16xi32>
      %swap3A_1341 = arith.constant 880 : index
      %swap3A_1342 = tpu.vector_load %arg7[%swap3A_1341] {strides = array<i32>} : memref<2048xi32, #tpu.memory_space<vmem>>, vector<16xi32>,
      tpu.vector_store %arg7[%swap3A_1341], %add3A_1340 {strides = array<i32>} : memref<2048xi32, #tpu.memory_space<vmem>>, vector<16xi32>,
      %add3A_1343 = arith.constant 28672 : i32
      %add3A_1344 = vector.broadcast %add3A_1343 : i32 to vector<16xi32>
      %add3A_1345 = arith.addi %add3A_1272, %add3A_1344 : vector<16xi32>
      %swap3A_1346 = arith.constant 944 : index
      %swap3A_1347 = tpu.vector_load %arg7[%swap3A_1346] {strides = array<i32>} : memref<2048xi32, #tpu.memory_space<vmem>>, vector<16xi32>,
      tpu.vector_store %arg7[%swap3A_1346], %add3A_1345 {strides = array<i32>} : memref<2048xi32, #tpu.memory_space<vmem>>, vector<16xi32>,
      %add3A_1348 = arith.constant 30720 : i32
      %add3A_1349 = vector.broadcast %add3A_1348 : i32 to vector<16xi32>
      %add3A_1350 = arith.addi %add3A_1272, %add3A_1349 : vector<16xi32>
      %swap3A_1351 = arith.constant 1008 : index
      %swap3A_1352 = tpu.vector_load %arg7[%swap3A_1351] {strides = array<i32>} : memref<2048xi32, #tpu.memory_space<vmem>>, vector<16xi32>,
      tpu.vector_store %arg7[%swap3A_1351], %add3A_1350 {strides = array<i32>} : memref<2048xi32, #tpu.memory_space<vmem>>, vector<16xi32>,
      %add3A_1353 = arith.constant 32768 : i32
      %add3A_1354 = vector.broadcast %add3A_1353 : i32 to vector<16xi32>
      %add3A_1355 = arith.addi %add3A_1272, %add3A_1354 : vector<16xi32>
      %swap3A_1356 = arith.constant 1072 : index
      %swap3A_1357 = tpu.vector_load %arg7[%swap3A_1356] {strides = array<i32>} : memref<2048xi32, #tpu.memory_space<vmem>>, vector<16xi32>,
      tpu.vector_store %arg7[%swap3A_1356], %add3A_1355 {strides = array<i32>} : memref<2048xi32, #tpu.memory_space<vmem>>, vector<16xi32>,
      %add3A_1358 = arith.constant 34816 : i32
      %add3A_1359 = vector.broadcast %add3A_1358 : i32 to vector<16xi32>
      %add3A_1360 = arith.addi %add3A_1272, %add3A_1359 : vector<16xi32>
      %swap3A_1361 = arith.constant 1136 : index
      %swap3A_1362 = tpu.vector_load %arg7[%swap3A_1361] {strides = array<i32>} : memref<2048xi32, #tpu.memory_space<vmem>>, vector<16xi32>,
      tpu.vector_store %arg7[%swap3A_1361], %add3A_1360 {strides = array<i32>} : memref<2048xi32, #tpu.memory_space<vmem>>, vector<16xi32>,
      %add3A_1363 = arith.constant 36864 : i32
      %add3A_1364 = vector.broadcast %add3A_1363 : i32 to vector<16xi32>
      %add3A_1365 = arith.addi %add3A_1272, %add3A_1364 : vector<16xi32>
      %swap3A_1366 = arith.constant 1200 : index
      %swap3A_1367 = tpu.vector_load %arg7[%swap3A_1366] {strides = array<i32>} : memref<2048xi32, #tpu.memory_space<vmem>>, vector<16xi32>,
      tpu.vector_store %arg7[%swap3A_1366], %add3A_1365 {strides = array<i32>} : memref<2048xi32, #tpu.memory_space<vmem>>, vector<16xi32>,
      %add3A_1368 = arith.constant 38912 : i32
      %add3A_1369 = vector.broadcast %add3A_1368 : i32 to vector<16xi32>
      %add3A_1370 = arith.addi %add3A_1272, %add3A_1369 : vector<16xi32>
      %swap3A_1371 = arith.constant 1264 : index
      %swap3A_1372 = tpu.vector_load %arg7[%swap3A_1371] {strides = array<i32>} : memref<2048xi32, #tpu.memory_space<vmem>>, vector<16xi32>,
      tpu.vector_store %arg7[%swap3A_1371], %add3A_1370 {strides = array<i32>} : memref<2048xi32, #tpu.memory_space<vmem>>, vector<16xi32>,
      %add3A_1373 = arith.constant 40960 : i32
      %add3A_1374 = vector.broadcast %add3A_1373 : i32 to vector<16xi32>
      %add3A_1375 = arith.addi %add3A_1272, %add3A_1374 : vector<16xi32>
      %swap3A_1376 = arith.constant 1328 : index
      %swap3A_1377 = tpu.vector_load %arg7[%swap3A_1376] {strides = array<i32>} : memref<2048xi32, #tpu.memory_space<vmem>>, vector<16xi32>,
      tpu.vector_store %arg7[%swap3A_1376], %add3A_1375 {strides = array<i32>} : memref<2048xi32, #tpu.memory_space<vmem>>, vector<16xi32>,
      %add3A_1378 = arith.constant 43008 : i32
      %add3A_1379 = vector.broadcast %add3A_1378 : i32 to vector<16xi32>
      %add3A_1380 = arith.addi %add3A_1272, %add3A_1379 : vector<16xi32>
      %swap3A_1381 = arith.constant 1392 : index
      %swap3A_1382 = tpu.vector_load %arg7[%swap3A_1381] {strides = array<i32>} : memref<2048xi32, #tpu.memory_space<vmem>>, vector<16xi32>,
      tpu.vector_store %arg7[%swap3A_1381], %add3A_1380 {strides = array<i32>} : memref<2048xi32, #tpu.memory_space<vmem>>, vector<16xi32>,
      %add3A_1383 = arith.constant 45056 : i32
      %add3A_1384 = vector.broadcast %add3A_1383 : i32 to vector<16xi32>
      %add3A_1385 = arith.addi %add3A_1272, %add3A_1384 : vector<16xi32>
      %swap3A_1386 = arith.constant 1456 : index
      %swap3A_1387 = tpu.vector_load %arg7[%swap3A_1386] {strides = array<i32>} : memref<2048xi32, #tpu.memory_space<vmem>>, vector<16xi32>,
      tpu.vector_store %arg7[%swap3A_1386], %add3A_1385 {strides = array<i32>} : memref<2048xi32, #tpu.memory_space<vmem>>, vector<16xi32>,
      %add3A_1388 = arith.constant 47104 : i32
      %add3A_1389 = vector.broadcast %add3A_1388 : i32 to vector<16xi32>
      %add3A_1390 = arith.addi %add3A_1272, %add3A_1389 : vector<16xi32>
      %swap3A_1391 = arith.constant 1520 : index
      %swap3A_1392 = tpu.vector_load %arg7[%swap3A_1391] {strides = array<i32>} : memref<2048xi32, #tpu.memory_space<vmem>>, vector<16xi32>,
      tpu.vector_store %arg7[%swap3A_1391], %add3A_1390 {strides = array<i32>} : memref<2048xi32, #tpu.memory_space<vmem>>, vector<16xi32>,
      %add3A_1393 = arith.constant 49152 : i32
      %add3A_1394 = vector.broadcast %add3A_1393 : i32 to vector<16xi32>
      %add3A_1395 = arith.addi %add3A_1272, %add3A_1394 : vector<16xi32>
      %swap3A_1396 = arith.constant 1584 : index
      %swap3A_1397 = tpu.vector_load %arg7[%swap3A_1396] {strides = array<i32>} : memref<2048xi32, #tpu.memory_space<vmem>>, vector<16xi32>,
      tpu.vector_store %arg7[%swap3A_1396], %add3A_1395 {strides = array<i32>} : memref<2048xi32, #tpu.memory_space<vmem>>, vector<16xi32>,
      %add3A_1398 = arith.constant 51200 : i32
      %add3A_1399 = vector.broadcast %add3A_1398 : i32 to vector<16xi32>
      %add3A_1400 = arith.addi %add3A_1272, %add3A_1399 : vector<16xi32>
      %swap3A_1401 = arith.constant 1648 : index
      %swap3A_1402 = tpu.vector_load %arg7[%swap3A_1401] {strides = array<i32>} : memref<2048xi32, #tpu.memory_space<vmem>>, vector<16xi32>,
      tpu.vector_store %arg7[%swap3A_1401], %add3A_1400 {strides = array<i32>} : memref<2048xi32, #tpu.memory_space<vmem>>, vector<16xi32>,
      %add3A_1403 = arith.constant 53248 : i32
      %add3A_1404 = vector.broadcast %add3A_1403 : i32 to vector<16xi32>
      %add3A_1405 = arith.addi %add3A_1272, %add3A_1404 : vector<16xi32>
      %swap3A_1406 = arith.constant 1712 : index
      %swap3A_1407 = tpu.vector_load %arg7[%swap3A_1406] {strides = array<i32>} : memref<2048xi32, #tpu.memory_space<vmem>>, vector<16xi32>,
      tpu.vector_store %arg7[%swap3A_1406], %add3A_1405 {strides = array<i32>} : memref<2048xi32, #tpu.memory_space<vmem>>, vector<16xi32>,
      %add3A_1408 = arith.constant 55296 : i32
      %add3A_1409 = vector.broadcast %add3A_1408 : i32 to vector<16xi32>
      %add3A_1410 = arith.addi %add3A_1272, %add3A_1409 : vector<16xi32>
      %swap3A_1411 = arith.constant 1776 : index
      %swap3A_1412 = tpu.vector_load %arg7[%swap3A_1411] {strides = array<i32>} : memref<2048xi32, #tpu.memory_space<vmem>>, vector<16xi32>,
      tpu.vector_store %arg7[%swap3A_1411], %add3A_1410 {strides = array<i32>} : memref<2048xi32, #tpu.memory_space<vmem>>, vector<16xi32>,
      %add3A_1413 = arith.constant 57344 : i32
      %add3A_1414 = vector.broadcast %add3A_1413 : i32 to vector<16xi32>
      %add3A_1415 = arith.addi %add3A_1272, %add3A_1414 : vector<16xi32>
      %swap3A_1416 = arith.constant 1840 : index
      %swap3A_1417 = tpu.vector_load %arg7[%swap3A_1416] {strides = array<i32>} : memref<2048xi32, #tpu.memory_space<vmem>>, vector<16xi32>,
      tpu.vector_store %arg7[%swap3A_1416], %add3A_1415 {strides = array<i32>} : memref<2048xi32, #tpu.memory_space<vmem>>, vector<16xi32>,
      %add3A_1418 = arith.constant 59392 : i32
      %add3A_1419 = vector.broadcast %add3A_1418 : i32 to vector<16xi32>
      %add3A_1420 = arith.addi %add3A_1272, %add3A_1419 : vector<16xi32>
      %swap3A_1421 = arith.constant 1904 : index
      %swap3A_1422 = tpu.vector_load %arg7[%swap3A_1421] {strides = array<i32>} : memref<2048xi32, #tpu.memory_space<vmem>>, vector<16xi32>,
      tpu.vector_store %arg7[%swap3A_1421], %add3A_1420 {strides = array<i32>} : memref<2048xi32, #tpu.memory_space<vmem>>, vector<16xi32>,
      %add3A_1423 = arith.constant 61440 : i32
      %add3A_1424 = vector.broadcast %add3A_1423 : i32 to vector<16xi32>
      %add3A_1425 = arith.addi %add3A_1272, %add3A_1424 : vector<16xi32>
      %swap3A_1426 = arith.constant 1968 : index
      %swap3A_1427 = tpu.vector_load %arg7[%swap3A_1426] {strides = array<i32>} : memref<2048xi32, #tpu.memory_space<vmem>>, vector<16xi32>,
      tpu.vector_store %arg7[%swap3A_1426], %add3A_1425 {strides = array<i32>} : memref<2048xi32, #tpu.memory_space<vmem>>, vector<16xi32>,
      %add3A_1428 = arith.constant 63488 : i32
      %add3A_1429 = vector.broadcast %add3A_1428 : i32 to vector<16xi32>
      %add3A_1430 = arith.addi %add3A_1272, %add3A_1429 : vector<16xi32>
      %swap3A_1431 = arith.constant 2032 : index
      %swap3A_1432 = tpu.vector_load %arg7[%swap3A_1431] {strides = array<i32>} : memref<2048xi32, #tpu.memory_space<vmem>>, vector<16xi32>,
      tpu.vector_store %arg7[%swap3A_1431], %add3A_1430 {strides = array<i32>} : memref<2048xi32, #tpu.memory_space<vmem>>, vector<16xi32>,
      %dma_start3A_1433 = arith.constant 0 : i32
      %dma_start3A_1434 = arith.constant 0 : i32
      %dma_start3A_1435 = tpu.memref_slice %arg3[%dma_start3A_1433, %dma_start3A_1434] : memref<2031616x16xf32, #tpu.memory_space<hbm>> -> memref<2031616x16xf32, #tpu.memory_space<hbm>>
      tpu.enqueue_indirect_dma source(%dma_start3A_1435 : memref<2031616x16xf32, #tpu.memory_space<hbm>>) target(%arg9 : memref<2048x16xf32, #tpu.memory_space<vmem>>) offsets(%arg7 : memref<2048xi32, #tpu.memory_space<vmem>>) semaphore(%arg12 : memref<!tpu.dma_semaphore, #tpu.memory_space<semaphore_mem>>)
      %dma_wait3A_1436 = arith.constant 0 : i32
      %dma_wait3A_1437 = arith.constant 0 : i32
      %dma_wait3A_1438 = tpu.memref_slice %arg3[%dma_wait3A_1436, %dma_wait3A_1437] : memref<2031616x16xf32, #tpu.memory_space<hbm>> -> memref<2031616x16xf32, #tpu.memory_space<hbm>>
      tpu.wait_indirect_dma semaphore(%arg11 : memref<!tpu.dma_semaphore, #tpu.memory_space<semaphore_mem>>) src(%dma_wait3A_1438 : memref<2031616x16xf32, #tpu.memory_space<hbm>>) dst(%arg8 : memref<2048x16xf32, #tpu.memory_space<vmem>>)
      %mul3A_1439 = arith.constant 2 : i32
      %mul3A_1440 = vector.broadcast %mul3A_1439 : i32 to vector<16xi32>
      %mul3A_1441 = arith.muli %mul3A_1440, %iota3A : vector<16xi32>
      %add3A_1442 = arith.constant 0 : i32
      %add3A_1443 = vector.broadcast %add3A_1442 : i32 to vector<16xi32>
      %add3A_1444 = arith.addi %add3A_1443, %mul3A_1441 : vector<16xi32>
      %add3A_1445 = arith.constant 1 : i32
      %add3A_1446 = vector.broadcast %add3A_1445 : i32 to vector<16xi32>
      %add3A_1447 = arith.addi %add3A_1444, %add3A_1446 : vector<16xi32>
      %mul3A_1448 = arith.constant 64 : i32
      %mul3A_1449 = arith.muli %mul3A_712, %mul3A_1448 : i32
      %add3A_1450 = vector.broadcast %mul3A_1449 : i32 to vector<16xi32>
      %add3A_1451 = arith.addi %add3A_1450, %add3A_1444 : vector<16xi32>
      %gather3A = tpu.vector_load_idx %arg5[%add3A_1451] : memref<1024xi32, #tpu.memory_space<vmem>>[vector<16xi32>], vector<16xi32>,
      %mul3A_1452 = arith.constant 64 : i32
      %mul3A_1453 = arith.muli %mul3A_712, %mul3A_1452 : i32
      %add3A_1454 = vector.broadcast %mul3A_1453 : i32 to vector<16xi32>
      %add3A_1455 = arith.addi %add3A_1454, %add3A_1447 : vector<16xi32>
      %gather3A_1456 = tpu.vector_load_idx %arg5[%add3A_1455] : memref<1024xi32, #tpu.memory_space<vmem>>[vector<16xi32>], vector<16xi32>,
      %and3A_1457 = arith.constant 15 : i32
      %and3A_1458 = vector.broadcast %and3A_1457 : i32 to vector<16xi32>
      %and3A_1459 = arith.andi %gather3A, %and3A_1458 : vector<16xi32>
      %and3A_1460 = arith.constant 15 : i32
      %and3A_1461 = vector.broadcast %and3A_1460 : i32 to vector<16xi32>
      %and3A_1462 = arith.andi %gather3A_1456, %and3A_1461 : vector<16xi32>
      %broadcast_in_dim3A = arith.constant 0.000000e+00 : f32
      %broadcast_in_dim3A_1463 = vector.broadcast %broadcast_in_dim3A : f32 to vector<16xf32>
      %broadcast_in_dim3A_1464 = arith.constant 0.000000e+00 : f32
      %broadcast_in_dim3A_1465 = vector.broadcast %broadcast_in_dim3A_1464 : f32 to vector<16xf32>
      %broadcast_in_dim3A_1466 = arith.constant 0.000000e+00 : f32
      %broadcast_in_dim3A_1467 = vector.broadcast %broadcast_in_dim3A_1466 : f32 to vector<16xf32>
      %add3A_1468 = arith.constant 0 : i32
      %add3A_1469 = vector.broadcast %add3A_1468 : i32 to vector<16xi32>
      %add3A_1470 = arith.addi %add3A_1469, %add3A_1444 : vector<16xi32>
      %gather3A_1471 = tpu.vector_load_idx %arg8[%add3A_1470, %and3A_1459] : memref<2048x16xf32, #tpu.memory_space<vmem>>[vector<16xi32>, vector<16xi32>], vector<16xf32>,
      %add3A_1472 = arith.constant 0 : i32
      %add3A_1473 = vector.broadcast %add3A_1472 : i32 to vector<16xi32>
      %add3A_1474 = arith.addi %add3A_1473, %add3A_1447 : vector<16xi32>
      %gather3A_1475 = tpu.vector_load_idx %arg8[%add3A_1474, %and3A_1462] : memref<2048x16xf32, #tpu.memory_space<vmem>>[vector<16xi32>, vector<16xi32>], vector<16xf32>,
      %mul3A_1476 = arith.mulf %gather3A_1471, %gather3A_1475 : vector<16xf32>
      %add3A_1477 = arith.addf %broadcast_in_dim3A_1463, %mul3A_1476 : vector<16xf32>
      %mul3A_1478 = arith.mulf %gather3A_1471, %gather3A_1471 : vector<16xf32>
      %add3A_1479 = arith.addf %broadcast_in_dim3A_1465, %mul3A_1478 : vector<16xf32>
      %mul3A_1480 = arith.mulf %gather3A_1475, %gather3A_1475 : vector<16xf32>
      %add3A_1481 = arith.addf %broadcast_in_dim3A_1467, %mul3A_1480 : vector<16xf32>
      %add3A_1482 = arith.constant 64 : i32
      %add3A_1483 = vector.broadcast %add3A_1482 : i32 to vector<16xi32>
      %add3A_1484 = arith.addi %add3A_1483, %add3A_1444 : vector<16xi32>
      %gather3A_1485 = tpu.vector_load_idx %arg8[%add3A_1484, %and3A_1459] : memref<2048x16xf32, #tpu.memory_space<vmem>>[vector<16xi32>, vector<16xi32>], vector<16xf32>,
      %add3A_1486 = arith.constant 64 : i32
      %add3A_1487 = vector.broadcast %add3A_1486 : i32 to vector<16xi32>
      %add3A_1488 = arith.addi %add3A_1487, %add3A_1447 : vector<16xi32>
      %gather3A_1489 = tpu.vector_load_idx %arg8[%add3A_1488, %and3A_1462] : memref<2048x16xf32, #tpu.memory_space<vmem>>[vector<16xi32>, vector<16xi32>], vector<16xf32>,
      %mul3A_1490 = arith.mulf %gather3A_1485, %gather3A_1489 : vector<16xf32>
      %add3A_1491 = arith.addf %add3A_1477, %mul3A_1490 : vector<16xf32>
      %mul3A_1492 = arith.mulf %gather3A_1485, %gather3A_1485 : vector<16xf32>
      %add3A_1493 = arith.addf %add3A_1479, %mul3A_1492 : vector<16xf32>
      %mul3A_1494 = arith.mulf %gather3A_1489, %gather3A_1489 : vector<16xf32>
      %add3A_1495 = arith.addf %add3A_1481, %mul3A_1494 : vector<16xf32>
      %add3A_1496 = arith.constant 128 : i32
      %add3A_1497 = vector.broadcast %add3A_1496 : i32 to vector<16xi32>
      %add3A_1498 = arith.addi %add3A_1497, %add3A_1444 : vector<16xi32>
      %gather3A_1499 = tpu.vector_load_idx %arg8[%add3A_1498, %and3A_1459] : memref<2048x16xf32, #tpu.memory_space<vmem>>[vector<16xi32>, vector<16xi32>], vector<16xf32>,
      %add3A_1500 = arith.constant 128 : i32
      %add3A_1501 = vector.broadcast %add3A_1500 : i32 to vector<16xi32>
      %add3A_1502 = arith.addi %add3A_1501, %add3A_1447 : vector<16xi32>
      %gather3A_1503 = tpu.vector_load_idx %arg8[%add3A_1502, %and3A_1462] : memref<2048x16xf32, #tpu.memory_space<vmem>>[vector<16xi32>, vector<16xi32>], vector<16xf32>,
      %mul3A_1504 = arith.mulf %gather3A_1499, %gather3A_1503 : vector<16xf32>
      %add3A_1505 = arith.addf %add3A_1491, %mul3A_1504 : vector<16xf32>
      %mul3A_1506 = arith.mulf %gather3A_1499, %gather3A_1499 : vector<16xf32>
      %add3A_1507 = arith.addf %add3A_1493, %mul3A_1506 : vector<16xf32>
      %mul3A_1508 = arith.mulf %gather3A_1503, %gather3A_1503 : vector<16xf32>
      %add3A_1509 = arith.addf %add3A_1495, %mul3A_1508 : vector<16xf32>
      %add3A_1510 = arith.constant 192 : i32
      %add3A_1511 = vector.broadcast %add3A_1510 : i32 to vector<16xi32>
      %add3A_1512 = arith.addi %add3A_1511, %add3A_1444 : vector<16xi32>
      %gather3A_1513 = tpu.vector_load_idx %arg8[%add3A_1512, %and3A_1459] : memref<2048x16xf32, #tpu.memory_space<vmem>>[vector<16xi32>, vector<16xi32>], vector<16xf32>,
      %add3A_1514 = arith.constant 192 : i32
      %add3A_1515 = vector.broadcast %add3A_1514 : i32 to vector<16xi32>
      %add3A_1516 = arith.addi %add3A_1515, %add3A_1447 : vector<16xi32>
      %gather3A_1517 = tpu.vector_load_idx %arg8[%add3A_1516, %and3A_1462] : memref<2048x16xf32, #tpu.memory_space<vmem>>[vector<16xi32>, vector<16xi32>], vector<16xf32>,
      %mul3A_1518 = arith.mulf %gather3A_1513, %gather3A_1517 : vector<16xf32>
      %add3A_1519 = arith.addf %add3A_1505, %mul3A_1518 : vector<16xf32>
      %mul3A_1520 = arith.mulf %gather3A_1513, %gather3A_1513 : vector<16xf32>
      %add3A_1521 = arith.addf %add3A_1507, %mul3A_1520 : vector<16xf32>
      %mul3A_1522 = arith.mulf %gather3A_1517, %gather3A_1517 : vector<16xf32>
      %add3A_1523 = arith.addf %add3A_1509, %mul3A_1522 : vector<16xf32>
      %add3A_1524 = arith.constant 256 : i32
      %add3A_1525 = vector.broadcast %add3A_1524 : i32 to vector<16xi32>
      %add3A_1526 = arith.addi %add3A_1525, %add3A_1444 : vector<16xi32>
      %gather3A_1527 = tpu.vector_load_idx %arg8[%add3A_1526, %and3A_1459] : memref<2048x16xf32, #tpu.memory_space<vmem>>[vector<16xi32>, vector<16xi32>], vector<16xf32>,
      %add3A_1528 = arith.constant 256 : i32
      %add3A_1529 = vector.broadcast %add3A_1528 : i32 to vector<16xi32>
      %add3A_1530 = arith.addi %add3A_1529, %add3A_1447 : vector<16xi32>
      %gather3A_1531 = tpu.vector_load_idx %arg8[%add3A_1530, %and3A_1462] : memref<2048x16xf32, #tpu.memory_space<vmem>>[vector<16xi32>, vector<16xi32>], vector<16xf32>,
      %mul3A_1532 = arith.mulf %gather3A_1527, %gather3A_1531 : vector<16xf32>
      %add3A_1533 = arith.addf %add3A_1519, %mul3A_1532 : vector<16xf32>
      %mul3A_1534 = arith.mulf %gather3A_1527, %gather3A_1527 : vector<16xf32>
      %add3A_1535 = arith.addf %add3A_1521, %mul3A_1534 : vector<16xf32>
      %mul3A_1536 = arith.mulf %gather3A_1531, %gather3A_1531 : vector<16xf32>
      %add3A_1537 = arith.addf %add3A_1523, %mul3A_1536 : vector<16xf32>
      %add3A_1538 = arith.constant 320 : i32
      %add3A_1539 = vector.broadcast %add3A_1538 : i32 to vector<16xi32>
      %add3A_1540 = arith.addi %add3A_1539, %add3A_1444 : vector<16xi32>
      %gather3A_1541 = tpu.vector_load_idx %arg8[%add3A_1540, %and3A_1459] : memref<2048x16xf32, #tpu.memory_space<vmem>>[vector<16xi32>, vector<16xi32>], vector<16xf32>,
      %add3A_1542 = arith.constant 320 : i32
      %add3A_1543 = vector.broadcast %add3A_1542 : i32 to vector<16xi32>
      %add3A_1544 = arith.addi %add3A_1543, %add3A_1447 : vector<16xi32>
      %gather3A_1545 = tpu.vector_load_idx %arg8[%add3A_1544, %and3A_1462] : memref<2048x16xf32, #tpu.memory_space<vmem>>[vector<16xi32>, vector<16xi32>], vector<16xf32>,
      %mul3A_1546 = arith.mulf %gather3A_1541, %gather3A_1545 : vector<16xf32>
      %add3A_1547 = arith.addf %add3A_1533, %mul3A_1546 : vector<16xf32>
      %mul3A_1548 = arith.mulf %gather3A_1541, %gather3A_1541 : vector<16xf32>
      %add3A_1549 = arith.addf %add3A_1535, %mul3A_1548 : vector<16xf32>
      %mul3A_1550 = arith.mulf %gather3A_1545, %gather3A_1545 : vector<16xf32>
      %add3A_1551 = arith.addf %add3A_1537, %mul3A_1550 : vector<16xf32>
      %add3A_1552 = arith.constant 384 : i32
      %add3A_1553 = vector.broadcast %add3A_1552 : i32 to vector<16xi32>
      %add3A_1554 = arith.addi %add3A_1553, %add3A_1444 : vector<16xi32>
      %gather3A_1555 = tpu.vector_load_idx %arg8[%add3A_1554, %and3A_1459] : memref<2048x16xf32, #tpu.memory_space<vmem>>[vector<16xi32>, vector<16xi32>], vector<16xf32>,
      %add3A_1556 = arith.constant 384 : i32
      %add3A_1557 = vector.broadcast %add3A_1556 : i32 to vector<16xi32>
      %add3A_1558 = arith.addi %add3A_1557, %add3A_1447 : vector<16xi32>
      %gather3A_1559 = tpu.vector_load_idx %arg8[%add3A_1558, %and3A_1462] : memref<2048x16xf32, #tpu.memory_space<vmem>>[vector<16xi32>, vector<16xi32>], vector<16xf32>,
      %mul3A_1560 = arith.mulf %gather3A_1555, %gather3A_1559 : vector<16xf32>
      %add3A_1561 = arith.addf %add3A_1547, %mul3A_1560 : vector<16xf32>
      %mul3A_1562 = arith.mulf %gather3A_1555, %gather3A_1555 : vector<16xf32>
      %add3A_1563 = arith.addf %add3A_1549, %mul3A_1562 : vector<16xf32>
      %mul3A_1564 = arith.mulf %gather3A_1559, %gather3A_1559 : vector<16xf32>
      %add3A_1565 = arith.addf %add3A_1551, %mul3A_1564 : vector<16xf32>
      %add3A_1566 = arith.constant 448 : i32
      %add3A_1567 = vector.broadcast %add3A_1566 : i32 to vector<16xi32>
      %add3A_1568 = arith.addi %add3A_1567, %add3A_1444 : vector<16xi32>
      %gather3A_1569 = tpu.vector_load_idx %arg8[%add3A_1568, %and3A_1459] : memref<2048x16xf32, #tpu.memory_space<vmem>>[vector<16xi32>, vector<16xi32>], vector<16xf32>,
      %add3A_1570 = arith.constant 448 : i32
      %add3A_1571 = vector.broadcast %add3A_1570 : i32 to vector<16xi32>
      %add3A_1572 = arith.addi %add3A_1571, %add3A_1447 : vector<16xi32>
      %gather3A_1573 = tpu.vector_load_idx %arg8[%add3A_1572, %and3A_1462] : memref<2048x16xf32, #tpu.memory_space<vmem>>[vector<16xi32>, vector<16xi32>], vector<16xf32>,
      %mul3A_1574 = arith.mulf %gather3A_1569, %gather3A_1573 : vector<16xf32>
      %add3A_1575 = arith.addf %add3A_1561, %mul3A_1574 : vector<16xf32>
      %mul3A_1576 = arith.mulf %gather3A_1569, %gather3A_1569 : vector<16xf32>
      %add3A_1577 = arith.addf %add3A_1563, %mul3A_1576 : vector<16xf32>
      %mul3A_1578 = arith.mulf %gather3A_1573, %gather3A_1573 : vector<16xf32>
      %add3A_1579 = arith.addf %add3A_1565, %mul3A_1578 : vector<16xf32>
      %add3A_1580 = arith.constant 512 : i32
      %add3A_1581 = vector.broadcast %add3A_1580 : i32 to vector<16xi32>
      %add3A_1582 = arith.addi %add3A_1581, %add3A_1444 : vector<16xi32>
      %gather3A_1583 = tpu.vector_load_idx %arg8[%add3A_1582, %and3A_1459] : memref<2048x16xf32, #tpu.memory_space<vmem>>[vector<16xi32>, vector<16xi32>], vector<16xf32>,
      %add3A_1584 = arith.constant 512 : i32
      %add3A_1585 = vector.broadcast %add3A_1584 : i32 to vector<16xi32>
      %add3A_1586 = arith.addi %add3A_1585, %add3A_1447 : vector<16xi32>
      %gather3A_1587 = tpu.vector_load_idx %arg8[%add3A_1586, %and3A_1462] : memref<2048x16xf32, #tpu.memory_space<vmem>>[vector<16xi32>, vector<16xi32>], vector<16xf32>,
      %mul3A_1588 = arith.mulf %gather3A_1583, %gather3A_1587 : vector<16xf32>
      %add3A_1589 = arith.addf %add3A_1575, %mul3A_1588 : vector<16xf32>
      %mul3A_1590 = arith.mulf %gather3A_1583, %gather3A_1583 : vector<16xf32>
      %add3A_1591 = arith.addf %add3A_1577, %mul3A_1590 : vector<16xf32>
      %mul3A_1592 = arith.mulf %gather3A_1587, %gather3A_1587 : vector<16xf32>
      %add3A_1593 = arith.addf %add3A_1579, %mul3A_1592 : vector<16xf32>
      %add3A_1594 = arith.constant 576 : i32
      %add3A_1595 = vector.broadcast %add3A_1594 : i32 to vector<16xi32>
      %add3A_1596 = arith.addi %add3A_1595, %add3A_1444 : vector<16xi32>
      %gather3A_1597 = tpu.vector_load_idx %arg8[%add3A_1596, %and3A_1459] : memref<2048x16xf32, #tpu.memory_space<vmem>>[vector<16xi32>, vector<16xi32>], vector<16xf32>,
      %add3A_1598 = arith.constant 576 : i32
      %add3A_1599 = vector.broadcast %add3A_1598 : i32 to vector<16xi32>
      %add3A_1600 = arith.addi %add3A_1599, %add3A_1447 : vector<16xi32>
      %gather3A_1601 = tpu.vector_load_idx %arg8[%add3A_1600, %and3A_1462] : memref<2048x16xf32, #tpu.memory_space<vmem>>[vector<16xi32>, vector<16xi32>], vector<16xf32>,
      %mul3A_1602 = arith.mulf %gather3A_1597, %gather3A_1601 : vector<16xf32>
      %add3A_1603 = arith.addf %add3A_1589, %mul3A_1602 : vector<16xf32>
      %mul3A_1604 = arith.mulf %gather3A_1597, %gather3A_1597 : vector<16xf32>
      %add3A_1605 = arith.addf %add3A_1591, %mul3A_1604 : vector<16xf32>
      %mul3A_1606 = arith.mulf %gather3A_1601, %gather3A_1601 : vector<16xf32>
      %add3A_1607 = arith.addf %add3A_1593, %mul3A_1606 : vector<16xf32>
      %add3A_1608 = arith.constant 640 : i32
      %add3A_1609 = vector.broadcast %add3A_1608 : i32 to vector<16xi32>
      %add3A_1610 = arith.addi %add3A_1609, %add3A_1444 : vector<16xi32>
      %gather3A_1611 = tpu.vector_load_idx %arg8[%add3A_1610, %and3A_1459] : memref<2048x16xf32, #tpu.memory_space<vmem>>[vector<16xi32>, vector<16xi32>], vector<16xf32>,
      %add3A_1612 = arith.constant 640 : i32
      %add3A_1613 = vector.broadcast %add3A_1612 : i32 to vector<16xi32>
      %add3A_1614 = arith.addi %add3A_1613, %add3A_1447 : vector<16xi32>
      %gather3A_1615 = tpu.vector_load_idx %arg8[%add3A_1614, %and3A_1462] : memref<2048x16xf32, #tpu.memory_space<vmem>>[vector<16xi32>, vector<16xi32>], vector<16xf32>,
      %mul3A_1616 = arith.mulf %gather3A_1611, %gather3A_1615 : vector<16xf32>
      %add3A_1617 = arith.addf %add3A_1603, %mul3A_1616 : vector<16xf32>
      %mul3A_1618 = arith.mulf %gather3A_1611, %gather3A_1611 : vector<16xf32>
      %add3A_1619 = arith.addf %add3A_1605, %mul3A_1618 : vector<16xf32>
      %mul3A_1620 = arith.mulf %gather3A_1615, %gather3A_1615 : vector<16xf32>
      %add3A_1621 = arith.addf %add3A_1607, %mul3A_1620 : vector<16xf32>
      %add3A_1622 = arith.constant 704 : i32
      %add3A_1623 = vector.broadcast %add3A_1622 : i32 to vector<16xi32>
      %add3A_1624 = arith.addi %add3A_1623, %add3A_1444 : vector<16xi32>
      %gather3A_1625 = tpu.vector_load_idx %arg8[%add3A_1624, %and3A_1459] : memref<2048x16xf32, #tpu.memory_space<vmem>>[vector<16xi32>, vector<16xi32>], vector<16xf32>,
      %add3A_1626 = arith.constant 704 : i32
      %add3A_1627 = vector.broadcast %add3A_1626 : i32 to vector<16xi32>
      %add3A_1628 = arith.addi %add3A_1627, %add3A_1447 : vector<16xi32>
      %gather3A_1629 = tpu.vector_load_idx %arg8[%add3A_1628, %and3A_1462] : memref<2048x16xf32, #tpu.memory_space<vmem>>[vector<16xi32>, vector<16xi32>], vector<16xf32>,
      %mul3A_1630 = arith.mulf %gather3A_1625, %gather3A_1629 : vector<16xf32>
      %add3A_1631 = arith.addf %add3A_1617, %mul3A_1630 : vector<16xf32>
      %mul3A_1632 = arith.mulf %gather3A_1625, %gather3A_1625 : vector<16xf32>
      %add3A_1633 = arith.addf %add3A_1619, %mul3A_1632 : vector<16xf32>
      %mul3A_1634 = arith.mulf %gather3A_1629, %gather3A_1629 : vector<16xf32>
      %add3A_1635 = arith.addf %add3A_1621, %mul3A_1634 : vector<16xf32>
      %add3A_1636 = arith.constant 768 : i32
      %add3A_1637 = vector.broadcast %add3A_1636 : i32 to vector<16xi32>
      %add3A_1638 = arith.addi %add3A_1637, %add3A_1444 : vector<16xi32>
      %gather3A_1639 = tpu.vector_load_idx %arg8[%add3A_1638, %and3A_1459] : memref<2048x16xf32, #tpu.memory_space<vmem>>[vector<16xi32>, vector<16xi32>], vector<16xf32>,
      %add3A_1640 = arith.constant 768 : i32
      %add3A_1641 = vector.broadcast %add3A_1640 : i32 to vector<16xi32>
      %add3A_1642 = arith.addi %add3A_1641, %add3A_1447 : vector<16xi32>
      %gather3A_1643 = tpu.vector_load_idx %arg8[%add3A_1642, %and3A_1462] : memref<2048x16xf32, #tpu.memory_space<vmem>>[vector<16xi32>, vector<16xi32>], vector<16xf32>,
      %mul3A_1644 = arith.mulf %gather3A_1639, %gather3A_1643 : vector<16xf32>
      %add3A_1645 = arith.addf %add3A_1631, %mul3A_1644 : vector<16xf32>
      %mul3A_1646 = arith.mulf %gather3A_1639, %gather3A_1639 : vector<16xf32>
      %add3A_1647 = arith.addf %add3A_1633, %mul3A_1646 : vector<16xf32>
      %mul3A_1648 = arith.mulf %gather3A_1643, %gather3A_1643 : vector<16xf32>
      %add3A_1649 = arith.addf %add3A_1635, %mul3A_1648 : vector<16xf32>
      %add3A_1650 = arith.constant 832 : i32
      %add3A_1651 = vector.broadcast %add3A_1650 : i32 to vector<16xi32>
      %add3A_1652 = arith.addi %add3A_1651, %add3A_1444 : vector<16xi32>
      %gather3A_1653 = tpu.vector_load_idx %arg8[%add3A_1652, %and3A_1459] : memref<2048x16xf32, #tpu.memory_space<vmem>>[vector<16xi32>, vector<16xi32>], vector<16xf32>,
      %add3A_1654 = arith.constant 832 : i32
      %add3A_1655 = vector.broadcast %add3A_1654 : i32 to vector<16xi32>
      %add3A_1656 = arith.addi %add3A_1655, %add3A_1447 : vector<16xi32>
      %gather3A_1657 = tpu.vector_load_idx %arg8[%add3A_1656, %and3A_1462] : memref<2048x16xf32, #tpu.memory_space<vmem>>[vector<16xi32>, vector<16xi32>], vector<16xf32>,
      %mul3A_1658 = arith.mulf %gather3A_1653, %gather3A_1657 : vector<16xf32>
      %add3A_1659 = arith.addf %add3A_1645, %mul3A_1658 : vector<16xf32>
      %mul3A_1660 = arith.mulf %gather3A_1653, %gather3A_1653 : vector<16xf32>
      %add3A_1661 = arith.addf %add3A_1647, %mul3A_1660 : vector<16xf32>
      %mul3A_1662 = arith.mulf %gather3A_1657, %gather3A_1657 : vector<16xf32>
      %add3A_1663 = arith.addf %add3A_1649, %mul3A_1662 : vector<16xf32>
      %add3A_1664 = arith.constant 896 : i32
      %add3A_1665 = vector.broadcast %add3A_1664 : i32 to vector<16xi32>
      %add3A_1666 = arith.addi %add3A_1665, %add3A_1444 : vector<16xi32>
      %gather3A_1667 = tpu.vector_load_idx %arg8[%add3A_1666, %and3A_1459] : memref<2048x16xf32, #tpu.memory_space<vmem>>[vector<16xi32>, vector<16xi32>], vector<16xf32>,
      %add3A_1668 = arith.constant 896 : i32
      %add3A_1669 = vector.broadcast %add3A_1668 : i32 to vector<16xi32>
      %add3A_1670 = arith.addi %add3A_1669, %add3A_1447 : vector<16xi32>
      %gather3A_1671 = tpu.vector_load_idx %arg8[%add3A_1670, %and3A_1462] : memref<2048x16xf32, #tpu.memory_space<vmem>>[vector<16xi32>, vector<16xi32>], vector<16xf32>,
      %mul3A_1672 = arith.mulf %gather3A_1667, %gather3A_1671 : vector<16xf32>
      %add3A_1673 = arith.addf %add3A_1659, %mul3A_1672 : vector<16xf32>
      %mul3A_1674 = arith.mulf %gather3A_1667, %gather3A_1667 : vector<16xf32>
      %add3A_1675 = arith.addf %add3A_1661, %mul3A_1674 : vector<16xf32>
      %mul3A_1676 = arith.mulf %gather3A_1671, %gather3A_1671 : vector<16xf32>
      %add3A_1677 = arith.addf %add3A_1663, %mul3A_1676 : vector<16xf32>
      %add3A_1678 = arith.constant 960 : i32
      %add3A_1679 = vector.broadcast %add3A_1678 : i32 to vector<16xi32>
      %add3A_1680 = arith.addi %add3A_1679, %add3A_1444 : vector<16xi32>
      %gather3A_1681 = tpu.vector_load_idx %arg8[%add3A_1680, %and3A_1459] : memref<2048x16xf32, #tpu.memory_space<vmem>>[vector<16xi32>, vector<16xi32>], vector<16xf32>,
      %add3A_1682 = arith.constant 960 : i32
      %add3A_1683 = vector.broadcast %add3A_1682 : i32 to vector<16xi32>
      %add3A_1684 = arith.addi %add3A_1683, %add3A_1447 : vector<16xi32>
      %gather3A_1685 = tpu.vector_load_idx %arg8[%add3A_1684, %and3A_1462] : memref<2048x16xf32, #tpu.memory_space<vmem>>[vector<16xi32>, vector<16xi32>], vector<16xf32>,
      %mul3A_1686 = arith.mulf %gather3A_1681, %gather3A_1685 : vector<16xf32>
      %add3A_1687 = arith.addf %add3A_1673, %mul3A_1686 : vector<16xf32>
      %mul3A_1688 = arith.mulf %gather3A_1681, %gather3A_1681 : vector<16xf32>
      %add3A_1689 = arith.addf %add3A_1675, %mul3A_1688 : vector<16xf32>
      %mul3A_1690 = arith.mulf %gather3A_1685, %gather3A_1685 : vector<16xf32>
      %add3A_1691 = arith.addf %add3A_1677, %mul3A_1690 : vector<16xf32>
      %add3A_1692 = arith.constant 1024 : i32
      %add3A_1693 = vector.broadcast %add3A_1692 : i32 to vector<16xi32>
      %add3A_1694 = arith.addi %add3A_1693, %add3A_1444 : vector<16xi32>
      %gather3A_1695 = tpu.vector_load_idx %arg8[%add3A_1694, %and3A_1459] : memref<2048x16xf32, #tpu.memory_space<vmem>>[vector<16xi32>, vector<16xi32>], vector<16xf32>,
      %add3A_1696 = arith.constant 1024 : i32
      %add3A_1697 = vector.broadcast %add3A_1696 : i32 to vector<16xi32>
      %add3A_1698 = arith.addi %add3A_1697, %add3A_1447 : vector<16xi32>
      %gather3A_1699 = tpu.vector_load_idx %arg8[%add3A_1698, %and3A_1462] : memref<2048x16xf32, #tpu.memory_space<vmem>>[vector<16xi32>, vector<16xi32>], vector<16xf32>,
      %mul3A_1700 = arith.mulf %gather3A_1695, %gather3A_1699 : vector<16xf32>
      %add3A_1701 = arith.addf %add3A_1687, %mul3A_1700 : vector<16xf32>
      %mul3A_1702 = arith.mulf %gather3A_1695, %gather3A_1695 : vector<16xf32>
      %add3A_1703 = arith.addf %add3A_1689, %mul3A_1702 : vector<16xf32>
      %mul3A_1704 = arith.mulf %gather3A_1699, %gather3A_1699 : vector<16xf32>
      %add3A_1705 = arith.addf %add3A_1691, %mul3A_1704 : vector<16xf32>
      %add3A_1706 = arith.constant 1088 : i32
      %add3A_1707 = vector.broadcast %add3A_1706 : i32 to vector<16xi32>
      %add3A_1708 = arith.addi %add3A_1707, %add3A_1444 : vector<16xi32>
      %gather3A_1709 = tpu.vector_load_idx %arg8[%add3A_1708, %and3A_1459] : memref<2048x16xf32, #tpu.memory_space<vmem>>[vector<16xi32>, vector<16xi32>], vector<16xf32>,
      %add3A_1710 = arith.constant 1088 : i32
      %add3A_1711 = vector.broadcast %add3A_1710 : i32 to vector<16xi32>
      %add3A_1712 = arith.addi %add3A_1711, %add3A_1447 : vector<16xi32>
      %gather3A_1713 = tpu.vector_load_idx %arg8[%add3A_1712, %and3A_1462] : memref<2048x16xf32, #tpu.memory_space<vmem>>[vector<16xi32>, vector<16xi32>], vector<16xf32>,
      %mul3A_1714 = arith.mulf %gather3A_1709, %gather3A_1713 : vector<16xf32>
      %add3A_1715 = arith.addf %add3A_1701, %mul3A_1714 : vector<16xf32>
      %mul3A_1716 = arith.mulf %gather3A_1709, %gather3A_1709 : vector<16xf32>
      %add3A_1717 = arith.addf %add3A_1703, %mul3A_1716 : vector<16xf32>
      %mul3A_1718 = arith.mulf %gather3A_1713, %gather3A_1713 : vector<16xf32>
      %add3A_1719 = arith.addf %add3A_1705, %mul3A_1718 : vector<16xf32>
      %add3A_1720 = arith.constant 1152 : i32
      %add3A_1721 = vector.broadcast %add3A_1720 : i32 to vector<16xi32>
      %add3A_1722 = arith.addi %add3A_1721, %add3A_1444 : vector<16xi32>
      %gather3A_1723 = tpu.vector_load_idx %arg8[%add3A_1722, %and3A_1459] : memref<2048x16xf32, #tpu.memory_space<vmem>>[vector<16xi32>, vector<16xi32>], vector<16xf32>,
      %add3A_1724 = arith.constant 1152 : i32
      %add3A_1725 = vector.broadcast %add3A_1724 : i32 to vector<16xi32>
      %add3A_1726 = arith.addi %add3A_1725, %add3A_1447 : vector<16xi32>
      %gather3A_1727 = tpu.vector_load_idx %arg8[%add3A_1726, %and3A_1462] : memref<2048x16xf32, #tpu.memory_space<vmem>>[vector<16xi32>, vector<16xi32>], vector<16xf32>,
      %mul3A_1728 = arith.mulf %gather3A_1723, %gather3A_1727 : vector<16xf32>
      %add3A_1729 = arith.addf %add3A_1715, %mul3A_1728 : vector<16xf32>
      %mul3A_1730 = arith.mulf %gather3A_1723, %gather3A_1723 : vector<16xf32>
      %add3A_1731 = arith.addf %add3A_1717, %mul3A_1730 : vector<16xf32>
      %mul3A_1732 = arith.mulf %gather3A_1727, %gather3A_1727 : vector<16xf32>
      %add3A_1733 = arith.addf %add3A_1719, %mul3A_1732 : vector<16xf32>
      %add3A_1734 = arith.constant 1216 : i32
      %add3A_1735 = vector.broadcast %add3A_1734 : i32 to vector<16xi32>
      %add3A_1736 = arith.addi %add3A_1735, %add3A_1444 : vector<16xi32>
      %gather3A_1737 = tpu.vector_load_idx %arg8[%add3A_1736, %and3A_1459] : memref<2048x16xf32, #tpu.memory_space<vmem>>[vector<16xi32>, vector<16xi32>], vector<16xf32>,
      %add3A_1738 = arith.constant 1216 : i32
      %add3A_1739 = vector.broadcast %add3A_1738 : i32 to vector<16xi32>
      %add3A_1740 = arith.addi %add3A_1739, %add3A_1447 : vector<16xi32>
      %gather3A_1741 = tpu.vector_load_idx %arg8[%add3A_1740, %and3A_1462] : memref<2048x16xf32, #tpu.memory_space<vmem>>[vector<16xi32>, vector<16xi32>], vector<16xf32>,
      %mul3A_1742 = arith.mulf %gather3A_1737, %gather3A_1741 : vector<16xf32>
      %add3A_1743 = arith.addf %add3A_1729, %mul3A_1742 : vector<16xf32>
      %mul3A_1744 = arith.mulf %gather3A_1737, %gather3A_1737 : vector<16xf32>
      %add3A_1745 = arith.addf %add3A_1731, %mul3A_1744 : vector<16xf32>
      %mul3A_1746 = arith.mulf %gather3A_1741, %gather3A_1741 : vector<16xf32>
      %add3A_1747 = arith.addf %add3A_1733, %mul3A_1746 : vector<16xf32>
      %add3A_1748 = arith.constant 1280 : i32
      %add3A_1749 = vector.broadcast %add3A_1748 : i32 to vector<16xi32>
      %add3A_1750 = arith.addi %add3A_1749, %add3A_1444 : vector<16xi32>
      %gather3A_1751 = tpu.vector_load_idx %arg8[%add3A_1750, %and3A_1459] : memref<2048x16xf32, #tpu.memory_space<vmem>>[vector<16xi32>, vector<16xi32>], vector<16xf32>,
      %add3A_1752 = arith.constant 1280 : i32
      %add3A_1753 = vector.broadcast %add3A_1752 : i32 to vector<16xi32>
      %add3A_1754 = arith.addi %add3A_1753, %add3A_1447 : vector<16xi32>
      %gather3A_1755 = tpu.vector_load_idx %arg8[%add3A_1754, %and3A_1462] : memref<2048x16xf32, #tpu.memory_space<vmem>>[vector<16xi32>, vector<16xi32>], vector<16xf32>,
      %mul3A_1756 = arith.mulf %gather3A_1751, %gather3A_1755 : vector<16xf32>
      %add3A_1757 = arith.addf %add3A_1743, %mul3A_1756 : vector<16xf32>
      %mul3A_1758 = arith.mulf %gather3A_1751, %gather3A_1751 : vector<16xf32>
      %add3A_1759 = arith.addf %add3A_1745, %mul3A_1758 : vector<16xf32>
      %mul3A_1760 = arith.mulf %gather3A_1755, %gather3A_1755 : vector<16xf32>
      %add3A_1761 = arith.addf %add3A_1747, %mul3A_1760 : vector<16xf32>
      %add3A_1762 = arith.constant 1344 : i32
      %add3A_1763 = vector.broadcast %add3A_1762 : i32 to vector<16xi32>
      %add3A_1764 = arith.addi %add3A_1763, %add3A_1444 : vector<16xi32>
      %gather3A_1765 = tpu.vector_load_idx %arg8[%add3A_1764, %and3A_1459] : memref<2048x16xf32, #tpu.memory_space<vmem>>[vector<16xi32>, vector<16xi32>], vector<16xf32>,
      %add3A_1766 = arith.constant 1344 : i32
      %add3A_1767 = vector.broadcast %add3A_1766 : i32 to vector<16xi32>
      %add3A_1768 = arith.addi %add3A_1767, %add3A_1447 : vector<16xi32>
      %gather3A_1769 = tpu.vector_load_idx %arg8[%add3A_1768, %and3A_1462] : memref<2048x16xf32, #tpu.memory_space<vmem>>[vector<16xi32>, vector<16xi32>], vector<16xf32>,
      %mul3A_1770 = arith.mulf %gather3A_1765, %gather3A_1769 : vector<16xf32>
      %add3A_1771 = arith.addf %add3A_1757, %mul3A_1770 : vector<16xf32>
      %mul3A_1772 = arith.mulf %gather3A_1765, %gather3A_1765 : vector<16xf32>
      %add3A_1773 = arith.addf %add3A_1759, %mul3A_1772 : vector<16xf32>
      %mul3A_1774 = arith.mulf %gather3A_1769, %gather3A_1769 : vector<16xf32>
      %add3A_1775 = arith.addf %add3A_1761, %mul3A_1774 : vector<16xf32>
      %add3A_1776 = arith.constant 1408 : i32
      %add3A_1777 = vector.broadcast %add3A_1776 : i32 to vector<16xi32>
      %add3A_1778 = arith.addi %add3A_1777, %add3A_1444 : vector<16xi32>
      %gather3A_1779 = tpu.vector_load_idx %arg8[%add3A_1778, %and3A_1459] : memref<2048x16xf32, #tpu.memory_space<vmem>>[vector<16xi32>, vector<16xi32>], vector<16xf32>,
      %add3A_1780 = arith.constant 1408 : i32
      %add3A_1781 = vector.broadcast %add3A_1780 : i32 to vector<16xi32>
      %add3A_1782 = arith.addi %add3A_1781, %add3A_1447 : vector<16xi32>
      %gather3A_1783 = tpu.vector_load_idx %arg8[%add3A_1782, %and3A_1462] : memref<2048x16xf32, #tpu.memory_space<vmem>>[vector<16xi32>, vector<16xi32>], vector<16xf32>,
      %mul3A_1784 = arith.mulf %gather3A_1779, %gather3A_1783 : vector<16xf32>
      %add3A_1785 = arith.addf %add3A_1771, %mul3A_1784 : vector<16xf32>
      %mul3A_1786 = arith.mulf %gather3A_1779, %gather3A_1779 : vector<16xf32>
      %add3A_1787 = arith.addf %add3A_1773, %mul3A_1786 : vector<16xf32>
      %mul3A_1788 = arith.mulf %gather3A_1783, %gather3A_1783 : vector<16xf32>
      %add3A_1789 = arith.addf %add3A_1775, %mul3A_1788 : vector<16xf32>
      %add3A_1790 = arith.constant 1472 : i32
      %add3A_1791 = vector.broadcast %add3A_1790 : i32 to vector<16xi32>
      %add3A_1792 = arith.addi %add3A_1791, %add3A_1444 : vector<16xi32>
      %gather3A_1793 = tpu.vector_load_idx %arg8[%add3A_1792, %and3A_1459] : memref<2048x16xf32, #tpu.memory_space<vmem>>[vector<16xi32>, vector<16xi32>], vector<16xf32>,
      %add3A_1794 = arith.constant 1472 : i32
      %add3A_1795 = vector.broadcast %add3A_1794 : i32 to vector<16xi32>
      %add3A_1796 = arith.addi %add3A_1795, %add3A_1447 : vector<16xi32>
      %gather3A_1797 = tpu.vector_load_idx %arg8[%add3A_1796, %and3A_1462] : memref<2048x16xf32, #tpu.memory_space<vmem>>[vector<16xi32>, vector<16xi32>], vector<16xf32>,
      %mul3A_1798 = arith.mulf %gather3A_1793, %gather3A_1797 : vector<16xf32>
      %add3A_1799 = arith.addf %add3A_1785, %mul3A_1798 : vector<16xf32>
      %mul3A_1800 = arith.mulf %gather3A_1793, %gather3A_1793 : vector<16xf32>
      %add3A_1801 = arith.addf %add3A_1787, %mul3A_1800 : vector<16xf32>
      %mul3A_1802 = arith.mulf %gather3A_1797, %gather3A_1797 : vector<16xf32>
      %add3A_1803 = arith.addf %add3A_1789, %mul3A_1802 : vector<16xf32>
      %add3A_1804 = arith.constant 1536 : i32
      %add3A_1805 = vector.broadcast %add3A_1804 : i32 to vector<16xi32>
      %add3A_1806 = arith.addi %add3A_1805, %add3A_1444 : vector<16xi32>
      %gather3A_1807 = tpu.vector_load_idx %arg8[%add3A_1806, %and3A_1459] : memref<2048x16xf32, #tpu.memory_space<vmem>>[vector<16xi32>, vector<16xi32>], vector<16xf32>,
      %add3A_1808 = arith.constant 1536 : i32
      %add3A_1809 = vector.broadcast %add3A_1808 : i32 to vector<16xi32>
      %add3A_1810 = arith.addi %add3A_1809, %add3A_1447 : vector<16xi32>
      %gather3A_1811 = tpu.vector_load_idx %arg8[%add3A_1810, %and3A_1462] : memref<2048x16xf32, #tpu.memory_space<vmem>>[vector<16xi32>, vector<16xi32>], vector<16xf32>,
      %mul3A_1812 = arith.mulf %gather3A_1807, %gather3A_1811 : vector<16xf32>
      %add3A_1813 = arith.addf %add3A_1799, %mul3A_1812 : vector<16xf32>
      %mul3A_1814 = arith.mulf %gather3A_1807, %gather3A_1807 : vector<16xf32>
      %add3A_1815 = arith.addf %add3A_1801, %mul3A_1814 : vector<16xf32>
      %mul3A_1816 = arith.mulf %gather3A_1811, %gather3A_1811 : vector<16xf32>
      %add3A_1817 = arith.addf %add3A_1803, %mul3A_1816 : vector<16xf32>
      %add3A_1818 = arith.constant 1600 : i32
      %add3A_1819 = vector.broadcast %add3A_1818 : i32 to vector<16xi32>
      %add3A_1820 = arith.addi %add3A_1819, %add3A_1444 : vector<16xi32>
      %gather3A_1821 = tpu.vector_load_idx %arg8[%add3A_1820, %and3A_1459] : memref<2048x16xf32, #tpu.memory_space<vmem>>[vector<16xi32>, vector<16xi32>], vector<16xf32>,
      %add3A_1822 = arith.constant 1600 : i32
      %add3A_1823 = vector.broadcast %add3A_1822 : i32 to vector<16xi32>
      %add3A_1824 = arith.addi %add3A_1823, %add3A_1447 : vector<16xi32>
      %gather3A_1825 = tpu.vector_load_idx %arg8[%add3A_1824, %and3A_1462] : memref<2048x16xf32, #tpu.memory_space<vmem>>[vector<16xi32>, vector<16xi32>], vector<16xf32>,
      %mul3A_1826 = arith.mulf %gather3A_1821, %gather3A_1825 : vector<16xf32>
      %add3A_1827 = arith.addf %add3A_1813, %mul3A_1826 : vector<16xf32>
      %mul3A_1828 = arith.mulf %gather3A_1821, %gather3A_1821 : vector<16xf32>
      %add3A_1829 = arith.addf %add3A_1815, %mul3A_1828 : vector<16xf32>
      %mul3A_1830 = arith.mulf %gather3A_1825, %gather3A_1825 : vector<16xf32>
      %add3A_1831 = arith.addf %add3A_1817, %mul3A_1830 : vector<16xf32>
      %add3A_1832 = arith.constant 1664 : i32
      %add3A_1833 = vector.broadcast %add3A_1832 : i32 to vector<16xi32>
      %add3A_1834 = arith.addi %add3A_1833, %add3A_1444 : vector<16xi32>
      %gather3A_1835 = tpu.vector_load_idx %arg8[%add3A_1834, %and3A_1459] : memref<2048x16xf32, #tpu.memory_space<vmem>>[vector<16xi32>, vector<16xi32>], vector<16xf32>,
      %add3A_1836 = arith.constant 1664 : i32
      %add3A_1837 = vector.broadcast %add3A_1836 : i32 to vector<16xi32>
      %add3A_1838 = arith.addi %add3A_1837, %add3A_1447 : vector<16xi32>
      %gather3A_1839 = tpu.vector_load_idx %arg8[%add3A_1838, %and3A_1462] : memref<2048x16xf32, #tpu.memory_space<vmem>>[vector<16xi32>, vector<16xi32>], vector<16xf32>,
      %mul3A_1840 = arith.mulf %gather3A_1835, %gather3A_1839 : vector<16xf32>
      %add3A_1841 = arith.addf %add3A_1827, %mul3A_1840 : vector<16xf32>
      %mul3A_1842 = arith.mulf %gather3A_1835, %gather3A_1835 : vector<16xf32>
      %add3A_1843 = arith.addf %add3A_1829, %mul3A_1842 : vector<16xf32>
      %mul3A_1844 = arith.mulf %gather3A_1839, %gather3A_1839 : vector<16xf32>
      %add3A_1845 = arith.addf %add3A_1831, %mul3A_1844 : vector<16xf32>
      %add3A_1846 = arith.constant 1728 : i32
      %add3A_1847 = vector.broadcast %add3A_1846 : i32 to vector<16xi32>
      %add3A_1848 = arith.addi %add3A_1847, %add3A_1444 : vector<16xi32>
      %gather3A_1849 = tpu.vector_load_idx %arg8[%add3A_1848, %and3A_1459] : memref<2048x16xf32, #tpu.memory_space<vmem>>[vector<16xi32>, vector<16xi32>], vector<16xf32>,
      %add3A_1850 = arith.constant 1728 : i32
      %add3A_1851 = vector.broadcast %add3A_1850 : i32 to vector<16xi32>
      %add3A_1852 = arith.addi %add3A_1851, %add3A_1447 : vector<16xi32>
      %gather3A_1853 = tpu.vector_load_idx %arg8[%add3A_1852, %and3A_1462] : memref<2048x16xf32, #tpu.memory_space<vmem>>[vector<16xi32>, vector<16xi32>], vector<16xf32>,
      %mul3A_1854 = arith.mulf %gather3A_1849, %gather3A_1853 : vector<16xf32>
      %add3A_1855 = arith.addf %add3A_1841, %mul3A_1854 : vector<16xf32>
      %mul3A_1856 = arith.mulf %gather3A_1849, %gather3A_1849 : vector<16xf32>
      %add3A_1857 = arith.addf %add3A_1843, %mul3A_1856 : vector<16xf32>
      %mul3A_1858 = arith.mulf %gather3A_1853, %gather3A_1853 : vector<16xf32>
      %add3A_1859 = arith.addf %add3A_1845, %mul3A_1858 : vector<16xf32>
      %add3A_1860 = arith.constant 1792 : i32
      %add3A_1861 = vector.broadcast %add3A_1860 : i32 to vector<16xi32>
      %add3A_1862 = arith.addi %add3A_1861, %add3A_1444 : vector<16xi32>
      %gather3A_1863 = tpu.vector_load_idx %arg8[%add3A_1862, %and3A_1459] : memref<2048x16xf32, #tpu.memory_space<vmem>>[vector<16xi32>, vector<16xi32>], vector<16xf32>,
      %add3A_1864 = arith.constant 1792 : i32
      %add3A_1865 = vector.broadcast %add3A_1864 : i32 to vector<16xi32>
      %add3A_1866 = arith.addi %add3A_1865, %add3A_1447 : vector<16xi32>
      %gather3A_1867 = tpu.vector_load_idx %arg8[%add3A_1866, %and3A_1462] : memref<2048x16xf32, #tpu.memory_space<vmem>>[vector<16xi32>, vector<16xi32>], vector<16xf32>,
      %mul3A_1868 = arith.mulf %gather3A_1863, %gather3A_1867 : vector<16xf32>
      %add3A_1869 = arith.addf %add3A_1855, %mul3A_1868 : vector<16xf32>
      %mul3A_1870 = arith.mulf %gather3A_1863, %gather3A_1863 : vector<16xf32>
      %add3A_1871 = arith.addf %add3A_1857, %mul3A_1870 : vector<16xf32>
      %mul3A_1872 = arith.mulf %gather3A_1867, %gather3A_1867 : vector<16xf32>
      %add3A_1873 = arith.addf %add3A_1859, %mul3A_1872 : vector<16xf32>
      %add3A_1874 = arith.constant 1856 : i32
      %add3A_1875 = vector.broadcast %add3A_1874 : i32 to vector<16xi32>
      %add3A_1876 = arith.addi %add3A_1875, %add3A_1444 : vector<16xi32>
      %gather3A_1877 = tpu.vector_load_idx %arg8[%add3A_1876, %and3A_1459] : memref<2048x16xf32, #tpu.memory_space<vmem>>[vector<16xi32>, vector<16xi32>], vector<16xf32>,
      %add3A_1878 = arith.constant 1856 : i32
      %add3A_1879 = vector.broadcast %add3A_1878 : i32 to vector<16xi32>
      %add3A_1880 = arith.addi %add3A_1879, %add3A_1447 : vector<16xi32>
      %gather3A_1881 = tpu.vector_load_idx %arg8[%add3A_1880, %and3A_1462] : memref<2048x16xf32, #tpu.memory_space<vmem>>[vector<16xi32>, vector<16xi32>], vector<16xf32>,
      %mul3A_1882 = arith.mulf %gather3A_1877, %gather3A_1881 : vector<16xf32>
      %add3A_1883 = arith.addf %add3A_1869, %mul3A_1882 : vector<16xf32>
      %mul3A_1884 = arith.mulf %gather3A_1877, %gather3A_1877 : vector<16xf32>
      %add3A_1885 = arith.addf %add3A_1871, %mul3A_1884 : vector<16xf32>
      %mul3A_1886 = arith.mulf %gather3A_1881, %gather3A_1881 : vector<16xf32>
      %add3A_1887 = arith.addf %add3A_1873, %mul3A_1886 : vector<16xf32>
      %add3A_1888 = arith.constant 1920 : i32
      %add3A_1889 = vector.broadcast %add3A_1888 : i32 to vector<16xi32>
      %add3A_1890 = arith.addi %add3A_1889, %add3A_1444 : vector<16xi32>
      %gather3A_1891 = tpu.vector_load_idx %arg8[%add3A_1890, %and3A_1459] : memref<2048x16xf32, #tpu.memory_space<vmem>>[vector<16xi32>, vector<16xi32>], vector<16xf32>,
      %add3A_1892 = arith.constant 1920 : i32
      %add3A_1893 = vector.broadcast %add3A_1892 : i32 to vector<16xi32>
      %add3A_1894 = arith.addi %add3A_1893, %add3A_1447 : vector<16xi32>
      %gather3A_1895 = tpu.vector_load_idx %arg8[%add3A_1894, %and3A_1462] : memref<2048x16xf32, #tpu.memory_space<vmem>>[vector<16xi32>, vector<16xi32>], vector<16xf32>,
      %mul3A_1896 = arith.mulf %gather3A_1891, %gather3A_1895 : vector<16xf32>
      %add3A_1897 = arith.addf %add3A_1883, %mul3A_1896 : vector<16xf32>
      %mul3A_1898 = arith.mulf %gather3A_1891, %gather3A_1891 : vector<16xf32>
      %add3A_1899 = arith.addf %add3A_1885, %mul3A_1898 : vector<16xf32>
      %mul3A_1900 = arith.mulf %gather3A_1895, %gather3A_1895 : vector<16xf32>
      %add3A_1901 = arith.addf %add3A_1887, %mul3A_1900 : vector<16xf32>
      %add3A_1902 = arith.constant 1984 : i32
      %add3A_1903 = vector.broadcast %add3A_1902 : i32 to vector<16xi32>
      %add3A_1904 = arith.addi %add3A_1903, %add3A_1444 : vector<16xi32>
      %gather3A_1905 = tpu.vector_load_idx %arg8[%add3A_1904, %and3A_1459] : memref<2048x16xf32, #tpu.memory_space<vmem>>[vector<16xi32>, vector<16xi32>], vector<16xf32>,
      %add3A_1906 = arith.constant 1984 : i32
      %add3A_1907 = vector.broadcast %add3A_1906 : i32 to vector<16xi32>
      %add3A_1908 = arith.addi %add3A_1907, %add3A_1447 : vector<16xi32>
      %gather3A_1909 = tpu.vector_load_idx %arg8[%add3A_1908, %and3A_1462] : memref<2048x16xf32, #tpu.memory_space<vmem>>[vector<16xi32>, vector<16xi32>], vector<16xf32>,
      %mul3A_1910 = arith.mulf %gather3A_1905, %gather3A_1909 : vector<16xf32>
      %add3A_1911 = arith.addf %add3A_1897, %mul3A_1910 : vector<16xf32>
      %mul3A_1912 = arith.mulf %gather3A_1905, %gather3A_1905 : vector<16xf32>
      %add3A_1913 = arith.addf %add3A_1899, %mul3A_1912 : vector<16xf32>
      %mul3A_1914 = arith.mulf %gather3A_1909, %gather3A_1909 : vector<16xf32>
      %add3A_1915 = arith.addf %add3A_1901, %mul3A_1914 : vector<16xf32>
      %max3A = arith.constant 1.000000e-16 : f32
      %max3A_1916 = vector.broadcast %max3A : f32 to vector<16xf32>
      %max3A_1917 = arith.maximumf %add3A_1913, %max3A_1916 : vector<16xf32>
      %bitcast3A = vector.bitcast %max3A_1917 : vector<16xf32> to vector<16xi32>
      %shift_right_arithmetic3A_1918 = arith.constant 1 : i32
      %shift_right_arithmetic3A_1919 = vector.broadcast %shift_right_arithmetic3A_1918 : i32 to vector<16xi32>
      %shift_right_arithmetic3A_1920 = arith.shrsi %bitcast3A, %shift_right_arithmetic3A_1919 : vector<16xi32>
      %sub3A = arith.constant 1597463007 : i32
      %sub3A_1921 = vector.broadcast %sub3A : i32 to vector<16xi32>
      %sub3A_1922 = arith.subi %sub3A_1921, %shift_right_arithmetic3A_1920 : vector<16xi32>
      %bitcast3A_1923 = vector.bitcast %sub3A_1922 : vector<16xi32> to vector<16xf32>
      %mul3A_1924 = arith.constant 5.000000e-01 : f32
      %mul3A_1925 = vector.broadcast %mul3A_1924 : f32 to vector<16xf32>
      %mul3A_1926 = arith.mulf %mul3A_1925, %max3A_1917 : vector<16xf32>
      %mul3A_1927 = arith.mulf %mul3A_1926, %bitcast3A_1923 : vector<16xf32>
      %mul3A_1928 = arith.mulf %mul3A_1927, %bitcast3A_1923 : vector<16xf32>
      %sub3A_1929 = arith.constant 1.500000e+00 : f32
      %sub3A_1930 = vector.broadcast %sub3A_1929 : f32 to vector<16xf32>
      %sub3A_1931 = arith.subf %sub3A_1930, %mul3A_1928 : vector<16xf32>
      %mul3A_1932 = arith.mulf %bitcast3A_1923, %sub3A_1931 : vector<16xf32>
      %mul3A_1933 = arith.constant 5.000000e-01 : f32
      %mul3A_1934 = vector.broadcast %mul3A_1933 : f32 to vector<16xf32>
      %mul3A_1935 = arith.mulf %mul3A_1934, %max3A_1917 : vector<16xf32>
      %mul3A_1936 = arith.mulf %mul3A_1935, %mul3A_1932 : vector<16xf32>
      %mul3A_1937 = arith.mulf %mul3A_1936, %mul3A_1932 : vector<16xf32>
      %sub3A_1938 = arith.constant 1.500000e+00 : f32
      %sub3A_1939 = vector.broadcast %sub3A_1938 : f32 to vector<16xf32>
      %sub3A_1940 = arith.subf %sub3A_1939, %mul3A_1937 : vector<16xf32>
      %mul3A_1941 = arith.mulf %mul3A_1932, %sub3A_1940 : vector<16xf32>
      %mul3A_1942 = arith.constant 5.000000e-01 : f32
      %mul3A_1943 = vector.broadcast %mul3A_1942 : f32 to vector<16xf32>
      %mul3A_1944 = arith.mulf %mul3A_1943, %max3A_1917 : vector<16xf32>
      %mul3A_1945 = arith.mulf %mul3A_1944, %mul3A_1941 : vector<16xf32>
      %mul3A_1946 = arith.mulf %mul3A_1945, %mul3A_1941 : vector<16xf32>
      %sub3A_1947 = arith.constant 1.500000e+00 : f32
      %sub3A_1948 = vector.broadcast %sub3A_1947 : f32 to vector<16xf32>
      %sub3A_1949 = arith.subf %sub3A_1948, %mul3A_1946 : vector<16xf32>
      %mul3A_1950 = arith.mulf %mul3A_1941, %sub3A_1949 : vector<16xf32>
      %mul3A_1951 = arith.mulf %add3A_1911, %mul3A_1950 : vector<16xf32>
      %max3A_1952 = arith.constant 1.000000e-16 : f32
      %max3A_1953 = vector.broadcast %max3A_1952 : f32 to vector<16xf32>
      %max3A_1954 = arith.maximumf %add3A_1915, %max3A_1953 : vector<16xf32>
      %bitcast3A_1955 = vector.bitcast %max3A_1954 : vector<16xf32> to vector<16xi32>
      %shift_right_arithmetic3A_1956 = arith.constant 1 : i32
      %shift_right_arithmetic3A_1957 = vector.broadcast %shift_right_arithmetic3A_1956 : i32 to vector<16xi32>
      %shift_right_arithmetic3A_1958 = arith.shrsi %bitcast3A_1955, %shift_right_arithmetic3A_1957 : vector<16xi32>
      %sub3A_1959 = arith.constant 1597463007 : i32
      %sub3A_1960 = vector.broadcast %sub3A_1959 : i32 to vector<16xi32>
      %sub3A_1961 = arith.subi %sub3A_1960, %shift_right_arithmetic3A_1958 : vector<16xi32>
      %bitcast3A_1962 = vector.bitcast %sub3A_1961 : vector<16xi32> to vector<16xf32>
      %mul3A_1963 = arith.constant 5.000000e-01 : f32
      %mul3A_1964 = vector.broadcast %mul3A_1963 : f32 to vector<16xf32>
      %mul3A_1965 = arith.mulf %mul3A_1964, %max3A_1954 : vector<16xf32>
      %mul3A_1966 = arith.mulf %mul3A_1965, %bitcast3A_1962 : vector<16xf32>
      %mul3A_1967 = arith.mulf %mul3A_1966, %bitcast3A_1962 : vector<16xf32>
      %sub3A_1968 = arith.constant 1.500000e+00 : f32
      %sub3A_1969 = vector.broadcast %sub3A_1968 : f32 to vector<16xf32>
      %sub3A_1970 = arith.subf %sub3A_1969, %mul3A_1967 : vector<16xf32>
      %mul3A_1971 = arith.mulf %bitcast3A_1962, %sub3A_1970 : vector<16xf32>
      %mul3A_1972 = arith.constant 5.000000e-01 : f32
      %mul3A_1973 = vector.broadcast %mul3A_1972 : f32 to vector<16xf32>
      %mul3A_1974 = arith.mulf %mul3A_1973, %max3A_1954 : vector<16xf32>
      %mul3A_1975 = arith.mulf %mul3A_1974, %mul3A_1971 : vector<16xf32>
      %mul3A_1976 = arith.mulf %mul3A_1975, %mul3A_1971 : vector<16xf32>
      %sub3A_1977 = arith.constant 1.500000e+00 : f32
      %sub3A_1978 = vector.broadcast %sub3A_1977 : f32 to vector<16xf32>
      %sub3A_1979 = arith.subf %sub3A_1978, %mul3A_1976 : vector<16xf32>
      %mul3A_1980 = arith.mulf %mul3A_1971, %sub3A_1979 : vector<16xf32>
      %mul3A_1981 = arith.constant 5.000000e-01 : f32
      %mul3A_1982 = vector.broadcast %mul3A_1981 : f32 to vector<16xf32>
      %mul3A_1983 = arith.mulf %mul3A_1982, %max3A_1954 : vector<16xf32>
      %mul3A_1984 = arith.mulf %mul3A_1983, %mul3A_1980 : vector<16xf32>
      %mul3A_1985 = arith.mulf %mul3A_1984, %mul3A_1980 : vector<16xf32>
      %sub3A_1986 = arith.constant 1.500000e+00 : f32
      %sub3A_1987 = vector.broadcast %sub3A_1986 : f32 to vector<16xf32>
      %sub3A_1988 = arith.subf %sub3A_1987, %mul3A_1985 : vector<16xf32>
      %mul3A_1989 = arith.mulf %mul3A_1980, %sub3A_1988 : vector<16xf32>
      %mul3A_1990 = arith.mulf %mul3A_1951, %mul3A_1989 : vector<16xf32>
      %mul3A_1991 = arith.constant 5.000000e-01 : f32
      %mul3A_1992 = vector.broadcast %mul3A_1991 : f32 to vector<16xf32>
      %mul3A_1993 = arith.mulf %mul3A_1992, %mul3A_1990 : vector<16xf32>
      %add3A_1994 = arith.constant 5.000000e-01 : f32
      %add3A_1995 = vector.broadcast %add3A_1994 : f32 to vector<16xf32>
      %add3A_1996 = arith.addf %add3A_1995, %mul3A_1993 : vector<16xf32>
      %mul3A_1997 = arith.constant 32 : i32
      %mul3A_1998 = arith.muli %mul3A_712, %mul3A_1997 : i32
      %add3A_1999 = arith.constant 0 : i32
      %add3A_2000 = arith.addi %mul3A_1998, %add3A_1999 : i32
      %swap3A_2001 = arith.index_cast %add3A_2000 : i32 to index
      %swap3A_2002 = tpu.vector_load %arg10[%swap3A_2001] {strides = array<i32>} : memref<512xf32, #tpu.memory_space<vmem>>, vector<16xf32>,
      tpu.vector_store %arg10[%swap3A_2001], %add3A_1996 {strides = array<i32>} : memref<512xf32, #tpu.memory_space<vmem>>, vector<16xf32>,
      %mul3A_2003 = arith.constant 2 : i32
      %mul3A_2004 = vector.broadcast %mul3A_2003 : i32 to vector<16xi32>
      %mul3A_2005 = arith.muli %mul3A_2004, %iota3A : vector<16xi32>
      %add3A_2006 = arith.constant 32 : i32
      %add3A_2007 = vector.broadcast %add3A_2006 : i32 to vector<16xi32>
      %add3A_2008 = arith.addi %add3A_2007, %mul3A_2005 : vector<16xi32>
      %add3A_2009 = arith.constant 1 : i32
      %add3A_2010 = vector.broadcast %add3A_2009 : i32 to vector<16xi32>
      %add3A_2011 = arith.addi %add3A_2008, %add3A_2010 : vector<16xi32>
      %mul3A_2012 = arith.constant 64 : i32
      %mul3A_2013 = arith.muli %mul3A_712, %mul3A_2012 : i32
      %add3A_2014 = vector.broadcast %mul3A_2013 : i32 to vector<16xi32>
      %add3A_2015 = arith.addi %add3A_2014, %add3A_2008 : vector<16xi32>
      %gather3A_2016 = tpu.vector_load_idx %arg5[%add3A_2015] : memref<1024xi32, #tpu.memory_space<vmem>>[vector<16xi32>], vector<16xi32>,
      %mul3A_2017 = arith.constant 64 : i32
      %mul3A_2018 = arith.muli %mul3A_712, %mul3A_2017 : i32
      %add3A_2019 = vector.broadcast %mul3A_2018 : i32 to vector<16xi32>
      %add3A_2020 = arith.addi %add3A_2019, %add3A_2011 : vector<16xi32>
      %gather3A_2021 = tpu.vector_load_idx %arg5[%add3A_2020] : memref<1024xi32, #tpu.memory_space<vmem>>[vector<16xi32>], vector<16xi32>,
      %and3A_2022 = arith.constant 15 : i32
      %and3A_2023 = vector.broadcast %and3A_2022 : i32 to vector<16xi32>
      %and3A_2024 = arith.andi %gather3A_2016, %and3A_2023 : vector<16xi32>
      %and3A_2025 = arith.constant 15 : i32
      %and3A_2026 = vector.broadcast %and3A_2025 : i32 to vector<16xi32>
      %and3A_2027 = arith.andi %gather3A_2021, %and3A_2026 : vector<16xi32>
      %broadcast_in_dim3A_2028 = arith.constant 0.000000e+00 : f32
      %broadcast_in_dim3A_2029 = vector.broadcast %broadcast_in_dim3A_2028 : f32 to vector<16xf32>
      %broadcast_in_dim3A_2030 = arith.constant 0.000000e+00 : f32
      %broadcast_in_dim3A_2031 = vector.broadcast %broadcast_in_dim3A_2030 : f32 to vector<16xf32>
      %broadcast_in_dim3A_2032 = arith.constant 0.000000e+00 : f32
      %broadcast_in_dim3A_2033 = vector.broadcast %broadcast_in_dim3A_2032 : f32 to vector<16xf32>
      %add3A_2034 = arith.constant 0 : i32
      %add3A_2035 = vector.broadcast %add3A_2034 : i32 to vector<16xi32>
      %add3A_2036 = arith.addi %add3A_2035, %add3A_2008 : vector<16xi32>
      %gather3A_2037 = tpu.vector_load_idx %arg8[%add3A_2036, %and3A_2024] : memref<2048x16xf32, #tpu.memory_space<vmem>>[vector<16xi32>, vector<16xi32>], vector<16xf32>,
      %add3A_2038 = arith.constant 0 : i32
      %add3A_2039 = vector.broadcast %add3A_2038 : i32 to vector<16xi32>
      %add3A_2040 = arith.addi %add3A_2039, %add3A_2011 : vector<16xi32>
      %gather3A_2041 = tpu.vector_load_idx %arg8[%add3A_2040, %and3A_2027] : memref<2048x16xf32, #tpu.memory_space<vmem>>[vector<16xi32>, vector<16xi32>], vector<16xf32>,
      %mul3A_2042 = arith.mulf %gather3A_2037, %gather3A_2041 : vector<16xf32>
      %add3A_2043 = arith.addf %broadcast_in_dim3A_2029, %mul3A_2042 : vector<16xf32>
      %mul3A_2044 = arith.mulf %gather3A_2037, %gather3A_2037 : vector<16xf32>
      %add3A_2045 = arith.addf %broadcast_in_dim3A_2031, %mul3A_2044 : vector<16xf32>
      %mul3A_2046 = arith.mulf %gather3A_2041, %gather3A_2041 : vector<16xf32>
      %add3A_2047 = arith.addf %broadcast_in_dim3A_2033, %mul3A_2046 : vector<16xf32>
      %add3A_2048 = arith.constant 64 : i32
      %add3A_2049 = vector.broadcast %add3A_2048 : i32 to vector<16xi32>
      %add3A_2050 = arith.addi %add3A_2049, %add3A_2008 : vector<16xi32>
      %gather3A_2051 = tpu.vector_load_idx %arg8[%add3A_2050, %and3A_2024] : memref<2048x16xf32, #tpu.memory_space<vmem>>[vector<16xi32>, vector<16xi32>], vector<16xf32>,
      %add3A_2052 = arith.constant 64 : i32
      %add3A_2053 = vector.broadcast %add3A_2052 : i32 to vector<16xi32>
      %add3A_2054 = arith.addi %add3A_2053, %add3A_2011 : vector<16xi32>
      %gather3A_2055 = tpu.vector_load_idx %arg8[%add3A_2054, %and3A_2027] : memref<2048x16xf32, #tpu.memory_space<vmem>>[vector<16xi32>, vector<16xi32>], vector<16xf32>,
      %mul3A_2056 = arith.mulf %gather3A_2051, %gather3A_2055 : vector<16xf32>
      %add3A_2057 = arith.addf %add3A_2043, %mul3A_2056 : vector<16xf32>
      %mul3A_2058 = arith.mulf %gather3A_2051, %gather3A_2051 : vector<16xf32>
      %add3A_2059 = arith.addf %add3A_2045, %mul3A_2058 : vector<16xf32>
      %mul3A_2060 = arith.mulf %gather3A_2055, %gather3A_2055 : vector<16xf32>
      %add3A_2061 = arith.addf %add3A_2047, %mul3A_2060 : vector<16xf32>
      %add3A_2062 = arith.constant 128 : i32
      %add3A_2063 = vector.broadcast %add3A_2062 : i32 to vector<16xi32>
      %add3A_2064 = arith.addi %add3A_2063, %add3A_2008 : vector<16xi32>
      %gather3A_2065 = tpu.vector_load_idx %arg8[%add3A_2064, %and3A_2024] : memref<2048x16xf32, #tpu.memory_space<vmem>>[vector<16xi32>, vector<16xi32>], vector<16xf32>,
      %add3A_2066 = arith.constant 128 : i32
      %add3A_2067 = vector.broadcast %add3A_2066 : i32 to vector<16xi32>
      %add3A_2068 = arith.addi %add3A_2067, %add3A_2011 : vector<16xi32>
      %gather3A_2069 = tpu.vector_load_idx %arg8[%add3A_2068, %and3A_2027] : memref<2048x16xf32, #tpu.memory_space<vmem>>[vector<16xi32>, vector<16xi32>], vector<16xf32>,
      %mul3A_2070 = arith.mulf %gather3A_2065, %gather3A_2069 : vector<16xf32>
      %add3A_2071 = arith.addf %add3A_2057, %mul3A_2070 : vector<16xf32>
      %mul3A_2072 = arith.mulf %gather3A_2065, %gather3A_2065 : vector<16xf32>
      %add3A_2073 = arith.addf %add3A_2059, %mul3A_2072 : vector<16xf32>
      %mul3A_2074 = arith.mulf %gather3A_2069, %gather3A_2069 : vector<16xf32>
      %add3A_2075 = arith.addf %add3A_2061, %mul3A_2074 : vector<16xf32>
      %add3A_2076 = arith.constant 192 : i32
      %add3A_2077 = vector.broadcast %add3A_2076 : i32 to vector<16xi32>
      %add3A_2078 = arith.addi %add3A_2077, %add3A_2008 : vector<16xi32>
      %gather3A_2079 = tpu.vector_load_idx %arg8[%add3A_2078, %and3A_2024] : memref<2048x16xf32, #tpu.memory_space<vmem>>[vector<16xi32>, vector<16xi32>], vector<16xf32>,
      %add3A_2080 = arith.constant 192 : i32
      %add3A_2081 = vector.broadcast %add3A_2080 : i32 to vector<16xi32>
      %add3A_2082 = arith.addi %add3A_2081, %add3A_2011 : vector<16xi32>
      %gather3A_2083 = tpu.vector_load_idx %arg8[%add3A_2082, %and3A_2027] : memref<2048x16xf32, #tpu.memory_space<vmem>>[vector<16xi32>, vector<16xi32>], vector<16xf32>,
      %mul3A_2084 = arith.mulf %gather3A_2079, %gather3A_2083 : vector<16xf32>
      %add3A_2085 = arith.addf %add3A_2071, %mul3A_2084 : vector<16xf32>
      %mul3A_2086 = arith.mulf %gather3A_2079, %gather3A_2079 : vector<16xf32>
      %add3A_2087 = arith.addf %add3A_2073, %mul3A_2086 : vector<16xf32>
      %mul3A_2088 = arith.mulf %gather3A_2083, %gather3A_2083 : vector<16xf32>
      %add3A_2089 = arith.addf %add3A_2075, %mul3A_2088 : vector<16xf32>
      %add3A_2090 = arith.constant 256 : i32
      %add3A_2091 = vector.broadcast %add3A_2090 : i32 to vector<16xi32>
      %add3A_2092 = arith.addi %add3A_2091, %add3A_2008 : vector<16xi32>
      %gather3A_2093 = tpu.vector_load_idx %arg8[%add3A_2092, %and3A_2024] : memref<2048x16xf32, #tpu.memory_space<vmem>>[vector<16xi32>, vector<16xi32>], vector<16xf32>,
      %add3A_2094 = arith.constant 256 : i32
      %add3A_2095 = vector.broadcast %add3A_2094 : i32 to vector<16xi32>
      %add3A_2096 = arith.addi %add3A_2095, %add3A_2011 : vector<16xi32>
      %gather3A_2097 = tpu.vector_load_idx %arg8[%add3A_2096, %and3A_2027] : memref<2048x16xf32, #tpu.memory_space<vmem>>[vector<16xi32>, vector<16xi32>], vector<16xf32>,
      %mul3A_2098 = arith.mulf %gather3A_2093, %gather3A_2097 : vector<16xf32>
      %add3A_2099 = arith.addf %add3A_2085, %mul3A_2098 : vector<16xf32>
      %mul3A_2100 = arith.mulf %gather3A_2093, %gather3A_2093 : vector<16xf32>
      %add3A_2101 = arith.addf %add3A_2087, %mul3A_2100 : vector<16xf32>
      %mul3A_2102 = arith.mulf %gather3A_2097, %gather3A_2097 : vector<16xf32>
      %add3A_2103 = arith.addf %add3A_2089, %mul3A_2102 : vector<16xf32>
      %add3A_2104 = arith.constant 320 : i32
      %add3A_2105 = vector.broadcast %add3A_2104 : i32 to vector<16xi32>
      %add3A_2106 = arith.addi %add3A_2105, %add3A_2008 : vector<16xi32>
      %gather3A_2107 = tpu.vector_load_idx %arg8[%add3A_2106, %and3A_2024] : memref<2048x16xf32, #tpu.memory_space<vmem>>[vector<16xi32>, vector<16xi32>], vector<16xf32>,
      %add3A_2108 = arith.constant 320 : i32
      %add3A_2109 = vector.broadcast %add3A_2108 : i32 to vector<16xi32>
      %add3A_2110 = arith.addi %add3A_2109, %add3A_2011 : vector<16xi32>
      %gather3A_2111 = tpu.vector_load_idx %arg8[%add3A_2110, %and3A_2027] : memref<2048x16xf32, #tpu.memory_space<vmem>>[vector<16xi32>, vector<16xi32>], vector<16xf32>,
      %mul3A_2112 = arith.mulf %gather3A_2107, %gather3A_2111 : vector<16xf32>
      %add3A_2113 = arith.addf %add3A_2099, %mul3A_2112 : vector<16xf32>
      %mul3A_2114 = arith.mulf %gather3A_2107, %gather3A_2107 : vector<16xf32>
      %add3A_2115 = arith.addf %add3A_2101, %mul3A_2114 : vector<16xf32>
      %mul3A_2116 = arith.mulf %gather3A_2111, %gather3A_2111 : vector<16xf32>
      %add3A_2117 = arith.addf %add3A_2103, %mul3A_2116 : vector<16xf32>
      %add3A_2118 = arith.constant 384 : i32
      %add3A_2119 = vector.broadcast %add3A_2118 : i32 to vector<16xi32>
      %add3A_2120 = arith.addi %add3A_2119, %add3A_2008 : vector<16xi32>
      %gather3A_2121 = tpu.vector_load_idx %arg8[%add3A_2120, %and3A_2024] : memref<2048x16xf32, #tpu.memory_space<vmem>>[vector<16xi32>, vector<16xi32>], vector<16xf32>,
      %add3A_2122 = arith.constant 384 : i32
      %add3A_2123 = vector.broadcast %add3A_2122 : i32 to vector<16xi32>
      %add3A_2124 = arith.addi %add3A_2123, %add3A_2011 : vector<16xi32>
      %gather3A_2125 = tpu.vector_load_idx %arg8[%add3A_2124, %and3A_2027] : memref<2048x16xf32, #tpu.memory_space<vmem>>[vector<16xi32>, vector<16xi32>], vector<16xf32>,
      %mul3A_2126 = arith.mulf %gather3A_2121, %gather3A_2125 : vector<16xf32>
      %add3A_2127 = arith.addf %add3A_2113, %mul3A_2126 : vector<16xf32>
      %mul3A_2128 = arith.mulf %gather3A_2121, %gather3A_2121 : vector<16xf32>
      %add3A_2129 = arith.addf %add3A_2115, %mul3A_2128 : vector<16xf32>
      %mul3A_2130 = arith.mulf %gather3A_2125, %gather3A_2125 : vector<16xf32>
      %add3A_2131 = arith.addf %add3A_2117, %mul3A_2130 : vector<16xf32>
      %add3A_2132 = arith.constant 448 : i32
      %add3A_2133 = vector.broadcast %add3A_2132 : i32 to vector<16xi32>
      %add3A_2134 = arith.addi %add3A_2133, %add3A_2008 : vector<16xi32>
      %gather3A_2135 = tpu.vector_load_idx %arg8[%add3A_2134, %and3A_2024] : memref<2048x16xf32, #tpu.memory_space<vmem>>[vector<16xi32>, vector<16xi32>], vector<16xf32>,
      %add3A_2136 = arith.constant 448 : i32
      %add3A_2137 = vector.broadcast %add3A_2136 : i32 to vector<16xi32>
      %add3A_2138 = arith.addi %add3A_2137, %add3A_2011 : vector<16xi32>
      %gather3A_2139 = tpu.vector_load_idx %arg8[%add3A_2138, %and3A_2027] : memref<2048x16xf32, #tpu.memory_space<vmem>>[vector<16xi32>, vector<16xi32>], vector<16xf32>,
      %mul3A_2140 = arith.mulf %gather3A_2135, %gather3A_2139 : vector<16xf32>
      %add3A_2141 = arith.addf %add3A_2127, %mul3A_2140 : vector<16xf32>
      %mul3A_2142 = arith.mulf %gather3A_2135, %gather3A_2135 : vector<16xf32>
      %add3A_2143 = arith.addf %add3A_2129, %mul3A_2142 : vector<16xf32>
      %mul3A_2144 = arith.mulf %gather3A_2139, %gather3A_2139 : vector<16xf32>
      %add3A_2145 = arith.addf %add3A_2131, %mul3A_2144 : vector<16xf32>
      %add3A_2146 = arith.constant 512 : i32
      %add3A_2147 = vector.broadcast %add3A_2146 : i32 to vector<16xi32>
      %add3A_2148 = arith.addi %add3A_2147, %add3A_2008 : vector<16xi32>
      %gather3A_2149 = tpu.vector_load_idx %arg8[%add3A_2148, %and3A_2024] : memref<2048x16xf32, #tpu.memory_space<vmem>>[vector<16xi32>, vector<16xi32>], vector<16xf32>,
      %add3A_2150 = arith.constant 512 : i32
      %add3A_2151 = vector.broadcast %add3A_2150 : i32 to vector<16xi32>
      %add3A_2152 = arith.addi %add3A_2151, %add3A_2011 : vector<16xi32>
      %gather3A_2153 = tpu.vector_load_idx %arg8[%add3A_2152, %and3A_2027] : memref<2048x16xf32, #tpu.memory_space<vmem>>[vector<16xi32>, vector<16xi32>], vector<16xf32>,
      %mul3A_2154 = arith.mulf %gather3A_2149, %gather3A_2153 : vector<16xf32>
      %add3A_2155 = arith.addf %add3A_2141, %mul3A_2154 : vector<16xf32>
      %mul3A_2156 = arith.mulf %gather3A_2149, %gather3A_2149 : vector<16xf32>
      %add3A_2157 = arith.addf %add3A_2143, %mul3A_2156 : vector<16xf32>
      %mul3A_2158 = arith.mulf %gather3A_2153, %gather3A_2153 : vector<16xf32>
      %add3A_2159 = arith.addf %add3A_2145, %mul3A_2158 : vector<16xf32>
      %add3A_2160 = arith.constant 576 : i32
      %add3A_2161 = vector.broadcast %add3A_2160 : i32 to vector<16xi32>
      %add3A_2162 = arith.addi %add3A_2161, %add3A_2008 : vector<16xi32>
      %gather3A_2163 = tpu.vector_load_idx %arg8[%add3A_2162, %and3A_2024] : memref<2048x16xf32, #tpu.memory_space<vmem>>[vector<16xi32>, vector<16xi32>], vector<16xf32>,
      %add3A_2164 = arith.constant 576 : i32
      %add3A_2165 = vector.broadcast %add3A_2164 : i32 to vector<16xi32>
      %add3A_2166 = arith.addi %add3A_2165, %add3A_2011 : vector<16xi32>
      %gather3A_2167 = tpu.vector_load_idx %arg8[%add3A_2166, %and3A_2027] : memref<2048x16xf32, #tpu.memory_space<vmem>>[vector<16xi32>, vector<16xi32>], vector<16xf32>,
      %mul3A_2168 = arith.mulf %gather3A_2163, %gather3A_2167 : vector<16xf32>
      %add3A_2169 = arith.addf %add3A_2155, %mul3A_2168 : vector<16xf32>
      %mul3A_2170 = arith.mulf %gather3A_2163, %gather3A_2163 : vector<16xf32>
      %add3A_2171 = arith.addf %add3A_2157, %mul3A_2170 : vector<16xf32>
      %mul3A_2172 = arith.mulf %gather3A_2167, %gather3A_2167 : vector<16xf32>
      %add3A_2173 = arith.addf %add3A_2159, %mul3A_2172 : vector<16xf32>
      %add3A_2174 = arith.constant 640 : i32
      %add3A_2175 = vector.broadcast %add3A_2174 : i32 to vector<16xi32>
      %add3A_2176 = arith.addi %add3A_2175, %add3A_2008 : vector<16xi32>
      %gather3A_2177 = tpu.vector_load_idx %arg8[%add3A_2176, %and3A_2024] : memref<2048x16xf32, #tpu.memory_space<vmem>>[vector<16xi32>, vector<16xi32>], vector<16xf32>,
      %add3A_2178 = arith.constant 640 : i32
      %add3A_2179 = vector.broadcast %add3A_2178 : i32 to vector<16xi32>
      %add3A_2180 = arith.addi %add3A_2179, %add3A_2011 : vector<16xi32>
      %gather3A_2181 = tpu.vector_load_idx %arg8[%add3A_2180, %and3A_2027] : memref<2048x16xf32, #tpu.memory_space<vmem>>[vector<16xi32>, vector<16xi32>], vector<16xf32>,
      %mul3A_2182 = arith.mulf %gather3A_2177, %gather3A_2181 : vector<16xf32>
      %add3A_2183 = arith.addf %add3A_2169, %mul3A_2182 : vector<16xf32>
      %mul3A_2184 = arith.mulf %gather3A_2177, %gather3A_2177 : vector<16xf32>
      %add3A_2185 = arith.addf %add3A_2171, %mul3A_2184 : vector<16xf32>
      %mul3A_2186 = arith.mulf %gather3A_2181, %gather3A_2181 : vector<16xf32>
      %add3A_2187 = arith.addf %add3A_2173, %mul3A_2186 : vector<16xf32>
      %add3A_2188 = arith.constant 704 : i32
      %add3A_2189 = vector.broadcast %add3A_2188 : i32 to vector<16xi32>
      %add3A_2190 = arith.addi %add3A_2189, %add3A_2008 : vector<16xi32>
      %gather3A_2191 = tpu.vector_load_idx %arg8[%add3A_2190, %and3A_2024] : memref<2048x16xf32, #tpu.memory_space<vmem>>[vector<16xi32>, vector<16xi32>], vector<16xf32>,
      %add3A_2192 = arith.constant 704 : i32
      %add3A_2193 = vector.broadcast %add3A_2192 : i32 to vector<16xi32>
      %add3A_2194 = arith.addi %add3A_2193, %add3A_2011 : vector<16xi32>
      %gather3A_2195 = tpu.vector_load_idx %arg8[%add3A_2194, %and3A_2027] : memref<2048x16xf32, #tpu.memory_space<vmem>>[vector<16xi32>, vector<16xi32>], vector<16xf32>,
      %mul3A_2196 = arith.mulf %gather3A_2191, %gather3A_2195 : vector<16xf32>
      %add3A_2197 = arith.addf %add3A_2183, %mul3A_2196 : vector<16xf32>
      %mul3A_2198 = arith.mulf %gather3A_2191, %gather3A_2191 : vector<16xf32>
      %add3A_2199 = arith.addf %add3A_2185, %mul3A_2198 : vector<16xf32>
      %mul3A_2200 = arith.mulf %gather3A_2195, %gather3A_2195 : vector<16xf32>
      %add3A_2201 = arith.addf %add3A_2187, %mul3A_2200 : vector<16xf32>
      %add3A_2202 = arith.constant 768 : i32
      %add3A_2203 = vector.broadcast %add3A_2202 : i32 to vector<16xi32>
      %add3A_2204 = arith.addi %add3A_2203, %add3A_2008 : vector<16xi32>
      %gather3A_2205 = tpu.vector_load_idx %arg8[%add3A_2204, %and3A_2024] : memref<2048x16xf32, #tpu.memory_space<vmem>>[vector<16xi32>, vector<16xi32>], vector<16xf32>,
      %add3A_2206 = arith.constant 768 : i32
      %add3A_2207 = vector.broadcast %add3A_2206 : i32 to vector<16xi32>
      %add3A_2208 = arith.addi %add3A_2207, %add3A_2011 : vector<16xi32>
      %gather3A_2209 = tpu.vector_load_idx %arg8[%add3A_2208, %and3A_2027] : memref<2048x16xf32, #tpu.memory_space<vmem>>[vector<16xi32>, vector<16xi32>], vector<16xf32>,
      %mul3A_2210 = arith.mulf %gather3A_2205, %gather3A_2209 : vector<16xf32>
      %add3A_2211 = arith.addf %add3A_2197, %mul3A_2210 : vector<16xf32>
      %mul3A_2212 = arith.mulf %gather3A_2205, %gather3A_2205 : vector<16xf32>
      %add3A_2213 = arith.addf %add3A_2199, %mul3A_2212 : vector<16xf32>
      %mul3A_2214 = arith.mulf %gather3A_2209, %gather3A_2209 : vector<16xf32>
      %add3A_2215 = arith.addf %add3A_2201, %mul3A_2214 : vector<16xf32>
      %add3A_2216 = arith.constant 832 : i32
      %add3A_2217 = vector.broadcast %add3A_2216 : i32 to vector<16xi32>
      %add3A_2218 = arith.addi %add3A_2217, %add3A_2008 : vector<16xi32>
      %gather3A_2219 = tpu.vector_load_idx %arg8[%add3A_2218, %and3A_2024] : memref<2048x16xf32, #tpu.memory_space<vmem>>[vector<16xi32>, vector<16xi32>], vector<16xf32>,
      %add3A_2220 = arith.constant 832 : i32
      %add3A_2221 = vector.broadcast %add3A_2220 : i32 to vector<16xi32>
      %add3A_2222 = arith.addi %add3A_2221, %add3A_2011 : vector<16xi32>
      %gather3A_2223 = tpu.vector_load_idx %arg8[%add3A_2222, %and3A_2027] : memref<2048x16xf32, #tpu.memory_space<vmem>>[vector<16xi32>, vector<16xi32>], vector<16xf32>,
      %mul3A_2224 = arith.mulf %gather3A_2219, %gather3A_2223 : vector<16xf32>
      %add3A_2225 = arith.addf %add3A_2211, %mul3A_2224 : vector<16xf32>
      %mul3A_2226 = arith.mulf %gather3A_2219, %gather3A_2219 : vector<16xf32>
      %add3A_2227 = arith.addf %add3A_2213, %mul3A_2226 : vector<16xf32>
      %mul3A_2228 = arith.mulf %gather3A_2223, %gather3A_2223 : vector<16xf32>
      %add3A_2229 = arith.addf %add3A_2215, %mul3A_2228 : vector<16xf32>
      %add3A_2230 = arith.constant 896 : i32
      %add3A_2231 = vector.broadcast %add3A_2230 : i32 to vector<16xi32>
      %add3A_2232 = arith.addi %add3A_2231, %add3A_2008 : vector<16xi32>
      %gather3A_2233 = tpu.vector_load_idx %arg8[%add3A_2232, %and3A_2024] : memref<2048x16xf32, #tpu.memory_space<vmem>>[vector<16xi32>, vector<16xi32>], vector<16xf32>,
      %add3A_2234 = arith.constant 896 : i32
      %add3A_2235 = vector.broadcast %add3A_2234 : i32 to vector<16xi32>
      %add3A_2236 = arith.addi %add3A_2235, %add3A_2011 : vector<16xi32>
      %gather3A_2237 = tpu.vector_load_idx %arg8[%add3A_2236, %and3A_2027] : memref<2048x16xf32, #tpu.memory_space<vmem>>[vector<16xi32>, vector<16xi32>], vector<16xf32>,
      %mul3A_2238 = arith.mulf %gather3A_2233, %gather3A_2237 : vector<16xf32>
      %add3A_2239 = arith.addf %add3A_2225, %mul3A_2238 : vector<16xf32>
      %mul3A_2240 = arith.mulf %gather3A_2233, %gather3A_2233 : vector<16xf32>
      %add3A_2241 = arith.addf %add3A_2227, %mul3A_2240 : vector<16xf32>
      %mul3A_2242 = arith.mulf %gather3A_2237, %gather3A_2237 : vector<16xf32>
      %add3A_2243 = arith.addf %add3A_2229, %mul3A_2242 : vector<16xf32>
      %add3A_2244 = arith.constant 960 : i32
      %add3A_2245 = vector.broadcast %add3A_2244 : i32 to vector<16xi32>
      %add3A_2246 = arith.addi %add3A_2245, %add3A_2008 : vector<16xi32>
      %gather3A_2247 = tpu.vector_load_idx %arg8[%add3A_2246, %and3A_2024] : memref<2048x16xf32, #tpu.memory_space<vmem>>[vector<16xi32>, vector<16xi32>], vector<16xf32>,
      %add3A_2248 = arith.constant 960 : i32
      %add3A_2249 = vector.broadcast %add3A_2248 : i32 to vector<16xi32>
      %add3A_2250 = arith.addi %add3A_2249, %add3A_2011 : vector<16xi32>
      %gather3A_2251 = tpu.vector_load_idx %arg8[%add3A_2250, %and3A_2027] : memref<2048x16xf32, #tpu.memory_space<vmem>>[vector<16xi32>, vector<16xi32>], vector<16xf32>,
      %mul3A_2252 = arith.mulf %gather3A_2247, %gather3A_2251 : vector<16xf32>
      %add3A_2253 = arith.addf %add3A_2239, %mul3A_2252 : vector<16xf32>
      %mul3A_2254 = arith.mulf %gather3A_2247, %gather3A_2247 : vector<16xf32>
      %add3A_2255 = arith.addf %add3A_2241, %mul3A_2254 : vector<16xf32>
      %mul3A_2256 = arith.mulf %gather3A_2251, %gather3A_2251 : vector<16xf32>
      %add3A_2257 = arith.addf %add3A_2243, %mul3A_2256 : vector<16xf32>
      %add3A_2258 = arith.constant 1024 : i32
      %add3A_2259 = vector.broadcast %add3A_2258 : i32 to vector<16xi32>
      %add3A_2260 = arith.addi %add3A_2259, %add3A_2008 : vector<16xi32>
      %gather3A_2261 = tpu.vector_load_idx %arg8[%add3A_2260, %and3A_2024] : memref<2048x16xf32, #tpu.memory_space<vmem>>[vector<16xi32>, vector<16xi32>], vector<16xf32>,
      %add3A_2262 = arith.constant 1024 : i32
      %add3A_2263 = vector.broadcast %add3A_2262 : i32 to vector<16xi32>
      %add3A_2264 = arith.addi %add3A_2263, %add3A_2011 : vector<16xi32>
      %gather3A_2265 = tpu.vector_load_idx %arg8[%add3A_2264, %and3A_2027] : memref<2048x16xf32, #tpu.memory_space<vmem>>[vector<16xi32>, vector<16xi32>], vector<16xf32>,
      %mul3A_2266 = arith.mulf %gather3A_2261, %gather3A_2265 : vector<16xf32>
      %add3A_2267 = arith.addf %add3A_2253, %mul3A_2266 : vector<16xf32>
      %mul3A_2268 = arith.mulf %gather3A_2261, %gather3A_2261 : vector<16xf32>
      %add3A_2269 = arith.addf %add3A_2255, %mul3A_2268 : vector<16xf32>
      %mul3A_2270 = arith.mulf %gather3A_2265, %gather3A_2265 : vector<16xf32>
      %add3A_2271 = arith.addf %add3A_2257, %mul3A_2270 : vector<16xf32>
      %add3A_2272 = arith.constant 1088 : i32
      %add3A_2273 = vector.broadcast %add3A_2272 : i32 to vector<16xi32>
      %add3A_2274 = arith.addi %add3A_2273, %add3A_2008 : vector<16xi32>
      %gather3A_2275 = tpu.vector_load_idx %arg8[%add3A_2274, %and3A_2024] : memref<2048x16xf32, #tpu.memory_space<vmem>>[vector<16xi32>, vector<16xi32>], vector<16xf32>,
      %add3A_2276 = arith.constant 1088 : i32
      %add3A_2277 = vector.broadcast %add3A_2276 : i32 to vector<16xi32>
      %add3A_2278 = arith.addi %add3A_2277, %add3A_2011 : vector<16xi32>
      %gather3A_2279 = tpu.vector_load_idx %arg8[%add3A_2278, %and3A_2027] : memref<2048x16xf32, #tpu.memory_space<vmem>>[vector<16xi32>, vector<16xi32>], vector<16xf32>,
      %mul3A_2280 = arith.mulf %gather3A_2275, %gather3A_2279 : vector<16xf32>
      %add3A_2281 = arith.addf %add3A_2267, %mul3A_2280 : vector<16xf32>
      %mul3A_2282 = arith.mulf %gather3A_2275, %gather3A_2275 : vector<16xf32>
      %add3A_2283 = arith.addf %add3A_2269, %mul3A_2282 : vector<16xf32>
      %mul3A_2284 = arith.mulf %gather3A_2279, %gather3A_2279 : vector<16xf32>
      %add3A_2285 = arith.addf %add3A_2271, %mul3A_2284 : vector<16xf32>
      %add3A_2286 = arith.constant 1152 : i32
      %add3A_2287 = vector.broadcast %add3A_2286 : i32 to vector<16xi32>
      %add3A_2288 = arith.addi %add3A_2287, %add3A_2008 : vector<16xi32>
      %gather3A_2289 = tpu.vector_load_idx %arg8[%add3A_2288, %and3A_2024] : memref<2048x16xf32, #tpu.memory_space<vmem>>[vector<16xi32>, vector<16xi32>], vector<16xf32>,
      %add3A_2290 = arith.constant 1152 : i32
      %add3A_2291 = vector.broadcast %add3A_2290 : i32 to vector<16xi32>
      %add3A_2292 = arith.addi %add3A_2291, %add3A_2011 : vector<16xi32>
      %gather3A_2293 = tpu.vector_load_idx %arg8[%add3A_2292, %and3A_2027] : memref<2048x16xf32, #tpu.memory_space<vmem>>[vector<16xi32>, vector<16xi32>], vector<16xf32>,
      %mul3A_2294 = arith.mulf %gather3A_2289, %gather3A_2293 : vector<16xf32>
      %add3A_2295 = arith.addf %add3A_2281, %mul3A_2294 : vector<16xf32>
      %mul3A_2296 = arith.mulf %gather3A_2289, %gather3A_2289 : vector<16xf32>
      %add3A_2297 = arith.addf %add3A_2283, %mul3A_2296 : vector<16xf32>
      %mul3A_2298 = arith.mulf %gather3A_2293, %gather3A_2293 : vector<16xf32>
      %add3A_2299 = arith.addf %add3A_2285, %mul3A_2298 : vector<16xf32>
      %add3A_2300 = arith.constant 1216 : i32
      %add3A_2301 = vector.broadcast %add3A_2300 : i32 to vector<16xi32>
      %add3A_2302 = arith.addi %add3A_2301, %add3A_2008 : vector<16xi32>
      %gather3A_2303 = tpu.vector_load_idx %arg8[%add3A_2302, %and3A_2024] : memref<2048x16xf32, #tpu.memory_space<vmem>>[vector<16xi32>, vector<16xi32>], vector<16xf32>,
      %add3A_2304 = arith.constant 1216 : i32
      %add3A_2305 = vector.broadcast %add3A_2304 : i32 to vector<16xi32>
      %add3A_2306 = arith.addi %add3A_2305, %add3A_2011 : vector<16xi32>
      %gather3A_2307 = tpu.vector_load_idx %arg8[%add3A_2306, %and3A_2027] : memref<2048x16xf32, #tpu.memory_space<vmem>>[vector<16xi32>, vector<16xi32>], vector<16xf32>,
      %mul3A_2308 = arith.mulf %gather3A_2303, %gather3A_2307 : vector<16xf32>
      %add3A_2309 = arith.addf %add3A_2295, %mul3A_2308 : vector<16xf32>
      %mul3A_2310 = arith.mulf %gather3A_2303, %gather3A_2303 : vector<16xf32>
      %add3A_2311 = arith.addf %add3A_2297, %mul3A_2310 : vector<16xf32>
      %mul3A_2312 = arith.mulf %gather3A_2307, %gather3A_2307 : vector<16xf32>
      %add3A_2313 = arith.addf %add3A_2299, %mul3A_2312 : vector<16xf32>
      %add3A_2314 = arith.constant 1280 : i32
      %add3A_2315 = vector.broadcast %add3A_2314 : i32 to vector<16xi32>
      %add3A_2316 = arith.addi %add3A_2315, %add3A_2008 : vector<16xi32>
      %gather3A_2317 = tpu.vector_load_idx %arg8[%add3A_2316, %and3A_2024] : memref<2048x16xf32, #tpu.memory_space<vmem>>[vector<16xi32>, vector<16xi32>], vector<16xf32>,
      %add3A_2318 = arith.constant 1280 : i32
      %add3A_2319 = vector.broadcast %add3A_2318 : i32 to vector<16xi32>
      %add3A_2320 = arith.addi %add3A_2319, %add3A_2011 : vector<16xi32>
      %gather3A_2321 = tpu.vector_load_idx %arg8[%add3A_2320, %and3A_2027] : memref<2048x16xf32, #tpu.memory_space<vmem>>[vector<16xi32>, vector<16xi32>], vector<16xf32>,
      %mul3A_2322 = arith.mulf %gather3A_2317, %gather3A_2321 : vector<16xf32>
      %add3A_2323 = arith.addf %add3A_2309, %mul3A_2322 : vector<16xf32>
      %mul3A_2324 = arith.mulf %gather3A_2317, %gather3A_2317 : vector<16xf32>
      %add3A_2325 = arith.addf %add3A_2311, %mul3A_2324 : vector<16xf32>
      %mul3A_2326 = arith.mulf %gather3A_2321, %gather3A_2321 : vector<16xf32>
      %add3A_2327 = arith.addf %add3A_2313, %mul3A_2326 : vector<16xf32>
      %add3A_2328 = arith.constant 1344 : i32
      %add3A_2329 = vector.broadcast %add3A_2328 : i32 to vector<16xi32>
      %add3A_2330 = arith.addi %add3A_2329, %add3A_2008 : vector<16xi32>
      %gather3A_2331 = tpu.vector_load_idx %arg8[%add3A_2330, %and3A_2024] : memref<2048x16xf32, #tpu.memory_space<vmem>>[vector<16xi32>, vector<16xi32>], vector<16xf32>,
      %add3A_2332 = arith.constant 1344 : i32
      %add3A_2333 = vector.broadcast %add3A_2332 : i32 to vector<16xi32>
      %add3A_2334 = arith.addi %add3A_2333, %add3A_2011 : vector<16xi32>
      %gather3A_2335 = tpu.vector_load_idx %arg8[%add3A_2334, %and3A_2027] : memref<2048x16xf32, #tpu.memory_space<vmem>>[vector<16xi32>, vector<16xi32>], vector<16xf32>,
      %mul3A_2336 = arith.mulf %gather3A_2331, %gather3A_2335 : vector<16xf32>
      %add3A_2337 = arith.addf %add3A_2323, %mul3A_2336 : vector<16xf32>
      %mul3A_2338 = arith.mulf %gather3A_2331, %gather3A_2331 : vector<16xf32>
      %add3A_2339 = arith.addf %add3A_2325, %mul3A_2338 : vector<16xf32>
      %mul3A_2340 = arith.mulf %gather3A_2335, %gather3A_2335 : vector<16xf32>
      %add3A_2341 = arith.addf %add3A_2327, %mul3A_2340 : vector<16xf32>
      %add3A_2342 = arith.constant 1408 : i32
      %add3A_2343 = vector.broadcast %add3A_2342 : i32 to vector<16xi32>
      %add3A_2344 = arith.addi %add3A_2343, %add3A_2008 : vector<16xi32>
      %gather3A_2345 = tpu.vector_load_idx %arg8[%add3A_2344, %and3A_2024] : memref<2048x16xf32, #tpu.memory_space<vmem>>[vector<16xi32>, vector<16xi32>], vector<16xf32>,
      %add3A_2346 = arith.constant 1408 : i32
      %add3A_2347 = vector.broadcast %add3A_2346 : i32 to vector<16xi32>
      %add3A_2348 = arith.addi %add3A_2347, %add3A_2011 : vector<16xi32>
      %gather3A_2349 = tpu.vector_load_idx %arg8[%add3A_2348, %and3A_2027] : memref<2048x16xf32, #tpu.memory_space<vmem>>[vector<16xi32>, vector<16xi32>], vector<16xf32>,
      %mul3A_2350 = arith.mulf %gather3A_2345, %gather3A_2349 : vector<16xf32>
      %add3A_2351 = arith.addf %add3A_2337, %mul3A_2350 : vector<16xf32>
      %mul3A_2352 = arith.mulf %gather3A_2345, %gather3A_2345 : vector<16xf32>
      %add3A_2353 = arith.addf %add3A_2339, %mul3A_2352 : vector<16xf32>
      %mul3A_2354 = arith.mulf %gather3A_2349, %gather3A_2349 : vector<16xf32>
      %add3A_2355 = arith.addf %add3A_2341, %mul3A_2354 : vector<16xf32>
      %add3A_2356 = arith.constant 1472 : i32
      %add3A_2357 = vector.broadcast %add3A_2356 : i32 to vector<16xi32>
      %add3A_2358 = arith.addi %add3A_2357, %add3A_2008 : vector<16xi32>
      %gather3A_2359 = tpu.vector_load_idx %arg8[%add3A_2358, %and3A_2024] : memref<2048x16xf32, #tpu.memory_space<vmem>>[vector<16xi32>, vector<16xi32>], vector<16xf32>,
      %add3A_2360 = arith.constant 1472 : i32
      %add3A_2361 = vector.broadcast %add3A_2360 : i32 to vector<16xi32>
      %add3A_2362 = arith.addi %add3A_2361, %add3A_2011 : vector<16xi32>
      %gather3A_2363 = tpu.vector_load_idx %arg8[%add3A_2362, %and3A_2027] : memref<2048x16xf32, #tpu.memory_space<vmem>>[vector<16xi32>, vector<16xi32>], vector<16xf32>,
      %mul3A_2364 = arith.mulf %gather3A_2359, %gather3A_2363 : vector<16xf32>
      %add3A_2365 = arith.addf %add3A_2351, %mul3A_2364 : vector<16xf32>
      %mul3A_2366 = arith.mulf %gather3A_2359, %gather3A_2359 : vector<16xf32>
      %add3A_2367 = arith.addf %add3A_2353, %mul3A_2366 : vector<16xf32>
      %mul3A_2368 = arith.mulf %gather3A_2363, %gather3A_2363 : vector<16xf32>
      %add3A_2369 = arith.addf %add3A_2355, %mul3A_2368 : vector<16xf32>
      %add3A_2370 = arith.constant 1536 : i32
      %add3A_2371 = vector.broadcast %add3A_2370 : i32 to vector<16xi32>
      %add3A_2372 = arith.addi %add3A_2371, %add3A_2008 : vector<16xi32>
      %gather3A_2373 = tpu.vector_load_idx %arg8[%add3A_2372, %and3A_2024] : memref<2048x16xf32, #tpu.memory_space<vmem>>[vector<16xi32>, vector<16xi32>], vector<16xf32>,
      %add3A_2374 = arith.constant 1536 : i32
      %add3A_2375 = vector.broadcast %add3A_2374 : i32 to vector<16xi32>
      %add3A_2376 = arith.addi %add3A_2375, %add3A_2011 : vector<16xi32>
      %gather3A_2377 = tpu.vector_load_idx %arg8[%add3A_2376, %and3A_2027] : memref<2048x16xf32, #tpu.memory_space<vmem>>[vector<16xi32>, vector<16xi32>], vector<16xf32>,
      %mul3A_2378 = arith.mulf %gather3A_2373, %gather3A_2377 : vector<16xf32>
      %add3A_2379 = arith.addf %add3A_2365, %mul3A_2378 : vector<16xf32>
      %mul3A_2380 = arith.mulf %gather3A_2373, %gather3A_2373 : vector<16xf32>
      %add3A_2381 = arith.addf %add3A_2367, %mul3A_2380 : vector<16xf32>
      %mul3A_2382 = arith.mulf %gather3A_2377, %gather3A_2377 : vector<16xf32>
      %add3A_2383 = arith.addf %add3A_2369, %mul3A_2382 : vector<16xf32>
      %add3A_2384 = arith.constant 1600 : i32
      %add3A_2385 = vector.broadcast %add3A_2384 : i32 to vector<16xi32>
      %add3A_2386 = arith.addi %add3A_2385, %add3A_2008 : vector<16xi32>
      %gather3A_2387 = tpu.vector_load_idx %arg8[%add3A_2386, %and3A_2024] : memref<2048x16xf32, #tpu.memory_space<vmem>>[vector<16xi32>, vector<16xi32>], vector<16xf32>,
      %add3A_2388 = arith.constant 1600 : i32
      %add3A_2389 = vector.broadcast %add3A_2388 : i32 to vector<16xi32>
      %add3A_2390 = arith.addi %add3A_2389, %add3A_2011 : vector<16xi32>
      %gather3A_2391 = tpu.vector_load_idx %arg8[%add3A_2390, %and3A_2027] : memref<2048x16xf32, #tpu.memory_space<vmem>>[vector<16xi32>, vector<16xi32>], vector<16xf32>,
      %mul3A_2392 = arith.mulf %gather3A_2387, %gather3A_2391 : vector<16xf32>
      %add3A_2393 = arith.addf %add3A_2379, %mul3A_2392 : vector<16xf32>
      %mul3A_2394 = arith.mulf %gather3A_2387, %gather3A_2387 : vector<16xf32>
      %add3A_2395 = arith.addf %add3A_2381, %mul3A_2394 : vector<16xf32>
      %mul3A_2396 = arith.mulf %gather3A_2391, %gather3A_2391 : vector<16xf32>
      %add3A_2397 = arith.addf %add3A_2383, %mul3A_2396 : vector<16xf32>
      %add3A_2398 = arith.constant 1664 : i32
      %add3A_2399 = vector.broadcast %add3A_2398 : i32 to vector<16xi32>
      %add3A_2400 = arith.addi %add3A_2399, %add3A_2008 : vector<16xi32>
      %gather3A_2401 = tpu.vector_load_idx %arg8[%add3A_2400, %and3A_2024] : memref<2048x16xf32, #tpu.memory_space<vmem>>[vector<16xi32>, vector<16xi32>], vector<16xf32>,
      %add3A_2402 = arith.constant 1664 : i32
      %add3A_2403 = vector.broadcast %add3A_2402 : i32 to vector<16xi32>
      %add3A_2404 = arith.addi %add3A_2403, %add3A_2011 : vector<16xi32>
      %gather3A_2405 = tpu.vector_load_idx %arg8[%add3A_2404, %and3A_2027] : memref<2048x16xf32, #tpu.memory_space<vmem>>[vector<16xi32>, vector<16xi32>], vector<16xf32>,
      %mul3A_2406 = arith.mulf %gather3A_2401, %gather3A_2405 : vector<16xf32>
      %add3A_2407 = arith.addf %add3A_2393, %mul3A_2406 : vector<16xf32>
      %mul3A_2408 = arith.mulf %gather3A_2401, %gather3A_2401 : vector<16xf32>
      %add3A_2409 = arith.addf %add3A_2395, %mul3A_2408 : vector<16xf32>
      %mul3A_2410 = arith.mulf %gather3A_2405, %gather3A_2405 : vector<16xf32>
      %add3A_2411 = arith.addf %add3A_2397, %mul3A_2410 : vector<16xf32>
      %add3A_2412 = arith.constant 1728 : i32
      %add3A_2413 = vector.broadcast %add3A_2412 : i32 to vector<16xi32>
      %add3A_2414 = arith.addi %add3A_2413, %add3A_2008 : vector<16xi32>
      %gather3A_2415 = tpu.vector_load_idx %arg8[%add3A_2414, %and3A_2024] : memref<2048x16xf32, #tpu.memory_space<vmem>>[vector<16xi32>, vector<16xi32>], vector<16xf32>,
      %add3A_2416 = arith.constant 1728 : i32
      %add3A_2417 = vector.broadcast %add3A_2416 : i32 to vector<16xi32>
      %add3A_2418 = arith.addi %add3A_2417, %add3A_2011 : vector<16xi32>
      %gather3A_2419 = tpu.vector_load_idx %arg8[%add3A_2418, %and3A_2027] : memref<2048x16xf32, #tpu.memory_space<vmem>>[vector<16xi32>, vector<16xi32>], vector<16xf32>,
      %mul3A_2420 = arith.mulf %gather3A_2415, %gather3A_2419 : vector<16xf32>
      %add3A_2421 = arith.addf %add3A_2407, %mul3A_2420 : vector<16xf32>
      %mul3A_2422 = arith.mulf %gather3A_2415, %gather3A_2415 : vector<16xf32>
      %add3A_2423 = arith.addf %add3A_2409, %mul3A_2422 : vector<16xf32>
      %mul3A_2424 = arith.mulf %gather3A_2419, %gather3A_2419 : vector<16xf32>
      %add3A_2425 = arith.addf %add3A_2411, %mul3A_2424 : vector<16xf32>
      %add3A_2426 = arith.constant 1792 : i32
      %add3A_2427 = vector.broadcast %add3A_2426 : i32 to vector<16xi32>
      %add3A_2428 = arith.addi %add3A_2427, %add3A_2008 : vector<16xi32>
      %gather3A_2429 = tpu.vector_load_idx %arg8[%add3A_2428, %and3A_2024] : memref<2048x16xf32, #tpu.memory_space<vmem>>[vector<16xi32>, vector<16xi32>], vector<16xf32>,
      %add3A_2430 = arith.constant 1792 : i32
      %add3A_2431 = vector.broadcast %add3A_2430 : i32 to vector<16xi32>
      %add3A_2432 = arith.addi %add3A_2431, %add3A_2011 : vector<16xi32>
      %gather3A_2433 = tpu.vector_load_idx %arg8[%add3A_2432, %and3A_2027] : memref<2048x16xf32, #tpu.memory_space<vmem>>[vector<16xi32>, vector<16xi32>], vector<16xf32>,
      %mul3A_2434 = arith.mulf %gather3A_2429, %gather3A_2433 : vector<16xf32>
      %add3A_2435 = arith.addf %add3A_2421, %mul3A_2434 : vector<16xf32>
      %mul3A_2436 = arith.mulf %gather3A_2429, %gather3A_2429 : vector<16xf32>
      %add3A_2437 = arith.addf %add3A_2423, %mul3A_2436 : vector<16xf32>
      %mul3A_2438 = arith.mulf %gather3A_2433, %gather3A_2433 : vector<16xf32>
      %add3A_2439 = arith.addf %add3A_2425, %mul3A_2438 : vector<16xf32>
      %add3A_2440 = arith.constant 1856 : i32
      %add3A_2441 = vector.broadcast %add3A_2440 : i32 to vector<16xi32>
      %add3A_2442 = arith.addi %add3A_2441, %add3A_2008 : vector<16xi32>
      %gather3A_2443 = tpu.vector_load_idx %arg8[%add3A_2442, %and3A_2024] : memref<2048x16xf32, #tpu.memory_space<vmem>>[vector<16xi32>, vector<16xi32>], vector<16xf32>,
      %add3A_2444 = arith.constant 1856 : i32
      %add3A_2445 = vector.broadcast %add3A_2444 : i32 to vector<16xi32>
      %add3A_2446 = arith.addi %add3A_2445, %add3A_2011 : vector<16xi32>
      %gather3A_2447 = tpu.vector_load_idx %arg8[%add3A_2446, %and3A_2027] : memref<2048x16xf32, #tpu.memory_space<vmem>>[vector<16xi32>, vector<16xi32>], vector<16xf32>,
      %mul3A_2448 = arith.mulf %gather3A_2443, %gather3A_2447 : vector<16xf32>
      %add3A_2449 = arith.addf %add3A_2435, %mul3A_2448 : vector<16xf32>
      %mul3A_2450 = arith.mulf %gather3A_2443, %gather3A_2443 : vector<16xf32>
      %add3A_2451 = arith.addf %add3A_2437, %mul3A_2450 : vector<16xf32>
      %mul3A_2452 = arith.mulf %gather3A_2447, %gather3A_2447 : vector<16xf32>
      %add3A_2453 = arith.addf %add3A_2439, %mul3A_2452 : vector<16xf32>
      %add3A_2454 = arith.constant 1920 : i32
      %add3A_2455 = vector.broadcast %add3A_2454 : i32 to vector<16xi32>
      %add3A_2456 = arith.addi %add3A_2455, %add3A_2008 : vector<16xi32>
      %gather3A_2457 = tpu.vector_load_idx %arg8[%add3A_2456, %and3A_2024] : memref<2048x16xf32, #tpu.memory_space<vmem>>[vector<16xi32>, vector<16xi32>], vector<16xf32>,
      %add3A_2458 = arith.constant 1920 : i32
      %add3A_2459 = vector.broadcast %add3A_2458 : i32 to vector<16xi32>
      %add3A_2460 = arith.addi %add3A_2459, %add3A_2011 : vector<16xi32>
      %gather3A_2461 = tpu.vector_load_idx %arg8[%add3A_2460, %and3A_2027] : memref<2048x16xf32, #tpu.memory_space<vmem>>[vector<16xi32>, vector<16xi32>], vector<16xf32>,
      %mul3A_2462 = arith.mulf %gather3A_2457, %gather3A_2461 : vector<16xf32>
      %add3A_2463 = arith.addf %add3A_2449, %mul3A_2462 : vector<16xf32>
      %mul3A_2464 = arith.mulf %gather3A_2457, %gather3A_2457 : vector<16xf32>
      %add3A_2465 = arith.addf %add3A_2451, %mul3A_2464 : vector<16xf32>
      %mul3A_2466 = arith.mulf %gather3A_2461, %gather3A_2461 : vector<16xf32>
      %add3A_2467 = arith.addf %add3A_2453, %mul3A_2466 : vector<16xf32>
      %add3A_2468 = arith.constant 1984 : i32
      %add3A_2469 = vector.broadcast %add3A_2468 : i32 to vector<16xi32>
      %add3A_2470 = arith.addi %add3A_2469, %add3A_2008 : vector<16xi32>
      %gather3A_2471 = tpu.vector_load_idx %arg8[%add3A_2470, %and3A_2024] : memref<2048x16xf32, #tpu.memory_space<vmem>>[vector<16xi32>, vector<16xi32>], vector<16xf32>,
      %add3A_2472 = arith.constant 1984 : i32
      %add3A_2473 = vector.broadcast %add3A_2472 : i32 to vector<16xi32>
      %add3A_2474 = arith.addi %add3A_2473, %add3A_2011 : vector<16xi32>
      %gather3A_2475 = tpu.vector_load_idx %arg8[%add3A_2474, %and3A_2027] : memref<2048x16xf32, #tpu.memory_space<vmem>>[vector<16xi32>, vector<16xi32>], vector<16xf32>,
      %mul3A_2476 = arith.mulf %gather3A_2471, %gather3A_2475 : vector<16xf32>
      %add3A_2477 = arith.addf %add3A_2463, %mul3A_2476 : vector<16xf32>
      %mul3A_2478 = arith.mulf %gather3A_2471, %gather3A_2471 : vector<16xf32>
      %add3A_2479 = arith.addf %add3A_2465, %mul3A_2478 : vector<16xf32>
      %mul3A_2480 = arith.mulf %gather3A_2475, %gather3A_2475 : vector<16xf32>
      %add3A_2481 = arith.addf %add3A_2467, %mul3A_2480 : vector<16xf32>
      %max3A_2482 = arith.constant 1.000000e-16 : f32
      %max3A_2483 = vector.broadcast %max3A_2482 : f32 to vector<16xf32>
      %max3A_2484 = arith.maximumf %add3A_2479, %max3A_2483 : vector<16xf32>
      %bitcast3A_2485 = vector.bitcast %max3A_2484 : vector<16xf32> to vector<16xi32>
      %shift_right_arithmetic3A_2486 = arith.constant 1 : i32
      %shift_right_arithmetic3A_2487 = vector.broadcast %shift_right_arithmetic3A_2486 : i32 to vector<16xi32>
      %shift_right_arithmetic3A_2488 = arith.shrsi %bitcast3A_2485, %shift_right_arithmetic3A_2487 : vector<16xi32>
      %sub3A_2489 = arith.constant 1597463007 : i32
      %sub3A_2490 = vector.broadcast %sub3A_2489 : i32 to vector<16xi32>
      %sub3A_2491 = arith.subi %sub3A_2490, %shift_right_arithmetic3A_2488 : vector<16xi32>
      %bitcast3A_2492 = vector.bitcast %sub3A_2491 : vector<16xi32> to vector<16xf32>
      %mul3A_2493 = arith.constant 5.000000e-01 : f32
      %mul3A_2494 = vector.broadcast %mul3A_2493 : f32 to vector<16xf32>
      %mul3A_2495 = arith.mulf %mul3A_2494, %max3A_2484 : vector<16xf32>
      %mul3A_2496 = arith.mulf %mul3A_2495, %bitcast3A_2492 : vector<16xf32>
      %mul3A_2497 = arith.mulf %mul3A_2496, %bitcast3A_2492 : vector<16xf32>
      %sub3A_2498 = arith.constant 1.500000e+00 : f32
      %sub3A_2499 = vector.broadcast %sub3A_2498 : f32 to vector<16xf32>
      %sub3A_2500 = arith.subf %sub3A_2499, %mul3A_2497 : vector<16xf32>
      %mul3A_2501 = arith.mulf %bitcast3A_2492, %sub3A_2500 : vector<16xf32>
      %mul3A_2502 = arith.constant 5.000000e-01 : f32
      %mul3A_2503 = vector.broadcast %mul3A_2502 : f32 to vector<16xf32>
      %mul3A_2504 = arith.mulf %mul3A_2503, %max3A_2484 : vector<16xf32>
      %mul3A_2505 = arith.mulf %mul3A_2504, %mul3A_2501 : vector<16xf32>
      %mul3A_2506 = arith.mulf %mul3A_2505, %mul3A_2501 : vector<16xf32>
      %sub3A_2507 = arith.constant 1.500000e+00 : f32
      %sub3A_2508 = vector.broadcast %sub3A_2507 : f32 to vector<16xf32>
      %sub3A_2509 = arith.subf %sub3A_2508, %mul3A_2506 : vector<16xf32>
      %mul3A_2510 = arith.mulf %mul3A_2501, %sub3A_2509 : vector<16xf32>
      %mul3A_2511 = arith.constant 5.000000e-01 : f32
      %mul3A_2512 = vector.broadcast %mul3A_2511 : f32 to vector<16xf32>
      %mul3A_2513 = arith.mulf %mul3A_2512, %max3A_2484 : vector<16xf32>
      %mul3A_2514 = arith.mulf %mul3A_2513, %mul3A_2510 : vector<16xf32>
      %mul3A_2515 = arith.mulf %mul3A_2514, %mul3A_2510 : vector<16xf32>
      %sub3A_2516 = arith.constant 1.500000e+00 : f32
      %sub3A_2517 = vector.broadcast %sub3A_2516 : f32 to vector<16xf32>
      %sub3A_2518 = arith.subf %sub3A_2517, %mul3A_2515 : vector<16xf32>
      %mul3A_2519 = arith.mulf %mul3A_2510, %sub3A_2518 : vector<16xf32>
      %mul3A_2520 = arith.mulf %add3A_2477, %mul3A_2519 : vector<16xf32>
      %max3A_2521 = arith.constant 1.000000e-16 : f32
      %max3A_2522 = vector.broadcast %max3A_2521 : f32 to vector<16xf32>
      %max3A_2523 = arith.maximumf %add3A_2481, %max3A_2522 : vector<16xf32>
      %bitcast3A_2524 = vector.bitcast %max3A_2523 : vector<16xf32> to vector<16xi32>
      %shift_right_arithmetic3A_2525 = arith.constant 1 : i32
      %shift_right_arithmetic3A_2526 = vector.broadcast %shift_right_arithmetic3A_2525 : i32 to vector<16xi32>
      %shift_right_arithmetic3A_2527 = arith.shrsi %bitcast3A_2524, %shift_right_arithmetic3A_2526 : vector<16xi32>
      %sub3A_2528 = arith.constant 1597463007 : i32
      %sub3A_2529 = vector.broadcast %sub3A_2528 : i32 to vector<16xi32>
      %sub3A_2530 = arith.subi %sub3A_2529, %shift_right_arithmetic3A_2527 : vector<16xi32>
      %bitcast3A_2531 = vector.bitcast %sub3A_2530 : vector<16xi32> to vector<16xf32>
      %mul3A_2532 = arith.constant 5.000000e-01 : f32
      %mul3A_2533 = vector.broadcast %mul3A_2532 : f32 to vector<16xf32>
      %mul3A_2534 = arith.mulf %mul3A_2533, %max3A_2523 : vector<16xf32>
      %mul3A_2535 = arith.mulf %mul3A_2534, %bitcast3A_2531 : vector<16xf32>
      %mul3A_2536 = arith.mulf %mul3A_2535, %bitcast3A_2531 : vector<16xf32>
      %sub3A_2537 = arith.constant 1.500000e+00 : f32
      %sub3A_2538 = vector.broadcast %sub3A_2537 : f32 to vector<16xf32>
      %sub3A_2539 = arith.subf %sub3A_2538, %mul3A_2536 : vector<16xf32>
      %mul3A_2540 = arith.mulf %bitcast3A_2531, %sub3A_2539 : vector<16xf32>
      %mul3A_2541 = arith.constant 5.000000e-01 : f32
      %mul3A_2542 = vector.broadcast %mul3A_2541 : f32 to vector<16xf32>
      %mul3A_2543 = arith.mulf %mul3A_2542, %max3A_2523 : vector<16xf32>
      %mul3A_2544 = arith.mulf %mul3A_2543, %mul3A_2540 : vector<16xf32>
      %mul3A_2545 = arith.mulf %mul3A_2544, %mul3A_2540 : vector<16xf32>
      %sub3A_2546 = arith.constant 1.500000e+00 : f32
      %sub3A_2547 = vector.broadcast %sub3A_2546 : f32 to vector<16xf32>
      %sub3A_2548 = arith.subf %sub3A_2547, %mul3A_2545 : vector<16xf32>
      %mul3A_2549 = arith.mulf %mul3A_2540, %sub3A_2548 : vector<16xf32>
      %mul3A_2550 = arith.constant 5.000000e-01 : f32
      %mul3A_2551 = vector.broadcast %mul3A_2550 : f32 to vector<16xf32>
      %mul3A_2552 = arith.mulf %mul3A_2551, %max3A_2523 : vector<16xf32>
      %mul3A_2553 = arith.mulf %mul3A_2552, %mul3A_2549 : vector<16xf32>
      %mul3A_2554 = arith.mulf %mul3A_2553, %mul3A_2549 : vector<16xf32>
      %sub3A_2555 = arith.constant 1.500000e+00 : f32
      %sub3A_2556 = vector.broadcast %sub3A_2555 : f32 to vector<16xf32>
      %sub3A_2557 = arith.subf %sub3A_2556, %mul3A_2554 : vector<16xf32>
      %mul3A_2558 = arith.mulf %mul3A_2549, %sub3A_2557 : vector<16xf32>
      %mul3A_2559 = arith.mulf %mul3A_2520, %mul3A_2558 : vector<16xf32>
      %mul3A_2560 = arith.constant 5.000000e-01 : f32
      %mul3A_2561 = vector.broadcast %mul3A_2560 : f32 to vector<16xf32>
      %mul3A_2562 = arith.mulf %mul3A_2561, %mul3A_2559 : vector<16xf32>
      %add3A_2563 = arith.constant 5.000000e-01 : f32
      %add3A_2564 = vector.broadcast %add3A_2563 : f32 to vector<16xf32>
      %add3A_2565 = arith.addf %add3A_2564, %mul3A_2562 : vector<16xf32>
      %mul3A_2566 = arith.constant 32 : i32
      %mul3A_2567 = arith.muli %mul3A_712, %mul3A_2566 : i32
      %add3A_2568 = arith.constant 16 : i32
      %add3A_2569 = arith.addi %mul3A_2567, %add3A_2568 : i32
      %swap3A_2570 = arith.index_cast %add3A_2569 : i32 to index
      %swap3A_2571 = tpu.vector_load %arg10[%swap3A_2570] {strides = array<i32>} : memref<512xf32, #tpu.memory_space<vmem>>, vector<16xf32>,
      tpu.vector_store %arg10[%swap3A_2570], %add3A_2565 {strides = array<i32>} : memref<512xf32, #tpu.memory_space<vmem>>, vector<16xf32>,
      %add3A_2572 = arith.constant 2 : i32
      %add3A_2573 = arith.addi %mul3A_712, %add3A_2572 : i32
      %and3A_2574 = arith.constant 15 : i32
      %and3A_2575 = arith.andi %add3A_2573, %and3A_2574 : i32
      %mul3A_2576 = arith.constant 64 : i32
      %mul3A_2577 = arith.muli %and3A_2575, %mul3A_2576 : i32
      %add3A_2578 = arith.constant 0 : i32
      %add3A_2579 = arith.addi %mul3A_2577, %add3A_2578 : i32
      %get3A_2580 = arith.index_cast %add3A_2579 : i32 to index
      %get3A_2581 = tpu.vector_load %arg5[%get3A_2580] {strides = array<i32>} : memref<1024xi32, #tpu.memory_space<vmem>>, vector<16xi32>,
      %shift_right_arithmetic3A_2582 = arith.constant 15 : i32
      %shift_right_arithmetic3A_2583 = vector.broadcast %shift_right_arithmetic3A_2582 : i32 to vector<16xi32>
      %shift_right_arithmetic3A_2584 = arith.shrsi %get3A_2581, %shift_right_arithmetic3A_2583 : vector<16xi32>
      %mul3A_2585 = arith.constant 65536 : i32
      %mul3A_2586 = vector.broadcast %mul3A_2585 : i32 to vector<16xi32>
      %mul3A_2587 = arith.muli %shift_right_arithmetic3A_2584, %mul3A_2586 : vector<16xi32>
      %shift_right_arithmetic3A_2588 = arith.constant 4 : i32
      %shift_right_arithmetic3A_2589 = vector.broadcast %shift_right_arithmetic3A_2588 : i32 to vector<16xi32>
      %shift_right_arithmetic3A_2590 = arith.shrsi %get3A_2581, %shift_right_arithmetic3A_2589 : vector<16xi32>
      %and3A_2591 = arith.constant 2047 : i32
      %and3A_2592 = vector.broadcast %and3A_2591 : i32 to vector<16xi32>
      %and3A_2593 = arith.andi %shift_right_arithmetic3A_2590, %and3A_2592 : vector<16xi32>
      %add3A_2594 = arith.addi %mul3A_2587, %and3A_2593 : vector<16xi32>
      %add3A_2595 = arith.constant 0 : i32
      %add3A_2596 = vector.broadcast %add3A_2595 : i32 to vector<16xi32>
      %add3A_2597 = arith.addi %add3A_2594, %add3A_2596 : vector<16xi32>
      %swap3A_2598 = arith.constant 0 : index
      %swap3A_2599 = tpu.vector_load %arg6[%swap3A_2598] {strides = array<i32>} : memref<2048xi32, #tpu.memory_space<vmem>>, vector<16xi32>,
      tpu.vector_store %arg6[%swap3A_2598], %add3A_2597 {strides = array<i32>} : memref<2048xi32, #tpu.memory_space<vmem>>, vector<16xi32>,
      %add3A_2600 = arith.constant 2048 : i32
      %add3A_2601 = vector.broadcast %add3A_2600 : i32 to vector<16xi32>
      %add3A_2602 = arith.addi %add3A_2594, %add3A_2601 : vector<16xi32>
      %swap3A_2603 = arith.constant 64 : index
      %swap3A_2604 = tpu.vector_load %arg6[%swap3A_2603] {strides = array<i32>} : memref<2048xi32, #tpu.memory_space<vmem>>, vector<16xi32>,
      tpu.vector_store %arg6[%swap3A_2603], %add3A_2602 {strides = array<i32>} : memref<2048xi32, #tpu.memory_space<vmem>>, vector<16xi32>,
      %add3A_2605 = arith.constant 4096 : i32
      %add3A_2606 = vector.broadcast %add3A_2605 : i32 to vector<16xi32>
      %add3A_2607 = arith.addi %add3A_2594, %add3A_2606 : vector<16xi32>
      %swap3A_2608 = arith.constant 128 : index
      %swap3A_2609 = tpu.vector_load %arg6[%swap3A_2608] {strides = array<i32>} : memref<2048xi32, #tpu.memory_space<vmem>>, vector<16xi32>,
      tpu.vector_store %arg6[%swap3A_2608], %add3A_2607 {strides = array<i32>} : memref<2048xi32, #tpu.memory_space<vmem>>, vector<16xi32>,
      %add3A_2610 = arith.constant 6144 : i32
      %add3A_2611 = vector.broadcast %add3A_2610 : i32 to vector<16xi32>
      %add3A_2612 = arith.addi %add3A_2594, %add3A_2611 : vector<16xi32>
      %swap3A_2613 = arith.constant 192 : index
      %swap3A_2614 = tpu.vector_load %arg6[%swap3A_2613] {strides = array<i32>} : memref<2048xi32, #tpu.memory_space<vmem>>, vector<16xi32>,
      tpu.vector_store %arg6[%swap3A_2613], %add3A_2612 {strides = array<i32>} : memref<2048xi32, #tpu.memory_space<vmem>>, vector<16xi32>,
      %add3A_2615 = arith.constant 8192 : i32
      %add3A_2616 = vector.broadcast %add3A_2615 : i32 to vector<16xi32>
      %add3A_2617 = arith.addi %add3A_2594, %add3A_2616 : vector<16xi32>
      %swap3A_2618 = arith.constant 256 : index
      %swap3A_2619 = tpu.vector_load %arg6[%swap3A_2618] {strides = array<i32>} : memref<2048xi32, #tpu.memory_space<vmem>>, vector<16xi32>,
      tpu.vector_store %arg6[%swap3A_2618], %add3A_2617 {strides = array<i32>} : memref<2048xi32, #tpu.memory_space<vmem>>, vector<16xi32>,
      %add3A_2620 = arith.constant 10240 : i32
      %add3A_2621 = vector.broadcast %add3A_2620 : i32 to vector<16xi32>
      %add3A_2622 = arith.addi %add3A_2594, %add3A_2621 : vector<16xi32>
      %swap3A_2623 = arith.constant 320 : index
      %swap3A_2624 = tpu.vector_load %arg6[%swap3A_2623] {strides = array<i32>} : memref<2048xi32, #tpu.memory_space<vmem>>, vector<16xi32>,
      tpu.vector_store %arg6[%swap3A_2623], %add3A_2622 {strides = array<i32>} : memref<2048xi32, #tpu.memory_space<vmem>>, vector<16xi32>,
      %add3A_2625 = arith.constant 12288 : i32
      %add3A_2626 = vector.broadcast %add3A_2625 : i32 to vector<16xi32>
      %add3A_2627 = arith.addi %add3A_2594, %add3A_2626 : vector<16xi32>
      %swap3A_2628 = arith.constant 384 : index
      %swap3A_2629 = tpu.vector_load %arg6[%swap3A_2628] {strides = array<i32>} : memref<2048xi32, #tpu.memory_space<vmem>>, vector<16xi32>,
      tpu.vector_store %arg6[%swap3A_2628], %add3A_2627 {strides = array<i32>} : memref<2048xi32, #tpu.memory_space<vmem>>, vector<16xi32>,
      %add3A_2630 = arith.constant 14336 : i32
      %add3A_2631 = vector.broadcast %add3A_2630 : i32 to vector<16xi32>
      %add3A_2632 = arith.addi %add3A_2594, %add3A_2631 : vector<16xi32>
      %swap3A_2633 = arith.constant 448 : index
      %swap3A_2634 = tpu.vector_load %arg6[%swap3A_2633] {strides = array<i32>} : memref<2048xi32, #tpu.memory_space<vmem>>, vector<16xi32>,
      tpu.vector_store %arg6[%swap3A_2633], %add3A_2632 {strides = array<i32>} : memref<2048xi32, #tpu.memory_space<vmem>>, vector<16xi32>,
      %add3A_2635 = arith.constant 16384 : i32
      %add3A_2636 = vector.broadcast %add3A_2635 : i32 to vector<16xi32>
      %add3A_2637 = arith.addi %add3A_2594, %add3A_2636 : vector<16xi32>
      %swap3A_2638 = arith.constant 512 : index
      %swap3A_2639 = tpu.vector_load %arg6[%swap3A_2638] {strides = array<i32>} : memref<2048xi32, #tpu.memory_space<vmem>>, vector<16xi32>,
      tpu.vector_store %arg6[%swap3A_2638], %add3A_2637 {strides = array<i32>} : memref<2048xi32, #tpu.memory_space<vmem>>, vector<16xi32>,
      %add3A_2640 = arith.constant 18432 : i32
      %add3A_2641 = vector.broadcast %add3A_2640 : i32 to vector<16xi32>
      %add3A_2642 = arith.addi %add3A_2594, %add3A_2641 : vector<16xi32>
      %swap3A_2643 = arith.constant 576 : index
      %swap3A_2644 = tpu.vector_load %arg6[%swap3A_2643] {strides = array<i32>} : memref<2048xi32, #tpu.memory_space<vmem>>, vector<16xi32>,
      tpu.vector_store %arg6[%swap3A_2643], %add3A_2642 {strides = array<i32>} : memref<2048xi32, #tpu.memory_space<vmem>>, vector<16xi32>,
      %add3A_2645 = arith.constant 20480 : i32
      %add3A_2646 = vector.broadcast %add3A_2645 : i32 to vector<16xi32>
      %add3A_2647 = arith.addi %add3A_2594, %add3A_2646 : vector<16xi32>
      %swap3A_2648 = arith.constant 640 : index
      %swap3A_2649 = tpu.vector_load %arg6[%swap3A_2648] {strides = array<i32>} : memref<2048xi32, #tpu.memory_space<vmem>>, vector<16xi32>,
      tpu.vector_store %arg6[%swap3A_2648], %add3A_2647 {strides = array<i32>} : memref<2048xi32, #tpu.memory_space<vmem>>, vector<16xi32>,
      %add3A_2650 = arith.constant 22528 : i32
      %add3A_2651 = vector.broadcast %add3A_2650 : i32 to vector<16xi32>
      %add3A_2652 = arith.addi %add3A_2594, %add3A_2651 : vector<16xi32>
      %swap3A_2653 = arith.constant 704 : index
      %swap3A_2654 = tpu.vector_load %arg6[%swap3A_2653] {strides = array<i32>} : memref<2048xi32, #tpu.memory_space<vmem>>, vector<16xi32>,
      tpu.vector_store %arg6[%swap3A_2653], %add3A_2652 {strides = array<i32>} : memref<2048xi32, #tpu.memory_space<vmem>>, vector<16xi32>,
      %add3A_2655 = arith.constant 24576 : i32
      %add3A_2656 = vector.broadcast %add3A_2655 : i32 to vector<16xi32>
      %add3A_2657 = arith.addi %add3A_2594, %add3A_2656 : vector<16xi32>
      %swap3A_2658 = arith.constant 768 : index
      %swap3A_2659 = tpu.vector_load %arg6[%swap3A_2658] {strides = array<i32>} : memref<2048xi32, #tpu.memory_space<vmem>>, vector<16xi32>,
      tpu.vector_store %arg6[%swap3A_2658], %add3A_2657 {strides = array<i32>} : memref<2048xi32, #tpu.memory_space<vmem>>, vector<16xi32>,
      %add3A_2660 = arith.constant 26624 : i32
      %add3A_2661 = vector.broadcast %add3A_2660 : i32 to vector<16xi32>
      %add3A_2662 = arith.addi %add3A_2594, %add3A_2661 : vector<16xi32>
      %swap3A_2663 = arith.constant 832 : index
      %swap3A_2664 = tpu.vector_load %arg6[%swap3A_2663] {strides = array<i32>} : memref<2048xi32, #tpu.memory_space<vmem>>, vector<16xi32>,
      tpu.vector_store %arg6[%swap3A_2663], %add3A_2662 {strides = array<i32>} : memref<2048xi32, #tpu.memory_space<vmem>>, vector<16xi32>,
      %add3A_2665 = arith.constant 28672 : i32
      %add3A_2666 = vector.broadcast %add3A_2665 : i32 to vector<16xi32>
      %add3A_2667 = arith.addi %add3A_2594, %add3A_2666 : vector<16xi32>
      %swap3A_2668 = arith.constant 896 : index
      %swap3A_2669 = tpu.vector_load %arg6[%swap3A_2668] {strides = array<i32>} : memref<2048xi32, #tpu.memory_space<vmem>>, vector<16xi32>,
      tpu.vector_store %arg6[%swap3A_2668], %add3A_2667 {strides = array<i32>} : memref<2048xi32, #tpu.memory_space<vmem>>, vector<16xi32>,
      %add3A_2670 = arith.constant 30720 : i32
      %add3A_2671 = vector.broadcast %add3A_2670 : i32 to vector<16xi32>
      %add3A_2672 = arith.addi %add3A_2594, %add3A_2671 : vector<16xi32>
      %swap3A_2673 = arith.constant 960 : index
      %swap3A_2674 = tpu.vector_load %arg6[%swap3A_2673] {strides = array<i32>} : memref<2048xi32, #tpu.memory_space<vmem>>, vector<16xi32>,
      tpu.vector_store %arg6[%swap3A_2673], %add3A_2672 {strides = array<i32>} : memref<2048xi32, #tpu.memory_space<vmem>>, vector<16xi32>,
      %add3A_2675 = arith.constant 32768 : i32
      %add3A_2676 = vector.broadcast %add3A_2675 : i32 to vector<16xi32>
      %add3A_2677 = arith.addi %add3A_2594, %add3A_2676 : vector<16xi32>
      %swap3A_2678 = arith.constant 1024 : index
      %swap3A_2679 = tpu.vector_load %arg6[%swap3A_2678] {strides = array<i32>} : memref<2048xi32, #tpu.memory_space<vmem>>, vector<16xi32>,
      tpu.vector_store %arg6[%swap3A_2678], %add3A_2677 {strides = array<i32>} : memref<2048xi32, #tpu.memory_space<vmem>>, vector<16xi32>,
      %add3A_2680 = arith.constant 34816 : i32
      %add3A_2681 = vector.broadcast %add3A_2680 : i32 to vector<16xi32>
      %add3A_2682 = arith.addi %add3A_2594, %add3A_2681 : vector<16xi32>
      %swap3A_2683 = arith.constant 1088 : index
      %swap3A_2684 = tpu.vector_load %arg6[%swap3A_2683] {strides = array<i32>} : memref<2048xi32, #tpu.memory_space<vmem>>, vector<16xi32>,
      tpu.vector_store %arg6[%swap3A_2683], %add3A_2682 {strides = array<i32>} : memref<2048xi32, #tpu.memory_space<vmem>>, vector<16xi32>,
      %add3A_2685 = arith.constant 36864 : i32
      %add3A_2686 = vector.broadcast %add3A_2685 : i32 to vector<16xi32>
      %add3A_2687 = arith.addi %add3A_2594, %add3A_2686 : vector<16xi32>
      %swap3A_2688 = arith.constant 1152 : index
      %swap3A_2689 = tpu.vector_load %arg6[%swap3A_2688] {strides = array<i32>} : memref<2048xi32, #tpu.memory_space<vmem>>, vector<16xi32>,
      tpu.vector_store %arg6[%swap3A_2688], %add3A_2687 {strides = array<i32>} : memref<2048xi32, #tpu.memory_space<vmem>>, vector<16xi32>,
      %add3A_2690 = arith.constant 38912 : i32
      %add3A_2691 = vector.broadcast %add3A_2690 : i32 to vector<16xi32>
      %add3A_2692 = arith.addi %add3A_2594, %add3A_2691 : vector<16xi32>
      %swap3A_2693 = arith.constant 1216 : index
      %swap3A_2694 = tpu.vector_load %arg6[%swap3A_2693] {strides = array<i32>} : memref<2048xi32, #tpu.memory_space<vmem>>, vector<16xi32>,
      tpu.vector_store %arg6[%swap3A_2693], %add3A_2692 {strides = array<i32>} : memref<2048xi32, #tpu.memory_space<vmem>>, vector<16xi32>,
      %add3A_2695 = arith.constant 40960 : i32
      %add3A_2696 = vector.broadcast %add3A_2695 : i32 to vector<16xi32>
      %add3A_2697 = arith.addi %add3A_2594, %add3A_2696 : vector<16xi32>
      %swap3A_2698 = arith.constant 1280 : index
      %swap3A_2699 = tpu.vector_load %arg6[%swap3A_2698] {strides = array<i32>} : memref<2048xi32, #tpu.memory_space<vmem>>, vector<16xi32>,
      tpu.vector_store %arg6[%swap3A_2698], %add3A_2697 {strides = array<i32>} : memref<2048xi32, #tpu.memory_space<vmem>>, vector<16xi32>,
      %add3A_2700 = arith.constant 43008 : i32
      %add3A_2701 = vector.broadcast %add3A_2700 : i32 to vector<16xi32>
      %add3A_2702 = arith.addi %add3A_2594, %add3A_2701 : vector<16xi32>
      %swap3A_2703 = arith.constant 1344 : index
      %swap3A_2704 = tpu.vector_load %arg6[%swap3A_2703] {strides = array<i32>} : memref<2048xi32, #tpu.memory_space<vmem>>, vector<16xi32>,
      tpu.vector_store %arg6[%swap3A_2703], %add3A_2702 {strides = array<i32>} : memref<2048xi32, #tpu.memory_space<vmem>>, vector<16xi32>,
      %add3A_2705 = arith.constant 45056 : i32
      %add3A_2706 = vector.broadcast %add3A_2705 : i32 to vector<16xi32>
      %add3A_2707 = arith.addi %add3A_2594, %add3A_2706 : vector<16xi32>
      %swap3A_2708 = arith.constant 1408 : index
      %swap3A_2709 = tpu.vector_load %arg6[%swap3A_2708] {strides = array<i32>} : memref<2048xi32, #tpu.memory_space<vmem>>, vector<16xi32>,
      tpu.vector_store %arg6[%swap3A_2708], %add3A_2707 {strides = array<i32>} : memref<2048xi32, #tpu.memory_space<vmem>>, vector<16xi32>,
      %add3A_2710 = arith.constant 47104 : i32
      %add3A_2711 = vector.broadcast %add3A_2710 : i32 to vector<16xi32>
      %add3A_2712 = arith.addi %add3A_2594, %add3A_2711 : vector<16xi32>
      %swap3A_2713 = arith.constant 1472 : index
      %swap3A_2714 = tpu.vector_load %arg6[%swap3A_2713] {strides = array<i32>} : memref<2048xi32, #tpu.memory_space<vmem>>, vector<16xi32>,
      tpu.vector_store %arg6[%swap3A_2713], %add3A_2712 {strides = array<i32>} : memref<2048xi32, #tpu.memory_space<vmem>>, vector<16xi32>,
      %add3A_2715 = arith.constant 49152 : i32
      %add3A_2716 = vector.broadcast %add3A_2715 : i32 to vector<16xi32>
      %add3A_2717 = arith.addi %add3A_2594, %add3A_2716 : vector<16xi32>
      %swap3A_2718 = arith.constant 1536 : index
      %swap3A_2719 = tpu.vector_load %arg6[%swap3A_2718] {strides = array<i32>} : memref<2048xi32, #tpu.memory_space<vmem>>, vector<16xi32>,
      tpu.vector_store %arg6[%swap3A_2718], %add3A_2717 {strides = array<i32>} : memref<2048xi32, #tpu.memory_space<vmem>>, vector<16xi32>,
      %add3A_2720 = arith.constant 51200 : i32
      %add3A_2721 = vector.broadcast %add3A_2720 : i32 to vector<16xi32>
      %add3A_2722 = arith.addi %add3A_2594, %add3A_2721 : vector<16xi32>
      %swap3A_2723 = arith.constant 1600 : index
      %swap3A_2724 = tpu.vector_load %arg6[%swap3A_2723] {strides = array<i32>} : memref<2048xi32, #tpu.memory_space<vmem>>, vector<16xi32>,
      tpu.vector_store %arg6[%swap3A_2723], %add3A_2722 {strides = array<i32>} : memref<2048xi32, #tpu.memory_space<vmem>>, vector<16xi32>,
      %add3A_2725 = arith.constant 53248 : i32
      %add3A_2726 = vector.broadcast %add3A_2725 : i32 to vector<16xi32>
      %add3A_2727 = arith.addi %add3A_2594, %add3A_2726 : vector<16xi32>
      %swap3A_2728 = arith.constant 1664 : index
      %swap3A_2729 = tpu.vector_load %arg6[%swap3A_2728] {strides = array<i32>} : memref<2048xi32, #tpu.memory_space<vmem>>, vector<16xi32>,
      tpu.vector_store %arg6[%swap3A_2728], %add3A_2727 {strides = array<i32>} : memref<2048xi32, #tpu.memory_space<vmem>>, vector<16xi32>,
      %add3A_2730 = arith.constant 55296 : i32
      %add3A_2731 = vector.broadcast %add3A_2730 : i32 to vector<16xi32>
      %add3A_2732 = arith.addi %add3A_2594, %add3A_2731 : vector<16xi32>
      %swap3A_2733 = arith.constant 1728 : index
      %swap3A_2734 = tpu.vector_load %arg6[%swap3A_2733] {strides = array<i32>} : memref<2048xi32, #tpu.memory_space<vmem>>, vector<16xi32>,
      tpu.vector_store %arg6[%swap3A_2733], %add3A_2732 {strides = array<i32>} : memref<2048xi32, #tpu.memory_space<vmem>>, vector<16xi32>,
      %add3A_2735 = arith.constant 57344 : i32
      %add3A_2736 = vector.broadcast %add3A_2735 : i32 to vector<16xi32>
      %add3A_2737 = arith.addi %add3A_2594, %add3A_2736 : vector<16xi32>
      %swap3A_2738 = arith.constant 1792 : index
      %swap3A_2739 = tpu.vector_load %arg6[%swap3A_2738] {strides = array<i32>} : memref<2048xi32, #tpu.memory_space<vmem>>, vector<16xi32>,
      tpu.vector_store %arg6[%swap3A_2738], %add3A_2737 {strides = array<i32>} : memref<2048xi32, #tpu.memory_space<vmem>>, vector<16xi32>,
      %add3A_2740 = arith.constant 59392 : i32
      %add3A_2741 = vector.broadcast %add3A_2740 : i32 to vector<16xi32>
      %add3A_2742 = arith.addi %add3A_2594, %add3A_2741 : vector<16xi32>
      %swap3A_2743 = arith.constant 1856 : index
      %swap3A_2744 = tpu.vector_load %arg6[%swap3A_2743] {strides = array<i32>} : memref<2048xi32, #tpu.memory_space<vmem>>, vector<16xi32>,
      tpu.vector_store %arg6[%swap3A_2743], %add3A_2742 {strides = array<i32>} : memref<2048xi32, #tpu.memory_space<vmem>>, vector<16xi32>,
      %add3A_2745 = arith.constant 61440 : i32
      %add3A_2746 = vector.broadcast %add3A_2745 : i32 to vector<16xi32>
      %add3A_2747 = arith.addi %add3A_2594, %add3A_2746 : vector<16xi32>
      %swap3A_2748 = arith.constant 1920 : index
      %swap3A_2749 = tpu.vector_load %arg6[%swap3A_2748] {strides = array<i32>} : memref<2048xi32, #tpu.memory_space<vmem>>, vector<16xi32>,
      tpu.vector_store %arg6[%swap3A_2748], %add3A_2747 {strides = array<i32>} : memref<2048xi32, #tpu.memory_space<vmem>>, vector<16xi32>,
      %add3A_2750 = arith.constant 63488 : i32
      %add3A_2751 = vector.broadcast %add3A_2750 : i32 to vector<16xi32>
      %add3A_2752 = arith.addi %add3A_2594, %add3A_2751 : vector<16xi32>
      %swap3A_2753 = arith.constant 1984 : index
      %swap3A_2754 = tpu.vector_load %arg6[%swap3A_2753] {strides = array<i32>} : memref<2048xi32, #tpu.memory_space<vmem>>, vector<16xi32>,
      tpu.vector_store %arg6[%swap3A_2753], %add3A_2752 {strides = array<i32>} : memref<2048xi32, #tpu.memory_space<vmem>>, vector<16xi32>,
      %mul3A_2755 = arith.constant 64 : i32
      %mul3A_2756 = arith.muli %and3A_2575, %mul3A_2755 : i32
      %add3A_2757 = arith.constant 16 : i32
      %add3A_2758 = arith.addi %mul3A_2756, %add3A_2757 : i32
      %get3A_2759 = arith.index_cast %add3A_2758 : i32 to index
      %get3A_2760 = tpu.vector_load %arg5[%get3A_2759] {strides = array<i32>} : memref<1024xi32, #tpu.memory_space<vmem>>, vector<16xi32>,
      %shift_right_arithmetic3A_2761 = arith.constant 15 : i32
      %shift_right_arithmetic3A_2762 = vector.broadcast %shift_right_arithmetic3A_2761 : i32 to vector<16xi32>
      %shift_right_arithmetic3A_2763 = arith.shrsi %get3A_2760, %shift_right_arithmetic3A_2762 : vector<16xi32>
      %mul3A_2764 = arith.constant 65536 : i32
      %mul3A_2765 = vector.broadcast %mul3A_2764 : i32 to vector<16xi32>
      %mul3A_2766 = arith.muli %shift_right_arithmetic3A_2763, %mul3A_2765 : vector<16xi32>
      %shift_right_arithmetic3A_2767 = arith.constant 4 : i32
      %shift_right_arithmetic3A_2768 = vector.broadcast %shift_right_arithmetic3A_2767 : i32 to vector<16xi32>
      %shift_right_arithmetic3A_2769 = arith.shrsi %get3A_2760, %shift_right_arithmetic3A_2768 : vector<16xi32>
      %and3A_2770 = arith.constant 2047 : i32
      %and3A_2771 = vector.broadcast %and3A_2770 : i32 to vector<16xi32>
      %and3A_2772 = arith.andi %shift_right_arithmetic3A_2769, %and3A_2771 : vector<16xi32>
      %add3A_2773 = arith.addi %mul3A_2766, %and3A_2772 : vector<16xi32>
      %add3A_2774 = arith.constant 0 : i32
      %add3A_2775 = vector.broadcast %add3A_2774 : i32 to vector<16xi32>
      %add3A_2776 = arith.addi %add3A_2773, %add3A_2775 : vector<16xi32>
      %swap3A_2777 = arith.constant 16 : index
      %swap3A_2778 = tpu.vector_load %arg6[%swap3A_2777] {strides = array<i32>} : memref<2048xi32, #tpu.memory_space<vmem>>, vector<16xi32>,
      tpu.vector_store %arg6[%swap3A_2777], %add3A_2776 {strides = array<i32>} : memref<2048xi32, #tpu.memory_space<vmem>>, vector<16xi32>,
      %add3A_2779 = arith.constant 2048 : i32
      %add3A_2780 = vector.broadcast %add3A_2779 : i32 to vector<16xi32>
      %add3A_2781 = arith.addi %add3A_2773, %add3A_2780 : vector<16xi32>
      %swap3A_2782 = arith.constant 80 : index
      %swap3A_2783 = tpu.vector_load %arg6[%swap3A_2782] {strides = array<i32>} : memref<2048xi32, #tpu.memory_space<vmem>>, vector<16xi32>,
      tpu.vector_store %arg6[%swap3A_2782], %add3A_2781 {strides = array<i32>} : memref<2048xi32, #tpu.memory_space<vmem>>, vector<16xi32>,
      %add3A_2784 = arith.constant 4096 : i32
      %add3A_2785 = vector.broadcast %add3A_2784 : i32 to vector<16xi32>
      %add3A_2786 = arith.addi %add3A_2773, %add3A_2785 : vector<16xi32>
      %swap3A_2787 = arith.constant 144 : index
      %swap3A_2788 = tpu.vector_load %arg6[%swap3A_2787] {strides = array<i32>} : memref<2048xi32, #tpu.memory_space<vmem>>, vector<16xi32>,
      tpu.vector_store %arg6[%swap3A_2787], %add3A_2786 {strides = array<i32>} : memref<2048xi32, #tpu.memory_space<vmem>>, vector<16xi32>,
      %add3A_2789 = arith.constant 6144 : i32
      %add3A_2790 = vector.broadcast %add3A_2789 : i32 to vector<16xi32>
      %add3A_2791 = arith.addi %add3A_2773, %add3A_2790 : vector<16xi32>
      %swap3A_2792 = arith.constant 208 : index
      %swap3A_2793 = tpu.vector_load %arg6[%swap3A_2792] {strides = array<i32>} : memref<2048xi32, #tpu.memory_space<vmem>>, vector<16xi32>,
      tpu.vector_store %arg6[%swap3A_2792], %add3A_2791 {strides = array<i32>} : memref<2048xi32, #tpu.memory_space<vmem>>, vector<16xi32>,
      %add3A_2794 = arith.constant 8192 : i32
      %add3A_2795 = vector.broadcast %add3A_2794 : i32 to vector<16xi32>
      %add3A_2796 = arith.addi %add3A_2773, %add3A_2795 : vector<16xi32>
      %swap3A_2797 = arith.constant 272 : index
      %swap3A_2798 = tpu.vector_load %arg6[%swap3A_2797] {strides = array<i32>} : memref<2048xi32, #tpu.memory_space<vmem>>, vector<16xi32>,
      tpu.vector_store %arg6[%swap3A_2797], %add3A_2796 {strides = array<i32>} : memref<2048xi32, #tpu.memory_space<vmem>>, vector<16xi32>,
      %add3A_2799 = arith.constant 10240 : i32
      %add3A_2800 = vector.broadcast %add3A_2799 : i32 to vector<16xi32>
      %add3A_2801 = arith.addi %add3A_2773, %add3A_2800 : vector<16xi32>
      %swap3A_2802 = arith.constant 336 : index
      %swap3A_2803 = tpu.vector_load %arg6[%swap3A_2802] {strides = array<i32>} : memref<2048xi32, #tpu.memory_space<vmem>>, vector<16xi32>,
      tpu.vector_store %arg6[%swap3A_2802], %add3A_2801 {strides = array<i32>} : memref<2048xi32, #tpu.memory_space<vmem>>, vector<16xi32>,
      %add3A_2804 = arith.constant 12288 : i32
      %add3A_2805 = vector.broadcast %add3A_2804 : i32 to vector<16xi32>
      %add3A_2806 = arith.addi %add3A_2773, %add3A_2805 : vector<16xi32>
      %swap3A_2807 = arith.constant 400 : index
      %swap3A_2808 = tpu.vector_load %arg6[%swap3A_2807] {strides = array<i32>} : memref<2048xi32, #tpu.memory_space<vmem>>, vector<16xi32>,
      tpu.vector_store %arg6[%swap3A_2807], %add3A_2806 {strides = array<i32>} : memref<2048xi32, #tpu.memory_space<vmem>>, vector<16xi32>,
      %add3A_2809 = arith.constant 14336 : i32
      %add3A_2810 = vector.broadcast %add3A_2809 : i32 to vector<16xi32>
      %add3A_2811 = arith.addi %add3A_2773, %add3A_2810 : vector<16xi32>
      %swap3A_2812 = arith.constant 464 : index
      %swap3A_2813 = tpu.vector_load %arg6[%swap3A_2812] {strides = array<i32>} : memref<2048xi32, #tpu.memory_space<vmem>>, vector<16xi32>,
      tpu.vector_store %arg6[%swap3A_2812], %add3A_2811 {strides = array<i32>} : memref<2048xi32, #tpu.memory_space<vmem>>, vector<16xi32>,
      %add3A_2814 = arith.constant 16384 : i32
      %add3A_2815 = vector.broadcast %add3A_2814 : i32 to vector<16xi32>
      %add3A_2816 = arith.addi %add3A_2773, %add3A_2815 : vector<16xi32>
      %swap3A_2817 = arith.constant 528 : index
      %swap3A_2818 = tpu.vector_load %arg6[%swap3A_2817] {strides = array<i32>} : memref<2048xi32, #tpu.memory_space<vmem>>, vector<16xi32>,
      tpu.vector_store %arg6[%swap3A_2817], %add3A_2816 {strides = array<i32>} : memref<2048xi32, #tpu.memory_space<vmem>>, vector<16xi32>,
      %add3A_2819 = arith.constant 18432 : i32
      %add3A_2820 = vector.broadcast %add3A_2819 : i32 to vector<16xi32>
      %add3A_2821 = arith.addi %add3A_2773, %add3A_2820 : vector<16xi32>
      %swap3A_2822 = arith.constant 592 : index
      %swap3A_2823 = tpu.vector_load %arg6[%swap3A_2822] {strides = array<i32>} : memref<2048xi32, #tpu.memory_space<vmem>>, vector<16xi32>,
      tpu.vector_store %arg6[%swap3A_2822], %add3A_2821 {strides = array<i32>} : memref<2048xi32, #tpu.memory_space<vmem>>, vector<16xi32>,
      %add3A_2824 = arith.constant 20480 : i32
      %add3A_2825 = vector.broadcast %add3A_2824 : i32 to vector<16xi32>
      %add3A_2826 = arith.addi %add3A_2773, %add3A_2825 : vector<16xi32>
      %swap3A_2827 = arith.constant 656 : index
      %swap3A_2828 = tpu.vector_load %arg6[%swap3A_2827] {strides = array<i32>} : memref<2048xi32, #tpu.memory_space<vmem>>, vector<16xi32>,
      tpu.vector_store %arg6[%swap3A_2827], %add3A_2826 {strides = array<i32>} : memref<2048xi32, #tpu.memory_space<vmem>>, vector<16xi32>,
      %add3A_2829 = arith.constant 22528 : i32
      %add3A_2830 = vector.broadcast %add3A_2829 : i32 to vector<16xi32>
      %add3A_2831 = arith.addi %add3A_2773, %add3A_2830 : vector<16xi32>
      %swap3A_2832 = arith.constant 720 : index
      %swap3A_2833 = tpu.vector_load %arg6[%swap3A_2832] {strides = array<i32>} : memref<2048xi32, #tpu.memory_space<vmem>>, vector<16xi32>,
      tpu.vector_store %arg6[%swap3A_2832], %add3A_2831 {strides = array<i32>} : memref<2048xi32, #tpu.memory_space<vmem>>, vector<16xi32>,
      %add3A_2834 = arith.constant 24576 : i32
      %add3A_2835 = vector.broadcast %add3A_2834 : i32 to vector<16xi32>
      %add3A_2836 = arith.addi %add3A_2773, %add3A_2835 : vector<16xi32>
      %swap3A_2837 = arith.constant 784 : index
      %swap3A_2838 = tpu.vector_load %arg6[%swap3A_2837] {strides = array<i32>} : memref<2048xi32, #tpu.memory_space<vmem>>, vector<16xi32>,
      tpu.vector_store %arg6[%swap3A_2837], %add3A_2836 {strides = array<i32>} : memref<2048xi32, #tpu.memory_space<vmem>>, vector<16xi32>,
      %add3A_2839 = arith.constant 26624 : i32
      %add3A_2840 = vector.broadcast %add3A_2839 : i32 to vector<16xi32>
      %add3A_2841 = arith.addi %add3A_2773, %add3A_2840 : vector<16xi32>
      %swap3A_2842 = arith.constant 848 : index
      %swap3A_2843 = tpu.vector_load %arg6[%swap3A_2842] {strides = array<i32>} : memref<2048xi32, #tpu.memory_space<vmem>>, vector<16xi32>,
      tpu.vector_store %arg6[%swap3A_2842], %add3A_2841 {strides = array<i32>} : memref<2048xi32, #tpu.memory_space<vmem>>, vector<16xi32>,
      %add3A_2844 = arith.constant 28672 : i32
      %add3A_2845 = vector.broadcast %add3A_2844 : i32 to vector<16xi32>
      %add3A_2846 = arith.addi %add3A_2773, %add3A_2845 : vector<16xi32>
      %swap3A_2847 = arith.constant 912 : index
      %swap3A_2848 = tpu.vector_load %arg6[%swap3A_2847] {strides = array<i32>} : memref<2048xi32, #tpu.memory_space<vmem>>, vector<16xi32>,
      tpu.vector_store %arg6[%swap3A_2847], %add3A_2846 {strides = array<i32>} : memref<2048xi32, #tpu.memory_space<vmem>>, vector<16xi32>,
      %add3A_2849 = arith.constant 30720 : i32
      %add3A_2850 = vector.broadcast %add3A_2849 : i32 to vector<16xi32>
      %add3A_2851 = arith.addi %add3A_2773, %add3A_2850 : vector<16xi32>
      %swap3A_2852 = arith.constant 976 : index
      %swap3A_2853 = tpu.vector_load %arg6[%swap3A_2852] {strides = array<i32>} : memref<2048xi32, #tpu.memory_space<vmem>>, vector<16xi32>,
      tpu.vector_store %arg6[%swap3A_2852], %add3A_2851 {strides = array<i32>} : memref<2048xi32, #tpu.memory_space<vmem>>, vector<16xi32>,
      %add3A_2854 = arith.constant 32768 : i32
      %add3A_2855 = vector.broadcast %add3A_2854 : i32 to vector<16xi32>
      %add3A_2856 = arith.addi %add3A_2773, %add3A_2855 : vector<16xi32>
      %swap3A_2857 = arith.constant 1040 : index
      %swap3A_2858 = tpu.vector_load %arg6[%swap3A_2857] {strides = array<i32>} : memref<2048xi32, #tpu.memory_space<vmem>>, vector<16xi32>,
      tpu.vector_store %arg6[%swap3A_2857], %add3A_2856 {strides = array<i32>} : memref<2048xi32, #tpu.memory_space<vmem>>, vector<16xi32>,
      %add3A_2859 = arith.constant 34816 : i32
      %add3A_2860 = vector.broadcast %add3A_2859 : i32 to vector<16xi32>
      %add3A_2861 = arith.addi %add3A_2773, %add3A_2860 : vector<16xi32>
      %swap3A_2862 = arith.constant 1104 : index
      %swap3A_2863 = tpu.vector_load %arg6[%swap3A_2862] {strides = array<i32>} : memref<2048xi32, #tpu.memory_space<vmem>>, vector<16xi32>,
      tpu.vector_store %arg6[%swap3A_2862], %add3A_2861 {strides = array<i32>} : memref<2048xi32, #tpu.memory_space<vmem>>, vector<16xi32>,
      %add3A_2864 = arith.constant 36864 : i32
      %add3A_2865 = vector.broadcast %add3A_2864 : i32 to vector<16xi32>
      %add3A_2866 = arith.addi %add3A_2773, %add3A_2865 : vector<16xi32>
      %swap3A_2867 = arith.constant 1168 : index
      %swap3A_2868 = tpu.vector_load %arg6[%swap3A_2867] {strides = array<i32>} : memref<2048xi32, #tpu.memory_space<vmem>>, vector<16xi32>,
      tpu.vector_store %arg6[%swap3A_2867], %add3A_2866 {strides = array<i32>} : memref<2048xi32, #tpu.memory_space<vmem>>, vector<16xi32>,
      %add3A_2869 = arith.constant 38912 : i32
      %add3A_2870 = vector.broadcast %add3A_2869 : i32 to vector<16xi32>
      %add3A_2871 = arith.addi %add3A_2773, %add3A_2870 : vector<16xi32>
      %swap3A_2872 = arith.constant 1232 : index
      %swap3A_2873 = tpu.vector_load %arg6[%swap3A_2872] {strides = array<i32>} : memref<2048xi32, #tpu.memory_space<vmem>>, vector<16xi32>,
      tpu.vector_store %arg6[%swap3A_2872], %add3A_2871 {strides = array<i32>} : memref<2048xi32, #tpu.memory_space<vmem>>, vector<16xi32>,
      %add3A_2874 = arith.constant 40960 : i32
      %add3A_2875 = vector.broadcast %add3A_2874 : i32 to vector<16xi32>
      %add3A_2876 = arith.addi %add3A_2773, %add3A_2875 : vector<16xi32>
      %swap3A_2877 = arith.constant 1296 : index
      %swap3A_2878 = tpu.vector_load %arg6[%swap3A_2877] {strides = array<i32>} : memref<2048xi32, #tpu.memory_space<vmem>>, vector<16xi32>,
      tpu.vector_store %arg6[%swap3A_2877], %add3A_2876 {strides = array<i32>} : memref<2048xi32, #tpu.memory_space<vmem>>, vector<16xi32>,
      %add3A_2879 = arith.constant 43008 : i32
      %add3A_2880 = vector.broadcast %add3A_2879 : i32 to vector<16xi32>
      %add3A_2881 = arith.addi %add3A_2773, %add3A_2880 : vector<16xi32>
      %swap3A_2882 = arith.constant 1360 : index
      %swap3A_2883 = tpu.vector_load %arg6[%swap3A_2882] {strides = array<i32>} : memref<2048xi32, #tpu.memory_space<vmem>>, vector<16xi32>,
      tpu.vector_store %arg6[%swap3A_2882], %add3A_2881 {strides = array<i32>} : memref<2048xi32, #tpu.memory_space<vmem>>, vector<16xi32>,
      %add3A_2884 = arith.constant 45056 : i32
      %add3A_2885 = vector.broadcast %add3A_2884 : i32 to vector<16xi32>
      %add3A_2886 = arith.addi %add3A_2773, %add3A_2885 : vector<16xi32>
      %swap3A_2887 = arith.constant 1424 : index
      %swap3A_2888 = tpu.vector_load %arg6[%swap3A_2887] {strides = array<i32>} : memref<2048xi32, #tpu.memory_space<vmem>>, vector<16xi32>,
      tpu.vector_store %arg6[%swap3A_2887], %add3A_2886 {strides = array<i32>} : memref<2048xi32, #tpu.memory_space<vmem>>, vector<16xi32>,
      %add3A_2889 = arith.constant 47104 : i32
      %add3A_2890 = vector.broadcast %add3A_2889 : i32 to vector<16xi32>
      %add3A_2891 = arith.addi %add3A_2773, %add3A_2890 : vector<16xi32>
      %swap3A_2892 = arith.constant 1488 : index
      %swap3A_2893 = tpu.vector_load %arg6[%swap3A_2892] {strides = array<i32>} : memref<2048xi32, #tpu.memory_space<vmem>>, vector<16xi32>,
      tpu.vector_store %arg6[%swap3A_2892], %add3A_2891 {strides = array<i32>} : memref<2048xi32, #tpu.memory_space<vmem>>, vector<16xi32>,
      %add3A_2894 = arith.constant 49152 : i32
      %add3A_2895 = vector.broadcast %add3A_2894 : i32 to vector<16xi32>
      %add3A_2896 = arith.addi %add3A_2773, %add3A_2895 : vector<16xi32>
      %swap3A_2897 = arith.constant 1552 : index
      %swap3A_2898 = tpu.vector_load %arg6[%swap3A_2897] {strides = array<i32>} : memref<2048xi32, #tpu.memory_space<vmem>>, vector<16xi32>,
      tpu.vector_store %arg6[%swap3A_2897], %add3A_2896 {strides = array<i32>} : memref<2048xi32, #tpu.memory_space<vmem>>, vector<16xi32>,
      %add3A_2899 = arith.constant 51200 : i32
      %add3A_2900 = vector.broadcast %add3A_2899 : i32 to vector<16xi32>
      %add3A_2901 = arith.addi %add3A_2773, %add3A_2900 : vector<16xi32>
      %swap3A_2902 = arith.constant 1616 : index
      %swap3A_2903 = tpu.vector_load %arg6[%swap3A_2902] {strides = array<i32>} : memref<2048xi32, #tpu.memory_space<vmem>>, vector<16xi32>,
      tpu.vector_store %arg6[%swap3A_2902], %add3A_2901 {strides = array<i32>} : memref<2048xi32, #tpu.memory_space<vmem>>, vector<16xi32>,
      %add3A_2904 = arith.constant 53248 : i32
      %add3A_2905 = vector.broadcast %add3A_2904 : i32 to vector<16xi32>
      %add3A_2906 = arith.addi %add3A_2773, %add3A_2905 : vector<16xi32>
      %swap3A_2907 = arith.constant 1680 : index
      %swap3A_2908 = tpu.vector_load %arg6[%swap3A_2907] {strides = array<i32>} : memref<2048xi32, #tpu.memory_space<vmem>>, vector<16xi32>,
      tpu.vector_store %arg6[%swap3A_2907], %add3A_2906 {strides = array<i32>} : memref<2048xi32, #tpu.memory_space<vmem>>, vector<16xi32>,
      %add3A_2909 = arith.constant 55296 : i32
      %add3A_2910 = vector.broadcast %add3A_2909 : i32 to vector<16xi32>
      %add3A_2911 = arith.addi %add3A_2773, %add3A_2910 : vector<16xi32>
      %swap3A_2912 = arith.constant 1744 : index
      %swap3A_2913 = tpu.vector_load %arg6[%swap3A_2912] {strides = array<i32>} : memref<2048xi32, #tpu.memory_space<vmem>>, vector<16xi32>,
      tpu.vector_store %arg6[%swap3A_2912], %add3A_2911 {strides = array<i32>} : memref<2048xi32, #tpu.memory_space<vmem>>, vector<16xi32>,
      %add3A_2914 = arith.constant 57344 : i32
      %add3A_2915 = vector.broadcast %add3A_2914 : i32 to vector<16xi32>
      %add3A_2916 = arith.addi %add3A_2773, %add3A_2915 : vector<16xi32>
      %swap3A_2917 = arith.constant 1808 : index
      %swap3A_2918 = tpu.vector_load %arg6[%swap3A_2917] {strides = array<i32>} : memref<2048xi32, #tpu.memory_space<vmem>>, vector<16xi32>,
      tpu.vector_store %arg6[%swap3A_2917], %add3A_2916 {strides = array<i32>} : memref<2048xi32, #tpu.memory_space<vmem>>, vector<16xi32>,
      %add3A_2919 = arith.constant 59392 : i32
      %add3A_2920 = vector.broadcast %add3A_2919 : i32 to vector<16xi32>
      %add3A_2921 = arith.addi %add3A_2773, %add3A_2920 : vector<16xi32>
      %swap3A_2922 = arith.constant 1872 : index
      %swap3A_2923 = tpu.vector_load %arg6[%swap3A_2922] {strides = array<i32>} : memref<2048xi32, #tpu.memory_space<vmem>>, vector<16xi32>,
      tpu.vector_store %arg6[%swap3A_2922], %add3A_2921 {strides = array<i32>} : memref<2048xi32, #tpu.memory_space<vmem>>, vector<16xi32>,
      %add3A_2924 = arith.constant 61440 : i32
      %add3A_2925 = vector.broadcast %add3A_2924 : i32 to vector<16xi32>
      %add3A_2926 = arith.addi %add3A_2773, %add3A_2925 : vector<16xi32>
      %swap3A_2927 = arith.constant 1936 : index
      %swap3A_2928 = tpu.vector_load %arg6[%swap3A_2927] {strides = array<i32>} : memref<2048xi32, #tpu.memory_space<vmem>>, vector<16xi32>,
      tpu.vector_store %arg6[%swap3A_2927], %add3A_2926 {strides = array<i32>} : memref<2048xi32, #tpu.memory_space<vmem>>, vector<16xi32>,
      %add3A_2929 = arith.constant 63488 : i32
      %add3A_2930 = vector.broadcast %add3A_2929 : i32 to vector<16xi32>
      %add3A_2931 = arith.addi %add3A_2773, %add3A_2930 : vector<16xi32>
      %swap3A_2932 = arith.constant 2000 : index
      %swap3A_2933 = tpu.vector_load %arg6[%swap3A_2932] {strides = array<i32>} : memref<2048xi32, #tpu.memory_space<vmem>>, vector<16xi32>,
      tpu.vector_store %arg6[%swap3A_2932], %add3A_2931 {strides = array<i32>} : memref<2048xi32, #tpu.memory_space<vmem>>, vector<16xi32>,
      %mul3A_2934 = arith.constant 64 : i32
      %mul3A_2935 = arith.muli %and3A_2575, %mul3A_2934 : i32
      %add3A_2936 = arith.constant 32 : i32
      %add3A_2937 = arith.addi %mul3A_2935, %add3A_2936 : i32
      %get3A_2938 = arith.index_cast %add3A_2937 : i32 to index
      %get3A_2939 = tpu.vector_load %arg5[%get3A_2938] {strides = array<i32>} : memref<1024xi32, #tpu.memory_space<vmem>>, vector<16xi32>,
      %shift_right_arithmetic3A_2940 = arith.constant 15 : i32
      %shift_right_arithmetic3A_2941 = vector.broadcast %shift_right_arithmetic3A_2940 : i32 to vector<16xi32>
      %shift_right_arithmetic3A_2942 = arith.shrsi %get3A_2939, %shift_right_arithmetic3A_2941 : vector<16xi32>
      %mul3A_2943 = arith.constant 65536 : i32
      %mul3A_2944 = vector.broadcast %mul3A_2943 : i32 to vector<16xi32>
      %mul3A_2945 = arith.muli %shift_right_arithmetic3A_2942, %mul3A_2944 : vector<16xi32>
      %shift_right_arithmetic3A_2946 = arith.constant 4 : i32
      %shift_right_arithmetic3A_2947 = vector.broadcast %shift_right_arithmetic3A_2946 : i32 to vector<16xi32>
      %shift_right_arithmetic3A_2948 = arith.shrsi %get3A_2939, %shift_right_arithmetic3A_2947 : vector<16xi32>
      %and3A_2949 = arith.constant 2047 : i32
      %and3A_2950 = vector.broadcast %and3A_2949 : i32 to vector<16xi32>
      %and3A_2951 = arith.andi %shift_right_arithmetic3A_2948, %and3A_2950 : vector<16xi32>
      %add3A_2952 = arith.addi %mul3A_2945, %and3A_2951 : vector<16xi32>
      %add3A_2953 = arith.constant 0 : i32
      %add3A_2954 = vector.broadcast %add3A_2953 : i32 to vector<16xi32>
      %add3A_2955 = arith.addi %add3A_2952, %add3A_2954 : vector<16xi32>
      %swap3A_2956 = arith.constant 32 : index
      %swap3A_2957 = tpu.vector_load %arg6[%swap3A_2956] {strides = array<i32>} : memref<2048xi32, #tpu.memory_space<vmem>>, vector<16xi32>,
      tpu.vector_store %arg6[%swap3A_2956], %add3A_2955 {strides = array<i32>} : memref<2048xi32, #tpu.memory_space<vmem>>, vector<16xi32>,
      %add3A_2958 = arith.constant 2048 : i32
      %add3A_2959 = vector.broadcast %add3A_2958 : i32 to vector<16xi32>
      %add3A_2960 = arith.addi %add3A_2952, %add3A_2959 : vector<16xi32>
      %swap3A_2961 = arith.constant 96 : index
      %swap3A_2962 = tpu.vector_load %arg6[%swap3A_2961] {strides = array<i32>} : memref<2048xi32, #tpu.memory_space<vmem>>, vector<16xi32>,
      tpu.vector_store %arg6[%swap3A_2961], %add3A_2960 {strides = array<i32>} : memref<2048xi32, #tpu.memory_space<vmem>>, vector<16xi32>,
      %add3A_2963 = arith.constant 4096 : i32
      %add3A_2964 = vector.broadcast %add3A_2963 : i32 to vector<16xi32>
      %add3A_2965 = arith.addi %add3A_2952, %add3A_2964 : vector<16xi32>
      %swap3A_2966 = arith.constant 160 : index
      %swap3A_2967 = tpu.vector_load %arg6[%swap3A_2966] {strides = array<i32>} : memref<2048xi32, #tpu.memory_space<vmem>>, vector<16xi32>,
      tpu.vector_store %arg6[%swap3A_2966], %add3A_2965 {strides = array<i32>} : memref<2048xi32, #tpu.memory_space<vmem>>, vector<16xi32>,
      %add3A_2968 = arith.constant 6144 : i32
      %add3A_2969 = vector.broadcast %add3A_2968 : i32 to vector<16xi32>
      %add3A_2970 = arith.addi %add3A_2952, %add3A_2969 : vector<16xi32>
      %swap3A_2971 = arith.constant 224 : index
      %swap3A_2972 = tpu.vector_load %arg6[%swap3A_2971] {strides = array<i32>} : memref<2048xi32, #tpu.memory_space<vmem>>, vector<16xi32>,
      tpu.vector_store %arg6[%swap3A_2971], %add3A_2970 {strides = array<i32>} : memref<2048xi32, #tpu.memory_space<vmem>>, vector<16xi32>,
      %add3A_2973 = arith.constant 8192 : i32
      %add3A_2974 = vector.broadcast %add3A_2973 : i32 to vector<16xi32>
      %add3A_2975 = arith.addi %add3A_2952, %add3A_2974 : vector<16xi32>
      %swap3A_2976 = arith.constant 288 : index
      %swap3A_2977 = tpu.vector_load %arg6[%swap3A_2976] {strides = array<i32>} : memref<2048xi32, #tpu.memory_space<vmem>>, vector<16xi32>,
      tpu.vector_store %arg6[%swap3A_2976], %add3A_2975 {strides = array<i32>} : memref<2048xi32, #tpu.memory_space<vmem>>, vector<16xi32>,
      %add3A_2978 = arith.constant 10240 : i32
      %add3A_2979 = vector.broadcast %add3A_2978 : i32 to vector<16xi32>
      %add3A_2980 = arith.addi %add3A_2952, %add3A_2979 : vector<16xi32>
      %swap3A_2981 = arith.constant 352 : index
      %swap3A_2982 = tpu.vector_load %arg6[%swap3A_2981] {strides = array<i32>} : memref<2048xi32, #tpu.memory_space<vmem>>, vector<16xi32>,
      tpu.vector_store %arg6[%swap3A_2981], %add3A_2980 {strides = array<i32>} : memref<2048xi32, #tpu.memory_space<vmem>>, vector<16xi32>,
      %add3A_2983 = arith.constant 12288 : i32
      %add3A_2984 = vector.broadcast %add3A_2983 : i32 to vector<16xi32>
      %add3A_2985 = arith.addi %add3A_2952, %add3A_2984 : vector<16xi32>
      %swap3A_2986 = arith.constant 416 : index
      %swap3A_2987 = tpu.vector_load %arg6[%swap3A_2986] {strides = array<i32>} : memref<2048xi32, #tpu.memory_space<vmem>>, vector<16xi32>,
      tpu.vector_store %arg6[%swap3A_2986], %add3A_2985 {strides = array<i32>} : memref<2048xi32, #tpu.memory_space<vmem>>, vector<16xi32>,
      %add3A_2988 = arith.constant 14336 : i32
      %add3A_2989 = vector.broadcast %add3A_2988 : i32 to vector<16xi32>
      %add3A_2990 = arith.addi %add3A_2952, %add3A_2989 : vector<16xi32>
      %swap3A_2991 = arith.constant 480 : index
      %swap3A_2992 = tpu.vector_load %arg6[%swap3A_2991] {strides = array<i32>} : memref<2048xi32, #tpu.memory_space<vmem>>, vector<16xi32>,
      tpu.vector_store %arg6[%swap3A_2991], %add3A_2990 {strides = array<i32>} : memref<2048xi32, #tpu.memory_space<vmem>>, vector<16xi32>,
      %add3A_2993 = arith.constant 16384 : i32
      %add3A_2994 = vector.broadcast %add3A_2993 : i32 to vector<16xi32>
      %add3A_2995 = arith.addi %add3A_2952, %add3A_2994 : vector<16xi32>
      %swap3A_2996 = arith.constant 544 : index
      %swap3A_2997 = tpu.vector_load %arg6[%swap3A_2996] {strides = array<i32>} : memref<2048xi32, #tpu.memory_space<vmem>>, vector<16xi32>,
      tpu.vector_store %arg6[%swap3A_2996], %add3A_2995 {strides = array<i32>} : memref<2048xi32, #tpu.memory_space<vmem>>, vector<16xi32>,
      %add3A_2998 = arith.constant 18432 : i32
      %add3A_2999 = vector.broadcast %add3A_2998 : i32 to vector<16xi32>
      %add3A_3000 = arith.addi %add3A_2952, %add3A_2999 : vector<16xi32>
      %swap3A_3001 = arith.constant 608 : index
      %swap3A_3002 = tpu.vector_load %arg6[%swap3A_3001] {strides = array<i32>} : memref<2048xi32, #tpu.memory_space<vmem>>, vector<16xi32>,
      tpu.vector_store %arg6[%swap3A_3001], %add3A_3000 {strides = array<i32>} : memref<2048xi32, #tpu.memory_space<vmem>>, vector<16xi32>,
      %add3A_3003 = arith.constant 20480 : i32
      %add3A_3004 = vector.broadcast %add3A_3003 : i32 to vector<16xi32>
      %add3A_3005 = arith.addi %add3A_2952, %add3A_3004 : vector<16xi32>
      %swap3A_3006 = arith.constant 672 : index
      %swap3A_3007 = tpu.vector_load %arg6[%swap3A_3006] {strides = array<i32>} : memref<2048xi32, #tpu.memory_space<vmem>>, vector<16xi32>,
      tpu.vector_store %arg6[%swap3A_3006], %add3A_3005 {strides = array<i32>} : memref<2048xi32, #tpu.memory_space<vmem>>, vector<16xi32>,
      %add3A_3008 = arith.constant 22528 : i32
      %add3A_3009 = vector.broadcast %add3A_3008 : i32 to vector<16xi32>
      %add3A_3010 = arith.addi %add3A_2952, %add3A_3009 : vector<16xi32>
      %swap3A_3011 = arith.constant 736 : index
      %swap3A_3012 = tpu.vector_load %arg6[%swap3A_3011] {strides = array<i32>} : memref<2048xi32, #tpu.memory_space<vmem>>, vector<16xi32>,
      tpu.vector_store %arg6[%swap3A_3011], %add3A_3010 {strides = array<i32>} : memref<2048xi32, #tpu.memory_space<vmem>>, vector<16xi32>,
      %add3A_3013 = arith.constant 24576 : i32
      %add3A_3014 = vector.broadcast %add3A_3013 : i32 to vector<16xi32>
      %add3A_3015 = arith.addi %add3A_2952, %add3A_3014 : vector<16xi32>
      %swap3A_3016 = arith.constant 800 : index
      %swap3A_3017 = tpu.vector_load %arg6[%swap3A_3016] {strides = array<i32>} : memref<2048xi32, #tpu.memory_space<vmem>>, vector<16xi32>,
      tpu.vector_store %arg6[%swap3A_3016], %add3A_3015 {strides = array<i32>} : memref<2048xi32, #tpu.memory_space<vmem>>, vector<16xi32>,
      %add3A_3018 = arith.constant 26624 : i32
      %add3A_3019 = vector.broadcast %add3A_3018 : i32 to vector<16xi32>
      %add3A_3020 = arith.addi %add3A_2952, %add3A_3019 : vector<16xi32>
      %swap3A_3021 = arith.constant 864 : index
      %swap3A_3022 = tpu.vector_load %arg6[%swap3A_3021] {strides = array<i32>} : memref<2048xi32, #tpu.memory_space<vmem>>, vector<16xi32>,
      tpu.vector_store %arg6[%swap3A_3021], %add3A_3020 {strides = array<i32>} : memref<2048xi32, #tpu.memory_space<vmem>>, vector<16xi32>,
      %add3A_3023 = arith.constant 28672 : i32
      %add3A_3024 = vector.broadcast %add3A_3023 : i32 to vector<16xi32>
      %add3A_3025 = arith.addi %add3A_2952, %add3A_3024 : vector<16xi32>
      %swap3A_3026 = arith.constant 928 : index
      %swap3A_3027 = tpu.vector_load %arg6[%swap3A_3026] {strides = array<i32>} : memref<2048xi32, #tpu.memory_space<vmem>>, vector<16xi32>,
      tpu.vector_store %arg6[%swap3A_3026], %add3A_3025 {strides = array<i32>} : memref<2048xi32, #tpu.memory_space<vmem>>, vector<16xi32>,
      %add3A_3028 = arith.constant 30720 : i32
      %add3A_3029 = vector.broadcast %add3A_3028 : i32 to vector<16xi32>
      %add3A_3030 = arith.addi %add3A_2952, %add3A_3029 : vector<16xi32>
      %swap3A_3031 = arith.constant 992 : index
      %swap3A_3032 = tpu.vector_load %arg6[%swap3A_3031] {strides = array<i32>} : memref<2048xi32, #tpu.memory_space<vmem>>, vector<16xi32>,
      tpu.vector_store %arg6[%swap3A_3031], %add3A_3030 {strides = array<i32>} : memref<2048xi32, #tpu.memory_space<vmem>>, vector<16xi32>,
      %add3A_3033 = arith.constant 32768 : i32
      %add3A_3034 = vector.broadcast %add3A_3033 : i32 to vector<16xi32>
      %add3A_3035 = arith.addi %add3A_2952, %add3A_3034 : vector<16xi32>
      %swap3A_3036 = arith.constant 1056 : index
      %swap3A_3037 = tpu.vector_load %arg6[%swap3A_3036] {strides = array<i32>} : memref<2048xi32, #tpu.memory_space<vmem>>, vector<16xi32>,
      tpu.vector_store %arg6[%swap3A_3036], %add3A_3035 {strides = array<i32>} : memref<2048xi32, #tpu.memory_space<vmem>>, vector<16xi32>,
      %add3A_3038 = arith.constant 34816 : i32
      %add3A_3039 = vector.broadcast %add3A_3038 : i32 to vector<16xi32>
      %add3A_3040 = arith.addi %add3A_2952, %add3A_3039 : vector<16xi32>
      %swap3A_3041 = arith.constant 1120 : index
      %swap3A_3042 = tpu.vector_load %arg6[%swap3A_3041] {strides = array<i32>} : memref<2048xi32, #tpu.memory_space<vmem>>, vector<16xi32>,
      tpu.vector_store %arg6[%swap3A_3041], %add3A_3040 {strides = array<i32>} : memref<2048xi32, #tpu.memory_space<vmem>>, vector<16xi32>,
      %add3A_3043 = arith.constant 36864 : i32
      %add3A_3044 = vector.broadcast %add3A_3043 : i32 to vector<16xi32>
      %add3A_3045 = arith.addi %add3A_2952, %add3A_3044 : vector<16xi32>
      %swap3A_3046 = arith.constant 1184 : index
      %swap3A_3047 = tpu.vector_load %arg6[%swap3A_3046] {strides = array<i32>} : memref<2048xi32, #tpu.memory_space<vmem>>, vector<16xi32>,
      tpu.vector_store %arg6[%swap3A_3046], %add3A_3045 {strides = array<i32>} : memref<2048xi32, #tpu.memory_space<vmem>>, vector<16xi32>,
      %add3A_3048 = arith.constant 38912 : i32
      %add3A_3049 = vector.broadcast %add3A_3048 : i32 to vector<16xi32>
      %add3A_3050 = arith.addi %add3A_2952, %add3A_3049 : vector<16xi32>
      %swap3A_3051 = arith.constant 1248 : index
      %swap3A_3052 = tpu.vector_load %arg6[%swap3A_3051] {strides = array<i32>} : memref<2048xi32, #tpu.memory_space<vmem>>, vector<16xi32>,
      tpu.vector_store %arg6[%swap3A_3051], %add3A_3050 {strides = array<i32>} : memref<2048xi32, #tpu.memory_space<vmem>>, vector<16xi32>,
      %add3A_3053 = arith.constant 40960 : i32
      %add3A_3054 = vector.broadcast %add3A_3053 : i32 to vector<16xi32>
      %add3A_3055 = arith.addi %add3A_2952, %add3A_3054 : vector<16xi32>
      %swap3A_3056 = arith.constant 1312 : index
      %swap3A_3057 = tpu.vector_load %arg6[%swap3A_3056] {strides = array<i32>} : memref<2048xi32, #tpu.memory_space<vmem>>, vector<16xi32>,
      tpu.vector_store %arg6[%swap3A_3056], %add3A_3055 {strides = array<i32>} : memref<2048xi32, #tpu.memory_space<vmem>>, vector<16xi32>,
      %add3A_3058 = arith.constant 43008 : i32
      %add3A_3059 = vector.broadcast %add3A_3058 : i32 to vector<16xi32>
      %add3A_3060 = arith.addi %add3A_2952, %add3A_3059 : vector<16xi32>
      %swap3A_3061 = arith.constant 1376 : index
      %swap3A_3062 = tpu.vector_load %arg6[%swap3A_3061] {strides = array<i32>} : memref<2048xi32, #tpu.memory_space<vmem>>, vector<16xi32>,
      tpu.vector_store %arg6[%swap3A_3061], %add3A_3060 {strides = array<i32>} : memref<2048xi32, #tpu.memory_space<vmem>>, vector<16xi32>,
      %add3A_3063 = arith.constant 45056 : i32
      %add3A_3064 = vector.broadcast %add3A_3063 : i32 to vector<16xi32>
      %add3A_3065 = arith.addi %add3A_2952, %add3A_3064 : vector<16xi32>
      %swap3A_3066 = arith.constant 1440 : index
      %swap3A_3067 = tpu.vector_load %arg6[%swap3A_3066] {strides = array<i32>} : memref<2048xi32, #tpu.memory_space<vmem>>, vector<16xi32>,
      tpu.vector_store %arg6[%swap3A_3066], %add3A_3065 {strides = array<i32>} : memref<2048xi32, #tpu.memory_space<vmem>>, vector<16xi32>,
      %add3A_3068 = arith.constant 47104 : i32
      %add3A_3069 = vector.broadcast %add3A_3068 : i32 to vector<16xi32>
      %add3A_3070 = arith.addi %add3A_2952, %add3A_3069 : vector<16xi32>
      %swap3A_3071 = arith.constant 1504 : index
      %swap3A_3072 = tpu.vector_load %arg6[%swap3A_3071] {strides = array<i32>} : memref<2048xi32, #tpu.memory_space<vmem>>, vector<16xi32>,
      tpu.vector_store %arg6[%swap3A_3071], %add3A_3070 {strides = array<i32>} : memref<2048xi32, #tpu.memory_space<vmem>>, vector<16xi32>,
      %add3A_3073 = arith.constant 49152 : i32
      %add3A_3074 = vector.broadcast %add3A_3073 : i32 to vector<16xi32>
      %add3A_3075 = arith.addi %add3A_2952, %add3A_3074 : vector<16xi32>
      %swap3A_3076 = arith.constant 1568 : index
      %swap3A_3077 = tpu.vector_load %arg6[%swap3A_3076] {strides = array<i32>} : memref<2048xi32, #tpu.memory_space<vmem>>, vector<16xi32>,
      tpu.vector_store %arg6[%swap3A_3076], %add3A_3075 {strides = array<i32>} : memref<2048xi32, #tpu.memory_space<vmem>>, vector<16xi32>,
      %add3A_3078 = arith.constant 51200 : i32
      %add3A_3079 = vector.broadcast %add3A_3078 : i32 to vector<16xi32>
      %add3A_3080 = arith.addi %add3A_2952, %add3A_3079 : vector<16xi32>
      %swap3A_3081 = arith.constant 1632 : index
      %swap3A_3082 = tpu.vector_load %arg6[%swap3A_3081] {strides = array<i32>} : memref<2048xi32, #tpu.memory_space<vmem>>, vector<16xi32>,
      tpu.vector_store %arg6[%swap3A_3081], %add3A_3080 {strides = array<i32>} : memref<2048xi32, #tpu.memory_space<vmem>>, vector<16xi32>,
      %add3A_3083 = arith.constant 53248 : i32
      %add3A_3084 = vector.broadcast %add3A_3083 : i32 to vector<16xi32>
      %add3A_3085 = arith.addi %add3A_2952, %add3A_3084 : vector<16xi32>
      %swap3A_3086 = arith.constant 1696 : index
      %swap3A_3087 = tpu.vector_load %arg6[%swap3A_3086] {strides = array<i32>} : memref<2048xi32, #tpu.memory_space<vmem>>, vector<16xi32>,
      tpu.vector_store %arg6[%swap3A_3086], %add3A_3085 {strides = array<i32>} : memref<2048xi32, #tpu.memory_space<vmem>>, vector<16xi32>,
      %add3A_3088 = arith.constant 55296 : i32
      %add3A_3089 = vector.broadcast %add3A_3088 : i32 to vector<16xi32>
      %add3A_3090 = arith.addi %add3A_2952, %add3A_3089 : vector<16xi32>
      %swap3A_3091 = arith.constant 1760 : index
      %swap3A_3092 = tpu.vector_load %arg6[%swap3A_3091] {strides = array<i32>} : memref<2048xi32, #tpu.memory_space<vmem>>, vector<16xi32>,
      tpu.vector_store %arg6[%swap3A_3091], %add3A_3090 {strides = array<i32>} : memref<2048xi32, #tpu.memory_space<vmem>>, vector<16xi32>,
      %add3A_3093 = arith.constant 57344 : i32
      %add3A_3094 = vector.broadcast %add3A_3093 : i32 to vector<16xi32>
      %add3A_3095 = arith.addi %add3A_2952, %add3A_3094 : vector<16xi32>
      %swap3A_3096 = arith.constant 1824 : index
      %swap3A_3097 = tpu.vector_load %arg6[%swap3A_3096] {strides = array<i32>} : memref<2048xi32, #tpu.memory_space<vmem>>, vector<16xi32>,
      tpu.vector_store %arg6[%swap3A_3096], %add3A_3095 {strides = array<i32>} : memref<2048xi32, #tpu.memory_space<vmem>>, vector<16xi32>,
      %add3A_3098 = arith.constant 59392 : i32
      %add3A_3099 = vector.broadcast %add3A_3098 : i32 to vector<16xi32>
      %add3A_3100 = arith.addi %add3A_2952, %add3A_3099 : vector<16xi32>
      %swap3A_3101 = arith.constant 1888 : index
      %swap3A_3102 = tpu.vector_load %arg6[%swap3A_3101] {strides = array<i32>} : memref<2048xi32, #tpu.memory_space<vmem>>, vector<16xi32>,
      tpu.vector_store %arg6[%swap3A_3101], %add3A_3100 {strides = array<i32>} : memref<2048xi32, #tpu.memory_space<vmem>>, vector<16xi32>,
      %add3A_3103 = arith.constant 61440 : i32
      %add3A_3104 = vector.broadcast %add3A_3103 : i32 to vector<16xi32>
      %add3A_3105 = arith.addi %add3A_2952, %add3A_3104 : vector<16xi32>
      %swap3A_3106 = arith.constant 1952 : index
      %swap3A_3107 = tpu.vector_load %arg6[%swap3A_3106] {strides = array<i32>} : memref<2048xi32, #tpu.memory_space<vmem>>, vector<16xi32>,
      tpu.vector_store %arg6[%swap3A_3106], %add3A_3105 {strides = array<i32>} : memref<2048xi32, #tpu.memory_space<vmem>>, vector<16xi32>,
      %add3A_3108 = arith.constant 63488 : i32
      %add3A_3109 = vector.broadcast %add3A_3108 : i32 to vector<16xi32>
      %add3A_3110 = arith.addi %add3A_2952, %add3A_3109 : vector<16xi32>
      %swap3A_3111 = arith.constant 2016 : index
      %swap3A_3112 = tpu.vector_load %arg6[%swap3A_3111] {strides = array<i32>} : memref<2048xi32, #tpu.memory_space<vmem>>, vector<16xi32>,
      tpu.vector_store %arg6[%swap3A_3111], %add3A_3110 {strides = array<i32>} : memref<2048xi32, #tpu.memory_space<vmem>>, vector<16xi32>,
      %mul3A_3113 = arith.constant 64 : i32
      %mul3A_3114 = arith.muli %and3A_2575, %mul3A_3113 : i32
      %add3A_3115 = arith.constant 48 : i32
      %add3A_3116 = arith.addi %mul3A_3114, %add3A_3115 : i32
      %get3A_3117 = arith.index_cast %add3A_3116 : i32 to index
      %get3A_3118 = tpu.vector_load %arg5[%get3A_3117] {strides = array<i32>} : memref<1024xi32, #tpu.memory_space<vmem>>, vector<16xi32>,
      %shift_right_arithmetic3A_3119 = arith.constant 15 : i32
      %shift_right_arithmetic3A_3120 = vector.broadcast %shift_right_arithmetic3A_3119 : i32 to vector<16xi32>
      %shift_right_arithmetic3A_3121 = arith.shrsi %get3A_3118, %shift_right_arithmetic3A_3120 : vector<16xi32>
      %mul3A_3122 = arith.constant 65536 : i32
      %mul3A_3123 = vector.broadcast %mul3A_3122 : i32 to vector<16xi32>
      %mul3A_3124 = arith.muli %shift_right_arithmetic3A_3121, %mul3A_3123 : vector<16xi32>
      %shift_right_arithmetic3A_3125 = arith.constant 4 : i32
      %shift_right_arithmetic3A_3126 = vector.broadcast %shift_right_arithmetic3A_3125 : i32 to vector<16xi32>
      %shift_right_arithmetic3A_3127 = arith.shrsi %get3A_3118, %shift_right_arithmetic3A_3126 : vector<16xi32>
      %and3A_3128 = arith.constant 2047 : i32
      %and3A_3129 = vector.broadcast %and3A_3128 : i32 to vector<16xi32>
      %and3A_3130 = arith.andi %shift_right_arithmetic3A_3127, %and3A_3129 : vector<16xi32>
      %add3A_3131 = arith.addi %mul3A_3124, %and3A_3130 : vector<16xi32>
      %add3A_3132 = arith.constant 0 : i32
      %add3A_3133 = vector.broadcast %add3A_3132 : i32 to vector<16xi32>
      %add3A_3134 = arith.addi %add3A_3131, %add3A_3133 : vector<16xi32>
      %swap3A_3135 = arith.constant 48 : index
      %swap3A_3136 = tpu.vector_load %arg6[%swap3A_3135] {strides = array<i32>} : memref<2048xi32, #tpu.memory_space<vmem>>, vector<16xi32>,
      tpu.vector_store %arg6[%swap3A_3135], %add3A_3134 {strides = array<i32>} : memref<2048xi32, #tpu.memory_space<vmem>>, vector<16xi32>,
      %add3A_3137 = arith.constant 2048 : i32
      %add3A_3138 = vector.broadcast %add3A_3137 : i32 to vector<16xi32>
      %add3A_3139 = arith.addi %add3A_3131, %add3A_3138 : vector<16xi32>
      %swap3A_3140 = arith.constant 112 : index
      %swap3A_3141 = tpu.vector_load %arg6[%swap3A_3140] {strides = array<i32>} : memref<2048xi32, #tpu.memory_space<vmem>>, vector<16xi32>,
      tpu.vector_store %arg6[%swap3A_3140], %add3A_3139 {strides = array<i32>} : memref<2048xi32, #tpu.memory_space<vmem>>, vector<16xi32>,
      %add3A_3142 = arith.constant 4096 : i32
      %add3A_3143 = vector.broadcast %add3A_3142 : i32 to vector<16xi32>
      %add3A_3144 = arith.addi %add3A_3131, %add3A_3143 : vector<16xi32>
      %swap3A_3145 = arith.constant 176 : index
      %swap3A_3146 = tpu.vector_load %arg6[%swap3A_3145] {strides = array<i32>} : memref<2048xi32, #tpu.memory_space<vmem>>, vector<16xi32>,
      tpu.vector_store %arg6[%swap3A_3145], %add3A_3144 {strides = array<i32>} : memref<2048xi32, #tpu.memory_space<vmem>>, vector<16xi32>,
      %add3A_3147 = arith.constant 6144 : i32
      %add3A_3148 = vector.broadcast %add3A_3147 : i32 to vector<16xi32>
      %add3A_3149 = arith.addi %add3A_3131, %add3A_3148 : vector<16xi32>
      %swap3A_3150 = arith.constant 240 : index
      %swap3A_3151 = tpu.vector_load %arg6[%swap3A_3150] {strides = array<i32>} : memref<2048xi32, #tpu.memory_space<vmem>>, vector<16xi32>,
      tpu.vector_store %arg6[%swap3A_3150], %add3A_3149 {strides = array<i32>} : memref<2048xi32, #tpu.memory_space<vmem>>, vector<16xi32>,
      %add3A_3152 = arith.constant 8192 : i32
      %add3A_3153 = vector.broadcast %add3A_3152 : i32 to vector<16xi32>
      %add3A_3154 = arith.addi %add3A_3131, %add3A_3153 : vector<16xi32>
      %swap3A_3155 = arith.constant 304 : index
      %swap3A_3156 = tpu.vector_load %arg6[%swap3A_3155] {strides = array<i32>} : memref<2048xi32, #tpu.memory_space<vmem>>, vector<16xi32>,
      tpu.vector_store %arg6[%swap3A_3155], %add3A_3154 {strides = array<i32>} : memref<2048xi32, #tpu.memory_space<vmem>>, vector<16xi32>,
      %add3A_3157 = arith.constant 10240 : i32
      %add3A_3158 = vector.broadcast %add3A_3157 : i32 to vector<16xi32>
      %add3A_3159 = arith.addi %add3A_3131, %add3A_3158 : vector<16xi32>
      %swap3A_3160 = arith.constant 368 : index
      %swap3A_3161 = tpu.vector_load %arg6[%swap3A_3160] {strides = array<i32>} : memref<2048xi32, #tpu.memory_space<vmem>>, vector<16xi32>,
      tpu.vector_store %arg6[%swap3A_3160], %add3A_3159 {strides = array<i32>} : memref<2048xi32, #tpu.memory_space<vmem>>, vector<16xi32>,
      %add3A_3162 = arith.constant 12288 : i32
      %add3A_3163 = vector.broadcast %add3A_3162 : i32 to vector<16xi32>
      %add3A_3164 = arith.addi %add3A_3131, %add3A_3163 : vector<16xi32>
      %swap3A_3165 = arith.constant 432 : index
      %swap3A_3166 = tpu.vector_load %arg6[%swap3A_3165] {strides = array<i32>} : memref<2048xi32, #tpu.memory_space<vmem>>, vector<16xi32>,
      tpu.vector_store %arg6[%swap3A_3165], %add3A_3164 {strides = array<i32>} : memref<2048xi32, #tpu.memory_space<vmem>>, vector<16xi32>,
      %add3A_3167 = arith.constant 14336 : i32
      %add3A_3168 = vector.broadcast %add3A_3167 : i32 to vector<16xi32>
      %add3A_3169 = arith.addi %add3A_3131, %add3A_3168 : vector<16xi32>
      %swap3A_3170 = arith.constant 496 : index
      %swap3A_3171 = tpu.vector_load %arg6[%swap3A_3170] {strides = array<i32>} : memref<2048xi32, #tpu.memory_space<vmem>>, vector<16xi32>,
      tpu.vector_store %arg6[%swap3A_3170], %add3A_3169 {strides = array<i32>} : memref<2048xi32, #tpu.memory_space<vmem>>, vector<16xi32>,
      %add3A_3172 = arith.constant 16384 : i32
      %add3A_3173 = vector.broadcast %add3A_3172 : i32 to vector<16xi32>
      %add3A_3174 = arith.addi %add3A_3131, %add3A_3173 : vector<16xi32>
      %swap3A_3175 = arith.constant 560 : index
      %swap3A_3176 = tpu.vector_load %arg6[%swap3A_3175] {strides = array<i32>} : memref<2048xi32, #tpu.memory_space<vmem>>, vector<16xi32>,
      tpu.vector_store %arg6[%swap3A_3175], %add3A_3174 {strides = array<i32>} : memref<2048xi32, #tpu.memory_space<vmem>>, vector<16xi32>,
      %add3A_3177 = arith.constant 18432 : i32
      %add3A_3178 = vector.broadcast %add3A_3177 : i32 to vector<16xi32>
      %add3A_3179 = arith.addi %add3A_3131, %add3A_3178 : vector<16xi32>
      %swap3A_3180 = arith.constant 624 : index
      %swap3A_3181 = tpu.vector_load %arg6[%swap3A_3180] {strides = array<i32>} : memref<2048xi32, #tpu.memory_space<vmem>>, vector<16xi32>,
      tpu.vector_store %arg6[%swap3A_3180], %add3A_3179 {strides = array<i32>} : memref<2048xi32, #tpu.memory_space<vmem>>, vector<16xi32>,
      %add3A_3182 = arith.constant 20480 : i32
      %add3A_3183 = vector.broadcast %add3A_3182 : i32 to vector<16xi32>
      %add3A_3184 = arith.addi %add3A_3131, %add3A_3183 : vector<16xi32>
      %swap3A_3185 = arith.constant 688 : index
      %swap3A_3186 = tpu.vector_load %arg6[%swap3A_3185] {strides = array<i32>} : memref<2048xi32, #tpu.memory_space<vmem>>, vector<16xi32>,
      tpu.vector_store %arg6[%swap3A_3185], %add3A_3184 {strides = array<i32>} : memref<2048xi32, #tpu.memory_space<vmem>>, vector<16xi32>,
      %add3A_3187 = arith.constant 22528 : i32
      %add3A_3188 = vector.broadcast %add3A_3187 : i32 to vector<16xi32>
      %add3A_3189 = arith.addi %add3A_3131, %add3A_3188 : vector<16xi32>
      %swap3A_3190 = arith.constant 752 : index
      %swap3A_3191 = tpu.vector_load %arg6[%swap3A_3190] {strides = array<i32>} : memref<2048xi32, #tpu.memory_space<vmem>>, vector<16xi32>,
      tpu.vector_store %arg6[%swap3A_3190], %add3A_3189 {strides = array<i32>} : memref<2048xi32, #tpu.memory_space<vmem>>, vector<16xi32>,
      %add3A_3192 = arith.constant 24576 : i32
      %add3A_3193 = vector.broadcast %add3A_3192 : i32 to vector<16xi32>
      %add3A_3194 = arith.addi %add3A_3131, %add3A_3193 : vector<16xi32>
      %swap3A_3195 = arith.constant 816 : index
      %swap3A_3196 = tpu.vector_load %arg6[%swap3A_3195] {strides = array<i32>} : memref<2048xi32, #tpu.memory_space<vmem>>, vector<16xi32>,
      tpu.vector_store %arg6[%swap3A_3195], %add3A_3194 {strides = array<i32>} : memref<2048xi32, #tpu.memory_space<vmem>>, vector<16xi32>,
      %add3A_3197 = arith.constant 26624 : i32
      %add3A_3198 = vector.broadcast %add3A_3197 : i32 to vector<16xi32>
      %add3A_3199 = arith.addi %add3A_3131, %add3A_3198 : vector<16xi32>
      %swap3A_3200 = arith.constant 880 : index
      %swap3A_3201 = tpu.vector_load %arg6[%swap3A_3200] {strides = array<i32>} : memref<2048xi32, #tpu.memory_space<vmem>>, vector<16xi32>,
      tpu.vector_store %arg6[%swap3A_3200], %add3A_3199 {strides = array<i32>} : memref<2048xi32, #tpu.memory_space<vmem>>, vector<16xi32>,
      %add3A_3202 = arith.constant 28672 : i32
      %add3A_3203 = vector.broadcast %add3A_3202 : i32 to vector<16xi32>
      %add3A_3204 = arith.addi %add3A_3131, %add3A_3203 : vector<16xi32>
      %swap3A_3205 = arith.constant 944 : index
      %swap3A_3206 = tpu.vector_load %arg6[%swap3A_3205] {strides = array<i32>} : memref<2048xi32, #tpu.memory_space<vmem>>, vector<16xi32>,
      tpu.vector_store %arg6[%swap3A_3205], %add3A_3204 {strides = array<i32>} : memref<2048xi32, #tpu.memory_space<vmem>>, vector<16xi32>,
      %add3A_3207 = arith.constant 30720 : i32
      %add3A_3208 = vector.broadcast %add3A_3207 : i32 to vector<16xi32>
      %add3A_3209 = arith.addi %add3A_3131, %add3A_3208 : vector<16xi32>
      %swap3A_3210 = arith.constant 1008 : index
      %swap3A_3211 = tpu.vector_load %arg6[%swap3A_3210] {strides = array<i32>} : memref<2048xi32, #tpu.memory_space<vmem>>, vector<16xi32>,
      tpu.vector_store %arg6[%swap3A_3210], %add3A_3209 {strides = array<i32>} : memref<2048xi32, #tpu.memory_space<vmem>>, vector<16xi32>,
      %add3A_3212 = arith.constant 32768 : i32
      %add3A_3213 = vector.broadcast %add3A_3212 : i32 to vector<16xi32>
      %add3A_3214 = arith.addi %add3A_3131, %add3A_3213 : vector<16xi32>
      %swap3A_3215 = arith.constant 1072 : index
      %swap3A_3216 = tpu.vector_load %arg6[%swap3A_3215] {strides = array<i32>} : memref<2048xi32, #tpu.memory_space<vmem>>, vector<16xi32>,
      tpu.vector_store %arg6[%swap3A_3215], %add3A_3214 {strides = array<i32>} : memref<2048xi32, #tpu.memory_space<vmem>>, vector<16xi32>,
      %add3A_3217 = arith.constant 34816 : i32
      %add3A_3218 = vector.broadcast %add3A_3217 : i32 to vector<16xi32>
      %add3A_3219 = arith.addi %add3A_3131, %add3A_3218 : vector<16xi32>
      %swap3A_3220 = arith.constant 1136 : index
      %swap3A_3221 = tpu.vector_load %arg6[%swap3A_3220] {strides = array<i32>} : memref<2048xi32, #tpu.memory_space<vmem>>, vector<16xi32>,
      tpu.vector_store %arg6[%swap3A_3220], %add3A_3219 {strides = array<i32>} : memref<2048xi32, #tpu.memory_space<vmem>>, vector<16xi32>,
      %add3A_3222 = arith.constant 36864 : i32
      %add3A_3223 = vector.broadcast %add3A_3222 : i32 to vector<16xi32>
      %add3A_3224 = arith.addi %add3A_3131, %add3A_3223 : vector<16xi32>
      %swap3A_3225 = arith.constant 1200 : index
      %swap3A_3226 = tpu.vector_load %arg6[%swap3A_3225] {strides = array<i32>} : memref<2048xi32, #tpu.memory_space<vmem>>, vector<16xi32>,
      tpu.vector_store %arg6[%swap3A_3225], %add3A_3224 {strides = array<i32>} : memref<2048xi32, #tpu.memory_space<vmem>>, vector<16xi32>,
      %add3A_3227 = arith.constant 38912 : i32
      %add3A_3228 = vector.broadcast %add3A_3227 : i32 to vector<16xi32>
      %add3A_3229 = arith.addi %add3A_3131, %add3A_3228 : vector<16xi32>
      %swap3A_3230 = arith.constant 1264 : index
      %swap3A_3231 = tpu.vector_load %arg6[%swap3A_3230] {strides = array<i32>} : memref<2048xi32, #tpu.memory_space<vmem>>, vector<16xi32>,
      tpu.vector_store %arg6[%swap3A_3230], %add3A_3229 {strides = array<i32>} : memref<2048xi32, #tpu.memory_space<vmem>>, vector<16xi32>,
      %add3A_3232 = arith.constant 40960 : i32
      %add3A_3233 = vector.broadcast %add3A_3232 : i32 to vector<16xi32>
      %add3A_3234 = arith.addi %add3A_3131, %add3A_3233 : vector<16xi32>
      %swap3A_3235 = arith.constant 1328 : index
      %swap3A_3236 = tpu.vector_load %arg6[%swap3A_3235] {strides = array<i32>} : memref<2048xi32, #tpu.memory_space<vmem>>, vector<16xi32>,
      tpu.vector_store %arg6[%swap3A_3235], %add3A_3234 {strides = array<i32>} : memref<2048xi32, #tpu.memory_space<vmem>>, vector<16xi32>,
      %add3A_3237 = arith.constant 43008 : i32
      %add3A_3238 = vector.broadcast %add3A_3237 : i32 to vector<16xi32>
      %add3A_3239 = arith.addi %add3A_3131, %add3A_3238 : vector<16xi32>
      %swap3A_3240 = arith.constant 1392 : index
      %swap3A_3241 = tpu.vector_load %arg6[%swap3A_3240] {strides = array<i32>} : memref<2048xi32, #tpu.memory_space<vmem>>, vector<16xi32>,
      tpu.vector_store %arg6[%swap3A_3240], %add3A_3239 {strides = array<i32>} : memref<2048xi32, #tpu.memory_space<vmem>>, vector<16xi32>,
      %add3A_3242 = arith.constant 45056 : i32
      %add3A_3243 = vector.broadcast %add3A_3242 : i32 to vector<16xi32>
      %add3A_3244 = arith.addi %add3A_3131, %add3A_3243 : vector<16xi32>
      %swap3A_3245 = arith.constant 1456 : index
      %swap3A_3246 = tpu.vector_load %arg6[%swap3A_3245] {strides = array<i32>} : memref<2048xi32, #tpu.memory_space<vmem>>, vector<16xi32>,
      tpu.vector_store %arg6[%swap3A_3245], %add3A_3244 {strides = array<i32>} : memref<2048xi32, #tpu.memory_space<vmem>>, vector<16xi32>,
      %add3A_3247 = arith.constant 47104 : i32
      %add3A_3248 = vector.broadcast %add3A_3247 : i32 to vector<16xi32>
      %add3A_3249 = arith.addi %add3A_3131, %add3A_3248 : vector<16xi32>
      %swap3A_3250 = arith.constant 1520 : index
      %swap3A_3251 = tpu.vector_load %arg6[%swap3A_3250] {strides = array<i32>} : memref<2048xi32, #tpu.memory_space<vmem>>, vector<16xi32>,
      tpu.vector_store %arg6[%swap3A_3250], %add3A_3249 {strides = array<i32>} : memref<2048xi32, #tpu.memory_space<vmem>>, vector<16xi32>,
      %add3A_3252 = arith.constant 49152 : i32
      %add3A_3253 = vector.broadcast %add3A_3252 : i32 to vector<16xi32>
      %add3A_3254 = arith.addi %add3A_3131, %add3A_3253 : vector<16xi32>
      %swap3A_3255 = arith.constant 1584 : index
      %swap3A_3256 = tpu.vector_load %arg6[%swap3A_3255] {strides = array<i32>} : memref<2048xi32, #tpu.memory_space<vmem>>, vector<16xi32>,
      tpu.vector_store %arg6[%swap3A_3255], %add3A_3254 {strides = array<i32>} : memref<2048xi32, #tpu.memory_space<vmem>>, vector<16xi32>,
      %add3A_3257 = arith.constant 51200 : i32
      %add3A_3258 = vector.broadcast %add3A_3257 : i32 to vector<16xi32>
      %add3A_3259 = arith.addi %add3A_3131, %add3A_3258 : vector<16xi32>
      %swap3A_3260 = arith.constant 1648 : index
      %swap3A_3261 = tpu.vector_load %arg6[%swap3A_3260] {strides = array<i32>} : memref<2048xi32, #tpu.memory_space<vmem>>, vector<16xi32>,
      tpu.vector_store %arg6[%swap3A_3260], %add3A_3259 {strides = array<i32>} : memref<2048xi32, #tpu.memory_space<vmem>>, vector<16xi32>,
      %add3A_3262 = arith.constant 53248 : i32
      %add3A_3263 = vector.broadcast %add3A_3262 : i32 to vector<16xi32>
      %add3A_3264 = arith.addi %add3A_3131, %add3A_3263 : vector<16xi32>
      %swap3A_3265 = arith.constant 1712 : index
      %swap3A_3266 = tpu.vector_load %arg6[%swap3A_3265] {strides = array<i32>} : memref<2048xi32, #tpu.memory_space<vmem>>, vector<16xi32>,
      tpu.vector_store %arg6[%swap3A_3265], %add3A_3264 {strides = array<i32>} : memref<2048xi32, #tpu.memory_space<vmem>>, vector<16xi32>,
      %add3A_3267 = arith.constant 55296 : i32
      %add3A_3268 = vector.broadcast %add3A_3267 : i32 to vector<16xi32>
      %add3A_3269 = arith.addi %add3A_3131, %add3A_3268 : vector<16xi32>
      %swap3A_3270 = arith.constant 1776 : index
      %swap3A_3271 = tpu.vector_load %arg6[%swap3A_3270] {strides = array<i32>} : memref<2048xi32, #tpu.memory_space<vmem>>, vector<16xi32>,
      tpu.vector_store %arg6[%swap3A_3270], %add3A_3269 {strides = array<i32>} : memref<2048xi32, #tpu.memory_space<vmem>>, vector<16xi32>,
      %add3A_3272 = arith.constant 57344 : i32
      %add3A_3273 = vector.broadcast %add3A_3272 : i32 to vector<16xi32>
      %add3A_3274 = arith.addi %add3A_3131, %add3A_3273 : vector<16xi32>
      %swap3A_3275 = arith.constant 1840 : index
      %swap3A_3276 = tpu.vector_load %arg6[%swap3A_3275] {strides = array<i32>} : memref<2048xi32, #tpu.memory_space<vmem>>, vector<16xi32>,
      tpu.vector_store %arg6[%swap3A_3275], %add3A_3274 {strides = array<i32>} : memref<2048xi32, #tpu.memory_space<vmem>>, vector<16xi32>,
      %add3A_3277 = arith.constant 59392 : i32
      %add3A_3278 = vector.broadcast %add3A_3277 : i32 to vector<16xi32>
      %add3A_3279 = arith.addi %add3A_3131, %add3A_3278 : vector<16xi32>
      %swap3A_3280 = arith.constant 1904 : index
      %swap3A_3281 = tpu.vector_load %arg6[%swap3A_3280] {strides = array<i32>} : memref<2048xi32, #tpu.memory_space<vmem>>, vector<16xi32>,
      tpu.vector_store %arg6[%swap3A_3280], %add3A_3279 {strides = array<i32>} : memref<2048xi32, #tpu.memory_space<vmem>>, vector<16xi32>,
      %add3A_3282 = arith.constant 61440 : i32
      %add3A_3283 = vector.broadcast %add3A_3282 : i32 to vector<16xi32>
      %add3A_3284 = arith.addi %add3A_3131, %add3A_3283 : vector<16xi32>
      %swap3A_3285 = arith.constant 1968 : index
      %swap3A_3286 = tpu.vector_load %arg6[%swap3A_3285] {strides = array<i32>} : memref<2048xi32, #tpu.memory_space<vmem>>, vector<16xi32>,
      tpu.vector_store %arg6[%swap3A_3285], %add3A_3284 {strides = array<i32>} : memref<2048xi32, #tpu.memory_space<vmem>>, vector<16xi32>,
      %add3A_3287 = arith.constant 63488 : i32
      %add3A_3288 = vector.broadcast %add3A_3287 : i32 to vector<16xi32>
      %add3A_3289 = arith.addi %add3A_3131, %add3A_3288 : vector<16xi32>
      %swap3A_3290 = arith.constant 2032 : index
      %swap3A_3291 = tpu.vector_load %arg6[%swap3A_3290] {strides = array<i32>} : memref<2048xi32, #tpu.memory_space<vmem>>, vector<16xi32>,
      tpu.vector_store %arg6[%swap3A_3290], %add3A_3289 {strides = array<i32>} : memref<2048xi32, #tpu.memory_space<vmem>>, vector<16xi32>,
      %dma_start3A_3292 = arith.constant 0 : i32
      %dma_start3A_3293 = arith.constant 0 : i32
      %dma_start3A_3294 = tpu.memref_slice %arg3[%dma_start3A_3292, %dma_start3A_3293] : memref<2031616x16xf32, #tpu.memory_space<hbm>> -> memref<2031616x16xf32, #tpu.memory_space<hbm>>
      tpu.enqueue_indirect_dma source(%dma_start3A_3294 : memref<2031616x16xf32, #tpu.memory_space<hbm>>) target(%arg8 : memref<2048x16xf32, #tpu.memory_space<vmem>>) offsets(%arg6 : memref<2048xi32, #tpu.memory_space<vmem>>) semaphore(%arg11 : memref<!tpu.dma_semaphore, #tpu.memory_space<semaphore_mem>>)
      %dma_wait3A_3295 = arith.constant 0 : i32
      %dma_wait3A_3296 = arith.constant 0 : i32
      %dma_wait3A_3297 = tpu.memref_slice %arg3[%dma_wait3A_3295, %dma_wait3A_3296] : memref<2031616x16xf32, #tpu.memory_space<hbm>> -> memref<2031616x16xf32, #tpu.memory_space<hbm>>
      tpu.wait_indirect_dma semaphore(%arg12 : memref<!tpu.dma_semaphore, #tpu.memory_space<semaphore_mem>>) src(%dma_wait3A_3297 : memref<2031616x16xf32, #tpu.memory_space<hbm>>) dst(%arg9 : memref<2048x16xf32, #tpu.memory_space<vmem>>)
      %mul3A_3298 = arith.constant 2 : i32
      %mul3A_3299 = vector.broadcast %mul3A_3298 : i32 to vector<16xi32>
      %mul3A_3300 = arith.muli %mul3A_3299, %iota3A : vector<16xi32>
      %add3A_3301 = arith.constant 0 : i32
      %add3A_3302 = vector.broadcast %add3A_3301 : i32 to vector<16xi32>
      %add3A_3303 = arith.addi %add3A_3302, %mul3A_3300 : vector<16xi32>
      %add3A_3304 = arith.constant 1 : i32
      %add3A_3305 = vector.broadcast %add3A_3304 : i32 to vector<16xi32>
      %add3A_3306 = arith.addi %add3A_3303, %add3A_3305 : vector<16xi32>
      %mul3A_3307 = arith.constant 64 : i32
      %mul3A_3308 = arith.muli %add3A_716, %mul3A_3307 : i32
      %add3A_3309 = vector.broadcast %mul3A_3308 : i32 to vector<16xi32>
      %add3A_3310 = arith.addi %add3A_3309, %add3A_3303 : vector<16xi32>
      %gather3A_3311 = tpu.vector_load_idx %arg5[%add3A_3310] : memref<1024xi32, #tpu.memory_space<vmem>>[vector<16xi32>], vector<16xi32>,
      %mul3A_3312 = arith.constant 64 : i32
      %mul3A_3313 = arith.muli %add3A_716, %mul3A_3312 : i32
      %add3A_3314 = vector.broadcast %mul3A_3313 : i32 to vector<16xi32>
      %add3A_3315 = arith.addi %add3A_3314, %add3A_3306 : vector<16xi32>
      %gather3A_3316 = tpu.vector_load_idx %arg5[%add3A_3315] : memref<1024xi32, #tpu.memory_space<vmem>>[vector<16xi32>], vector<16xi32>,
      %and3A_3317 = arith.constant 15 : i32
      %and3A_3318 = vector.broadcast %and3A_3317 : i32 to vector<16xi32>
      %and3A_3319 = arith.andi %gather3A_3311, %and3A_3318 : vector<16xi32>
      %and3A_3320 = arith.constant 15 : i32
      %and3A_3321 = vector.broadcast %and3A_3320 : i32 to vector<16xi32>
      %and3A_3322 = arith.andi %gather3A_3316, %and3A_3321 : vector<16xi32>
      %broadcast_in_dim3A_3323 = arith.constant 0.000000e+00 : f32
      %broadcast_in_dim3A_3324 = vector.broadcast %broadcast_in_dim3A_3323 : f32 to vector<16xf32>
      %broadcast_in_dim3A_3325 = arith.constant 0.000000e+00 : f32
      %broadcast_in_dim3A_3326 = vector.broadcast %broadcast_in_dim3A_3325 : f32 to vector<16xf32>
      %broadcast_in_dim3A_3327 = arith.constant 0.000000e+00 : f32
      %broadcast_in_dim3A_3328 = vector.broadcast %broadcast_in_dim3A_3327 : f32 to vector<16xf32>
      %add3A_3329 = arith.constant 0 : i32
      %add3A_3330 = vector.broadcast %add3A_3329 : i32 to vector<16xi32>
      %add3A_3331 = arith.addi %add3A_3330, %add3A_3303 : vector<16xi32>
      %gather3A_3332 = tpu.vector_load_idx %arg9[%add3A_3331, %and3A_3319] : memref<2048x16xf32, #tpu.memory_space<vmem>>[vector<16xi32>, vector<16xi32>], vector<16xf32>,
      %add3A_3333 = arith.constant 0 : i32
      %add3A_3334 = vector.broadcast %add3A_3333 : i32 to vector<16xi32>
      %add3A_3335 = arith.addi %add3A_3334, %add3A_3306 : vector<16xi32>
      %gather3A_3336 = tpu.vector_load_idx %arg9[%add3A_3335, %and3A_3322] : memref<2048x16xf32, #tpu.memory_space<vmem>>[vector<16xi32>, vector<16xi32>], vector<16xf32>,
      %mul3A_3337 = arith.mulf %gather3A_3332, %gather3A_3336 : vector<16xf32>
      %add3A_3338 = arith.addf %broadcast_in_dim3A_3324, %mul3A_3337 : vector<16xf32>
      %mul3A_3339 = arith.mulf %gather3A_3332, %gather3A_3332 : vector<16xf32>
      %add3A_3340 = arith.addf %broadcast_in_dim3A_3326, %mul3A_3339 : vector<16xf32>
      %mul3A_3341 = arith.mulf %gather3A_3336, %gather3A_3336 : vector<16xf32>
      %add3A_3342 = arith.addf %broadcast_in_dim3A_3328, %mul3A_3341 : vector<16xf32>
      %add3A_3343 = arith.constant 64 : i32
      %add3A_3344 = vector.broadcast %add3A_3343 : i32 to vector<16xi32>
      %add3A_3345 = arith.addi %add3A_3344, %add3A_3303 : vector<16xi32>
      %gather3A_3346 = tpu.vector_load_idx %arg9[%add3A_3345, %and3A_3319] : memref<2048x16xf32, #tpu.memory_space<vmem>>[vector<16xi32>, vector<16xi32>], vector<16xf32>,
      %add3A_3347 = arith.constant 64 : i32
      %add3A_3348 = vector.broadcast %add3A_3347 : i32 to vector<16xi32>
      %add3A_3349 = arith.addi %add3A_3348, %add3A_3306 : vector<16xi32>
      %gather3A_3350 = tpu.vector_load_idx %arg9[%add3A_3349, %and3A_3322] : memref<2048x16xf32, #tpu.memory_space<vmem>>[vector<16xi32>, vector<16xi32>], vector<16xf32>,
      %mul3A_3351 = arith.mulf %gather3A_3346, %gather3A_3350 : vector<16xf32>
      %add3A_3352 = arith.addf %add3A_3338, %mul3A_3351 : vector<16xf32>
      %mul3A_3353 = arith.mulf %gather3A_3346, %gather3A_3346 : vector<16xf32>
      %add3A_3354 = arith.addf %add3A_3340, %mul3A_3353 : vector<16xf32>
      %mul3A_3355 = arith.mulf %gather3A_3350, %gather3A_3350 : vector<16xf32>
      %add3A_3356 = arith.addf %add3A_3342, %mul3A_3355 : vector<16xf32>
      %add3A_3357 = arith.constant 128 : i32
      %add3A_3358 = vector.broadcast %add3A_3357 : i32 to vector<16xi32>
      %add3A_3359 = arith.addi %add3A_3358, %add3A_3303 : vector<16xi32>
      %gather3A_3360 = tpu.vector_load_idx %arg9[%add3A_3359, %and3A_3319] : memref<2048x16xf32, #tpu.memory_space<vmem>>[vector<16xi32>, vector<16xi32>], vector<16xf32>,
      %add3A_3361 = arith.constant 128 : i32
      %add3A_3362 = vector.broadcast %add3A_3361 : i32 to vector<16xi32>
      %add3A_3363 = arith.addi %add3A_3362, %add3A_3306 : vector<16xi32>
      %gather3A_3364 = tpu.vector_load_idx %arg9[%add3A_3363, %and3A_3322] : memref<2048x16xf32, #tpu.memory_space<vmem>>[vector<16xi32>, vector<16xi32>], vector<16xf32>,
      %mul3A_3365 = arith.mulf %gather3A_3360, %gather3A_3364 : vector<16xf32>
      %add3A_3366 = arith.addf %add3A_3352, %mul3A_3365 : vector<16xf32>
      %mul3A_3367 = arith.mulf %gather3A_3360, %gather3A_3360 : vector<16xf32>
      %add3A_3368 = arith.addf %add3A_3354, %mul3A_3367 : vector<16xf32>
      %mul3A_3369 = arith.mulf %gather3A_3364, %gather3A_3364 : vector<16xf32>
      %add3A_3370 = arith.addf %add3A_3356, %mul3A_3369 : vector<16xf32>
      %add3A_3371 = arith.constant 192 : i32
      %add3A_3372 = vector.broadcast %add3A_3371 : i32 to vector<16xi32>
      %add3A_3373 = arith.addi %add3A_3372, %add3A_3303 : vector<16xi32>
      %gather3A_3374 = tpu.vector_load_idx %arg9[%add3A_3373, %and3A_3319] : memref<2048x16xf32, #tpu.memory_space<vmem>>[vector<16xi32>, vector<16xi32>], vector<16xf32>,
      %add3A_3375 = arith.constant 192 : i32
      %add3A_3376 = vector.broadcast %add3A_3375 : i32 to vector<16xi32>
      %add3A_3377 = arith.addi %add3A_3376, %add3A_3306 : vector<16xi32>
      %gather3A_3378 = tpu.vector_load_idx %arg9[%add3A_3377, %and3A_3322] : memref<2048x16xf32, #tpu.memory_space<vmem>>[vector<16xi32>, vector<16xi32>], vector<16xf32>,
      %mul3A_3379 = arith.mulf %gather3A_3374, %gather3A_3378 : vector<16xf32>
      %add3A_3380 = arith.addf %add3A_3366, %mul3A_3379 : vector<16xf32>
      %mul3A_3381 = arith.mulf %gather3A_3374, %gather3A_3374 : vector<16xf32>
      %add3A_3382 = arith.addf %add3A_3368, %mul3A_3381 : vector<16xf32>
      %mul3A_3383 = arith.mulf %gather3A_3378, %gather3A_3378 : vector<16xf32>
      %add3A_3384 = arith.addf %add3A_3370, %mul3A_3383 : vector<16xf32>
      %add3A_3385 = arith.constant 256 : i32
      %add3A_3386 = vector.broadcast %add3A_3385 : i32 to vector<16xi32>
      %add3A_3387 = arith.addi %add3A_3386, %add3A_3303 : vector<16xi32>
      %gather3A_3388 = tpu.vector_load_idx %arg9[%add3A_3387, %and3A_3319] : memref<2048x16xf32, #tpu.memory_space<vmem>>[vector<16xi32>, vector<16xi32>], vector<16xf32>,
      %add3A_3389 = arith.constant 256 : i32
      %add3A_3390 = vector.broadcast %add3A_3389 : i32 to vector<16xi32>
      %add3A_3391 = arith.addi %add3A_3390, %add3A_3306 : vector<16xi32>
      %gather3A_3392 = tpu.vector_load_idx %arg9[%add3A_3391, %and3A_3322] : memref<2048x16xf32, #tpu.memory_space<vmem>>[vector<16xi32>, vector<16xi32>], vector<16xf32>,
      %mul3A_3393 = arith.mulf %gather3A_3388, %gather3A_3392 : vector<16xf32>
      %add3A_3394 = arith.addf %add3A_3380, %mul3A_3393 : vector<16xf32>
      %mul3A_3395 = arith.mulf %gather3A_3388, %gather3A_3388 : vector<16xf32>
      %add3A_3396 = arith.addf %add3A_3382, %mul3A_3395 : vector<16xf32>
      %mul3A_3397 = arith.mulf %gather3A_3392, %gather3A_3392 : vector<16xf32>
      %add3A_3398 = arith.addf %add3A_3384, %mul3A_3397 : vector<16xf32>
      %add3A_3399 = arith.constant 320 : i32
      %add3A_3400 = vector.broadcast %add3A_3399 : i32 to vector<16xi32>
      %add3A_3401 = arith.addi %add3A_3400, %add3A_3303 : vector<16xi32>
      %gather3A_3402 = tpu.vector_load_idx %arg9[%add3A_3401, %and3A_3319] : memref<2048x16xf32, #tpu.memory_space<vmem>>[vector<16xi32>, vector<16xi32>], vector<16xf32>,
      %add3A_3403 = arith.constant 320 : i32
      %add3A_3404 = vector.broadcast %add3A_3403 : i32 to vector<16xi32>
      %add3A_3405 = arith.addi %add3A_3404, %add3A_3306 : vector<16xi32>
      %gather3A_3406 = tpu.vector_load_idx %arg9[%add3A_3405, %and3A_3322] : memref<2048x16xf32, #tpu.memory_space<vmem>>[vector<16xi32>, vector<16xi32>], vector<16xf32>,
      %mul3A_3407 = arith.mulf %gather3A_3402, %gather3A_3406 : vector<16xf32>
      %add3A_3408 = arith.addf %add3A_3394, %mul3A_3407 : vector<16xf32>
      %mul3A_3409 = arith.mulf %gather3A_3402, %gather3A_3402 : vector<16xf32>
      %add3A_3410 = arith.addf %add3A_3396, %mul3A_3409 : vector<16xf32>
      %mul3A_3411 = arith.mulf %gather3A_3406, %gather3A_3406 : vector<16xf32>
      %add3A_3412 = arith.addf %add3A_3398, %mul3A_3411 : vector<16xf32>
      %add3A_3413 = arith.constant 384 : i32
      %add3A_3414 = vector.broadcast %add3A_3413 : i32 to vector<16xi32>
      %add3A_3415 = arith.addi %add3A_3414, %add3A_3303 : vector<16xi32>
      %gather3A_3416 = tpu.vector_load_idx %arg9[%add3A_3415, %and3A_3319] : memref<2048x16xf32, #tpu.memory_space<vmem>>[vector<16xi32>, vector<16xi32>], vector<16xf32>,
      %add3A_3417 = arith.constant 384 : i32
      %add3A_3418 = vector.broadcast %add3A_3417 : i32 to vector<16xi32>
      %add3A_3419 = arith.addi %add3A_3418, %add3A_3306 : vector<16xi32>
      %gather3A_3420 = tpu.vector_load_idx %arg9[%add3A_3419, %and3A_3322] : memref<2048x16xf32, #tpu.memory_space<vmem>>[vector<16xi32>, vector<16xi32>], vector<16xf32>,
      %mul3A_3421 = arith.mulf %gather3A_3416, %gather3A_3420 : vector<16xf32>
      %add3A_3422 = arith.addf %add3A_3408, %mul3A_3421 : vector<16xf32>
      %mul3A_3423 = arith.mulf %gather3A_3416, %gather3A_3416 : vector<16xf32>
      %add3A_3424 = arith.addf %add3A_3410, %mul3A_3423 : vector<16xf32>
      %mul3A_3425 = arith.mulf %gather3A_3420, %gather3A_3420 : vector<16xf32>
      %add3A_3426 = arith.addf %add3A_3412, %mul3A_3425 : vector<16xf32>
      %add3A_3427 = arith.constant 448 : i32
      %add3A_3428 = vector.broadcast %add3A_3427 : i32 to vector<16xi32>
      %add3A_3429 = arith.addi %add3A_3428, %add3A_3303 : vector<16xi32>
      %gather3A_3430 = tpu.vector_load_idx %arg9[%add3A_3429, %and3A_3319] : memref<2048x16xf32, #tpu.memory_space<vmem>>[vector<16xi32>, vector<16xi32>], vector<16xf32>,
      %add3A_3431 = arith.constant 448 : i32
      %add3A_3432 = vector.broadcast %add3A_3431 : i32 to vector<16xi32>
      %add3A_3433 = arith.addi %add3A_3432, %add3A_3306 : vector<16xi32>
      %gather3A_3434 = tpu.vector_load_idx %arg9[%add3A_3433, %and3A_3322] : memref<2048x16xf32, #tpu.memory_space<vmem>>[vector<16xi32>, vector<16xi32>], vector<16xf32>,
      %mul3A_3435 = arith.mulf %gather3A_3430, %gather3A_3434 : vector<16xf32>
      %add3A_3436 = arith.addf %add3A_3422, %mul3A_3435 : vector<16xf32>
      %mul3A_3437 = arith.mulf %gather3A_3430, %gather3A_3430 : vector<16xf32>
      %add3A_3438 = arith.addf %add3A_3424, %mul3A_3437 : vector<16xf32>
      %mul3A_3439 = arith.mulf %gather3A_3434, %gather3A_3434 : vector<16xf32>
      %add3A_3440 = arith.addf %add3A_3426, %mul3A_3439 : vector<16xf32>
      %add3A_3441 = arith.constant 512 : i32
      %add3A_3442 = vector.broadcast %add3A_3441 : i32 to vector<16xi32>
      %add3A_3443 = arith.addi %add3A_3442, %add3A_3303 : vector<16xi32>
      %gather3A_3444 = tpu.vector_load_idx %arg9[%add3A_3443, %and3A_3319] : memref<2048x16xf32, #tpu.memory_space<vmem>>[vector<16xi32>, vector<16xi32>], vector<16xf32>,
      %add3A_3445 = arith.constant 512 : i32
      %add3A_3446 = vector.broadcast %add3A_3445 : i32 to vector<16xi32>
      %add3A_3447 = arith.addi %add3A_3446, %add3A_3306 : vector<16xi32>
      %gather3A_3448 = tpu.vector_load_idx %arg9[%add3A_3447, %and3A_3322] : memref<2048x16xf32, #tpu.memory_space<vmem>>[vector<16xi32>, vector<16xi32>], vector<16xf32>,
      %mul3A_3449 = arith.mulf %gather3A_3444, %gather3A_3448 : vector<16xf32>
      %add3A_3450 = arith.addf %add3A_3436, %mul3A_3449 : vector<16xf32>
      %mul3A_3451 = arith.mulf %gather3A_3444, %gather3A_3444 : vector<16xf32>
      %add3A_3452 = arith.addf %add3A_3438, %mul3A_3451 : vector<16xf32>
      %mul3A_3453 = arith.mulf %gather3A_3448, %gather3A_3448 : vector<16xf32>
      %add3A_3454 = arith.addf %add3A_3440, %mul3A_3453 : vector<16xf32>
      %add3A_3455 = arith.constant 576 : i32
      %add3A_3456 = vector.broadcast %add3A_3455 : i32 to vector<16xi32>
      %add3A_3457 = arith.addi %add3A_3456, %add3A_3303 : vector<16xi32>
      %gather3A_3458 = tpu.vector_load_idx %arg9[%add3A_3457, %and3A_3319] : memref<2048x16xf32, #tpu.memory_space<vmem>>[vector<16xi32>, vector<16xi32>], vector<16xf32>,
      %add3A_3459 = arith.constant 576 : i32
      %add3A_3460 = vector.broadcast %add3A_3459 : i32 to vector<16xi32>
      %add3A_3461 = arith.addi %add3A_3460, %add3A_3306 : vector<16xi32>
      %gather3A_3462 = tpu.vector_load_idx %arg9[%add3A_3461, %and3A_3322] : memref<2048x16xf32, #tpu.memory_space<vmem>>[vector<16xi32>, vector<16xi32>], vector<16xf32>,
      %mul3A_3463 = arith.mulf %gather3A_3458, %gather3A_3462 : vector<16xf32>
      %add3A_3464 = arith.addf %add3A_3450, %mul3A_3463 : vector<16xf32>
      %mul3A_3465 = arith.mulf %gather3A_3458, %gather3A_3458 : vector<16xf32>
      %add3A_3466 = arith.addf %add3A_3452, %mul3A_3465 : vector<16xf32>
      %mul3A_3467 = arith.mulf %gather3A_3462, %gather3A_3462 : vector<16xf32>
      %add3A_3468 = arith.addf %add3A_3454, %mul3A_3467 : vector<16xf32>
      %add3A_3469 = arith.constant 640 : i32
      %add3A_3470 = vector.broadcast %add3A_3469 : i32 to vector<16xi32>
      %add3A_3471 = arith.addi %add3A_3470, %add3A_3303 : vector<16xi32>
      %gather3A_3472 = tpu.vector_load_idx %arg9[%add3A_3471, %and3A_3319] : memref<2048x16xf32, #tpu.memory_space<vmem>>[vector<16xi32>, vector<16xi32>], vector<16xf32>,
      %add3A_3473 = arith.constant 640 : i32
      %add3A_3474 = vector.broadcast %add3A_3473 : i32 to vector<16xi32>
      %add3A_3475 = arith.addi %add3A_3474, %add3A_3306 : vector<16xi32>
      %gather3A_3476 = tpu.vector_load_idx %arg9[%add3A_3475, %and3A_3322] : memref<2048x16xf32, #tpu.memory_space<vmem>>[vector<16xi32>, vector<16xi32>], vector<16xf32>,
      %mul3A_3477 = arith.mulf %gather3A_3472, %gather3A_3476 : vector<16xf32>
      %add3A_3478 = arith.addf %add3A_3464, %mul3A_3477 : vector<16xf32>
      %mul3A_3479 = arith.mulf %gather3A_3472, %gather3A_3472 : vector<16xf32>
      %add3A_3480 = arith.addf %add3A_3466, %mul3A_3479 : vector<16xf32>
      %mul3A_3481 = arith.mulf %gather3A_3476, %gather3A_3476 : vector<16xf32>
      %add3A_3482 = arith.addf %add3A_3468, %mul3A_3481 : vector<16xf32>
      %add3A_3483 = arith.constant 704 : i32
      %add3A_3484 = vector.broadcast %add3A_3483 : i32 to vector<16xi32>
      %add3A_3485 = arith.addi %add3A_3484, %add3A_3303 : vector<16xi32>
      %gather3A_3486 = tpu.vector_load_idx %arg9[%add3A_3485, %and3A_3319] : memref<2048x16xf32, #tpu.memory_space<vmem>>[vector<16xi32>, vector<16xi32>], vector<16xf32>,
      %add3A_3487 = arith.constant 704 : i32
      %add3A_3488 = vector.broadcast %add3A_3487 : i32 to vector<16xi32>
      %add3A_3489 = arith.addi %add3A_3488, %add3A_3306 : vector<16xi32>
      %gather3A_3490 = tpu.vector_load_idx %arg9[%add3A_3489, %and3A_3322] : memref<2048x16xf32, #tpu.memory_space<vmem>>[vector<16xi32>, vector<16xi32>], vector<16xf32>,
      %mul3A_3491 = arith.mulf %gather3A_3486, %gather3A_3490 : vector<16xf32>
      %add3A_3492 = arith.addf %add3A_3478, %mul3A_3491 : vector<16xf32>
      %mul3A_3493 = arith.mulf %gather3A_3486, %gather3A_3486 : vector<16xf32>
      %add3A_3494 = arith.addf %add3A_3480, %mul3A_3493 : vector<16xf32>
      %mul3A_3495 = arith.mulf %gather3A_3490, %gather3A_3490 : vector<16xf32>
      %add3A_3496 = arith.addf %add3A_3482, %mul3A_3495 : vector<16xf32>
      %add3A_3497 = arith.constant 768 : i32
      %add3A_3498 = vector.broadcast %add3A_3497 : i32 to vector<16xi32>
      %add3A_3499 = arith.addi %add3A_3498, %add3A_3303 : vector<16xi32>
      %gather3A_3500 = tpu.vector_load_idx %arg9[%add3A_3499, %and3A_3319] : memref<2048x16xf32, #tpu.memory_space<vmem>>[vector<16xi32>, vector<16xi32>], vector<16xf32>,
      %add3A_3501 = arith.constant 768 : i32
      %add3A_3502 = vector.broadcast %add3A_3501 : i32 to vector<16xi32>
      %add3A_3503 = arith.addi %add3A_3502, %add3A_3306 : vector<16xi32>
      %gather3A_3504 = tpu.vector_load_idx %arg9[%add3A_3503, %and3A_3322] : memref<2048x16xf32, #tpu.memory_space<vmem>>[vector<16xi32>, vector<16xi32>], vector<16xf32>,
      %mul3A_3505 = arith.mulf %gather3A_3500, %gather3A_3504 : vector<16xf32>
      %add3A_3506 = arith.addf %add3A_3492, %mul3A_3505 : vector<16xf32>
      %mul3A_3507 = arith.mulf %gather3A_3500, %gather3A_3500 : vector<16xf32>
      %add3A_3508 = arith.addf %add3A_3494, %mul3A_3507 : vector<16xf32>
      %mul3A_3509 = arith.mulf %gather3A_3504, %gather3A_3504 : vector<16xf32>
      %add3A_3510 = arith.addf %add3A_3496, %mul3A_3509 : vector<16xf32>
      %add3A_3511 = arith.constant 832 : i32
      %add3A_3512 = vector.broadcast %add3A_3511 : i32 to vector<16xi32>
      %add3A_3513 = arith.addi %add3A_3512, %add3A_3303 : vector<16xi32>
      %gather3A_3514 = tpu.vector_load_idx %arg9[%add3A_3513, %and3A_3319] : memref<2048x16xf32, #tpu.memory_space<vmem>>[vector<16xi32>, vector<16xi32>], vector<16xf32>,
      %add3A_3515 = arith.constant 832 : i32
      %add3A_3516 = vector.broadcast %add3A_3515 : i32 to vector<16xi32>
      %add3A_3517 = arith.addi %add3A_3516, %add3A_3306 : vector<16xi32>
      %gather3A_3518 = tpu.vector_load_idx %arg9[%add3A_3517, %and3A_3322] : memref<2048x16xf32, #tpu.memory_space<vmem>>[vector<16xi32>, vector<16xi32>], vector<16xf32>,
      %mul3A_3519 = arith.mulf %gather3A_3514, %gather3A_3518 : vector<16xf32>
      %add3A_3520 = arith.addf %add3A_3506, %mul3A_3519 : vector<16xf32>
      %mul3A_3521 = arith.mulf %gather3A_3514, %gather3A_3514 : vector<16xf32>
      %add3A_3522 = arith.addf %add3A_3508, %mul3A_3521 : vector<16xf32>
      %mul3A_3523 = arith.mulf %gather3A_3518, %gather3A_3518 : vector<16xf32>
      %add3A_3524 = arith.addf %add3A_3510, %mul3A_3523 : vector<16xf32>
      %add3A_3525 = arith.constant 896 : i32
      %add3A_3526 = vector.broadcast %add3A_3525 : i32 to vector<16xi32>
      %add3A_3527 = arith.addi %add3A_3526, %add3A_3303 : vector<16xi32>
      %gather3A_3528 = tpu.vector_load_idx %arg9[%add3A_3527, %and3A_3319] : memref<2048x16xf32, #tpu.memory_space<vmem>>[vector<16xi32>, vector<16xi32>], vector<16xf32>,
      %add3A_3529 = arith.constant 896 : i32
      %add3A_3530 = vector.broadcast %add3A_3529 : i32 to vector<16xi32>
      %add3A_3531 = arith.addi %add3A_3530, %add3A_3306 : vector<16xi32>
      %gather3A_3532 = tpu.vector_load_idx %arg9[%add3A_3531, %and3A_3322] : memref<2048x16xf32, #tpu.memory_space<vmem>>[vector<16xi32>, vector<16xi32>], vector<16xf32>,
      %mul3A_3533 = arith.mulf %gather3A_3528, %gather3A_3532 : vector<16xf32>
      %add3A_3534 = arith.addf %add3A_3520, %mul3A_3533 : vector<16xf32>
      %mul3A_3535 = arith.mulf %gather3A_3528, %gather3A_3528 : vector<16xf32>
      %add3A_3536 = arith.addf %add3A_3522, %mul3A_3535 : vector<16xf32>
      %mul3A_3537 = arith.mulf %gather3A_3532, %gather3A_3532 : vector<16xf32>
      %add3A_3538 = arith.addf %add3A_3524, %mul3A_3537 : vector<16xf32>
      %add3A_3539 = arith.constant 960 : i32
      %add3A_3540 = vector.broadcast %add3A_3539 : i32 to vector<16xi32>
      %add3A_3541 = arith.addi %add3A_3540, %add3A_3303 : vector<16xi32>
      %gather3A_3542 = tpu.vector_load_idx %arg9[%add3A_3541, %and3A_3319] : memref<2048x16xf32, #tpu.memory_space<vmem>>[vector<16xi32>, vector<16xi32>], vector<16xf32>,
      %add3A_3543 = arith.constant 960 : i32
      %add3A_3544 = vector.broadcast %add3A_3543 : i32 to vector<16xi32>
      %add3A_3545 = arith.addi %add3A_3544, %add3A_3306 : vector<16xi32>
      %gather3A_3546 = tpu.vector_load_idx %arg9[%add3A_3545, %and3A_3322] : memref<2048x16xf32, #tpu.memory_space<vmem>>[vector<16xi32>, vector<16xi32>], vector<16xf32>,
      %mul3A_3547 = arith.mulf %gather3A_3542, %gather3A_3546 : vector<16xf32>
      %add3A_3548 = arith.addf %add3A_3534, %mul3A_3547 : vector<16xf32>
      %mul3A_3549 = arith.mulf %gather3A_3542, %gather3A_3542 : vector<16xf32>
      %add3A_3550 = arith.addf %add3A_3536, %mul3A_3549 : vector<16xf32>
      %mul3A_3551 = arith.mulf %gather3A_3546, %gather3A_3546 : vector<16xf32>
      %add3A_3552 = arith.addf %add3A_3538, %mul3A_3551 : vector<16xf32>
      %add3A_3553 = arith.constant 1024 : i32
      %add3A_3554 = vector.broadcast %add3A_3553 : i32 to vector<16xi32>
      %add3A_3555 = arith.addi %add3A_3554, %add3A_3303 : vector<16xi32>
      %gather3A_3556 = tpu.vector_load_idx %arg9[%add3A_3555, %and3A_3319] : memref<2048x16xf32, #tpu.memory_space<vmem>>[vector<16xi32>, vector<16xi32>], vector<16xf32>,
      %add3A_3557 = arith.constant 1024 : i32
      %add3A_3558 = vector.broadcast %add3A_3557 : i32 to vector<16xi32>
      %add3A_3559 = arith.addi %add3A_3558, %add3A_3306 : vector<16xi32>
      %gather3A_3560 = tpu.vector_load_idx %arg9[%add3A_3559, %and3A_3322] : memref<2048x16xf32, #tpu.memory_space<vmem>>[vector<16xi32>, vector<16xi32>], vector<16xf32>,
      %mul3A_3561 = arith.mulf %gather3A_3556, %gather3A_3560 : vector<16xf32>
      %add3A_3562 = arith.addf %add3A_3548, %mul3A_3561 : vector<16xf32>
      %mul3A_3563 = arith.mulf %gather3A_3556, %gather3A_3556 : vector<16xf32>
      %add3A_3564 = arith.addf %add3A_3550, %mul3A_3563 : vector<16xf32>
      %mul3A_3565 = arith.mulf %gather3A_3560, %gather3A_3560 : vector<16xf32>
      %add3A_3566 = arith.addf %add3A_3552, %mul3A_3565 : vector<16xf32>
      %add3A_3567 = arith.constant 1088 : i32
      %add3A_3568 = vector.broadcast %add3A_3567 : i32 to vector<16xi32>
      %add3A_3569 = arith.addi %add3A_3568, %add3A_3303 : vector<16xi32>
      %gather3A_3570 = tpu.vector_load_idx %arg9[%add3A_3569, %and3A_3319] : memref<2048x16xf32, #tpu.memory_space<vmem>>[vector<16xi32>, vector<16xi32>], vector<16xf32>,
      %add3A_3571 = arith.constant 1088 : i32
      %add3A_3572 = vector.broadcast %add3A_3571 : i32 to vector<16xi32>
      %add3A_3573 = arith.addi %add3A_3572, %add3A_3306 : vector<16xi32>
      %gather3A_3574 = tpu.vector_load_idx %arg9[%add3A_3573, %and3A_3322] : memref<2048x16xf32, #tpu.memory_space<vmem>>[vector<16xi32>, vector<16xi32>], vector<16xf32>,
      %mul3A_3575 = arith.mulf %gather3A_3570, %gather3A_3574 : vector<16xf32>
      %add3A_3576 = arith.addf %add3A_3562, %mul3A_3575 : vector<16xf32>
      %mul3A_3577 = arith.mulf %gather3A_3570, %gather3A_3570 : vector<16xf32>
      %add3A_3578 = arith.addf %add3A_3564, %mul3A_3577 : vector<16xf32>
      %mul3A_3579 = arith.mulf %gather3A_3574, %gather3A_3574 : vector<16xf32>
      %add3A_3580 = arith.addf %add3A_3566, %mul3A_3579 : vector<16xf32>
      %add3A_3581 = arith.constant 1152 : i32
      %add3A_3582 = vector.broadcast %add3A_3581 : i32 to vector<16xi32>
      %add3A_3583 = arith.addi %add3A_3582, %add3A_3303 : vector<16xi32>
      %gather3A_3584 = tpu.vector_load_idx %arg9[%add3A_3583, %and3A_3319] : memref<2048x16xf32, #tpu.memory_space<vmem>>[vector<16xi32>, vector<16xi32>], vector<16xf32>,
      %add3A_3585 = arith.constant 1152 : i32
      %add3A_3586 = vector.broadcast %add3A_3585 : i32 to vector<16xi32>
      %add3A_3587 = arith.addi %add3A_3586, %add3A_3306 : vector<16xi32>
      %gather3A_3588 = tpu.vector_load_idx %arg9[%add3A_3587, %and3A_3322] : memref<2048x16xf32, #tpu.memory_space<vmem>>[vector<16xi32>, vector<16xi32>], vector<16xf32>,
      %mul3A_3589 = arith.mulf %gather3A_3584, %gather3A_3588 : vector<16xf32>
      %add3A_3590 = arith.addf %add3A_3576, %mul3A_3589 : vector<16xf32>
      %mul3A_3591 = arith.mulf %gather3A_3584, %gather3A_3584 : vector<16xf32>
      %add3A_3592 = arith.addf %add3A_3578, %mul3A_3591 : vector<16xf32>
      %mul3A_3593 = arith.mulf %gather3A_3588, %gather3A_3588 : vector<16xf32>
      %add3A_3594 = arith.addf %add3A_3580, %mul3A_3593 : vector<16xf32>
      %add3A_3595 = arith.constant 1216 : i32
      %add3A_3596 = vector.broadcast %add3A_3595 : i32 to vector<16xi32>
      %add3A_3597 = arith.addi %add3A_3596, %add3A_3303 : vector<16xi32>
      %gather3A_3598 = tpu.vector_load_idx %arg9[%add3A_3597, %and3A_3319] : memref<2048x16xf32, #tpu.memory_space<vmem>>[vector<16xi32>, vector<16xi32>], vector<16xf32>,
      %add3A_3599 = arith.constant 1216 : i32
      %add3A_3600 = vector.broadcast %add3A_3599 : i32 to vector<16xi32>
      %add3A_3601 = arith.addi %add3A_3600, %add3A_3306 : vector<16xi32>
      %gather3A_3602 = tpu.vector_load_idx %arg9[%add3A_3601, %and3A_3322] : memref<2048x16xf32, #tpu.memory_space<vmem>>[vector<16xi32>, vector<16xi32>], vector<16xf32>,
      %mul3A_3603 = arith.mulf %gather3A_3598, %gather3A_3602 : vector<16xf32>
      %add3A_3604 = arith.addf %add3A_3590, %mul3A_3603 : vector<16xf32>
      %mul3A_3605 = arith.mulf %gather3A_3598, %gather3A_3598 : vector<16xf32>
      %add3A_3606 = arith.addf %add3A_3592, %mul3A_3605 : vector<16xf32>
      %mul3A_3607 = arith.mulf %gather3A_3602, %gather3A_3602 : vector<16xf32>
      %add3A_3608 = arith.addf %add3A_3594, %mul3A_3607 : vector<16xf32>
      %add3A_3609 = arith.constant 1280 : i32
      %add3A_3610 = vector.broadcast %add3A_3609 : i32 to vector<16xi32>
      %add3A_3611 = arith.addi %add3A_3610, %add3A_3303 : vector<16xi32>
      %gather3A_3612 = tpu.vector_load_idx %arg9[%add3A_3611, %and3A_3319] : memref<2048x16xf32, #tpu.memory_space<vmem>>[vector<16xi32>, vector<16xi32>], vector<16xf32>,
      %add3A_3613 = arith.constant 1280 : i32
      %add3A_3614 = vector.broadcast %add3A_3613 : i32 to vector<16xi32>
      %add3A_3615 = arith.addi %add3A_3614, %add3A_3306 : vector<16xi32>
      %gather3A_3616 = tpu.vector_load_idx %arg9[%add3A_3615, %and3A_3322] : memref<2048x16xf32, #tpu.memory_space<vmem>>[vector<16xi32>, vector<16xi32>], vector<16xf32>,
      %mul3A_3617 = arith.mulf %gather3A_3612, %gather3A_3616 : vector<16xf32>
      %add3A_3618 = arith.addf %add3A_3604, %mul3A_3617 : vector<16xf32>
      %mul3A_3619 = arith.mulf %gather3A_3612, %gather3A_3612 : vector<16xf32>
      %add3A_3620 = arith.addf %add3A_3606, %mul3A_3619 : vector<16xf32>
      %mul3A_3621 = arith.mulf %gather3A_3616, %gather3A_3616 : vector<16xf32>
      %add3A_3622 = arith.addf %add3A_3608, %mul3A_3621 : vector<16xf32>
      %add3A_3623 = arith.constant 1344 : i32
      %add3A_3624 = vector.broadcast %add3A_3623 : i32 to vector<16xi32>
      %add3A_3625 = arith.addi %add3A_3624, %add3A_3303 : vector<16xi32>
      %gather3A_3626 = tpu.vector_load_idx %arg9[%add3A_3625, %and3A_3319] : memref<2048x16xf32, #tpu.memory_space<vmem>>[vector<16xi32>, vector<16xi32>], vector<16xf32>,
      %add3A_3627 = arith.constant 1344 : i32
      %add3A_3628 = vector.broadcast %add3A_3627 : i32 to vector<16xi32>
      %add3A_3629 = arith.addi %add3A_3628, %add3A_3306 : vector<16xi32>
      %gather3A_3630 = tpu.vector_load_idx %arg9[%add3A_3629, %and3A_3322] : memref<2048x16xf32, #tpu.memory_space<vmem>>[vector<16xi32>, vector<16xi32>], vector<16xf32>,
      %mul3A_3631 = arith.mulf %gather3A_3626, %gather3A_3630 : vector<16xf32>
      %add3A_3632 = arith.addf %add3A_3618, %mul3A_3631 : vector<16xf32>
      %mul3A_3633 = arith.mulf %gather3A_3626, %gather3A_3626 : vector<16xf32>
      %add3A_3634 = arith.addf %add3A_3620, %mul3A_3633 : vector<16xf32>
      %mul3A_3635 = arith.mulf %gather3A_3630, %gather3A_3630 : vector<16xf32>
      %add3A_3636 = arith.addf %add3A_3622, %mul3A_3635 : vector<16xf32>
      %add3A_3637 = arith.constant 1408 : i32
      %add3A_3638 = vector.broadcast %add3A_3637 : i32 to vector<16xi32>
      %add3A_3639 = arith.addi %add3A_3638, %add3A_3303 : vector<16xi32>
      %gather3A_3640 = tpu.vector_load_idx %arg9[%add3A_3639, %and3A_3319] : memref<2048x16xf32, #tpu.memory_space<vmem>>[vector<16xi32>, vector<16xi32>], vector<16xf32>,
      %add3A_3641 = arith.constant 1408 : i32
      %add3A_3642 = vector.broadcast %add3A_3641 : i32 to vector<16xi32>
      %add3A_3643 = arith.addi %add3A_3642, %add3A_3306 : vector<16xi32>
      %gather3A_3644 = tpu.vector_load_idx %arg9[%add3A_3643, %and3A_3322] : memref<2048x16xf32, #tpu.memory_space<vmem>>[vector<16xi32>, vector<16xi32>], vector<16xf32>,
      %mul3A_3645 = arith.mulf %gather3A_3640, %gather3A_3644 : vector<16xf32>
      %add3A_3646 = arith.addf %add3A_3632, %mul3A_3645 : vector<16xf32>
      %mul3A_3647 = arith.mulf %gather3A_3640, %gather3A_3640 : vector<16xf32>
      %add3A_3648 = arith.addf %add3A_3634, %mul3A_3647 : vector<16xf32>
      %mul3A_3649 = arith.mulf %gather3A_3644, %gather3A_3644 : vector<16xf32>
      %add3A_3650 = arith.addf %add3A_3636, %mul3A_3649 : vector<16xf32>
      %add3A_3651 = arith.constant 1472 : i32
      %add3A_3652 = vector.broadcast %add3A_3651 : i32 to vector<16xi32>
      %add3A_3653 = arith.addi %add3A_3652, %add3A_3303 : vector<16xi32>
      %gather3A_3654 = tpu.vector_load_idx %arg9[%add3A_3653, %and3A_3319] : memref<2048x16xf32, #tpu.memory_space<vmem>>[vector<16xi32>, vector<16xi32>], vector<16xf32>,
      %add3A_3655 = arith.constant 1472 : i32
      %add3A_3656 = vector.broadcast %add3A_3655 : i32 to vector<16xi32>
      %add3A_3657 = arith.addi %add3A_3656, %add3A_3306 : vector<16xi32>
      %gather3A_3658 = tpu.vector_load_idx %arg9[%add3A_3657, %and3A_3322] : memref<2048x16xf32, #tpu.memory_space<vmem>>[vector<16xi32>, vector<16xi32>], vector<16xf32>,
      %mul3A_3659 = arith.mulf %gather3A_3654, %gather3A_3658 : vector<16xf32>
      %add3A_3660 = arith.addf %add3A_3646, %mul3A_3659 : vector<16xf32>
      %mul3A_3661 = arith.mulf %gather3A_3654, %gather3A_3654 : vector<16xf32>
      %add3A_3662 = arith.addf %add3A_3648, %mul3A_3661 : vector<16xf32>
      %mul3A_3663 = arith.mulf %gather3A_3658, %gather3A_3658 : vector<16xf32>
      %add3A_3664 = arith.addf %add3A_3650, %mul3A_3663 : vector<16xf32>
      %add3A_3665 = arith.constant 1536 : i32
      %add3A_3666 = vector.broadcast %add3A_3665 : i32 to vector<16xi32>
      %add3A_3667 = arith.addi %add3A_3666, %add3A_3303 : vector<16xi32>
      %gather3A_3668 = tpu.vector_load_idx %arg9[%add3A_3667, %and3A_3319] : memref<2048x16xf32, #tpu.memory_space<vmem>>[vector<16xi32>, vector<16xi32>], vector<16xf32>,
      %add3A_3669 = arith.constant 1536 : i32
      %add3A_3670 = vector.broadcast %add3A_3669 : i32 to vector<16xi32>
      %add3A_3671 = arith.addi %add3A_3670, %add3A_3306 : vector<16xi32>
      %gather3A_3672 = tpu.vector_load_idx %arg9[%add3A_3671, %and3A_3322] : memref<2048x16xf32, #tpu.memory_space<vmem>>[vector<16xi32>, vector<16xi32>], vector<16xf32>,
      %mul3A_3673 = arith.mulf %gather3A_3668, %gather3A_3672 : vector<16xf32>
      %add3A_3674 = arith.addf %add3A_3660, %mul3A_3673 : vector<16xf32>
      %mul3A_3675 = arith.mulf %gather3A_3668, %gather3A_3668 : vector<16xf32>
      %add3A_3676 = arith.addf %add3A_3662, %mul3A_3675 : vector<16xf32>
      %mul3A_3677 = arith.mulf %gather3A_3672, %gather3A_3672 : vector<16xf32>
      %add3A_3678 = arith.addf %add3A_3664, %mul3A_3677 : vector<16xf32>
      %add3A_3679 = arith.constant 1600 : i32
      %add3A_3680 = vector.broadcast %add3A_3679 : i32 to vector<16xi32>
      %add3A_3681 = arith.addi %add3A_3680, %add3A_3303 : vector<16xi32>
      %gather3A_3682 = tpu.vector_load_idx %arg9[%add3A_3681, %and3A_3319] : memref<2048x16xf32, #tpu.memory_space<vmem>>[vector<16xi32>, vector<16xi32>], vector<16xf32>,
      %add3A_3683 = arith.constant 1600 : i32
      %add3A_3684 = vector.broadcast %add3A_3683 : i32 to vector<16xi32>
      %add3A_3685 = arith.addi %add3A_3684, %add3A_3306 : vector<16xi32>
      %gather3A_3686 = tpu.vector_load_idx %arg9[%add3A_3685, %and3A_3322] : memref<2048x16xf32, #tpu.memory_space<vmem>>[vector<16xi32>, vector<16xi32>], vector<16xf32>,
      %mul3A_3687 = arith.mulf %gather3A_3682, %gather3A_3686 : vector<16xf32>
      %add3A_3688 = arith.addf %add3A_3674, %mul3A_3687 : vector<16xf32>
      %mul3A_3689 = arith.mulf %gather3A_3682, %gather3A_3682 : vector<16xf32>
      %add3A_3690 = arith.addf %add3A_3676, %mul3A_3689 : vector<16xf32>
      %mul3A_3691 = arith.mulf %gather3A_3686, %gather3A_3686 : vector<16xf32>
      %add3A_3692 = arith.addf %add3A_3678, %mul3A_3691 : vector<16xf32>
      %add3A_3693 = arith.constant 1664 : i32
      %add3A_3694 = vector.broadcast %add3A_3693 : i32 to vector<16xi32>
      %add3A_3695 = arith.addi %add3A_3694, %add3A_3303 : vector<16xi32>
      %gather3A_3696 = tpu.vector_load_idx %arg9[%add3A_3695, %and3A_3319] : memref<2048x16xf32, #tpu.memory_space<vmem>>[vector<16xi32>, vector<16xi32>], vector<16xf32>,
      %add3A_3697 = arith.constant 1664 : i32
      %add3A_3698 = vector.broadcast %add3A_3697 : i32 to vector<16xi32>
      %add3A_3699 = arith.addi %add3A_3698, %add3A_3306 : vector<16xi32>
      %gather3A_3700 = tpu.vector_load_idx %arg9[%add3A_3699, %and3A_3322] : memref<2048x16xf32, #tpu.memory_space<vmem>>[vector<16xi32>, vector<16xi32>], vector<16xf32>,
      %mul3A_3701 = arith.mulf %gather3A_3696, %gather3A_3700 : vector<16xf32>
      %add3A_3702 = arith.addf %add3A_3688, %mul3A_3701 : vector<16xf32>
      %mul3A_3703 = arith.mulf %gather3A_3696, %gather3A_3696 : vector<16xf32>
      %add3A_3704 = arith.addf %add3A_3690, %mul3A_3703 : vector<16xf32>
      %mul3A_3705 = arith.mulf %gather3A_3700, %gather3A_3700 : vector<16xf32>
      %add3A_3706 = arith.addf %add3A_3692, %mul3A_3705 : vector<16xf32>
      %add3A_3707 = arith.constant 1728 : i32
      %add3A_3708 = vector.broadcast %add3A_3707 : i32 to vector<16xi32>
      %add3A_3709 = arith.addi %add3A_3708, %add3A_3303 : vector<16xi32>
      %gather3A_3710 = tpu.vector_load_idx %arg9[%add3A_3709, %and3A_3319] : memref<2048x16xf32, #tpu.memory_space<vmem>>[vector<16xi32>, vector<16xi32>], vector<16xf32>,
      %add3A_3711 = arith.constant 1728 : i32
      %add3A_3712 = vector.broadcast %add3A_3711 : i32 to vector<16xi32>
      %add3A_3713 = arith.addi %add3A_3712, %add3A_3306 : vector<16xi32>
      %gather3A_3714 = tpu.vector_load_idx %arg9[%add3A_3713, %and3A_3322] : memref<2048x16xf32, #tpu.memory_space<vmem>>[vector<16xi32>, vector<16xi32>], vector<16xf32>,
      %mul3A_3715 = arith.mulf %gather3A_3710, %gather3A_3714 : vector<16xf32>
      %add3A_3716 = arith.addf %add3A_3702, %mul3A_3715 : vector<16xf32>
      %mul3A_3717 = arith.mulf %gather3A_3710, %gather3A_3710 : vector<16xf32>
      %add3A_3718 = arith.addf %add3A_3704, %mul3A_3717 : vector<16xf32>
      %mul3A_3719 = arith.mulf %gather3A_3714, %gather3A_3714 : vector<16xf32>
      %add3A_3720 = arith.addf %add3A_3706, %mul3A_3719 : vector<16xf32>
      %add3A_3721 = arith.constant 1792 : i32
      %add3A_3722 = vector.broadcast %add3A_3721 : i32 to vector<16xi32>
      %add3A_3723 = arith.addi %add3A_3722, %add3A_3303 : vector<16xi32>
      %gather3A_3724 = tpu.vector_load_idx %arg9[%add3A_3723, %and3A_3319] : memref<2048x16xf32, #tpu.memory_space<vmem>>[vector<16xi32>, vector<16xi32>], vector<16xf32>,
      %add3A_3725 = arith.constant 1792 : i32
      %add3A_3726 = vector.broadcast %add3A_3725 : i32 to vector<16xi32>
      %add3A_3727 = arith.addi %add3A_3726, %add3A_3306 : vector<16xi32>
      %gather3A_3728 = tpu.vector_load_idx %arg9[%add3A_3727, %and3A_3322] : memref<2048x16xf32, #tpu.memory_space<vmem>>[vector<16xi32>, vector<16xi32>], vector<16xf32>,
      %mul3A_3729 = arith.mulf %gather3A_3724, %gather3A_3728 : vector<16xf32>
      %add3A_3730 = arith.addf %add3A_3716, %mul3A_3729 : vector<16xf32>
      %mul3A_3731 = arith.mulf %gather3A_3724, %gather3A_3724 : vector<16xf32>
      %add3A_3732 = arith.addf %add3A_3718, %mul3A_3731 : vector<16xf32>
      %mul3A_3733 = arith.mulf %gather3A_3728, %gather3A_3728 : vector<16xf32>
      %add3A_3734 = arith.addf %add3A_3720, %mul3A_3733 : vector<16xf32>
      %add3A_3735 = arith.constant 1856 : i32
      %add3A_3736 = vector.broadcast %add3A_3735 : i32 to vector<16xi32>
      %add3A_3737 = arith.addi %add3A_3736, %add3A_3303 : vector<16xi32>
      %gather3A_3738 = tpu.vector_load_idx %arg9[%add3A_3737, %and3A_3319] : memref<2048x16xf32, #tpu.memory_space<vmem>>[vector<16xi32>, vector<16xi32>], vector<16xf32>,
      %add3A_3739 = arith.constant 1856 : i32
      %add3A_3740 = vector.broadcast %add3A_3739 : i32 to vector<16xi32>
      %add3A_3741 = arith.addi %add3A_3740, %add3A_3306 : vector<16xi32>
      %gather3A_3742 = tpu.vector_load_idx %arg9[%add3A_3741, %and3A_3322] : memref<2048x16xf32, #tpu.memory_space<vmem>>[vector<16xi32>, vector<16xi32>], vector<16xf32>,
      %mul3A_3743 = arith.mulf %gather3A_3738, %gather3A_3742 : vector<16xf32>
      %add3A_3744 = arith.addf %add3A_3730, %mul3A_3743 : vector<16xf32>
      %mul3A_3745 = arith.mulf %gather3A_3738, %gather3A_3738 : vector<16xf32>
      %add3A_3746 = arith.addf %add3A_3732, %mul3A_3745 : vector<16xf32>
      %mul3A_3747 = arith.mulf %gather3A_3742, %gather3A_3742 : vector<16xf32>
      %add3A_3748 = arith.addf %add3A_3734, %mul3A_3747 : vector<16xf32>
      %add3A_3749 = arith.constant 1920 : i32
      %add3A_3750 = vector.broadcast %add3A_3749 : i32 to vector<16xi32>
      %add3A_3751 = arith.addi %add3A_3750, %add3A_3303 : vector<16xi32>
      %gather3A_3752 = tpu.vector_load_idx %arg9[%add3A_3751, %and3A_3319] : memref<2048x16xf32, #tpu.memory_space<vmem>>[vector<16xi32>, vector<16xi32>], vector<16xf32>,
      %add3A_3753 = arith.constant 1920 : i32
      %add3A_3754 = vector.broadcast %add3A_3753 : i32 to vector<16xi32>
      %add3A_3755 = arith.addi %add3A_3754, %add3A_3306 : vector<16xi32>
      %gather3A_3756 = tpu.vector_load_idx %arg9[%add3A_3755, %and3A_3322] : memref<2048x16xf32, #tpu.memory_space<vmem>>[vector<16xi32>, vector<16xi32>], vector<16xf32>,
      %mul3A_3757 = arith.mulf %gather3A_3752, %gather3A_3756 : vector<16xf32>
      %add3A_3758 = arith.addf %add3A_3744, %mul3A_3757 : vector<16xf32>
      %mul3A_3759 = arith.mulf %gather3A_3752, %gather3A_3752 : vector<16xf32>
      %add3A_3760 = arith.addf %add3A_3746, %mul3A_3759 : vector<16xf32>
      %mul3A_3761 = arith.mulf %gather3A_3756, %gather3A_3756 : vector<16xf32>
      %add3A_3762 = arith.addf %add3A_3748, %mul3A_3761 : vector<16xf32>
      %add3A_3763 = arith.constant 1984 : i32
      %add3A_3764 = vector.broadcast %add3A_3763 : i32 to vector<16xi32>
      %add3A_3765 = arith.addi %add3A_3764, %add3A_3303 : vector<16xi32>
      %gather3A_3766 = tpu.vector_load_idx %arg9[%add3A_3765, %and3A_3319] : memref<2048x16xf32, #tpu.memory_space<vmem>>[vector<16xi32>, vector<16xi32>], vector<16xf32>,
      %add3A_3767 = arith.constant 1984 : i32
      %add3A_3768 = vector.broadcast %add3A_3767 : i32 to vector<16xi32>
      %add3A_3769 = arith.addi %add3A_3768, %add3A_3306 : vector<16xi32>
      %gather3A_3770 = tpu.vector_load_idx %arg9[%add3A_3769, %and3A_3322] : memref<2048x16xf32, #tpu.memory_space<vmem>>[vector<16xi32>, vector<16xi32>], vector<16xf32>,
      %mul3A_3771 = arith.mulf %gather3A_3766, %gather3A_3770 : vector<16xf32>
      %add3A_3772 = arith.addf %add3A_3758, %mul3A_3771 : vector<16xf32>
      %mul3A_3773 = arith.mulf %gather3A_3766, %gather3A_3766 : vector<16xf32>
      %add3A_3774 = arith.addf %add3A_3760, %mul3A_3773 : vector<16xf32>
      %mul3A_3775 = arith.mulf %gather3A_3770, %gather3A_3770 : vector<16xf32>
      %add3A_3776 = arith.addf %add3A_3762, %mul3A_3775 : vector<16xf32>
      %max3A_3777 = arith.constant 1.000000e-16 : f32
      %max3A_3778 = vector.broadcast %max3A_3777 : f32 to vector<16xf32>
      %max3A_3779 = arith.maximumf %add3A_3774, %max3A_3778 : vector<16xf32>
      %bitcast3A_3780 = vector.bitcast %max3A_3779 : vector<16xf32> to vector<16xi32>
      %shift_right_arithmetic3A_3781 = arith.constant 1 : i32
      %shift_right_arithmetic3A_3782 = vector.broadcast %shift_right_arithmetic3A_3781 : i32 to vector<16xi32>
      %shift_right_arithmetic3A_3783 = arith.shrsi %bitcast3A_3780, %shift_right_arithmetic3A_3782 : vector<16xi32>
      %sub3A_3784 = arith.constant 1597463007 : i32
      %sub3A_3785 = vector.broadcast %sub3A_3784 : i32 to vector<16xi32>
      %sub3A_3786 = arith.subi %sub3A_3785, %shift_right_arithmetic3A_3783 : vector<16xi32>
      %bitcast3A_3787 = vector.bitcast %sub3A_3786 : vector<16xi32> to vector<16xf32>
      %mul3A_3788 = arith.constant 5.000000e-01 : f32
      %mul3A_3789 = vector.broadcast %mul3A_3788 : f32 to vector<16xf32>
      %mul3A_3790 = arith.mulf %mul3A_3789, %max3A_3779 : vector<16xf32>
      %mul3A_3791 = arith.mulf %mul3A_3790, %bitcast3A_3787 : vector<16xf32>
      %mul3A_3792 = arith.mulf %mul3A_3791, %bitcast3A_3787 : vector<16xf32>
      %sub3A_3793 = arith.constant 1.500000e+00 : f32
      %sub3A_3794 = vector.broadcast %sub3A_3793 : f32 to vector<16xf32>
      %sub3A_3795 = arith.subf %sub3A_3794, %mul3A_3792 : vector<16xf32>
      %mul3A_3796 = arith.mulf %bitcast3A_3787, %sub3A_3795 : vector<16xf32>
      %mul3A_3797 = arith.constant 5.000000e-01 : f32
      %mul3A_3798 = vector.broadcast %mul3A_3797 : f32 to vector<16xf32>
      %mul3A_3799 = arith.mulf %mul3A_3798, %max3A_3779 : vector<16xf32>
      %mul3A_3800 = arith.mulf %mul3A_3799, %mul3A_3796 : vector<16xf32>
      %mul3A_3801 = arith.mulf %mul3A_3800, %mul3A_3796 : vector<16xf32>
      %sub3A_3802 = arith.constant 1.500000e+00 : f32
      %sub3A_3803 = vector.broadcast %sub3A_3802 : f32 to vector<16xf32>
      %sub3A_3804 = arith.subf %sub3A_3803, %mul3A_3801 : vector<16xf32>
      %mul3A_3805 = arith.mulf %mul3A_3796, %sub3A_3804 : vector<16xf32>
      %mul3A_3806 = arith.constant 5.000000e-01 : f32
      %mul3A_3807 = vector.broadcast %mul3A_3806 : f32 to vector<16xf32>
      %mul3A_3808 = arith.mulf %mul3A_3807, %max3A_3779 : vector<16xf32>
      %mul3A_3809 = arith.mulf %mul3A_3808, %mul3A_3805 : vector<16xf32>
      %mul3A_3810 = arith.mulf %mul3A_3809, %mul3A_3805 : vector<16xf32>
      %sub3A_3811 = arith.constant 1.500000e+00 : f32
      %sub3A_3812 = vector.broadcast %sub3A_3811 : f32 to vector<16xf32>
      %sub3A_3813 = arith.subf %sub3A_3812, %mul3A_3810 : vector<16xf32>
      %mul3A_3814 = arith.mulf %mul3A_3805, %sub3A_3813 : vector<16xf32>
      %mul3A_3815 = arith.mulf %add3A_3772, %mul3A_3814 : vector<16xf32>
      %max3A_3816 = arith.constant 1.000000e-16 : f32
      %max3A_3817 = vector.broadcast %max3A_3816 : f32 to vector<16xf32>
      %max3A_3818 = arith.maximumf %add3A_3776, %max3A_3817 : vector<16xf32>
      %bitcast3A_3819 = vector.bitcast %max3A_3818 : vector<16xf32> to vector<16xi32>
      %shift_right_arithmetic3A_3820 = arith.constant 1 : i32
      %shift_right_arithmetic3A_3821 = vector.broadcast %shift_right_arithmetic3A_3820 : i32 to vector<16xi32>
      %shift_right_arithmetic3A_3822 = arith.shrsi %bitcast3A_3819, %shift_right_arithmetic3A_3821 : vector<16xi32>
      %sub3A_3823 = arith.constant 1597463007 : i32
      %sub3A_3824 = vector.broadcast %sub3A_3823 : i32 to vector<16xi32>
      %sub3A_3825 = arith.subi %sub3A_3824, %shift_right_arithmetic3A_3822 : vector<16xi32>
      %bitcast3A_3826 = vector.bitcast %sub3A_3825 : vector<16xi32> to vector<16xf32>
      %mul3A_3827 = arith.constant 5.000000e-01 : f32
      %mul3A_3828 = vector.broadcast %mul3A_3827 : f32 to vector<16xf32>
      %mul3A_3829 = arith.mulf %mul3A_3828, %max3A_3818 : vector<16xf32>
      %mul3A_3830 = arith.mulf %mul3A_3829, %bitcast3A_3826 : vector<16xf32>
      %mul3A_3831 = arith.mulf %mul3A_3830, %bitcast3A_3826 : vector<16xf32>
      %sub3A_3832 = arith.constant 1.500000e+00 : f32
      %sub3A_3833 = vector.broadcast %sub3A_3832 : f32 to vector<16xf32>
      %sub3A_3834 = arith.subf %sub3A_3833, %mul3A_3831 : vector<16xf32>
      %mul3A_3835 = arith.mulf %bitcast3A_3826, %sub3A_3834 : vector<16xf32>
      %mul3A_3836 = arith.constant 5.000000e-01 : f32
      %mul3A_3837 = vector.broadcast %mul3A_3836 : f32 to vector<16xf32>
      %mul3A_3838 = arith.mulf %mul3A_3837, %max3A_3818 : vector<16xf32>
      %mul3A_3839 = arith.mulf %mul3A_3838, %mul3A_3835 : vector<16xf32>
      %mul3A_3840 = arith.mulf %mul3A_3839, %mul3A_3835 : vector<16xf32>
      %sub3A_3841 = arith.constant 1.500000e+00 : f32
      %sub3A_3842 = vector.broadcast %sub3A_3841 : f32 to vector<16xf32>
      %sub3A_3843 = arith.subf %sub3A_3842, %mul3A_3840 : vector<16xf32>
      %mul3A_3844 = arith.mulf %mul3A_3835, %sub3A_3843 : vector<16xf32>
      %mul3A_3845 = arith.constant 5.000000e-01 : f32
      %mul3A_3846 = vector.broadcast %mul3A_3845 : f32 to vector<16xf32>
      %mul3A_3847 = arith.mulf %mul3A_3846, %max3A_3818 : vector<16xf32>
      %mul3A_3848 = arith.mulf %mul3A_3847, %mul3A_3844 : vector<16xf32>
      %mul3A_3849 = arith.mulf %mul3A_3848, %mul3A_3844 : vector<16xf32>
      %sub3A_3850 = arith.constant 1.500000e+00 : f32
      %sub3A_3851 = vector.broadcast %sub3A_3850 : f32 to vector<16xf32>
      %sub3A_3852 = arith.subf %sub3A_3851, %mul3A_3849 : vector<16xf32>
      %mul3A_3853 = arith.mulf %mul3A_3844, %sub3A_3852 : vector<16xf32>
      %mul3A_3854 = arith.mulf %mul3A_3815, %mul3A_3853 : vector<16xf32>
      %mul3A_3855 = arith.constant 5.000000e-01 : f32
      %mul3A_3856 = vector.broadcast %mul3A_3855 : f32 to vector<16xf32>
      %mul3A_3857 = arith.mulf %mul3A_3856, %mul3A_3854 : vector<16xf32>
      %add3A_3858 = arith.constant 5.000000e-01 : f32
      %add3A_3859 = vector.broadcast %add3A_3858 : f32 to vector<16xf32>
      %add3A_3860 = arith.addf %add3A_3859, %mul3A_3857 : vector<16xf32>
      %mul3A_3861 = arith.constant 32 : i32
      %mul3A_3862 = arith.muli %add3A_716, %mul3A_3861 : i32
      %add3A_3863 = arith.constant 0 : i32
      %add3A_3864 = arith.addi %mul3A_3862, %add3A_3863 : i32
      %swap3A_3865 = arith.index_cast %add3A_3864 : i32 to index
      %swap3A_3866 = tpu.vector_load %arg10[%swap3A_3865] {strides = array<i32>} : memref<512xf32, #tpu.memory_space<vmem>>, vector<16xf32>,
      tpu.vector_store %arg10[%swap3A_3865], %add3A_3860 {strides = array<i32>} : memref<512xf32, #tpu.memory_space<vmem>>, vector<16xf32>,
      %mul3A_3867 = arith.constant 2 : i32
      %mul3A_3868 = vector.broadcast %mul3A_3867 : i32 to vector<16xi32>
      %mul3A_3869 = arith.muli %mul3A_3868, %iota3A : vector<16xi32>
      %add3A_3870 = arith.constant 32 : i32
      %add3A_3871 = vector.broadcast %add3A_3870 : i32 to vector<16xi32>
      %add3A_3872 = arith.addi %add3A_3871, %mul3A_3869 : vector<16xi32>
      %add3A_3873 = arith.constant 1 : i32
      %add3A_3874 = vector.broadcast %add3A_3873 : i32 to vector<16xi32>
      %add3A_3875 = arith.addi %add3A_3872, %add3A_3874 : vector<16xi32>
      %mul3A_3876 = arith.constant 64 : i32
      %mul3A_3877 = arith.muli %add3A_716, %mul3A_3876 : i32
      %add3A_3878 = vector.broadcast %mul3A_3877 : i32 to vector<16xi32>
      %add3A_3879 = arith.addi %add3A_3878, %add3A_3872 : vector<16xi32>
      %gather3A_3880 = tpu.vector_load_idx %arg5[%add3A_3879] : memref<1024xi32, #tpu.memory_space<vmem>>[vector<16xi32>], vector<16xi32>,
      %mul3A_3881 = arith.constant 64 : i32
      %mul3A_3882 = arith.muli %add3A_716, %mul3A_3881 : i32
      %add3A_3883 = vector.broadcast %mul3A_3882 : i32 to vector<16xi32>
      %add3A_3884 = arith.addi %add3A_3883, %add3A_3875 : vector<16xi32>
      %gather3A_3885 = tpu.vector_load_idx %arg5[%add3A_3884] : memref<1024xi32, #tpu.memory_space<vmem>>[vector<16xi32>], vector<16xi32>,
      %and3A_3886 = arith.constant 15 : i32
      %and3A_3887 = vector.broadcast %and3A_3886 : i32 to vector<16xi32>
      %and3A_3888 = arith.andi %gather3A_3880, %and3A_3887 : vector<16xi32>
      %and3A_3889 = arith.constant 15 : i32
      %and3A_3890 = vector.broadcast %and3A_3889 : i32 to vector<16xi32>
      %and3A_3891 = arith.andi %gather3A_3885, %and3A_3890 : vector<16xi32>
      %broadcast_in_dim3A_3892 = arith.constant 0.000000e+00 : f32
      %broadcast_in_dim3A_3893 = vector.broadcast %broadcast_in_dim3A_3892 : f32 to vector<16xf32>
      %broadcast_in_dim3A_3894 = arith.constant 0.000000e+00 : f32
      %broadcast_in_dim3A_3895 = vector.broadcast %broadcast_in_dim3A_3894 : f32 to vector<16xf32>
      %broadcast_in_dim3A_3896 = arith.constant 0.000000e+00 : f32
      %broadcast_in_dim3A_3897 = vector.broadcast %broadcast_in_dim3A_3896 : f32 to vector<16xf32>
      %add3A_3898 = arith.constant 0 : i32
      %add3A_3899 = vector.broadcast %add3A_3898 : i32 to vector<16xi32>
      %add3A_3900 = arith.addi %add3A_3899, %add3A_3872 : vector<16xi32>
      %gather3A_3901 = tpu.vector_load_idx %arg9[%add3A_3900, %and3A_3888] : memref<2048x16xf32, #tpu.memory_space<vmem>>[vector<16xi32>, vector<16xi32>], vector<16xf32>,
      %add3A_3902 = arith.constant 0 : i32
      %add3A_3903 = vector.broadcast %add3A_3902 : i32 to vector<16xi32>
      %add3A_3904 = arith.addi %add3A_3903, %add3A_3875 : vector<16xi32>
      %gather3A_3905 = tpu.vector_load_idx %arg9[%add3A_3904, %and3A_3891] : memref<2048x16xf32, #tpu.memory_space<vmem>>[vector<16xi32>, vector<16xi32>], vector<16xf32>,
      %mul3A_3906 = arith.mulf %gather3A_3901, %gather3A_3905 : vector<16xf32>
      %add3A_3907 = arith.addf %broadcast_in_dim3A_3893, %mul3A_3906 : vector<16xf32>
      %mul3A_3908 = arith.mulf %gather3A_3901, %gather3A_3901 : vector<16xf32>
      %add3A_3909 = arith.addf %broadcast_in_dim3A_3895, %mul3A_3908 : vector<16xf32>
      %mul3A_3910 = arith.mulf %gather3A_3905, %gather3A_3905 : vector<16xf32>
      %add3A_3911 = arith.addf %broadcast_in_dim3A_3897, %mul3A_3910 : vector<16xf32>
      %add3A_3912 = arith.constant 64 : i32
      %add3A_3913 = vector.broadcast %add3A_3912 : i32 to vector<16xi32>
      %add3A_3914 = arith.addi %add3A_3913, %add3A_3872 : vector<16xi32>
      %gather3A_3915 = tpu.vector_load_idx %arg9[%add3A_3914, %and3A_3888] : memref<2048x16xf32, #tpu.memory_space<vmem>>[vector<16xi32>, vector<16xi32>], vector<16xf32>,
      %add3A_3916 = arith.constant 64 : i32
      %add3A_3917 = vector.broadcast %add3A_3916 : i32 to vector<16xi32>
      %add3A_3918 = arith.addi %add3A_3917, %add3A_3875 : vector<16xi32>
      %gather3A_3919 = tpu.vector_load_idx %arg9[%add3A_3918, %and3A_3891] : memref<2048x16xf32, #tpu.memory_space<vmem>>[vector<16xi32>, vector<16xi32>], vector<16xf32>,
      %mul3A_3920 = arith.mulf %gather3A_3915, %gather3A_3919 : vector<16xf32>
      %add3A_3921 = arith.addf %add3A_3907, %mul3A_3920 : vector<16xf32>
      %mul3A_3922 = arith.mulf %gather3A_3915, %gather3A_3915 : vector<16xf32>
      %add3A_3923 = arith.addf %add3A_3909, %mul3A_3922 : vector<16xf32>
      %mul3A_3924 = arith.mulf %gather3A_3919, %gather3A_3919 : vector<16xf32>
      %add3A_3925 = arith.addf %add3A_3911, %mul3A_3924 : vector<16xf32>
      %add3A_3926 = arith.constant 128 : i32
      %add3A_3927 = vector.broadcast %add3A_3926 : i32 to vector<16xi32>
      %add3A_3928 = arith.addi %add3A_3927, %add3A_3872 : vector<16xi32>
      %gather3A_3929 = tpu.vector_load_idx %arg9[%add3A_3928, %and3A_3888] : memref<2048x16xf32, #tpu.memory_space<vmem>>[vector<16xi32>, vector<16xi32>], vector<16xf32>,
      %add3A_3930 = arith.constant 128 : i32
      %add3A_3931 = vector.broadcast %add3A_3930 : i32 to vector<16xi32>
      %add3A_3932 = arith.addi %add3A_3931, %add3A_3875 : vector<16xi32>
      %gather3A_3933 = tpu.vector_load_idx %arg9[%add3A_3932, %and3A_3891] : memref<2048x16xf32, #tpu.memory_space<vmem>>[vector<16xi32>, vector<16xi32>], vector<16xf32>,
      %mul3A_3934 = arith.mulf %gather3A_3929, %gather3A_3933 : vector<16xf32>
      %add3A_3935 = arith.addf %add3A_3921, %mul3A_3934 : vector<16xf32>
      %mul3A_3936 = arith.mulf %gather3A_3929, %gather3A_3929 : vector<16xf32>
      %add3A_3937 = arith.addf %add3A_3923, %mul3A_3936 : vector<16xf32>
      %mul3A_3938 = arith.mulf %gather3A_3933, %gather3A_3933 : vector<16xf32>
      %add3A_3939 = arith.addf %add3A_3925, %mul3A_3938 : vector<16xf32>
      %add3A_3940 = arith.constant 192 : i32
      %add3A_3941 = vector.broadcast %add3A_3940 : i32 to vector<16xi32>
      %add3A_3942 = arith.addi %add3A_3941, %add3A_3872 : vector<16xi32>
      %gather3A_3943 = tpu.vector_load_idx %arg9[%add3A_3942, %and3A_3888] : memref<2048x16xf32, #tpu.memory_space<vmem>>[vector<16xi32>, vector<16xi32>], vector<16xf32>,
      %add3A_3944 = arith.constant 192 : i32
      %add3A_3945 = vector.broadcast %add3A_3944 : i32 to vector<16xi32>
      %add3A_3946 = arith.addi %add3A_3945, %add3A_3875 : vector<16xi32>
      %gather3A_3947 = tpu.vector_load_idx %arg9[%add3A_3946, %and3A_3891] : memref<2048x16xf32, #tpu.memory_space<vmem>>[vector<16xi32>, vector<16xi32>], vector<16xf32>,
      %mul3A_3948 = arith.mulf %gather3A_3943, %gather3A_3947 : vector<16xf32>
      %add3A_3949 = arith.addf %add3A_3935, %mul3A_3948 : vector<16xf32>
      %mul3A_3950 = arith.mulf %gather3A_3943, %gather3A_3943 : vector<16xf32>
      %add3A_3951 = arith.addf %add3A_3937, %mul3A_3950 : vector<16xf32>
      %mul3A_3952 = arith.mulf %gather3A_3947, %gather3A_3947 : vector<16xf32>
      %add3A_3953 = arith.addf %add3A_3939, %mul3A_3952 : vector<16xf32>
      %add3A_3954 = arith.constant 256 : i32
      %add3A_3955 = vector.broadcast %add3A_3954 : i32 to vector<16xi32>
      %add3A_3956 = arith.addi %add3A_3955, %add3A_3872 : vector<16xi32>
      %gather3A_3957 = tpu.vector_load_idx %arg9[%add3A_3956, %and3A_3888] : memref<2048x16xf32, #tpu.memory_space<vmem>>[vector<16xi32>, vector<16xi32>], vector<16xf32>,
      %add3A_3958 = arith.constant 256 : i32
      %add3A_3959 = vector.broadcast %add3A_3958 : i32 to vector<16xi32>
      %add3A_3960 = arith.addi %add3A_3959, %add3A_3875 : vector<16xi32>
      %gather3A_3961 = tpu.vector_load_idx %arg9[%add3A_3960, %and3A_3891] : memref<2048x16xf32, #tpu.memory_space<vmem>>[vector<16xi32>, vector<16xi32>], vector<16xf32>,
      %mul3A_3962 = arith.mulf %gather3A_3957, %gather3A_3961 : vector<16xf32>
      %add3A_3963 = arith.addf %add3A_3949, %mul3A_3962 : vector<16xf32>
      %mul3A_3964 = arith.mulf %gather3A_3957, %gather3A_3957 : vector<16xf32>
      %add3A_3965 = arith.addf %add3A_3951, %mul3A_3964 : vector<16xf32>
      %mul3A_3966 = arith.mulf %gather3A_3961, %gather3A_3961 : vector<16xf32>
      %add3A_3967 = arith.addf %add3A_3953, %mul3A_3966 : vector<16xf32>
      %add3A_3968 = arith.constant 320 : i32
      %add3A_3969 = vector.broadcast %add3A_3968 : i32 to vector<16xi32>
      %add3A_3970 = arith.addi %add3A_3969, %add3A_3872 : vector<16xi32>
      %gather3A_3971 = tpu.vector_load_idx %arg9[%add3A_3970, %and3A_3888] : memref<2048x16xf32, #tpu.memory_space<vmem>>[vector<16xi32>, vector<16xi32>], vector<16xf32>,
      %add3A_3972 = arith.constant 320 : i32
      %add3A_3973 = vector.broadcast %add3A_3972 : i32 to vector<16xi32>
      %add3A_3974 = arith.addi %add3A_3973, %add3A_3875 : vector<16xi32>
      %gather3A_3975 = tpu.vector_load_idx %arg9[%add3A_3974, %and3A_3891] : memref<2048x16xf32, #tpu.memory_space<vmem>>[vector<16xi32>, vector<16xi32>], vector<16xf32>,
      %mul3A_3976 = arith.mulf %gather3A_3971, %gather3A_3975 : vector<16xf32>
      %add3A_3977 = arith.addf %add3A_3963, %mul3A_3976 : vector<16xf32>
      %mul3A_3978 = arith.mulf %gather3A_3971, %gather3A_3971 : vector<16xf32>
      %add3A_3979 = arith.addf %add3A_3965, %mul3A_3978 : vector<16xf32>
      %mul3A_3980 = arith.mulf %gather3A_3975, %gather3A_3975 : vector<16xf32>
      %add3A_3981 = arith.addf %add3A_3967, %mul3A_3980 : vector<16xf32>
      %add3A_3982 = arith.constant 384 : i32
      %add3A_3983 = vector.broadcast %add3A_3982 : i32 to vector<16xi32>
      %add3A_3984 = arith.addi %add3A_3983, %add3A_3872 : vector<16xi32>
      %gather3A_3985 = tpu.vector_load_idx %arg9[%add3A_3984, %and3A_3888] : memref<2048x16xf32, #tpu.memory_space<vmem>>[vector<16xi32>, vector<16xi32>], vector<16xf32>,
      %add3A_3986 = arith.constant 384 : i32
      %add3A_3987 = vector.broadcast %add3A_3986 : i32 to vector<16xi32>
      %add3A_3988 = arith.addi %add3A_3987, %add3A_3875 : vector<16xi32>
      %gather3A_3989 = tpu.vector_load_idx %arg9[%add3A_3988, %and3A_3891] : memref<2048x16xf32, #tpu.memory_space<vmem>>[vector<16xi32>, vector<16xi32>], vector<16xf32>,
      %mul3A_3990 = arith.mulf %gather3A_3985, %gather3A_3989 : vector<16xf32>
      %add3A_3991 = arith.addf %add3A_3977, %mul3A_3990 : vector<16xf32>
      %mul3A_3992 = arith.mulf %gather3A_3985, %gather3A_3985 : vector<16xf32>
      %add3A_3993 = arith.addf %add3A_3979, %mul3A_3992 : vector<16xf32>
      %mul3A_3994 = arith.mulf %gather3A_3989, %gather3A_3989 : vector<16xf32>
      %add3A_3995 = arith.addf %add3A_3981, %mul3A_3994 : vector<16xf32>
      %add3A_3996 = arith.constant 448 : i32
      %add3A_3997 = vector.broadcast %add3A_3996 : i32 to vector<16xi32>
      %add3A_3998 = arith.addi %add3A_3997, %add3A_3872 : vector<16xi32>
      %gather3A_3999 = tpu.vector_load_idx %arg9[%add3A_3998, %and3A_3888] : memref<2048x16xf32, #tpu.memory_space<vmem>>[vector<16xi32>, vector<16xi32>], vector<16xf32>,
      %add3A_4000 = arith.constant 448 : i32
      %add3A_4001 = vector.broadcast %add3A_4000 : i32 to vector<16xi32>
      %add3A_4002 = arith.addi %add3A_4001, %add3A_3875 : vector<16xi32>
      %gather3A_4003 = tpu.vector_load_idx %arg9[%add3A_4002, %and3A_3891] : memref<2048x16xf32, #tpu.memory_space<vmem>>[vector<16xi32>, vector<16xi32>], vector<16xf32>,
      %mul3A_4004 = arith.mulf %gather3A_3999, %gather3A_4003 : vector<16xf32>
      %add3A_4005 = arith.addf %add3A_3991, %mul3A_4004 : vector<16xf32>
      %mul3A_4006 = arith.mulf %gather3A_3999, %gather3A_3999 : vector<16xf32>
      %add3A_4007 = arith.addf %add3A_3993, %mul3A_4006 : vector<16xf32>
      %mul3A_4008 = arith.mulf %gather3A_4003, %gather3A_4003 : vector<16xf32>
      %add3A_4009 = arith.addf %add3A_3995, %mul3A_4008 : vector<16xf32>
      %add3A_4010 = arith.constant 512 : i32
      %add3A_4011 = vector.broadcast %add3A_4010 : i32 to vector<16xi32>
      %add3A_4012 = arith.addi %add3A_4011, %add3A_3872 : vector<16xi32>
      %gather3A_4013 = tpu.vector_load_idx %arg9[%add3A_4012, %and3A_3888] : memref<2048x16xf32, #tpu.memory_space<vmem>>[vector<16xi32>, vector<16xi32>], vector<16xf32>,
      %add3A_4014 = arith.constant 512 : i32
      %add3A_4015 = vector.broadcast %add3A_4014 : i32 to vector<16xi32>
      %add3A_4016 = arith.addi %add3A_4015, %add3A_3875 : vector<16xi32>
      %gather3A_4017 = tpu.vector_load_idx %arg9[%add3A_4016, %and3A_3891] : memref<2048x16xf32, #tpu.memory_space<vmem>>[vector<16xi32>, vector<16xi32>], vector<16xf32>,
      %mul3A_4018 = arith.mulf %gather3A_4013, %gather3A_4017 : vector<16xf32>
      %add3A_4019 = arith.addf %add3A_4005, %mul3A_4018 : vector<16xf32>
      %mul3A_4020 = arith.mulf %gather3A_4013, %gather3A_4013 : vector<16xf32>
      %add3A_4021 = arith.addf %add3A_4007, %mul3A_4020 : vector<16xf32>
      %mul3A_4022 = arith.mulf %gather3A_4017, %gather3A_4017 : vector<16xf32>
      %add3A_4023 = arith.addf %add3A_4009, %mul3A_4022 : vector<16xf32>
      %add3A_4024 = arith.constant 576 : i32
      %add3A_4025 = vector.broadcast %add3A_4024 : i32 to vector<16xi32>
      %add3A_4026 = arith.addi %add3A_4025, %add3A_3872 : vector<16xi32>
      %gather3A_4027 = tpu.vector_load_idx %arg9[%add3A_4026, %and3A_3888] : memref<2048x16xf32, #tpu.memory_space<vmem>>[vector<16xi32>, vector<16xi32>], vector<16xf32>,
      %add3A_4028 = arith.constant 576 : i32
      %add3A_4029 = vector.broadcast %add3A_4028 : i32 to vector<16xi32>
      %add3A_4030 = arith.addi %add3A_4029, %add3A_3875 : vector<16xi32>
      %gather3A_4031 = tpu.vector_load_idx %arg9[%add3A_4030, %and3A_3891] : memref<2048x16xf32, #tpu.memory_space<vmem>>[vector<16xi32>, vector<16xi32>], vector<16xf32>,
      %mul3A_4032 = arith.mulf %gather3A_4027, %gather3A_4031 : vector<16xf32>
      %add3A_4033 = arith.addf %add3A_4019, %mul3A_4032 : vector<16xf32>
      %mul3A_4034 = arith.mulf %gather3A_4027, %gather3A_4027 : vector<16xf32>
      %add3A_4035 = arith.addf %add3A_4021, %mul3A_4034 : vector<16xf32>
      %mul3A_4036 = arith.mulf %gather3A_4031, %gather3A_4031 : vector<16xf32>
      %add3A_4037 = arith.addf %add3A_4023, %mul3A_4036 : vector<16xf32>
      %add3A_4038 = arith.constant 640 : i32
      %add3A_4039 = vector.broadcast %add3A_4038 : i32 to vector<16xi32>
      %add3A_4040 = arith.addi %add3A_4039, %add3A_3872 : vector<16xi32>
      %gather3A_4041 = tpu.vector_load_idx %arg9[%add3A_4040, %and3A_3888] : memref<2048x16xf32, #tpu.memory_space<vmem>>[vector<16xi32>, vector<16xi32>], vector<16xf32>,
      %add3A_4042 = arith.constant 640 : i32
      %add3A_4043 = vector.broadcast %add3A_4042 : i32 to vector<16xi32>
      %add3A_4044 = arith.addi %add3A_4043, %add3A_3875 : vector<16xi32>
      %gather3A_4045 = tpu.vector_load_idx %arg9[%add3A_4044, %and3A_3891] : memref<2048x16xf32, #tpu.memory_space<vmem>>[vector<16xi32>, vector<16xi32>], vector<16xf32>,
      %mul3A_4046 = arith.mulf %gather3A_4041, %gather3A_4045 : vector<16xf32>
      %add3A_4047 = arith.addf %add3A_4033, %mul3A_4046 : vector<16xf32>
      %mul3A_4048 = arith.mulf %gather3A_4041, %gather3A_4041 : vector<16xf32>
      %add3A_4049 = arith.addf %add3A_4035, %mul3A_4048 : vector<16xf32>
      %mul3A_4050 = arith.mulf %gather3A_4045, %gather3A_4045 : vector<16xf32>
      %add3A_4051 = arith.addf %add3A_4037, %mul3A_4050 : vector<16xf32>
      %add3A_4052 = arith.constant 704 : i32
      %add3A_4053 = vector.broadcast %add3A_4052 : i32 to vector<16xi32>
      %add3A_4054 = arith.addi %add3A_4053, %add3A_3872 : vector<16xi32>
      %gather3A_4055 = tpu.vector_load_idx %arg9[%add3A_4054, %and3A_3888] : memref<2048x16xf32, #tpu.memory_space<vmem>>[vector<16xi32>, vector<16xi32>], vector<16xf32>,
      %add3A_4056 = arith.constant 704 : i32
      %add3A_4057 = vector.broadcast %add3A_4056 : i32 to vector<16xi32>
      %add3A_4058 = arith.addi %add3A_4057, %add3A_3875 : vector<16xi32>
      %gather3A_4059 = tpu.vector_load_idx %arg9[%add3A_4058, %and3A_3891] : memref<2048x16xf32, #tpu.memory_space<vmem>>[vector<16xi32>, vector<16xi32>], vector<16xf32>,
      %mul3A_4060 = arith.mulf %gather3A_4055, %gather3A_4059 : vector<16xf32>
      %add3A_4061 = arith.addf %add3A_4047, %mul3A_4060 : vector<16xf32>
      %mul3A_4062 = arith.mulf %gather3A_4055, %gather3A_4055 : vector<16xf32>
      %add3A_4063 = arith.addf %add3A_4049, %mul3A_4062 : vector<16xf32>
      %mul3A_4064 = arith.mulf %gather3A_4059, %gather3A_4059 : vector<16xf32>
      %add3A_4065 = arith.addf %add3A_4051, %mul3A_4064 : vector<16xf32>
      %add3A_4066 = arith.constant 768 : i32
      %add3A_4067 = vector.broadcast %add3A_4066 : i32 to vector<16xi32>
      %add3A_4068 = arith.addi %add3A_4067, %add3A_3872 : vector<16xi32>
      %gather3A_4069 = tpu.vector_load_idx %arg9[%add3A_4068, %and3A_3888] : memref<2048x16xf32, #tpu.memory_space<vmem>>[vector<16xi32>, vector<16xi32>], vector<16xf32>,
      %add3A_4070 = arith.constant 768 : i32
      %add3A_4071 = vector.broadcast %add3A_4070 : i32 to vector<16xi32>
      %add3A_4072 = arith.addi %add3A_4071, %add3A_3875 : vector<16xi32>
      %gather3A_4073 = tpu.vector_load_idx %arg9[%add3A_4072, %and3A_3891] : memref<2048x16xf32, #tpu.memory_space<vmem>>[vector<16xi32>, vector<16xi32>], vector<16xf32>,
      %mul3A_4074 = arith.mulf %gather3A_4069, %gather3A_4073 : vector<16xf32>
      %add3A_4075 = arith.addf %add3A_4061, %mul3A_4074 : vector<16xf32>
      %mul3A_4076 = arith.mulf %gather3A_4069, %gather3A_4069 : vector<16xf32>
      %add3A_4077 = arith.addf %add3A_4063, %mul3A_4076 : vector<16xf32>
      %mul3A_4078 = arith.mulf %gather3A_4073, %gather3A_4073 : vector<16xf32>
      %add3A_4079 = arith.addf %add3A_4065, %mul3A_4078 : vector<16xf32>
      %add3A_4080 = arith.constant 832 : i32
      %add3A_4081 = vector.broadcast %add3A_4080 : i32 to vector<16xi32>
      %add3A_4082 = arith.addi %add3A_4081, %add3A_3872 : vector<16xi32>
      %gather3A_4083 = tpu.vector_load_idx %arg9[%add3A_4082, %and3A_3888] : memref<2048x16xf32, #tpu.memory_space<vmem>>[vector<16xi32>, vector<16xi32>], vector<16xf32>,
      %add3A_4084 = arith.constant 832 : i32
      %add3A_4085 = vector.broadcast %add3A_4084 : i32 to vector<16xi32>
      %add3A_4086 = arith.addi %add3A_4085, %add3A_3875 : vector<16xi32>
      %gather3A_4087 = tpu.vector_load_idx %arg9[%add3A_4086, %and3A_3891] : memref<2048x16xf32, #tpu.memory_space<vmem>>[vector<16xi32>, vector<16xi32>], vector<16xf32>,
      %mul3A_4088 = arith.mulf %gather3A_4083, %gather3A_4087 : vector<16xf32>
      %add3A_4089 = arith.addf %add3A_4075, %mul3A_4088 : vector<16xf32>
      %mul3A_4090 = arith.mulf %gather3A_4083, %gather3A_4083 : vector<16xf32>
      %add3A_4091 = arith.addf %add3A_4077, %mul3A_4090 : vector<16xf32>
      %mul3A_4092 = arith.mulf %gather3A_4087, %gather3A_4087 : vector<16xf32>
      %add3A_4093 = arith.addf %add3A_4079, %mul3A_4092 : vector<16xf32>
      %add3A_4094 = arith.constant 896 : i32
      %add3A_4095 = vector.broadcast %add3A_4094 : i32 to vector<16xi32>
      %add3A_4096 = arith.addi %add3A_4095, %add3A_3872 : vector<16xi32>
      %gather3A_4097 = tpu.vector_load_idx %arg9[%add3A_4096, %and3A_3888] : memref<2048x16xf32, #tpu.memory_space<vmem>>[vector<16xi32>, vector<16xi32>], vector<16xf32>,
      %add3A_4098 = arith.constant 896 : i32
      %add3A_4099 = vector.broadcast %add3A_4098 : i32 to vector<16xi32>
      %add3A_4100 = arith.addi %add3A_4099, %add3A_3875 : vector<16xi32>
      %gather3A_4101 = tpu.vector_load_idx %arg9[%add3A_4100, %and3A_3891] : memref<2048x16xf32, #tpu.memory_space<vmem>>[vector<16xi32>, vector<16xi32>], vector<16xf32>,
      %mul3A_4102 = arith.mulf %gather3A_4097, %gather3A_4101 : vector<16xf32>
      %add3A_4103 = arith.addf %add3A_4089, %mul3A_4102 : vector<16xf32>
      %mul3A_4104 = arith.mulf %gather3A_4097, %gather3A_4097 : vector<16xf32>
      %add3A_4105 = arith.addf %add3A_4091, %mul3A_4104 : vector<16xf32>
      %mul3A_4106 = arith.mulf %gather3A_4101, %gather3A_4101 : vector<16xf32>
      %add3A_4107 = arith.addf %add3A_4093, %mul3A_4106 : vector<16xf32>
      %add3A_4108 = arith.constant 960 : i32
      %add3A_4109 = vector.broadcast %add3A_4108 : i32 to vector<16xi32>
      %add3A_4110 = arith.addi %add3A_4109, %add3A_3872 : vector<16xi32>
      %gather3A_4111 = tpu.vector_load_idx %arg9[%add3A_4110, %and3A_3888] : memref<2048x16xf32, #tpu.memory_space<vmem>>[vector<16xi32>, vector<16xi32>], vector<16xf32>,
      %add3A_4112 = arith.constant 960 : i32
      %add3A_4113 = vector.broadcast %add3A_4112 : i32 to vector<16xi32>
      %add3A_4114 = arith.addi %add3A_4113, %add3A_3875 : vector<16xi32>
      %gather3A_4115 = tpu.vector_load_idx %arg9[%add3A_4114, %and3A_3891] : memref<2048x16xf32, #tpu.memory_space<vmem>>[vector<16xi32>, vector<16xi32>], vector<16xf32>,
      %mul3A_4116 = arith.mulf %gather3A_4111, %gather3A_4115 : vector<16xf32>
      %add3A_4117 = arith.addf %add3A_4103, %mul3A_4116 : vector<16xf32>
      %mul3A_4118 = arith.mulf %gather3A_4111, %gather3A_4111 : vector<16xf32>
      %add3A_4119 = arith.addf %add3A_4105, %mul3A_4118 : vector<16xf32>
      %mul3A_4120 = arith.mulf %gather3A_4115, %gather3A_4115 : vector<16xf32>
      %add3A_4121 = arith.addf %add3A_4107, %mul3A_4120 : vector<16xf32>
      %add3A_4122 = arith.constant 1024 : i32
      %add3A_4123 = vector.broadcast %add3A_4122 : i32 to vector<16xi32>
      %add3A_4124 = arith.addi %add3A_4123, %add3A_3872 : vector<16xi32>
      %gather3A_4125 = tpu.vector_load_idx %arg9[%add3A_4124, %and3A_3888] : memref<2048x16xf32, #tpu.memory_space<vmem>>[vector<16xi32>, vector<16xi32>], vector<16xf32>,
      %add3A_4126 = arith.constant 1024 : i32
      %add3A_4127 = vector.broadcast %add3A_4126 : i32 to vector<16xi32>
      %add3A_4128 = arith.addi %add3A_4127, %add3A_3875 : vector<16xi32>
      %gather3A_4129 = tpu.vector_load_idx %arg9[%add3A_4128, %and3A_3891] : memref<2048x16xf32, #tpu.memory_space<vmem>>[vector<16xi32>, vector<16xi32>], vector<16xf32>,
      %mul3A_4130 = arith.mulf %gather3A_4125, %gather3A_4129 : vector<16xf32>
      %add3A_4131 = arith.addf %add3A_4117, %mul3A_4130 : vector<16xf32>
      %mul3A_4132 = arith.mulf %gather3A_4125, %gather3A_4125 : vector<16xf32>
      %add3A_4133 = arith.addf %add3A_4119, %mul3A_4132 : vector<16xf32>
      %mul3A_4134 = arith.mulf %gather3A_4129, %gather3A_4129 : vector<16xf32>
      %add3A_4135 = arith.addf %add3A_4121, %mul3A_4134 : vector<16xf32>
      %add3A_4136 = arith.constant 1088 : i32
      %add3A_4137 = vector.broadcast %add3A_4136 : i32 to vector<16xi32>
      %add3A_4138 = arith.addi %add3A_4137, %add3A_3872 : vector<16xi32>
      %gather3A_4139 = tpu.vector_load_idx %arg9[%add3A_4138, %and3A_3888] : memref<2048x16xf32, #tpu.memory_space<vmem>>[vector<16xi32>, vector<16xi32>], vector<16xf32>,
      %add3A_4140 = arith.constant 1088 : i32
      %add3A_4141 = vector.broadcast %add3A_4140 : i32 to vector<16xi32>
      %add3A_4142 = arith.addi %add3A_4141, %add3A_3875 : vector<16xi32>
      %gather3A_4143 = tpu.vector_load_idx %arg9[%add3A_4142, %and3A_3891] : memref<2048x16xf32, #tpu.memory_space<vmem>>[vector<16xi32>, vector<16xi32>], vector<16xf32>,
      %mul3A_4144 = arith.mulf %gather3A_4139, %gather3A_4143 : vector<16xf32>
      %add3A_4145 = arith.addf %add3A_4131, %mul3A_4144 : vector<16xf32>
      %mul3A_4146 = arith.mulf %gather3A_4139, %gather3A_4139 : vector<16xf32>
      %add3A_4147 = arith.addf %add3A_4133, %mul3A_4146 : vector<16xf32>
      %mul3A_4148 = arith.mulf %gather3A_4143, %gather3A_4143 : vector<16xf32>
      %add3A_4149 = arith.addf %add3A_4135, %mul3A_4148 : vector<16xf32>
      %add3A_4150 = arith.constant 1152 : i32
      %add3A_4151 = vector.broadcast %add3A_4150 : i32 to vector<16xi32>
      %add3A_4152 = arith.addi %add3A_4151, %add3A_3872 : vector<16xi32>
      %gather3A_4153 = tpu.vector_load_idx %arg9[%add3A_4152, %and3A_3888] : memref<2048x16xf32, #tpu.memory_space<vmem>>[vector<16xi32>, vector<16xi32>], vector<16xf32>,
      %add3A_4154 = arith.constant 1152 : i32
      %add3A_4155 = vector.broadcast %add3A_4154 : i32 to vector<16xi32>
      %add3A_4156 = arith.addi %add3A_4155, %add3A_3875 : vector<16xi32>
      %gather3A_4157 = tpu.vector_load_idx %arg9[%add3A_4156, %and3A_3891] : memref<2048x16xf32, #tpu.memory_space<vmem>>[vector<16xi32>, vector<16xi32>], vector<16xf32>,
      %mul3A_4158 = arith.mulf %gather3A_4153, %gather3A_4157 : vector<16xf32>
      %add3A_4159 = arith.addf %add3A_4145, %mul3A_4158 : vector<16xf32>
      %mul3A_4160 = arith.mulf %gather3A_4153, %gather3A_4153 : vector<16xf32>
      %add3A_4161 = arith.addf %add3A_4147, %mul3A_4160 : vector<16xf32>
      %mul3A_4162 = arith.mulf %gather3A_4157, %gather3A_4157 : vector<16xf32>
      %add3A_4163 = arith.addf %add3A_4149, %mul3A_4162 : vector<16xf32>
      %add3A_4164 = arith.constant 1216 : i32
      %add3A_4165 = vector.broadcast %add3A_4164 : i32 to vector<16xi32>
      %add3A_4166 = arith.addi %add3A_4165, %add3A_3872 : vector<16xi32>
      %gather3A_4167 = tpu.vector_load_idx %arg9[%add3A_4166, %and3A_3888] : memref<2048x16xf32, #tpu.memory_space<vmem>>[vector<16xi32>, vector<16xi32>], vector<16xf32>,
      %add3A_4168 = arith.constant 1216 : i32
      %add3A_4169 = vector.broadcast %add3A_4168 : i32 to vector<16xi32>
      %add3A_4170 = arith.addi %add3A_4169, %add3A_3875 : vector<16xi32>
      %gather3A_4171 = tpu.vector_load_idx %arg9[%add3A_4170, %and3A_3891] : memref<2048x16xf32, #tpu.memory_space<vmem>>[vector<16xi32>, vector<16xi32>], vector<16xf32>,
      %mul3A_4172 = arith.mulf %gather3A_4167, %gather3A_4171 : vector<16xf32>
      %add3A_4173 = arith.addf %add3A_4159, %mul3A_4172 : vector<16xf32>
      %mul3A_4174 = arith.mulf %gather3A_4167, %gather3A_4167 : vector<16xf32>
      %add3A_4175 = arith.addf %add3A_4161, %mul3A_4174 : vector<16xf32>
      %mul3A_4176 = arith.mulf %gather3A_4171, %gather3A_4171 : vector<16xf32>
      %add3A_4177 = arith.addf %add3A_4163, %mul3A_4176 : vector<16xf32>
      %add3A_4178 = arith.constant 1280 : i32
      %add3A_4179 = vector.broadcast %add3A_4178 : i32 to vector<16xi32>
      %add3A_4180 = arith.addi %add3A_4179, %add3A_3872 : vector<16xi32>
      %gather3A_4181 = tpu.vector_load_idx %arg9[%add3A_4180, %and3A_3888] : memref<2048x16xf32, #tpu.memory_space<vmem>>[vector<16xi32>, vector<16xi32>], vector<16xf32>,
      %add3A_4182 = arith.constant 1280 : i32
      %add3A_4183 = vector.broadcast %add3A_4182 : i32 to vector<16xi32>
      %add3A_4184 = arith.addi %add3A_4183, %add3A_3875 : vector<16xi32>
      %gather3A_4185 = tpu.vector_load_idx %arg9[%add3A_4184, %and3A_3891] : memref<2048x16xf32, #tpu.memory_space<vmem>>[vector<16xi32>, vector<16xi32>], vector<16xf32>,
      %mul3A_4186 = arith.mulf %gather3A_4181, %gather3A_4185 : vector<16xf32>
      %add3A_4187 = arith.addf %add3A_4173, %mul3A_4186 : vector<16xf32>
      %mul3A_4188 = arith.mulf %gather3A_4181, %gather3A_4181 : vector<16xf32>
      %add3A_4189 = arith.addf %add3A_4175, %mul3A_4188 : vector<16xf32>
      %mul3A_4190 = arith.mulf %gather3A_4185, %gather3A_4185 : vector<16xf32>
      %add3A_4191 = arith.addf %add3A_4177, %mul3A_4190 : vector<16xf32>
      %add3A_4192 = arith.constant 1344 : i32
      %add3A_4193 = vector.broadcast %add3A_4192 : i32 to vector<16xi32>
      %add3A_4194 = arith.addi %add3A_4193, %add3A_3872 : vector<16xi32>
      %gather3A_4195 = tpu.vector_load_idx %arg9[%add3A_4194, %and3A_3888] : memref<2048x16xf32, #tpu.memory_space<vmem>>[vector<16xi32>, vector<16xi32>], vector<16xf32>,
      %add3A_4196 = arith.constant 1344 : i32
      %add3A_4197 = vector.broadcast %add3A_4196 : i32 to vector<16xi32>
      %add3A_4198 = arith.addi %add3A_4197, %add3A_3875 : vector<16xi32>
      %gather3A_4199 = tpu.vector_load_idx %arg9[%add3A_4198, %and3A_3891] : memref<2048x16xf32, #tpu.memory_space<vmem>>[vector<16xi32>, vector<16xi32>], vector<16xf32>,
      %mul3A_4200 = arith.mulf %gather3A_4195, %gather3A_4199 : vector<16xf32>
      %add3A_4201 = arith.addf %add3A_4187, %mul3A_4200 : vector<16xf32>
      %mul3A_4202 = arith.mulf %gather3A_4195, %gather3A_4195 : vector<16xf32>
      %add3A_4203 = arith.addf %add3A_4189, %mul3A_4202 : vector<16xf32>
      %mul3A_4204 = arith.mulf %gather3A_4199, %gather3A_4199 : vector<16xf32>
      %add3A_4205 = arith.addf %add3A_4191, %mul3A_4204 : vector<16xf32>
      %add3A_4206 = arith.constant 1408 : i32
      %add3A_4207 = vector.broadcast %add3A_4206 : i32 to vector<16xi32>
      %add3A_4208 = arith.addi %add3A_4207, %add3A_3872 : vector<16xi32>
      %gather3A_4209 = tpu.vector_load_idx %arg9[%add3A_4208, %and3A_3888] : memref<2048x16xf32, #tpu.memory_space<vmem>>[vector<16xi32>, vector<16xi32>], vector<16xf32>,
      %add3A_4210 = arith.constant 1408 : i32
      %add3A_4211 = vector.broadcast %add3A_4210 : i32 to vector<16xi32>
      %add3A_4212 = arith.addi %add3A_4211, %add3A_3875 : vector<16xi32>
      %gather3A_4213 = tpu.vector_load_idx %arg9[%add3A_4212, %and3A_3891] : memref<2048x16xf32, #tpu.memory_space<vmem>>[vector<16xi32>, vector<16xi32>], vector<16xf32>,
      %mul3A_4214 = arith.mulf %gather3A_4209, %gather3A_4213 : vector<16xf32>
      %add3A_4215 = arith.addf %add3A_4201, %mul3A_4214 : vector<16xf32>
      %mul3A_4216 = arith.mulf %gather3A_4209, %gather3A_4209 : vector<16xf32>
      %add3A_4217 = arith.addf %add3A_4203, %mul3A_4216 : vector<16xf32>
      %mul3A_4218 = arith.mulf %gather3A_4213, %gather3A_4213 : vector<16xf32>
      %add3A_4219 = arith.addf %add3A_4205, %mul3A_4218 : vector<16xf32>
      %add3A_4220 = arith.constant 1472 : i32
      %add3A_4221 = vector.broadcast %add3A_4220 : i32 to vector<16xi32>
      %add3A_4222 = arith.addi %add3A_4221, %add3A_3872 : vector<16xi32>
      %gather3A_4223 = tpu.vector_load_idx %arg9[%add3A_4222, %and3A_3888] : memref<2048x16xf32, #tpu.memory_space<vmem>>[vector<16xi32>, vector<16xi32>], vector<16xf32>,
      %add3A_4224 = arith.constant 1472 : i32
      %add3A_4225 = vector.broadcast %add3A_4224 : i32 to vector<16xi32>
      %add3A_4226 = arith.addi %add3A_4225, %add3A_3875 : vector<16xi32>
      %gather3A_4227 = tpu.vector_load_idx %arg9[%add3A_4226, %and3A_3891] : memref<2048x16xf32, #tpu.memory_space<vmem>>[vector<16xi32>, vector<16xi32>], vector<16xf32>,
      %mul3A_4228 = arith.mulf %gather3A_4223, %gather3A_4227 : vector<16xf32>
      %add3A_4229 = arith.addf %add3A_4215, %mul3A_4228 : vector<16xf32>
      %mul3A_4230 = arith.mulf %gather3A_4223, %gather3A_4223 : vector<16xf32>
      %add3A_4231 = arith.addf %add3A_4217, %mul3A_4230 : vector<16xf32>
      %mul3A_4232 = arith.mulf %gather3A_4227, %gather3A_4227 : vector<16xf32>
      %add3A_4233 = arith.addf %add3A_4219, %mul3A_4232 : vector<16xf32>
      %add3A_4234 = arith.constant 1536 : i32
      %add3A_4235 = vector.broadcast %add3A_4234 : i32 to vector<16xi32>
      %add3A_4236 = arith.addi %add3A_4235, %add3A_3872 : vector<16xi32>
      %gather3A_4237 = tpu.vector_load_idx %arg9[%add3A_4236, %and3A_3888] : memref<2048x16xf32, #tpu.memory_space<vmem>>[vector<16xi32>, vector<16xi32>], vector<16xf32>,
      %add3A_4238 = arith.constant 1536 : i32
      %add3A_4239 = vector.broadcast %add3A_4238 : i32 to vector<16xi32>
      %add3A_4240 = arith.addi %add3A_4239, %add3A_3875 : vector<16xi32>
      %gather3A_4241 = tpu.vector_load_idx %arg9[%add3A_4240, %and3A_3891] : memref<2048x16xf32, #tpu.memory_space<vmem>>[vector<16xi32>, vector<16xi32>], vector<16xf32>,
      %mul3A_4242 = arith.mulf %gather3A_4237, %gather3A_4241 : vector<16xf32>
      %add3A_4243 = arith.addf %add3A_4229, %mul3A_4242 : vector<16xf32>
      %mul3A_4244 = arith.mulf %gather3A_4237, %gather3A_4237 : vector<16xf32>
      %add3A_4245 = arith.addf %add3A_4231, %mul3A_4244 : vector<16xf32>
      %mul3A_4246 = arith.mulf %gather3A_4241, %gather3A_4241 : vector<16xf32>
      %add3A_4247 = arith.addf %add3A_4233, %mul3A_4246 : vector<16xf32>
      %add3A_4248 = arith.constant 1600 : i32
      %add3A_4249 = vector.broadcast %add3A_4248 : i32 to vector<16xi32>
      %add3A_4250 = arith.addi %add3A_4249, %add3A_3872 : vector<16xi32>
      %gather3A_4251 = tpu.vector_load_idx %arg9[%add3A_4250, %and3A_3888] : memref<2048x16xf32, #tpu.memory_space<vmem>>[vector<16xi32>, vector<16xi32>], vector<16xf32>,
      %add3A_4252 = arith.constant 1600 : i32
      %add3A_4253 = vector.broadcast %add3A_4252 : i32 to vector<16xi32>
      %add3A_4254 = arith.addi %add3A_4253, %add3A_3875 : vector<16xi32>
      %gather3A_4255 = tpu.vector_load_idx %arg9[%add3A_4254, %and3A_3891] : memref<2048x16xf32, #tpu.memory_space<vmem>>[vector<16xi32>, vector<16xi32>], vector<16xf32>,
      %mul3A_4256 = arith.mulf %gather3A_4251, %gather3A_4255 : vector<16xf32>
      %add3A_4257 = arith.addf %add3A_4243, %mul3A_4256 : vector<16xf32>
      %mul3A_4258 = arith.mulf %gather3A_4251, %gather3A_4251 : vector<16xf32>
      %add3A_4259 = arith.addf %add3A_4245, %mul3A_4258 : vector<16xf32>
      %mul3A_4260 = arith.mulf %gather3A_4255, %gather3A_4255 : vector<16xf32>
      %add3A_4261 = arith.addf %add3A_4247, %mul3A_4260 : vector<16xf32>
      %add3A_4262 = arith.constant 1664 : i32
      %add3A_4263 = vector.broadcast %add3A_4262 : i32 to vector<16xi32>
      %add3A_4264 = arith.addi %add3A_4263, %add3A_3872 : vector<16xi32>
      %gather3A_4265 = tpu.vector_load_idx %arg9[%add3A_4264, %and3A_3888] : memref<2048x16xf32, #tpu.memory_space<vmem>>[vector<16xi32>, vector<16xi32>], vector<16xf32>,
      %add3A_4266 = arith.constant 1664 : i32
      %add3A_4267 = vector.broadcast %add3A_4266 : i32 to vector<16xi32>
      %add3A_4268 = arith.addi %add3A_4267, %add3A_3875 : vector<16xi32>
      %gather3A_4269 = tpu.vector_load_idx %arg9[%add3A_4268, %and3A_3891] : memref<2048x16xf32, #tpu.memory_space<vmem>>[vector<16xi32>, vector<16xi32>], vector<16xf32>,
      %mul3A_4270 = arith.mulf %gather3A_4265, %gather3A_4269 : vector<16xf32>
      %add3A_4271 = arith.addf %add3A_4257, %mul3A_4270 : vector<16xf32>
      %mul3A_4272 = arith.mulf %gather3A_4265, %gather3A_4265 : vector<16xf32>
      %add3A_4273 = arith.addf %add3A_4259, %mul3A_4272 : vector<16xf32>
      %mul3A_4274 = arith.mulf %gather3A_4269, %gather3A_4269 : vector<16xf32>
      %add3A_4275 = arith.addf %add3A_4261, %mul3A_4274 : vector<16xf32>
      %add3A_4276 = arith.constant 1728 : i32
      %add3A_4277 = vector.broadcast %add3A_4276 : i32 to vector<16xi32>
      %add3A_4278 = arith.addi %add3A_4277, %add3A_3872 : vector<16xi32>
      %gather3A_4279 = tpu.vector_load_idx %arg9[%add3A_4278, %and3A_3888] : memref<2048x16xf32, #tpu.memory_space<vmem>>[vector<16xi32>, vector<16xi32>], vector<16xf32>,
      %add3A_4280 = arith.constant 1728 : i32
      %add3A_4281 = vector.broadcast %add3A_4280 : i32 to vector<16xi32>
      %add3A_4282 = arith.addi %add3A_4281, %add3A_3875 : vector<16xi32>
      %gather3A_4283 = tpu.vector_load_idx %arg9[%add3A_4282, %and3A_3891] : memref<2048x16xf32, #tpu.memory_space<vmem>>[vector<16xi32>, vector<16xi32>], vector<16xf32>,
      %mul3A_4284 = arith.mulf %gather3A_4279, %gather3A_4283 : vector<16xf32>
      %add3A_4285 = arith.addf %add3A_4271, %mul3A_4284 : vector<16xf32>
      %mul3A_4286 = arith.mulf %gather3A_4279, %gather3A_4279 : vector<16xf32>
      %add3A_4287 = arith.addf %add3A_4273, %mul3A_4286 : vector<16xf32>
      %mul3A_4288 = arith.mulf %gather3A_4283, %gather3A_4283 : vector<16xf32>
      %add3A_4289 = arith.addf %add3A_4275, %mul3A_4288 : vector<16xf32>
      %add3A_4290 = arith.constant 1792 : i32
      %add3A_4291 = vector.broadcast %add3A_4290 : i32 to vector<16xi32>
      %add3A_4292 = arith.addi %add3A_4291, %add3A_3872 : vector<16xi32>
      %gather3A_4293 = tpu.vector_load_idx %arg9[%add3A_4292, %and3A_3888] : memref<2048x16xf32, #tpu.memory_space<vmem>>[vector<16xi32>, vector<16xi32>], vector<16xf32>,
      %add3A_4294 = arith.constant 1792 : i32
      %add3A_4295 = vector.broadcast %add3A_4294 : i32 to vector<16xi32>
      %add3A_4296 = arith.addi %add3A_4295, %add3A_3875 : vector<16xi32>
      %gather3A_4297 = tpu.vector_load_idx %arg9[%add3A_4296, %and3A_3891] : memref<2048x16xf32, #tpu.memory_space<vmem>>[vector<16xi32>, vector<16xi32>], vector<16xf32>,
      %mul3A_4298 = arith.mulf %gather3A_4293, %gather3A_4297 : vector<16xf32>
      %add3A_4299 = arith.addf %add3A_4285, %mul3A_4298 : vector<16xf32>
      %mul3A_4300 = arith.mulf %gather3A_4293, %gather3A_4293 : vector<16xf32>
      %add3A_4301 = arith.addf %add3A_4287, %mul3A_4300 : vector<16xf32>
      %mul3A_4302 = arith.mulf %gather3A_4297, %gather3A_4297 : vector<16xf32>
      %add3A_4303 = arith.addf %add3A_4289, %mul3A_4302 : vector<16xf32>
      %add3A_4304 = arith.constant 1856 : i32
      %add3A_4305 = vector.broadcast %add3A_4304 : i32 to vector<16xi32>
      %add3A_4306 = arith.addi %add3A_4305, %add3A_3872 : vector<16xi32>
      %gather3A_4307 = tpu.vector_load_idx %arg9[%add3A_4306, %and3A_3888] : memref<2048x16xf32, #tpu.memory_space<vmem>>[vector<16xi32>, vector<16xi32>], vector<16xf32>,
      %add3A_4308 = arith.constant 1856 : i32
      %add3A_4309 = vector.broadcast %add3A_4308 : i32 to vector<16xi32>
      %add3A_4310 = arith.addi %add3A_4309, %add3A_3875 : vector<16xi32>
      %gather3A_4311 = tpu.vector_load_idx %arg9[%add3A_4310, %and3A_3891] : memref<2048x16xf32, #tpu.memory_space<vmem>>[vector<16xi32>, vector<16xi32>], vector<16xf32>,
      %mul3A_4312 = arith.mulf %gather3A_4307, %gather3A_4311 : vector<16xf32>
      %add3A_4313 = arith.addf %add3A_4299, %mul3A_4312 : vector<16xf32>
      %mul3A_4314 = arith.mulf %gather3A_4307, %gather3A_4307 : vector<16xf32>
      %add3A_4315 = arith.addf %add3A_4301, %mul3A_4314 : vector<16xf32>
      %mul3A_4316 = arith.mulf %gather3A_4311, %gather3A_4311 : vector<16xf32>
      %add3A_4317 = arith.addf %add3A_4303, %mul3A_4316 : vector<16xf32>
      %add3A_4318 = arith.constant 1920 : i32
      %add3A_4319 = vector.broadcast %add3A_4318 : i32 to vector<16xi32>
      %add3A_4320 = arith.addi %add3A_4319, %add3A_3872 : vector<16xi32>
      %gather3A_4321 = tpu.vector_load_idx %arg9[%add3A_4320, %and3A_3888] : memref<2048x16xf32, #tpu.memory_space<vmem>>[vector<16xi32>, vector<16xi32>], vector<16xf32>,
      %add3A_4322 = arith.constant 1920 : i32
      %add3A_4323 = vector.broadcast %add3A_4322 : i32 to vector<16xi32>
      %add3A_4324 = arith.addi %add3A_4323, %add3A_3875 : vector<16xi32>
      %gather3A_4325 = tpu.vector_load_idx %arg9[%add3A_4324, %and3A_3891] : memref<2048x16xf32, #tpu.memory_space<vmem>>[vector<16xi32>, vector<16xi32>], vector<16xf32>,
      %mul3A_4326 = arith.mulf %gather3A_4321, %gather3A_4325 : vector<16xf32>
      %add3A_4327 = arith.addf %add3A_4313, %mul3A_4326 : vector<16xf32>
      %mul3A_4328 = arith.mulf %gather3A_4321, %gather3A_4321 : vector<16xf32>
      %add3A_4329 = arith.addf %add3A_4315, %mul3A_4328 : vector<16xf32>
      %mul3A_4330 = arith.mulf %gather3A_4325, %gather3A_4325 : vector<16xf32>
      %add3A_4331 = arith.addf %add3A_4317, %mul3A_4330 : vector<16xf32>
      %add3A_4332 = arith.constant 1984 : i32
      %add3A_4333 = vector.broadcast %add3A_4332 : i32 to vector<16xi32>
      %add3A_4334 = arith.addi %add3A_4333, %add3A_3872 : vector<16xi32>
      %gather3A_4335 = tpu.vector_load_idx %arg9[%add3A_4334, %and3A_3888] : memref<2048x16xf32, #tpu.memory_space<vmem>>[vector<16xi32>, vector<16xi32>], vector<16xf32>,
      %add3A_4336 = arith.constant 1984 : i32
      %add3A_4337 = vector.broadcast %add3A_4336 : i32 to vector<16xi32>
      %add3A_4338 = arith.addi %add3A_4337, %add3A_3875 : vector<16xi32>
      %gather3A_4339 = tpu.vector_load_idx %arg9[%add3A_4338, %and3A_3891] : memref<2048x16xf32, #tpu.memory_space<vmem>>[vector<16xi32>, vector<16xi32>], vector<16xf32>,
      %mul3A_4340 = arith.mulf %gather3A_4335, %gather3A_4339 : vector<16xf32>
      %add3A_4341 = arith.addf %add3A_4327, %mul3A_4340 : vector<16xf32>
      %mul3A_4342 = arith.mulf %gather3A_4335, %gather3A_4335 : vector<16xf32>
      %add3A_4343 = arith.addf %add3A_4329, %mul3A_4342 : vector<16xf32>
      %mul3A_4344 = arith.mulf %gather3A_4339, %gather3A_4339 : vector<16xf32>
      %add3A_4345 = arith.addf %add3A_4331, %mul3A_4344 : vector<16xf32>
      %max3A_4346 = arith.constant 1.000000e-16 : f32
      %max3A_4347 = vector.broadcast %max3A_4346 : f32 to vector<16xf32>
      %max3A_4348 = arith.maximumf %add3A_4343, %max3A_4347 : vector<16xf32>
      %bitcast3A_4349 = vector.bitcast %max3A_4348 : vector<16xf32> to vector<16xi32>
      %shift_right_arithmetic3A_4350 = arith.constant 1 : i32
      %shift_right_arithmetic3A_4351 = vector.broadcast %shift_right_arithmetic3A_4350 : i32 to vector<16xi32>
      %shift_right_arithmetic3A_4352 = arith.shrsi %bitcast3A_4349, %shift_right_arithmetic3A_4351 : vector<16xi32>
      %sub3A_4353 = arith.constant 1597463007 : i32
      %sub3A_4354 = vector.broadcast %sub3A_4353 : i32 to vector<16xi32>
      %sub3A_4355 = arith.subi %sub3A_4354, %shift_right_arithmetic3A_4352 : vector<16xi32>
      %bitcast3A_4356 = vector.bitcast %sub3A_4355 : vector<16xi32> to vector<16xf32>
      %mul3A_4357 = arith.constant 5.000000e-01 : f32
      %mul3A_4358 = vector.broadcast %mul3A_4357 : f32 to vector<16xf32>
      %mul3A_4359 = arith.mulf %mul3A_4358, %max3A_4348 : vector<16xf32>
      %mul3A_4360 = arith.mulf %mul3A_4359, %bitcast3A_4356 : vector<16xf32>
      %mul3A_4361 = arith.mulf %mul3A_4360, %bitcast3A_4356 : vector<16xf32>
      %sub3A_4362 = arith.constant 1.500000e+00 : f32
      %sub3A_4363 = vector.broadcast %sub3A_4362 : f32 to vector<16xf32>
      %sub3A_4364 = arith.subf %sub3A_4363, %mul3A_4361 : vector<16xf32>
      %mul3A_4365 = arith.mulf %bitcast3A_4356, %sub3A_4364 : vector<16xf32>
      %mul3A_4366 = arith.constant 5.000000e-01 : f32
      %mul3A_4367 = vector.broadcast %mul3A_4366 : f32 to vector<16xf32>
      %mul3A_4368 = arith.mulf %mul3A_4367, %max3A_4348 : vector<16xf32>
      %mul3A_4369 = arith.mulf %mul3A_4368, %mul3A_4365 : vector<16xf32>
      %mul3A_4370 = arith.mulf %mul3A_4369, %mul3A_4365 : vector<16xf32>
      %sub3A_4371 = arith.constant 1.500000e+00 : f32
      %sub3A_4372 = vector.broadcast %sub3A_4371 : f32 to vector<16xf32>
      %sub3A_4373 = arith.subf %sub3A_4372, %mul3A_4370 : vector<16xf32>
      %mul3A_4374 = arith.mulf %mul3A_4365, %sub3A_4373 : vector<16xf32>
      %mul3A_4375 = arith.constant 5.000000e-01 : f32
      %mul3A_4376 = vector.broadcast %mul3A_4375 : f32 to vector<16xf32>
      %mul3A_4377 = arith.mulf %mul3A_4376, %max3A_4348 : vector<16xf32>
      %mul3A_4378 = arith.mulf %mul3A_4377, %mul3A_4374 : vector<16xf32>
      %mul3A_4379 = arith.mulf %mul3A_4378, %mul3A_4374 : vector<16xf32>
      %sub3A_4380 = arith.constant 1.500000e+00 : f32
      %sub3A_4381 = vector.broadcast %sub3A_4380 : f32 to vector<16xf32>
      %sub3A_4382 = arith.subf %sub3A_4381, %mul3A_4379 : vector<16xf32>
      %mul3A_4383 = arith.mulf %mul3A_4374, %sub3A_4382 : vector<16xf32>
      %mul3A_4384 = arith.mulf %add3A_4341, %mul3A_4383 : vector<16xf32>
      %max3A_4385 = arith.constant 1.000000e-16 : f32
      %max3A_4386 = vector.broadcast %max3A_4385 : f32 to vector<16xf32>
      %max3A_4387 = arith.maximumf %add3A_4345, %max3A_4386 : vector<16xf32>
      %bitcast3A_4388 = vector.bitcast %max3A_4387 : vector<16xf32> to vector<16xi32>
      %shift_right_arithmetic3A_4389 = arith.constant 1 : i32
      %shift_right_arithmetic3A_4390 = vector.broadcast %shift_right_arithmetic3A_4389 : i32 to vector<16xi32>
      %shift_right_arithmetic3A_4391 = arith.shrsi %bitcast3A_4388, %shift_right_arithmetic3A_4390 : vector<16xi32>
      %sub3A_4392 = arith.constant 1597463007 : i32
      %sub3A_4393 = vector.broadcast %sub3A_4392 : i32 to vector<16xi32>
      %sub3A_4394 = arith.subi %sub3A_4393, %shift_right_arithmetic3A_4391 : vector<16xi32>
      %bitcast3A_4395 = vector.bitcast %sub3A_4394 : vector<16xi32> to vector<16xf32>
      %mul3A_4396 = arith.constant 5.000000e-01 : f32
      %mul3A_4397 = vector.broadcast %mul3A_4396 : f32 to vector<16xf32>
      %mul3A_4398 = arith.mulf %mul3A_4397, %max3A_4387 : vector<16xf32>
      %mul3A_4399 = arith.mulf %mul3A_4398, %bitcast3A_4395 : vector<16xf32>
      %mul3A_4400 = arith.mulf %mul3A_4399, %bitcast3A_4395 : vector<16xf32>
      %sub3A_4401 = arith.constant 1.500000e+00 : f32
      %sub3A_4402 = vector.broadcast %sub3A_4401 : f32 to vector<16xf32>
      %sub3A_4403 = arith.subf %sub3A_4402, %mul3A_4400 : vector<16xf32>
      %mul3A_4404 = arith.mulf %bitcast3A_4395, %sub3A_4403 : vector<16xf32>
      %mul3A_4405 = arith.constant 5.000000e-01 : f32
      %mul3A_4406 = vector.broadcast %mul3A_4405 : f32 to vector<16xf32>
      %mul3A_4407 = arith.mulf %mul3A_4406, %max3A_4387 : vector<16xf32>
      %mul3A_4408 = arith.mulf %mul3A_4407, %mul3A_4404 : vector<16xf32>
      %mul3A_4409 = arith.mulf %mul3A_4408, %mul3A_4404 : vector<16xf32>
      %sub3A_4410 = arith.constant 1.500000e+00 : f32
      %sub3A_4411 = vector.broadcast %sub3A_4410 : f32 to vector<16xf32>
      %sub3A_4412 = arith.subf %sub3A_4411, %mul3A_4409 : vector<16xf32>
      %mul3A_4413 = arith.mulf %mul3A_4404, %sub3A_4412 : vector<16xf32>
      %mul3A_4414 = arith.constant 5.000000e-01 : f32
      %mul3A_4415 = vector.broadcast %mul3A_4414 : f32 to vector<16xf32>
      %mul3A_4416 = arith.mulf %mul3A_4415, %max3A_4387 : vector<16xf32>
      %mul3A_4417 = arith.mulf %mul3A_4416, %mul3A_4413 : vector<16xf32>
      %mul3A_4418 = arith.mulf %mul3A_4417, %mul3A_4413 : vector<16xf32>
      %sub3A_4419 = arith.constant 1.500000e+00 : f32
      %sub3A_4420 = vector.broadcast %sub3A_4419 : f32 to vector<16xf32>
      %sub3A_4421 = arith.subf %sub3A_4420, %mul3A_4418 : vector<16xf32>
      %mul3A_4422 = arith.mulf %mul3A_4413, %sub3A_4421 : vector<16xf32>
      %mul3A_4423 = arith.mulf %mul3A_4384, %mul3A_4422 : vector<16xf32>
      %mul3A_4424 = arith.constant 5.000000e-01 : f32
      %mul3A_4425 = vector.broadcast %mul3A_4424 : f32 to vector<16xf32>
      %mul3A_4426 = arith.mulf %mul3A_4425, %mul3A_4423 : vector<16xf32>
      %add3A_4427 = arith.constant 5.000000e-01 : f32
      %add3A_4428 = vector.broadcast %add3A_4427 : f32 to vector<16xf32>
      %add3A_4429 = arith.addf %add3A_4428, %mul3A_4426 : vector<16xf32>
      %mul3A_4430 = arith.constant 32 : i32
      %mul3A_4431 = arith.muli %add3A_716, %mul3A_4430 : i32
      %add3A_4432 = arith.constant 16 : i32
      %add3A_4433 = arith.addi %mul3A_4431, %add3A_4432 : i32
      %swap3A_4434 = arith.index_cast %add3A_4433 : i32 to index
      %swap3A_4435 = tpu.vector_load %arg10[%swap3A_4434] {strides = array<i32>} : memref<512xf32, #tpu.memory_space<vmem>>, vector<16xf32>,
      tpu.vector_store %arg10[%swap3A_4434], %add3A_4429 {strides = array<i32>} : memref<512xf32, #tpu.memory_space<vmem>>, vector<16xf32>,
    }
    %scan3A_707 = arith.constant 8 : i32
    %dma_wait3A = arith.constant 0 : i32
    %dma_wait3A_708 = arith.constant 0 : i32
    %dma_wait3A_709 = tpu.memref_slice %arg3[%dma_wait3A, %dma_wait3A_708] : memref<2031616x16xf32, #tpu.memory_space<hbm>> -> memref<2031616x16xf32, #tpu.memory_space<hbm>>
    tpu.wait_indirect_dma semaphore(%arg11 : memref<!tpu.dma_semaphore, #tpu.memory_space<semaphore_mem>>) src(%dma_wait3A_709 : memref<2031616x16xf32, #tpu.memory_space<hbm>>) dst(%arg8 : memref<2048x16xf32, #tpu.memory_space<vmem>>)
    "tpu.region"() ({
      %run_scoped3A = tpu.sem_alloc : memref<!tpu.dma_semaphore, #tpu.memory_space<semaphore_mem>>
      %dma_start3A_710 = tpu.memref_slice %arg4[%mul3A_2] : memref<16384xf32, #tpu.memory_space<hbm>> -> memref<512xf32, #tpu.memory_space<hbm>>
      %dma_start3A_711 = tpu.memref_slice %arg4[%mul3A_2] : memref<16384xf32, #tpu.memory_space<hbm>> -> memref<512xf32, #tpu.memory_space<hbm>>
      tpu.enqueue_dma source(%arg10 : memref<512xf32, #tpu.memory_space<vmem>>) target(%dma_start3A_711 : memref<512xf32, #tpu.memory_space<hbm>>) target_semaphore(%run_scoped3A : memref<!tpu.dma_semaphore, #tpu.memory_space<semaphore_mem>>)
      %dma_wait3A_712 = tpu.memref_slice %arg4[%mul3A_2] : memref<16384xf32, #tpu.memory_space<hbm>> -> memref<512xf32, #tpu.memory_space<hbm>>
      %dma_wait3A_713 = tpu.memref_slice %arg4[%mul3A_2] : memref<16384xf32, #tpu.memory_space<hbm>> -> memref<512xf32, #tpu.memory_space<hbm>>
      tpu.wait_dma2 semaphore(%run_scoped3A : memref<!tpu.dma_semaphore, #tpu.memory_space<semaphore_mem>>) src(%arg10 : memref<512xf32, #tpu.memory_space<vmem>>) dst(%dma_wait3A_713 : memref<512xf32, #tpu.memory_space<hbm>>)
      tpu.yield
    }) : () -> ()
    return
  }
}

module attributes {stable_mosaic.version = 14 : i64} {
  func.func @_tc_restage(%arg0: i32, %arg1: memref<1x32x32768xf32, #tpu.memory_space<vmem>>, %arg2: memref<1x32x256x128xf32, #tpu.memory_space<vmem>>) attributes {dimension_semantics = [#tpu.dimension_semantics<parallel>], iteration_bounds = array<i64: 31>, scalar_prefetch = 0 : i64, scratch_operands = 0 : i64, tpu.core_type = #tpu.core_type<tc>, window_params = [{transform_indices = @transform_0, window_bounds = array<i64: 1, 32, 32768>}, {transform_indices = @transform_1, window_bounds = array<i64: 1, 32, 256, 128>}]} {
    %get3A = arith.constant 0 : index
    %get3A_0 = arith.constant 0 : index
    %get3A_1 = arith.constant 0 : index
    %get3A_2 = vector.load %arg1[%get3A, %get3A_0, %get3A_1] : memref<1x32x32768xf32, #tpu.memory_space<vmem>>, vector<1x32x32768xf32>
    %reshape3A = vector.shape_cast %get3A_2 : vector<1x32x32768xf32> to vector<1x32x256x128xf32>
    %swap3A = arith.constant 0 : index
    %swap3A_3 = arith.constant 0 : index
    %swap3A_4 = arith.constant 0 : index
    %swap3A_5 = arith.constant 0 : index
    %swap3A_6 = vector.load %arg2[%swap3A, %swap3A_3, %swap3A_4, %swap3A_5] : memref<1x32x256x128xf32, #tpu.memory_space<vmem>>, vector<1x32x256x128xf32>
    tpu.vector_store %arg2[%swap3A, %swap3A_3, %swap3A_4, %swap3A_5], %reshape3A {strides = array<i32>} : memref<1x32x256x128xf32, #tpu.memory_space<vmem>>, vector<1x32x256x128xf32>,
    return
  }
  func.func @transform_0(%arg0: i32) -> (i32, i32, i32) {
    %c0_i32 = arith.constant 0 : i32
    %c0_i32_0 = arith.constant 0 : i32
    %c0_i32_1 = arith.constant 0 : i32
    return %c0_i32, %c0_i32_0, %arg0 : i32, i32, i32
  }
  func.func @transform_1(%arg0: i32) -> (i32, i32, i32, i32) {
    %c0_i32 = arith.constant 0 : i32
    %c0_i32_0 = arith.constant 0 : i32
    %c0_i32_1 = arith.constant 0 : i32
    %c0_i32_2 = arith.constant 0 : i32
    return %arg0, %c0_i32, %c0_i32_0, %c0_i32_1 : i32, i32, i32, i32
  }
}

</mosaic_0001>

<sc_bundles>
// kernel: kernel.4.cloned.1.call-start
scs
__scs_entry_jumppad:
0x0: {  	(pc) =	sbr.rel $0x88, $3  }
0x1: {  	(tag) =	ssettag $0x0;
	lr =	simm.s32 $0x1  }
0x2: {  	[smem:$0x3F9F] =	sst lr;
	_ =	strace $0xD0000000  }
0x3: {  	_ = 	snop  }
0x4: {  	_ = 	snop  }
0x5: {  	_ = 	snop  }
0x6: {  	_ = 	snop  }
0x7: {  	_ = 	snop  }
__scs_overlays_trampoline_lowered:
0x8: {  	[smem:$0x3FAE] =	sst s0  }
0x9: {  	[smem:$0x3FAF] =	sst s1  }
0xa: {  	[smem:$0x3FB0] =	sst s2  }
0xb: {  	[smem:$0x3FB1] =	sst s3  }
0xc: {  	[smem:$0x3FB2] =	sst s4  }
0xd: {  	[smem:$0x3FB3] =	sst s5  }
0xe: {  	[smem:$0x3FB4] =	sst s6  }
0xf: {  	[smem:$0x3FB5] =	sst s7  }
0x10: {  	[smem:$0x3FB6] =	sst s8  }
0x11: {  	[smem:$0x3FB7] =	sst s9;
	s0 =	simm.s32 @!p0 $0x0  }
0x12: {  	s1 =	sld [smem:$0x3F9D];
	s0 =	simm.s32 @p0 $0x1  }
0x13: {  	[smem:$0x3FB8] =	sst s0;
	s0 =	simm.s32 @!p1 $0x0  }
0x14: {  	s2 =	sld [smem:$0x3F9C];
	s0 =	simm.s32 @p1 $0x1  }
0x15: {  	[smem:$0x3FB9] =	sst s0;
	s0 =	simm.s32 @!p2 $0x0  }
0x16: {  	s3 =	sld [smem:$0x3FDB];
	s0 =	simm.s32 @p2 $0x1  }
0x17: {  	s4 =	simm.s32 $0x1BF5;
	[smem:$0x3FBB] =	sst s0  }
0x18: {  	s0 =	sld [smem:$0x3F9E];
	_ =	swait.ge [sflag:s4], $0x0  }
0x19: {  	s7 =	sld [smem:$0x3F9F]  }
0x1a: {  	s8 =	sadd.s32 $0xFFFFE003, lr  }
0x1b: {  	s9 =	sadd.s32 $0xFFFFFEF7, lr;
	s5 =	simm.s32 $0xFFFFFFFF;
	p2 =	slt.u32 s8, $0xFFFFF086  }
0x1c: {  	p1 =	slt.u32 s9, $0xF7A;
	s5 =	simm.s32 @!p2 $0x0  }
0x1d: {  	s5 =	simm.s32 @p1 $0x1;
	p0 =	seq.s32 s7, s2  }
0x1e: {  	s7 =	smul.u32 @!p0 $0xF7A, s2;
	p2 =	seq.s32 @!p0 s5, $0x0  }
0x1f: {  	s9 =	smul.u32 $0xF7A, s1;
	s8 =	simm.s32 @!p0 $0x1BF5;
	p2 =	por !p2, p0  }
0x20: {  	[sflag:s8] =	ssyncset.s32 @!p0 $0xFFFFF086;
	s6 =	sadd.s32 @!p0 s3, s7;
	s7 =	simm.s32 @!p0 $0x108  }
0x21: {  	s3 =	sadd.s32 s3, s9;
	s6 =	sadd.s32 @!p0 $0x88, s6;
	s7 =	simm.s32 @p2 $0x1082  }
0x22: {  	[simem:s7], [sflag:s8] =	dma.local @!p0 [hbm:s6], $0xF7A  }
0x23: {  	s9 =	sor.u32 $0xD0000000, s2;
	s6 =	simm.s32 $0x108;
	_ =	swait.ge @!p0 [sflag:s8], $0x0  }
0x24: {  	s3 =	sadd.s32 $0x88, s3;
	s6 =	simm.s32 @!p1 $0x1082;
	[sflag:s4] =	ssyncset.s32 $0xFFFFF086  }
0x25: {  	[simem:s6], [sflag:s4] =	dma.local [hbm:s3], $0xF7A  }
0x26: {  	[smem:$0x3F9F] =	sst s1;
	(tag) =	ssettag s2;
	_ =	strace s9  }
0x27: {  	s1 =	sld [smem:$0x3FAF]  }
0x28: {  	s2 =	sld [smem:$0x3FB0]  }
0x29: {  	s4 =	sld [smem:$0x3FB2]  }
0x2a: {  	p0 =	seq.s32 s5, $0x0;
	s5 =	sld [smem:$0x3FB3]  }
0x2b: {  	s6 =	sld [smem:$0x3FB4]  }
0x2c: {  	s7 =	sld [smem:$0x3FB5]  }
0x2d: {  	s3 =	simm.s32 $0x108;
	s8 =	sld [smem:$0x3FB6]  }
0x2e: {  	s3 =	simm.s32 @!p0 $0x1082;
	s9 =	sld [smem:$0x3FB7]  }
0x2f: {  	lr =	sadd.s32 s0, s3;
	s0 =	sld [smem:$0x3FAE]  }
0x30: {  	s3 =	sld [smem:$0x3FB1]  }
0x31: {  	[smem:$0x3FBA] =	sst s10  }
0x32: {  	s10 =	sld [smem:$0x3FB8];
	_ =	sdelay $0x3  }
0x33: {  	p0 =	seq.s32 s10, $0x1;
	s10 =	sld [smem:$0x3FBA];
	_ =	sdelay $0x3  }
0x34: {  	[smem:$0x3FBA] =	sst s10  }
0x35: {  	s10 =	sld [smem:$0x3FB9];
	_ =	sdelay $0x3  }
0x36: {  	p1 =	seq.s32 s10, $0x1;
	s10 =	sld [smem:$0x3FBA];
	_ =	sdelay $0x3  }
0x37: {  	[smem:$0x3FBA] =	sst s10  }
0x38: {  	s10 =	sld [smem:$0x3FBB]  }
0x39: {  	_ = 	snop;
	(pc) =	sbr.ind lr, $3  }
0x3a: {  	_ = 	snop  }
0x3b: {  	_ = 	snop  }
0x3c: {  	p2 =	seq.s32 s10, $0x1;
	s10 =	sld [smem:$0x3FBA]  }
0x3d: {  	_ =	shalt  }
0x3e: {  	_ =	shalt  }
0x3f: {  	_ =	shalt  }
0x40: {  	_ =	shalt  }
0x41: {  	_ =	shalt  }
0x42: {  	_ =	shalt  }
0x43: {  	_ =	shalt  }
0x44: {  	_ =	shalt  }
0x45: {  	_ =	shalt  }
0x46: {  	_ =	shalt  }
0x47: {  	_ =	shalt  }
0x48: {  	_ =	shalt  }
0x49: {  	_ =	shalt  }
0x4a: {  	_ =	shalt  }
0x4b: {  	_ =	shalt  }
0x4c: {  	_ =	shalt  }
0x4d: {  	_ =	shalt  }
0x4e: {  	_ =	shalt  }
0x4f: {  	_ =	shalt  }
0x50: {  	_ =	shalt  }
0x51: {  	_ =	shalt  }
0x52: {  	_ =	shalt  }
0x53: {  	_ =	shalt  }
0x54: {  	_ =	shalt  }
0x55: {  	_ =	shalt  }
0x56: {  	_ =	shalt  }
0x57: {  	_ =	shalt  }
0x58: {  	_ =	shalt  }
0x59: {  	_ =	shalt  }
0x5a: {  	_ =	shalt  }
0x5b: {  	_ =	shalt  }
0x5c: {  	_ =	shalt  }
0x5d: {  	_ =	shalt  }
0x5e: {  	_ =	shalt  }
0x5f: {  	_ =	shalt  }
0x60: {  	_ =	shalt  }
0x61: {  	_ =	shalt  }
0x62: {  	_ =	shalt  }
0x63: {  	_ =	shalt  }
0x64: {  	_ =	shalt  }
0x65: {  	_ =	shalt  }
0x66: {  	_ =	shalt  }
0x67: {  	_ =	shalt  }
0x68: {  	_ =	shalt  }
0x69: {  	_ =	shalt  }
0x6a: {  	_ =	shalt  }
0x6b: {  	_ =	shalt  }
0x6c: {  	_ =	shalt  }
0x6d: {  	_ =	shalt  }
0x6e: {  	_ =	shalt  }
0x6f: {  	_ =	shalt  }
0x70: {  	_ =	shalt  }
0x71: {  	_ =	shalt  }
0x72: {  	_ =	shalt  }
0x73: {  	_ =	shalt  }
0x74: {  	_ =	shalt  }
0x75: {  	_ =	shalt  }
0x76: {  	_ =	shalt  }
0x77: {  	_ =	shalt  }
0x78: {  	_ =	shalt  }
0x79: {  	_ =	shalt  }
0x7a: {  	_ =	shalt  }
0x7b: {  	_ =	shalt  }
0x7c: {  	_ =	shalt  }
0x7d: {  	_ =	shalt  }
0x7e: {  	_ =	shalt  }
0x7f: {  	_ =	shalt  }
0x80: {  	_ =	shalt  }
0x81: {  	_ =	shalt  }
0x82: {  	_ =	shalt  }
0x83: {  	_ =	shalt  }
0x84: {  	_ =	shalt  }
0x85: {  	_ =	shalt  }
0x86: {  	_ =	shalt  }
0x87: {  	_ =	shalt  }
.Lfunc_end0:
.L_simem_size_0:
called_computation_lowered:
.L_overlay_start_0:
0x88: {  	s2 =	sld [smem:$0x3FD9]  }
0x89: {  	s3 =	sld [smem:$0x3FFE];
	_ =	sdelay $0x1  }
0x8a: {  	s1 =	srdreg.scid  }
0x8b: {  	s0 =	sand.u32 $0x1, s1  }
0x8c: {  	s17 =	sshll.u32 s0, $0xA;
	s2 =	sadd.s32 s3, s2  }
0x8d: {  	s2 =	sadd.s32 s2, s17  }
0x8e: {  	[smem:$0x3FC6] =	sst s2  }
0x8f: {  	_ = 	snop  }
0x90: {  	s2 =	sld [smem:$0x3FD0];
	(tm) =	ssettm $0x1  }
0x91: {  	s18 =	sld [smem:$0x3FFB];
	_ =	sdelay $0x3  }
0x92: {  	_ =	strace s18  }
0x93: {  	s3 =	sld [smem:$0x3FFC];
	_ =	sdelay $0x3  }
0x94: {  	_ =	strace s3  }
0x95: {  	s3 =	sld [smem:$0x3FFD];
	_ =	sdelay $0x3  }
0x96: {  	_ =	strace s3  }
0x97: {  	_ =	strace $0x8FFFFFFF  }
0x98: {  	s19 =	sld [smem:$0x3FDB];
	_ =	sdelay $0x1  }
0x99: {  	s4 =	simm.s32 $_scs_section_size  }
0x9a: {  	s5 =	simm.s32 $_size__tile_overlayer_lowered;
	s6 =	simm.s32 $_tile_overlayer_lowered  }
0x9b: {  	s22 =	simm.s32 $0x1BFF;
	s21 =	sshll.u32 s6, $0x1;
	s3 =	sadd.s32 s4, s19  }
0x9c: {  	s7 =	simm.s32 $0x0;
	s20 =	sshll.u32 s5, $0x1;
	s5 =	sadd.s32 s21, s3  }
0x9d: {  	[timem:s7], [sflag:s22] =	dma.local [hbm:s5], s20  }
0x9e: {  	_ =	swait.ge [sflag:s22], s20  }
0x9f: {  	s4 =	ssub.s32 $0x0, s20;
	[sflag:s22] =	ssyncset.done $0x0  }
0xa0: {  	[sflag:s22] =	ssyncadd.s32 s4;
	_ =	sdelay $0x1  }
0xa1: {  	s23 =	simm.s32 $0x1B8B  }
0xa2: {  	_ =	swait.ge [sflag:s23], $0x1  }
0xa3: {  	[sflag:s23] =	ssyncset.done $0x0  }
0xa4: {  	s25 =	simm.s32 $0x1B8E;
	s24 =	sld [smem:$0x3FFE];
	[sflag:s23] =	ssyncadd.s32 $0xFFFFFFFF  }
0xa5: {  	s26 =	simm.s32 $execute0_lowered;
	[smem:$0x3FD2] =	sst s25  }
0xa6: {  	s5 =	sshll.u32 s26, $0x1;
	_ =	strace $0x80000046;
	[dreg:$0x1] =	wrdreg $0xFFFFFFFF  }
0xa7: {  	s28 =	simm.s32 $_size_execute0_lowered;
	s3 =	sadd.s32 s3, s5;
	[dreg:$0x0] =	wrdreg $0x0  }
0xa8: {  	s5 =	sshll.u32 s28, $0x1;
	[dreg:$0x2] =	wrdreg s3  }
0xa9: {  	[dreg:$0x3] =	wrdreg s5  }
0xaa: {  	[dreg:$0x4] =	wrdreg $0xC0  }
0xab: {  	_ =	task [dreg:s7], $0x5FFFF  }
0xac: {  	[dreg:$0x1] =	wrdreg $0xFFFFFFFF  }
0xad: {  	[dreg:$0x0] =	wrdreg $0x60  }
0xae: {  	[dreg:$0x2] =	wrdreg s24  }
0xaf: {  	[dreg:$0x3] =	wrdreg s2  }
0xb0: {  	[dreg:$0x4] =	wrdreg $0x9  }
0xb1: {  	_ =	task.clear_ibuf [dreg:s7], $0x5FFFF;
	_ =	strace $0x90000046  }
0xb2: {  	s29 =	simm.s32 $0x9;
	_ =	strace $0x80000048  }
0xb3: {  	_ =	swait.ge [sflag:s29], $0x1  }
0xb4: {  	[sflag:s29] =	ssyncadd.s32 $0xFFFFFFFF  }
0xb5: {  	_ =	strace $0x90000048  }
0xb6: {  	_ =	sfence  }
0xb7: {  	s30 =	sld [smem:$0x0];
	_ =	sdelay $0x2  }
0xb8: {  	s31 =	sshll.u32 s1, $0xD;
	s1 =	sshrl.u32 s1, $0x2  }
0xb9: {  	s3 =	sand.u32 $0x4000, s31;
	s1 =	sadd.s32 s1, s30  }
0xba: {  	s0 =	sor.u32 s3, s0;
	s1 =	sshll.u32 s1, $0x11  }
0xbb: {  	s0 =	sor.u32 s1, s0  }
0xbc: {  	s0 =	sadd.s32 $0x8F2B, s0  }
0xbd: {  	[sflag:s0] =	ssyncadd.remote.s32 $0x1  }
0xbe: {  	_ =	sfence.sel $0xFFFF  }
0xbf: {  	[dreg:$0x0] =	wrdreg $0xFFFFFFFF;
	(pc) =	sbr.abs _section_cstart, $3  }
0xc0: {  	[dreg:$0x1] =	wrdreg $0xFFFFFFFF  }
0xc1: {  	_ =	task.clear_ibuf [dreg:s7], $0x2FFFF;
	_ =	strace $0x9FFFFFFF  }
0xc2: {  	(tm) =	ssettm $0x7FFFFFFF  }
0xc3: {  	_ =	shalt  }
tec
execute0_lowered:
.L_overlay_start_1:
0x0: {  	(tag) =	ssettag $0x1  }
0x1: {  	v0 =	vlaneseq.u32  }
0x2: {  	s3 =	rddreg [dreg:$0x0];
	v57 =	vmul.u32 $0x2, v0  }
0x3: {  	s5 =	rddreg [dreg:$0x1];
	s2 =	simm.s32 $0x0;
	v58 =	vmul.u32 $0x20, v0  }
0x4: {  	[smem:$0x7FF] =	sst s2;
	v4 =	vor.u32 $0x1, v57  }
0x5: {  	s0 =	rddreg [dreg:$0x2];
	_ =	strace $0x80000047;
	v5 =	vor.u32 $0x10, v58;
	[tilespmem:$0x1FDA0] =	vst v4  }
0x6: {  	v6 =	vor.u32 $0x400, v58;
	[tilespmem:$0x1FDB0] =	vst v5  }
0x7: {  	v7 =	vor.u32 $0x410, v58;
	[tilespmem:$0x1FDC0] =	vst v6  }
0x8: {  	v8 =	vor.u32 $0x800, v58;
	[tilespmem:$0x1FDD0] =	vst v7  }
0x9: {  	v9 =	vor.u32 $0x810, v58;
	[tilespmem:$0x1FDE0] =	vst v8  }
0xa: {  	v10 =	vor.u32 $0xC00, v58;
	[tilespmem:$0x1FDF0] =	vst v9  }
0xb: {  	v11 =	vor.u32 $0xC10, v58;
	[tilespmem:$0x1FE00] =	vst v10  }
0xc: {  	v12 =	vor.u32 $0x1000, v58;
	[tilespmem:$0x1FE10] =	vst v11  }
0xd: {  	v13 =	vor.u32 $0x1010, v58;
	[tilespmem:$0x1FE20] =	vst v12  }
0xe: {  	v14 =	vor.u32 $0x1400, v58;
	[tilespmem:$0x1FE30] =	vst v13  }
0xf: {  	v15 =	vor.u32 $0x1410, v58;
	[tilespmem:$0x1FE40] =	vst v14  }
0x10: {  	v16 =	vor.u32 $0x1800, v58;
	[tilespmem:$0x1FE50] =	vst v15  }
0x11: {  	v17 =	vor.u32 $0x1810, v58;
	[tilespmem:$0x1FE60] =	vst v16  }
0x12: {  	v18 =	vor.u32 $0x1C00, v58;
	[tilespmem:$0x1FE70] =	vst v17  }
0x13: {  	v19 =	vor.u32 $0x1C10, v58;
	[tilespmem:$0x1FE80] =	vst v18  }
0x14: {  	v20 =	vor.u32 $0x2000, v58;
	[tilespmem:$0x1FE90] =	vst v19  }
0x15: {  	v21 =	vor.u32 $0x2010, v58;
	[tilespmem:$0x1FEA0] =	vst v20  }
0x16: {  	v22 =	vor.u32 $0x2400, v58;
	[tilespmem:$0x1FEB0] =	vst v21  }
0x17: {  	v23 =	vor.u32 $0x2410, v58;
	[tilespmem:$0x1FEC0] =	vst v22  }
0x18: {  	v24 =	vor.u32 $0x2800, v58;
	[tilespmem:$0x1FED0] =	vst v23  }
0x19: {  	v25 =	vor.u32 $0x2810, v58;
	[tilespmem:$0x1FEE0] =	vst v24  }
0x1a: {  	v26 =	vor.u32 $0x2C00, v58;
	[tilespmem:$0x1FEF0] =	vst v25  }
0x1b: {  	v27 =	vor.u32 $0x2C10, v58;
	[tilespmem:$0x1FF00] =	vst v26  }
0x1c: {  	v28 =	vor.u32 $0x3000, v58;
	[tilespmem:$0x1FF10] =	vst v27  }
0x1d: {  	v29 =	vor.u32 $0x3010, v58;
	[tilespmem:$0x1FF20] =	vst v28  }
0x1e: {  	v30 =	vor.u32 $0x3400, v58;
	[tilespmem:$0x1FF30] =	vst v29  }
0x1f: {  	v31 =	vor.u32 $0x3410, v58;
	[tilespmem:$0x1FF40] =	vst v30  }
0x20: {  	v32 =	vor.u32 $0x3800, v58;
	[tilespmem:$0x1FF50] =	vst v31  }
0x21: {  	v33 =	vor.u32 $0x3810, v58;
	[tilespmem:$0x1FF60] =	vst v32  }
0x22: {  	s4 =	srdreg.scid;
	v34 =	vor.u32 $0x3C00, v58;
	[tilespmem:$0x1FF70] =	vst v33  }
0x23: {  	s1 =	stileid.u32;
	s9 =	simm.s32 $0x400;
	s10 =	simm.s32 $0x1400;
	v35 =	vor.u32 $0x3C10, v58;
	[tilespmem:$0x1FF80] =	vst v34  }
0x24: {  	s11 =	simm.s32 $0xC00;
	s12 =	simm.s32 $0x9400;
	s13 =	simm.s32 $0x1;
	v36 =	vor.u32 $0x4000, v58;
	v37 =	vor.u32 $0x4010, v58;
	v38 =	vor.u32 $0x4400, v58;
	[tilespmem:$0x1FF90] =	vst v35  }
0x25: {  	s14 =	simm.s32 $0x2;
	s4 =	sand.u32 $0x1, s4;
	s6 =	sshll.u32 s1, $0x1;
	v39 =	vor.u32 $0x4410, v58;
	v40 =	vor.u32 $0x4800, v58;
	v41 =	vor.u32 $0x4810, v58;
	[tilespmem:$0x1FFA0] =	vst v36  }
0x26: {  	s15 =	simm.s32 $0x11400;
	s6 =	sor.u32 s4, s6;
	s4 =	ssub.s32 $0x2, s4;
	v42 =	vor.u32 $0x4C00, v58;
	v43 =	vor.u32 $0x4C10, v58;
	v44 =	vor.u32 $0x5000, v58;
	[tilespmem:$0x1FFB0] =	vst v37  }
0x27: {  	s16 =	simm.s32 $0x0;
	s7 =	sshll.u32 s6, $0x7;
	s8 =	sshrl.u32 s4, $0x1;
	v45 =	vor.u32 $0x5010, v58;
	v46 =	vor.u32 $0x5400, v58;
	v54 =	vor.u32 $0x6400, v58;
	[tilespmem:$0x1FFC0] =	vst v38  }
0x28: {  	s6 =	sshll.u32 s6, $0x6;
	v47 =	vor.u32 $0x5410, v58;
	v48 =	vor.u32 $0x5800, v58;
	v49 =	vor.u32 $0x5810, v58;
	s7 =	sadd.s32 s7, s3;
	s3 =	sadd.s32 $0x1400, s3;
	[tilespmem:$0x1FFD0] =	vst v54  }
0x29: {  	v50 =	vor.u32 $0x5C00, v58;
	v51 =	vor.u32 $0x5C10, v58;
	v56 =	vor.u32 $0x6800, v58;
	s8 =	ssub.s32 s4, s8;
	s5 =	sadd.s32 s5, s6;
	[tilespmem:$0x1FFE0] =	vst v39;
	s4 =	sadd.s32 $0x400, s7  }
0x2a: {  	v52 =	vor.u32 $0x6000, v58;
	v53 =	vor.u32 $0x6010, v58;
	v55 =	vor.u32 $0x6410, v58;
	[tilespmem:$0x1FFF0] =	vst v56;
	s6 =	smax.u32 s8, $0x1;
	s7 =	simm.s32 $0x3;
	s8 =	simm.s32 $0x800  }
.LBB2_1:
0x2b: {  	[tilespmem:s2], [sflag:$0x3] =	stream.linear.gather [hbm4b:s4+s2], $0x400, $0x38;
	[tilespmem:$0x11600] =	vst v63  }
0x2c: {  	_ =	swait.ge [sflag:s7], $0x400  }
0x2d: {  	[sflag:s7] =	ssyncset.done $0x0  }
0x2e: {  	[sflag:s7] =	ssyncadd.s32 $0xFFFFFC00  }
0x2f: {  	v0 =	vld [tilespmem:$0x0];
	_ =	sdelay $0x4  }
0x30: {  	v1 =	vshll.u32 v0, $0x1;
	v0 =	vshrl.u32 v0, $0x4  }
0x31: {  	v1 =	vand.u32 $0xFFFF0000, v1;
	v0 =	vand.u32 $0x7FF, v0  }
0x32: {  	v0 =	vor.u32 v0, v1  }
0x33: {  	[tilespmem:$0x400] =	vst v0;
	v1 =	vor.u32 $0x800, v0  }
0x34: {  	v59 =	vor.u32 $0x1000, v0;
	[tilespmem:$0x440] =	vst v1  }
0x35: {  	v60 =	vor.u32 $0x1800, v0;
	[tilespmem:$0x480] =	vst v59  }
0x36: {  	v61 =	vor.u32 $0x2000, v0;
	[tilespmem:$0x4C0] =	vst v60  }
0x37: {  	v2 =	vld [tilespmem:$0x10];
	v62 =	vor.u32 $0x2800, v0;
	[tilespmem:$0x500] =	vst v61  }
0x38: {  	v63 =	vor.u32 $0x3000, v0;
	[tilespmem:$0x540] =	vst v62  }
0x39: {  	[tilespmem:$0x580] =	vst v63;
	v59 =	vor.u32 $0x3800, v0  }
0x3a: {  	v60 =	vor.u32 $0x4000, v0;
	[tilespmem:$0x5C0] =	vst v59  }
0x3b: {  	v61 =	vor.u32 $0x4800, v0;
	[tilespmem:$0x600] =	vst v60  }
0x3c: {  	v3 =	vshll.u32 v2, $0x1;
	v2 =	vshrl.u32 v2, $0x4;
	v62 =	vor.u32 $0x5000, v0;
	[tilespmem:$0x640] =	vst v61  }
0x3d: {  	v3 =	vand.u32 $0xFFFF0000, v3;
	v2 =	vand.u32 $0x7FF, v2;
	v63 =	vor.u32 $0x5800, v0;
	[tilespmem:$0x680] =	vst v62  }
0x3e: {  	v1 =	vor.u32 v2, v3;
	[tilespmem:$0x6C0] =	vst v63  }
0x3f: {  	v59 =	vor.u32 $0x6000, v0;
	[tilespmem:$0x410] =	vst v1  }
0x40: {  	v60 =	vor.u32 $0x6800, v0;
	[tilespmem:$0x700] =	vst v59  }
0x41: {  	v61 =	vor.u32 $0x7000, v0;
	[tilespmem:$0x740] =	vst v60  }
0x42: {  	v62 =	vor.u32 $0x7800, v0;
	[tilespmem:$0x780] =	vst v61  }
0x43: {  	v63 =	vor.u32 $0x8000, v0;
	[tilespmem:$0x7C0] =	vst v62  }
0x44: {  	[tilespmem:$0x800] =	vst v63;
	v59 =	vor.u32 $0x8800, v0  }
0x45: {  	v60 =	vor.u32 $0x9000, v0;
	[tilespmem:$0x840] =	vst v59  }
0x46: {  	v61 =	vor.u32 $0x9800, v0;
	[tilespmem:$0x880] =	vst v60  }
0x47: {  	v62 =	vor.u32 $0xA000, v0;
	[tilespmem:$0x8C0] =	vst v61  }
0x48: {  	v63 =	vor.u32 $0xA800, v0;
	[tilespmem:$0x900] =	vst v62  }
0x49: {  	[tilespmem:$0x940] =	vst v63;
	v59 =	vor.u32 $0xB000, v0  }
0x4a: {  	v60 =	vor.u32 $0xB800, v0;
	[tilespmem:$0x980] =	vst v59  }
0x4b: {  	v61 =	vor.u32 $0xC000, v0;
	[tilespmem:$0x9C0] =	vst v60  }
0x4c: {  	v62 =	vor.u32 $0xC800, v0;
	[tilespmem:$0xA00] =	vst v61  }
0x4d: {  	v63 =	vor.u32 $0xD000, v0;
	[tilespmem:$0xA40] =	vst v62  }
0x4e: {  	[tilespmem:$0xA80] =	vst v63;
	v59 =	vor.u32 $0xD800, v0  }
0x4f: {  	v60 =	vor.u32 $0xE000, v0;
	[tilespmem:$0xAC0] =	vst v59  }
0x50: {  	v61 =	vor.u32 $0xE800, v0;
	[tilespmem:$0xB00] =	vst v60  }
0x51: {  	v62 =	vor.u32 $0xF000, v0;
	[tilespmem:$0xB40] =	vst v61  }
0x52: {  	v0 =	vor.u32 $0xF800, v0;
	[tilespmem:$0xB80] =	vst v62  }
0x53: {  	v63 =	vor.u32 $0x800, v1;
	[tilespmem:$0xBC0] =	vst v0  }
0x54: {  	[tilespmem:$0x450] =	vst v63;
	v59 =	vor.u32 $0x1000, v1  }
0x55: {  	v60 =	vor.u32 $0x1800, v1;
	[tilespmem:$0x490] =	vst v59  }
0x56: {  	v61 =	vor.u32 $0x2000, v1;
	[tilespmem:$0x4D0] =	vst v60  }
0x57: {  	v62 =	vor.u32 $0x2800, v1;
	[tilespmem:$0x510] =	vst v61  }
0x58: {  	v63 =	vor.u32 $0x3000, v1;
	[tilespmem:$0x550] =	vst v62  }
0x59: {  	[tilespmem:$0x590] =	vst v63;
	v59 =	vor.u32 $0x3800, v1  }
0x5a: {  	v60 =	vor.u32 $0x4000, v1;
	[tilespmem:$0x5D0] =	vst v59  }
0x5b: {  	v61 =	vor.u32 $0x4800, v1;
	[tilespmem:$0x610] =	vst v60  }
0x5c: {  	v62 =	vor.u32 $0x5000, v1;
	[tilespmem:$0x650] =	vst v61  }
0x5d: {  	v63 =	vor.u32 $0x5800, v1;
	[tilespmem:$0x690] =	vst v62  }
0x5e: {  	[tilespmem:$0x6D0] =	vst v63;
	v59 =	vor.u32 $0x6000, v1  }
0x5f: {  	v60 =	vor.u32 $0x6800, v1;
	[tilespmem:$0x710] =	vst v59  }
0x60: {  	v61 =	vor.u32 $0x7000, v1;
	[tilespmem:$0x750] =	vst v60  }
0x61: {  	v62 =	vor.u32 $0x7800, v1;
	[tilespmem:$0x790] =	vst v61  }
0x62: {  	v63 =	vor.u32 $0x8000, v1;
	[tilespmem:$0x7D0] =	vst v62  }
0x63: {  	[tilespmem:$0x810] =	vst v63;
	v59 =	vor.u32 $0x8800, v1  }
0x64: {  	v60 =	vor.u32 $0x9000, v1;
	[tilespmem:$0x850] =	vst v59  }
0x65: {  	v61 =	vor.u32 $0x9800, v1;
	[tilespmem:$0x890] =	vst v60  }
0x66: {  	v62 =	vor.u32 $0xA000, v1;
	[tilespmem:$0x8D0] =	vst v61  }
0x67: {  	v63 =	vor.u32 $0xA800, v1;
	[tilespmem:$0x910] =	vst v62  }
0x68: {  	[tilespmem:$0x950] =	vst v63;
	v59 =	vor.u32 $0xB000, v1  }
0x69: {  	v60 =	vor.u32 $0xB800, v1;
	[tilespmem:$0x990] =	vst v59  }
0x6a: {  	v61 =	vor.u32 $0xC000, v1;
	[tilespmem:$0x9D0] =	vst v60  }
0x6b: {  	v2 =	vld [tilespmem:$0x20];
	v62 =	vor.u32 $0xC800, v1;
	[tilespmem:$0xA10] =	vst v61  }
0x6c: {  	v63 =	vor.u32 $0xD000, v1;
	[tilespmem:$0xA50] =	vst v62  }
0x6d: {  	[tilespmem:$0xA90] =	vst v63;
	v59 =	vor.u32 $0xD800, v1  }
0x6e: {  	v60 =	vor.u32 $0xE000, v1;
	[tilespmem:$0xAD0] =	vst v59  }
0x6f: {  	v61 =	vor.u32 $0xE800, v1;
	[tilespmem:$0xB10] =	vst v60  }
0x70: {  	v3 =	vshll.u32 v2, $0x1;
	v2 =	vshrl.u32 v2, $0x4;
	v62 =	vor.u32 $0xF000, v1;
	[tilespmem:$0xB50] =	vst v61  }
0x71: {  	v2 =	vand.u32 $0x7FF, v2;
	v63 =	vand.u32 $0xFFFF0000, v3;
	v1 =	vor.u32 $0xF800, v1;
	[tilespmem:$0xB90] =	vst v62  }
0x72: {  	v0 =	vor.u32 v2, v63;
	[tilespmem:$0xBD0] =	vst v1  }
0x73: {  	v59 =	vor.u32 $0x800, v0;
	[tilespmem:$0x420] =	vst v0  }
0x74: {  	v60 =	vor.u32 $0x1000, v0;
	[tilespmem:$0x460] =	vst v59  }
0x75: {  	v61 =	vor.u32 $0x1800, v0;
	[tilespmem:$0x4A0] =	vst v60  }
0x76: {  	v62 =	vor.u32 $0x2000, v0;
	[tilespmem:$0x4E0] =	vst v61  }
0x77: {  	v63 =	vor.u32 $0x2800, v0;
	[tilespmem:$0x520] =	vst v62  }
0x78: {  	[tilespmem:$0x560] =	vst v63;
	v59 =	vor.u32 $0x3000, v0  }
0x79: {  	v60 =	vor.u32 $0x3800, v0;
	[tilespmem:$0x5A0] =	vst v59  }
0x7a: {  	v61 =	vor.u32 $0x4000, v0;
	[tilespmem:$0x5E0] =	vst v60  }
0x7b: {  	v62 =	vor.u32 $0x4800, v0;
	[tilespmem:$0x620] =	vst v61  }
0x7c: {  	v63 =	vor.u32 $0x5000, v0;
	[tilespmem:$0x660] =	vst v62  }
0x7d: {  	[tilespmem:$0x6A0] =	vst v63;
	v59 =	vor.u32 $0x5800, v0  }
0x7e: {  	v60 =	vor.u32 $0x6000, v0;
	[tilespmem:$0x6E0] =	vst v59  }
0x7f: {  	v61 =	vor.u32 $0x6800, v0;
	[tilespmem:$0x720] =	vst v60  }
0x80: {  	v62 =	vor.u32 $0x7000, v0;
	[tilespmem:$0x760] =	vst v61  }
0x81: {  	v63 =	vor.u32 $0x7800, v0;
	[tilespmem:$0x7A0] =	vst v62  }
0x82: {  	[tilespmem:$0x7E0] =	vst v63;
	v59 =	vor.u32 $0x8000, v0  }
0x83: {  	v60 =	vor.u32 $0x8800, v0;
	[tilespmem:$0x820] =	vst v59  }
0x84: {  	v61 =	vor.u32 $0x9000, v0;
	[tilespmem:$0x860] =	vst v60  }
0x85: {  	v62 =	vor.u32 $0x9800, v0;
	[tilespmem:$0x8A0] =	vst v61  }
0x86: {  	v63 =	vor.u32 $0xA000, v0;
	[tilespmem:$0x8E0] =	vst v62  }
0x87: {  	[tilespmem:$0x920] =	vst v63;
	v59 =	vor.u32 $0xA800, v0  }
0x88: {  	v60 =	vor.u32 $0xB000, v0;
	[tilespmem:$0x960] =	vst v59  }
0x89: {  	v61 =	vor.u32 $0xB800, v0;
	[tilespmem:$0x9A0] =	vst v60  }
0x8a: {  	v62 =	vor.u32 $0xC000, v0;
	[tilespmem:$0x9E0] =	vst v61  }
0x8b: {  	v2 =	vld [tilespmem:$0x30];
	v63 =	vor.u32 $0xC800, v0;
	[tilespmem:$0xA20] =	vst v62  }
0x8c: {  	[tilespmem:$0xA60] =	vst v63;
	v59 =	vor.u32 $0xD000, v0  }
0x8d: {  	v60 =	vor.u32 $0xD800, v0;
	[tilespmem:$0xAA0] =	vst v59  }
0x8e: {  	v61 =	vor.u32 $0xE000, v0;
	[tilespmem:$0xAE0] =	vst v60  }
0x8f: {  	v62 =	vor.u32 $0xE800, v0;
	[tilespmem:$0xB20] =	vst v61  }
0x90: {  	v63 =	vor.u32 $0xF000, v0;
	[tilespmem:$0xB60] =	vst v62;
	v59 =	vshll.u32 v2, $0x1;
	v2 =	vshrl.u32 v2, $0x4  }
0x91: {  	v0 =	vor.u32 $0xF800, v0;
	[tilespmem:$0xBA0] =	vst v63;
	v1 =	vand.u32 $0xFFFF0000, v59;
	v2 =	vand.u32 $0x7FF, v2  }
0x92: {  	[tilespmem:$0xBE0] =	vst v0;
	v0 =	vor.u32 v2, v1  }
0x93: {  	[tilespmem:$0x430] =	vst v0;
	v1 =	vor.u32 $0x800, v0  }
0x94: {  	v60 =	vor.u32 $0x1000, v0;
	[tilespmem:$0x470] =	vst v1  }
0x95: {  	v61 =	vor.u32 $0x1800, v0;
	[tilespmem:$0x4B0] =	vst v60  }
0x96: {  	v62 =	vor.u32 $0x2000, v0;
	[tilespmem:$0x4F0] =	vst v61  }
0x97: {  	v63 =	vor.u32 $0x2800, v0;
	[tilespmem:$0x530] =	vst v62  }
0x98: {  	v59 =	vor.u32 $0x3000, v0;
	[tilespmem:$0x570] =	vst v63  }
0x99: {  	[tilespmem:$0x5B0] =	vst v59;
	v60 =	vor.u32 $0x3800, v0  }
0x9a: {  	v61 =	vor.u32 $0x4000, v0;
	[tilespmem:$0x5F0] =	vst v60  }
0x9b: {  	v62 =	vor.u32 $0x4800, v0;
	[tilespmem:$0x630] =	vst v61  }
0x9c: {  	v63 =	vor.u32 $0x5000, v0;
	[tilespmem:$0x670] =	vst v62  }
0x9d: {  	v59 =	vor.u32 $0x5800, v0;
	[tilespmem:$0x6B0] =	vst v63  }
0x9e: {  	[tilespmem:$0x6F0] =	vst v59;
	v60 =	vor.u32 $0x6000, v0  }
0x9f: {  	v61 =	vor.u32 $0x6800, v0;
	[tilespmem:$0x730] =	vst v60  }
0xa0: {  	v62 =	vor.u32 $0x7000, v0;
	[tilespmem:$0x770] =	vst v61  }
0xa1: {  	v63 =	vor.u32 $0x7800, v0;
	[tilespmem:$0x7B0] =	vst v62  }
0xa2: {  	v59 =	vor.u32 $0x8000, v0;
	[tilespmem:$0x7F0] =	vst v63  }
0xa3: {  	[tilespmem:$0x830] =	vst v59;
	v60 =	vor.u32 $0x8800, v0  }
0xa4: {  	v61 =	vor.u32 $0x9000, v0;
	[tilespmem:$0x870] =	vst v60  }
0xa5: {  	v62 =	vor.u32 $0x9800, v0;
	[tilespmem:$0x8B0] =	vst v61  }
0xa6: {  	v63 =	vor.u32 $0xA000, v0;
	[tilespmem:$0x8F0] =	vst v62  }
0xa7: {  	v59 =	vor.u32 $0xA800, v0;
	[tilespmem:$0x930] =	vst v63  }
0xa8: {  	[tilespmem:$0x970] =	vst v59;
	v60 =	vor.u32 $0xB000, v0  }
0xa9: {  	v61 =	vor.u32 $0xB800, v0;
	[tilespmem:$0x9B0] =	vst v60  }
0xaa: {  	v62 =	vor.u32 $0xC000, v0;
	[tilespmem:$0x9F0] =	vst v61  }
0xab: {  	v63 =	vor.u32 $0xC800, v0;
	[tilespmem:$0xA30] =	vst v62  }
0xac: {  	v59 =	vor.u32 $0xD000, v0;
	[tilespmem:$0xA70] =	vst v63  }
0xad: {  	[tilespmem:$0xAB0] =	vst v59;
	v60 =	vor.u32 $0xD800, v0  }
0xae: {  	v61 =	vor.u32 $0xE000, v0;
	[tilespmem:$0xAF0] =	vst v60  }
0xaf: {  	v62 =	vor.u32 $0xE800, v0;
	[tilespmem:$0xB30] =	vst v61  }
0xb0: {  	v63 =	vor.u32 $0xF000, v0;
	[tilespmem:$0xB70] =	vst v62  }
0xb1: {  	v0 =	vor.u32 $0xF800, v0;
	[tilespmem:$0xBB0] =	vst v63  }
0xb2: {  	s17 =	simm.s32 $0x11420;
	s18 =	simm.s32 $0x70;
	s19 =	simm.s32 $0x0;
	[tilespmem:$0xBF0] =	vst v0  }
0xb3: {  	[tilespmem:s10], [sflag:$0x1] =	stream.indirect.gather [hbm4b:s3+s8], $0x10, s9, s8, $0xb8;
	[tilespmem:$0x11600] =	vst v63  }
.LBB2_2:
0xb4: {  	v0 =	vld [tilespmem:s18+$0xFFFFFFD0];
	_ =	sdelay $0x4  }
0xb5: {  	v1 =	vshll.u32 v0, $0x1;
	v0 =	vshrl.u32 v0, $0x4  }
0xb6: {  	v1 =	vand.u32 $0xFFFF0000, v1;
	v0 =	vand.u32 $0x7FF, v0  }
0xb7: {  	v0 =	vor.u32 v0, v1  }
0xb8: {  	[tilespmem:$0xC00] =	vst v0;
	v1 =	vor.u32 $0x800, v0  }
0xb9: {  	v63 =	vor.u32 $0x1000, v0;
	[tilespmem:$0xC40] =	vst v1  }
0xba: {  	v59 =	vor.u32 $0x1800, v0;
	[tilespmem:$0xC80] =	vst v63  }
0xbb: {  	v60 =	vor.u32 $0x2000, v0;
	[tilespmem:$0xCC0] =	vst v59  }
0xbc: {  	v61 =	vor.u32 $0x2800, v0;
	[tilespmem:$0xD00] =	vst v60  }
0xbd: {  	v62 =	vor.u32 $0x3000, v0;
	[tilespmem:$0xD40] =	vst v61  }
0xbe: {  	[tilespmem:$0xD80] =	vst v62;
	v63 =	vor.u32 $0x3800, v0  }
0xbf: {  	v59 =	vor.u32 $0x4000, v0;
	[tilespmem:$0xDC0] =	vst v63  }
0xc0: {  	v60 =	vor.u32 $0x4800, v0;
	[tilespmem:$0xE00] =	vst v59  }
0xc1: {  	v61 =	vor.u32 $0x5000, v0;
	[tilespmem:$0xE40] =	vst v60  }
0xc2: {  	v62 =	vor.u32 $0x5800, v0;
	[tilespmem:$0xE80] =	vst v61  }
0xc3: {  	[tilespmem:$0xEC0] =	vst v62;
	v63 =	vor.u32 $0x6000, v0  }
0xc4: {  	v59 =	vor.u32 $0x6800, v0;
	[tilespmem:$0xF00] =	vst v63  }
0xc5: {  	v60 =	vor.u32 $0x7000, v0;
	[tilespmem:$0xF40] =	vst v59  }
0xc6: {  	v61 =	vor.u32 $0x7800, v0;
	[tilespmem:$0xF80] =	vst v60  }
0xc7: {  	v62 =	vor.u32 $0x8000, v0;
	[tilespmem:$0xFC0] =	vst v61  }
0xc8: {  	[tilespmem:$0x1000] =	vst v62;
	v63 =	vor.u32 $0x8800, v0  }
0xc9: {  	v59 =	vor.u32 $0x9000, v0;
	[tilespmem:$0x1040] =	vst v63  }
0xca: {  	v60 =	vor.u32 $0x9800, v0;
	[tilespmem:$0x1080] =	vst v59  }
0xcb: {  	v61 =	vor.u32 $0xA000, v0;
	[tilespmem:$0x10C0] =	vst v60  }
0xcc: {  	v62 =	vor.u32 $0xA800, v0;
	[tilespmem:$0x1100] =	vst v61  }
0xcd: {  	[tilespmem:$0x1140] =	vst v62;
	v63 =	vor.u32 $0xB000, v0  }
0xce: {  	v59 =	vor.u32 $0xB800, v0;
	[tilespmem:$0x1180] =	vst v63  }
0xcf: {  	v60 =	vor.u32 $0xC000, v0;
	[tilespmem:$0x11C0] =	vst v59  }
0xd0: {  	v61 =	vor.u32 $0xC800, v0;
	[tilespmem:$0x1200] =	vst v60  }
0xd1: {  	v62 =	vor.u32 $0xD000, v0;
	[tilespmem:$0x1240] =	vst v61  }
0xd2: {  	[tilespmem:$0x1280] =	vst v62;
	v63 =	vor.u32 $0xD800, v0  }
0xd3: {  	v59 =	vor.u32 $0xE000, v0;
	[tilespmem:$0x12C0] =	vst v63  }
0xd4: {  	v60 =	vor.u32 $0xE800, v0;
	[tilespmem:$0x1300] =	vst v59  }
0xd5: {  	v61 =	vor.u32 $0xF000, v0;
	[tilespmem:$0x1340] =	vst v60  }
0xd6: {  	v0 =	vor.u32 $0xF800, v0;
	[tilespmem:$0x1380] =	vst v61  }
0xd7: {  	[tilespmem:$0x13C0] =	vst v0  }
0xd8: {  	v0 =	vld [tilespmem:s18+$0xFFFFFFE0];
	_ =	sdelay $0x4  }
0xd9: {  	v62 =	vshll.u32 v0, $0x1;
	v0 =	vshrl.u32 v0, $0x4  }
0xda: {  	v1 =	vand.u32 $0xFFFF0000, v62;
	v0 =	vand.u32 $0x7FF, v0  }
0xdb: {  	v0 =	vor.u32 v0, v1  }
0xdc: {  	[tilespmem:$0xC10] =	vst v0;
	v1 =	vor.u32 $0x800, v0  }
0xdd: {  	v63 =	vor.u32 $0x1000, v0;
	[tilespmem:$0xC50] =	vst v1  }
0xde: {  	v59 =	vor.u32 $0x1800, v0;
	[tilespmem:$0xC90] =	vst v63  }
0xdf: {  	v60 =	vor.u32 $0x2000, v0;
	[tilespmem:$0xCD0] =	vst v59  }
0xe0: {  	v61 =	vor.u32 $0x2800, v0;
	[tilespmem:$0xD10] =	vst v60  }
0xe1: {  	v62 =	vor.u32 $0x3000, v0;
	[tilespmem:$0xD50] =	vst v61  }
0xe2: {  	[tilespmem:$0xD90] =	vst v62;
	v63 =	vor.u32 $0x3800, v0  }
0xe3: {  	v59 =	vor.u32 $0x4000, v0;
	[tilespmem:$0xDD0] =	vst v63  }
0xe4: {  	v60 =	vor.u32 $0x4800, v0;
	[tilespmem:$0xE10] =	vst v59  }
0xe5: {  	v61 =	vor.u32 $0x5000, v0;
	[tilespmem:$0xE50] =	vst v60  }
0xe6: {  	v62 =	vor.u32 $0x5800, v0;
	[tilespmem:$0xE90] =	vst v61  }
0xe7: {  	[tilespmem:$0xED0] =	vst v62;
	v63 =	vor.u32 $0x6000, v0  }
0xe8: {  	v59 =	vor.u32 $0x6800, v0;
	[tilespmem:$0xF10] =	vst v63  }
0xe9: {  	v60 =	vor.u32 $0x7000, v0;
	[tilespmem:$0xF50] =	vst v59  }
0xea: {  	v61 =	vor.u32 $0x7800, v0;
	[tilespmem:$0xF90] =	vst v60  }
0xeb: {  	v62 =	vor.u32 $0x8000, v0;
	[tilespmem:$0xFD0] =	vst v61  }
0xec: {  	[tilespmem:$0x1010] =	vst v62;
	v63 =	vor.u32 $0x8800, v0  }
0xed: {  	v59 =	vor.u32 $0x9000, v0;
	[tilespmem:$0x1050] =	vst v63  }
0xee: {  	v60 =	vor.u32 $0x9800, v0;
	[tilespmem:$0x1090] =	vst v59  }
0xef: {  	v61 =	vor.u32 $0xA000, v0;
	[tilespmem:$0x10D0] =	vst v60  }
0xf0: {  	v62 =	vor.u32 $0xA800, v0;
	[tilespmem:$0x1110] =	vst v61  }
0xf1: {  	[tilespmem:$0x1150] =	vst v62;
	v63 =	vor.u32 $0xB000, v0  }
0xf2: {  	v59 =	vor.u32 $0xB800, v0;
	[tilespmem:$0x1190] =	vst v63  }
0xf3: {  	v60 =	vor.u32 $0xC000, v0;
	[tilespmem:$0x11D0] =	vst v59  }
0xf4: {  	v61 =	vor.u32 $0xC800, v0;
	[tilespmem:$0x1210] =	vst v60  }
0xf5: {  	v62 =	vor.u32 $0xD000, v0;
	[tilespmem:$0x1250] =	vst v61  }
0xf6: {  	[tilespmem:$0x1290] =	vst v62;
	v63 =	vor.u32 $0xD800, v0  }
0xf7: {  	v59 =	vor.u32 $0xE000, v0;
	[tilespmem:$0x12D0] =	vst v63  }
0xf8: {  	v60 =	vor.u32 $0xE800, v0;
	[tilespmem:$0x1310] =	vst v59  }
0xf9: {  	v61 =	vor.u32 $0xF000, v0;
	[tilespmem:$0x1350] =	vst v60  }
0xfa: {  	v0 =	vor.u32 $0xF800, v0;
	[tilespmem:$0x1390] =	vst v61  }
0xfb: {  	[tilespmem:$0x13D0] =	vst v0  }
0xfc: {  	v0 =	vld [tilespmem:s18+$0xFFFFFFF0];
	_ =	sdelay $0x4  }
0xfd: {  	v62 =	vshll.u32 v0, $0x1;
	v0 =	vshrl.u32 v0, $0x4  }
0xfe: {  	v1 =	vand.u32 $0xFFFF0000, v62;
	v0 =	vand.u32 $0x7FF, v0  }
0xff: {  	v0 =	vor.u32 v0, v1  }
0x100: {  	[tilespmem:$0xC20] =	vst v0;
	v1 =	vor.u32 $0x800, v0  }
0x101: {  	v63 =	vor.u32 $0x1000, v0;
	[tilespmem:$0xC60] =	vst v1  }
0x102: {  	v59 =	vor.u32 $0x1800, v0;
	[tilespmem:$0xCA0] =	vst v63  }
0x103: {  	v60 =	vor.u32 $0x2000, v0;
	[tilespmem:$0xCE0] =	vst v59  }
0x104: {  	v61 =	vor.u32 $0x2800, v0;
	[tilespmem:$0xD20] =	vst v60  }
0x105: {  	v62 =	vor.u32 $0x3000, v0;
	[tilespmem:$0xD60] =	vst v61  }
0x106: {  	[tilespmem:$0xDA0] =	vst v62;
	v63 =	vor.u32 $0x3800, v0  }
0x107: {  	v59 =	vor.u32 $0x4000, v0;
	[tilespmem:$0xDE0] =	vst v63  }
0x108: {  	v60 =	vor.u32 $0x4800, v0;
	[tilespmem:$0xE20] =	vst v59  }
0x109: {  	v61 =	vor.u32 $0x5000, v0;
	[tilespmem:$0xE60] =	vst v60  }
0x10a: {  	v62 =	vor.u32 $0x5800, v0;
	[tilespmem:$0xEA0] =	vst v61  }
0x10b: {  	[tilespmem:$0xEE0] =	vst v62;
	v63 =	vor.u32 $0x6000, v0  }
0x10c: {  	v59 =	vor.u32 $0x6800, v0;
	[tilespmem:$0xF20] =	vst v63  }
0x10d: {  	v60 =	vor.u32 $0x7000, v0;
	[tilespmem:$0xF60] =	vst v59  }
0x10e: {  	v61 =	vor.u32 $0x7800, v0;
	[tilespmem:$0xFA0] =	vst v60  }
0x10f: {  	v62 =	vor.u32 $0x8000, v0;
	[tilespmem:$0xFE0] =	vst v61  }
0x110: {  	[tilespmem:$0x1020] =	vst v62;
	v63 =	vor.u32 $0x8800, v0  }
0x111: {  	v59 =	vor.u32 $0x9000, v0;
	[tilespmem:$0x1060] =	vst v63  }
0x112: {  	v60 =	vor.u32 $0x9800, v0;
	[tilespmem:$0x10A0] =	vst v59  }
0x113: {  	v61 =	vor.u32 $0xA000, v0;
	[tilespmem:$0x10E0] =	vst v60  }
0x114: {  	v62 =	vor.u32 $0xA800, v0;
	[tilespmem:$0x1120] =	vst v61  }
0x115: {  	[tilespmem:$0x1160] =	vst v62;
	v63 =	vor.u32 $0xB000, v0  }
0x116: {  	v59 =	vor.u32 $0xB800, v0;
	[tilespmem:$0x11A0] =	vst v63  }
0x117: {  	v60 =	vor.u32 $0xC000, v0;
	[tilespmem:$0x11E0] =	vst v59  }
0x118: {  	v61 =	vor.u32 $0xC800, v0;
	[tilespmem:$0x1220] =	vst v60  }
0x119: {  	v62 =	vor.u32 $0xD000, v0;
	[tilespmem:$0x1260] =	vst v61  }
0x11a: {  	[tilespmem:$0x12A0] =	vst v62;
	v63 =	vor.u32 $0xD800, v0  }
0x11b: {  	v59 =	vor.u32 $0xE000, v0;
	[tilespmem:$0x12E0] =	vst v63  }
0x11c: {  	v60 =	vor.u32 $0xE800, v0;
	[tilespmem:$0x1320] =	vst v59  }
0x11d: {  	v61 =	vor.u32 $0xF000, v0;
	[tilespmem:$0x1360] =	vst v60  }
0x11e: {  	v0 =	vor.u32 $0xF800, v0;
	[tilespmem:$0x13A0] =	vst v61  }
0x11f: {  	[tilespmem:$0x13E0] =	vst v0  }
0x120: {  	v0 =	vld [tilespmem:s18+$0x0];
	_ =	sdelay $0x4  }
0x121: {  	v62 =	vshll.u32 v0, $0x1;
	v0 =	vshrl.u32 v0, $0x4  }
0x122: {  	v1 =	vand.u32 $0xFFFF0000, v62;
	v0 =	vand.u32 $0x7FF, v0  }
0x123: {  	v0 =	vor.u32 v0, v1  }
0x124: {  	[tilespmem:$0xC30] =	vst v0;
	v1 =	vor.u32 $0x800, v0  }
0x125: {  	v63 =	vor.u32 $0x1000, v0;
	[tilespmem:$0xC70] =	vst v1  }
0x126: {  	v59 =	vor.u32 $0x1800, v0;
	[tilespmem:$0xCB0] =	vst v63  }
0x127: {  	v60 =	vor.u32 $0x2000, v0;
	[tilespmem:$0xCF0] =	vst v59  }
0x128: {  	v61 =	vor.u32 $0x2800, v0;
	[tilespmem:$0xD30] =	vst v60  }
0x129: {  	v62 =	vor.u32 $0x3000, v0;
	[tilespmem:$0xD70] =	vst v61  }
0x12a: {  	[tilespmem:$0xDB0] =	vst v62;
	v63 =	vor.u32 $0x3800, v0  }
0x12b: {  	v59 =	vor.u32 $0x4000, v0;
	[tilespmem:$0xDF0] =	vst v63  }
0x12c: {  	v60 =	vor.u32 $0x4800, v0;
	[tilespmem:$0xE30] =	vst v59  }
0x12d: {  	v61 =	vor.u32 $0x5000, v0;
	[tilespmem:$0xE70] =	vst v60  }
0x12e: {  	v62 =	vor.u32 $0x5800, v0;
	[tilespmem:$0xEB0] =	vst v61  }
0x12f: {  	[tilespmem:$0xEF0] =	vst v62;
	v63 =	vor.u32 $0x6000, v0  }
0x130: {  	v59 =	vor.u32 $0x6800, v0;
	[tilespmem:$0xF30] =	vst v63  }
0x131: {  	v60 =	vor.u32 $0x7000, v0;
	[tilespmem:$0xF70] =	vst v59  }
0x132: {  	v61 =	vor.u32 $0x7800, v0;
	[tilespmem:$0xFB0] =	vst v60  }
0x133: {  	v62 =	vor.u32 $0x8000, v0;
	[tilespmem:$0xFF0] =	vst v61  }
0x134: {  	[tilespmem:$0x1030] =	vst v62;
	v63 =	vor.u32 $0x8800, v0  }
0x135: {  	v59 =	vor.u32 $0x9000, v0;
	[tilespmem:$0x1070] =	vst v63  }
0x136: {  	v60 =	vor.u32 $0x9800, v0;
	[tilespmem:$0x10B0] =	vst v59  }
0x137: {  	v61 =	vor.u32 $0xA000, v0;
	[tilespmem:$0x10F0] =	vst v60  }
0x138: {  	v62 =	vor.u32 $0xA800, v0;
	[tilespmem:$0x1130] =	vst v61  }
0x139: {  	[tilespmem:$0x1170] =	vst v62;
	v63 =	vor.u32 $0xB000, v0  }
0x13a: {  	v59 =	vor.u32 $0xB800, v0;
	[tilespmem:$0x11B0] =	vst v63  }
0x13b: {  	v60 =	vor.u32 $0xC000, v0;
	[tilespmem:$0x11F0] =	vst v59  }
0x13c: {  	v61 =	vor.u32 $0xC800, v0;
	[tilespmem:$0x1230] =	vst v60  }
0x13d: {  	v62 =	vor.u32 $0xD000, v0;
	[tilespmem:$0x1270] =	vst v61  }
0x13e: {  	[tilespmem:$0x12B0] =	vst v62;
	v63 =	vor.u32 $0xD800, v0  }
0x13f: {  	v59 =	vor.u32 $0xE000, v0;
	[tilespmem:$0x12F0] =	vst v63  }
0x140: {  	v60 =	vor.u32 $0xE800, v0;
	[tilespmem:$0x1330] =	vst v59  }
0x141: {  	v61 =	vor.u32 $0xF000, v0;
	[tilespmem:$0x1370] =	vst v60  }
0x142: {  	v0 =	vor.u32 $0xF800, v0;
	[tilespmem:$0x13B0] =	vst v61  }
0x143: {  	v62 =	vor.u32 s19, v57;
	[tilespmem:$0x13F0] =	vst v0  }
0x144: {  	v63 =	vor.u32 s19, v4;
	[tilespmem:s12], [sflag:$0x2] =	stream.indirect.gather [hbm4b:s3+s8], $0x10, s11, s8, $0xb8;
	[tilespmem:$0x11600] =	vst v63  }
0x145: {  	_ =	swait.ge [sflag:s13], $0x8000  }
0x146: {  	[sflag:s13] =	ssyncset.done $0x0  }
0x147: {  	[sflag:s13] =	ssyncadd.s32 $0xFFFF8000  }
0x148: {  	v0 =	vld.idx.msk [tilespmem:v62+s2+$0x0], $0xffff  }
0x149: {  	v1 =	vld.idx.msk [tilespmem:v63+s2+$0x0], $0xffff;
	_ =	sdelay $0x3  }
0x14a: {  	v2 =	vand.u32 $0xF, v0  }
0x14b: {  	v0 =	vand.u32 $0xF, v1;
	v3 =	vor.u32 v58, v2  }
0x14c: {  	v1 =	vor.u32 v5, v0  }
0x14d: {  	v4 =	vor.u32 v6, v2  }
0x14e: {  	v5 =	vor.u32 v7, v0;
	_ =	sdelay $0x1  }
0x14f: {  	v6 =	vor.u32 v8, v2;
	v3 =	vld.idx.msk [tilespmem:v3+s10+$0x0], $0xffff  }
0x150: {  	v7 =	vor.u32 v9, v0;
	v1 =	vld.idx.msk [tilespmem:v1+s10+$0x0], $0xffff  }
0x151: {  	v8 =	vor.u32 v10, v2;
	v4 =	vld.idx.msk [tilespmem:v4+s10+$0x0], $0xffff  }
0x152: {  	v9 =	vor.u32 v11, v0;
	v5 =	vld.idx.msk [tilespmem:v5+s10+$0x0], $0xffff  }
0x153: {  	v14 =	vld [tilespmem:$0x1FE40]  }
0x154: {  	v10 =	vor.u32 v12, v2;
	v6 =	vld.idx.msk [tilespmem:v6+s10+$0x0], $0xffff  }
0x155: {  	v12 =	vor.u32 v13, v0;
	v7 =	vld.idx.msk [tilespmem:v7+s10+$0x0], $0xffff;
	v11 =	vmul.f32 v1, v3  }
0x156: {  	v8 =	vld.idx.msk [tilespmem:v8+s10+$0x0], $0xffff;
	v3 =	vmul.f32 v3, v3  }
0x157: {  	v9 =	vld.idx.msk [tilespmem:v9+s10+$0x0], $0xffff;
	v1 =	vmul.f32 v1, v1;
	v13 =	vmul.f32 v5, v4;
	v11 =	vadd.f32 $0.0e+00, v11  }
0x158: {  	v14 =	vor.u32 v14, v2;
	v4 =	vmul.f32 v4, v4;
	v5 =	vmul.f32 v5, v5  }
0x159: {  	v10 =	vld.idx.msk [tilespmem:v10+s10+$0x0], $0xffff;
	v11 =	vadd.f32 v13, v11;
	v13 =	vor.u32 v15, v0  }
0x15a: {  	v3 =	vadd.f32 v4, v3;
	v1 =	vadd.f32 v5, v1;
	v4 =	vmul.f32 v7, v6;
	v5 =	vld.idx.msk [tilespmem:v12+s10+$0x0], $0xffff  }
0x15b: {  	v6 =	vmul.f32 v6, v6;
	v7 =	vmul.f32 v7, v7;
	v12 =	vor.u32 v16, v2  }
0x15c: {  	v15 =	vor.u32 v17, v0;
	v4 =	vadd.f32 v4, v11;
	v11 =	vmul.f32 v9, v8  }
0x15d: {  	v3 =	vadd.f32 v6, v3;
	v1 =	vadd.f32 v7, v1;
	v6 =	vld.idx.msk [tilespmem:v14+s10+$0x0], $0xffff;
	v7 =	vor.u32 v18, v2  }
0x15e: {  	v8 =	vmul.f32 v8, v8;
	v4 =	vadd.f32 v11, v4;
	v11 =	vld.idx.msk [tilespmem:v13+s10+$0x0], $0xffff;
	v13 =	vor.u32 v19, v0  }
0x15f: {  	v16 =	vor.u32 v20, v2;
	v9 =	vmul.f32 v9, v9;
	v14 =	vmul.f32 v5, v10  }
0x160: {  	v3 =	vadd.f32 v8, v3;
	v8 =	vmul.f32 v10, v10;
	v10 =	vld.idx.msk [tilespmem:v12+s10+$0x0], $0xffff;
	v12 =	vor.u32 v21, v0  }
0x161: {  	v5 =	vmul.f32 v5, v5;
	v1 =	vadd.f32 v9, v1;
	v9 =	vld.idx.msk [tilespmem:v15+s10+$0x0], $0xffff  }
0x162: {  	v7 =	vld.idx.msk [tilespmem:v7+s10+$0x0], $0xffff;
	v15 =	vor.u32 v23, v0;
	v3 =	vadd.f32 v8, v3;
	v8 =	vor.u32 v22, v2  }
0x163: {  	v4 =	vadd.f32 v14, v4;
	v14 =	vmul.f32 v11, v6;
	v6 =	vmul.f32 v6, v6;
	v13 =	vld.idx.msk [tilespmem:v13+s10+$0x0], $0xffff  }
0x164: {  	v17 =	vor.u32 v37, v0;
	v1 =	vadd.f32 v5, v1;
	v5 =	vld.idx.msk [tilespmem:v16+s10+$0x0], $0xffff  }
0x165: {  	v4 =	vadd.f32 v14, v4;
	v3 =	vadd.f32 v6, v3;
	v6 =	vmul.f32 v11, v11;
	v11 =	vld.idx.msk [tilespmem:v12+s10+$0x0], $0xffff  }
0x166: {  	v12 =	vmul.f32 v9, v10;
	v10 =	vmul.f32 v10, v10;
	v14 =	vor.u32 v24, v2  }
0x167: {  	v8 =	vld.idx.msk [tilespmem:v8+s10+$0x0], $0xffff;
	v1 =	vadd.f32 v6, v1;
	v6 =	vmul.f32 v9, v9;
	v9 =	vor.u32 v25, v0  }
0x168: {  	v4 =	vadd.f32 v12, v4;
	v3 =	vadd.f32 v10, v3;
	v12 =	vld.idx.msk [tilespmem:v15+s10+$0x0], $0xffff;
	v10 =	vmul.f32 v13, v7  }
0x169: {  	v1 =	vadd.f32 v6, v1;
	v6 =	vmul.f32 v7, v7;
	v7 =	vmul.f32 v13, v13  }
0x16a: {  	v13 =	vor.u32 v26, v2;
	v4 =	vadd.f32 v10, v4;
	v10 =	vmul.f32 v11, v5  }
0x16b: {  	v3 =	vadd.f32 v6, v3;
	v1 =	vadd.f32 v7, v1;
	v6 =	vld.idx.msk [tilespmem:v14+s10+$0x0], $0xffff;
	v7 =	vor.u32 v27, v0  }
0x16c: {  	v5 =	vmul.f32 v5, v5;
	v4 =	vadd.f32 v10, v4;
	v9 =	vld.idx.msk [tilespmem:v9+s10+$0x0], $0xffff;
	v10 =	vor.u32 v28, v2  }
0x16d: {  	v15 =	vor.u32 v29, v0;
	v11 =	vmul.f32 v11, v11;
	v14 =	vmul.f32 v12, v8  }
0x16e: {  	v3 =	vadd.f32 v5, v3;
	v5 =	vmul.f32 v8, v8;
	v8 =	vor.u32 v30, v2  }
0x16f: {  	v16 =	vor.u32 v33, v0;
	v1 =	vadd.f32 v11, v1;
	v11 =	vld.idx.msk [tilespmem:v13+s10+$0x0], $0xffff;
	v13 =	vor.u32 v31, v0  }
0x170: {  	v3 =	vadd.f32 v5, v3;
	v5 =	vmul.f32 v12, v12;
	v12 =	vor.u32 v32, v2;
	v7 =	vld.idx.msk [tilespmem:v7+s10+$0x0], $0xffff  }
0x171: {  	v4 =	vadd.f32 v14, v4;
	v14 =	vmul.f32 v9, v6;
	v6 =	vmul.f32 v6, v6;
	v10 =	vld.idx.msk [tilespmem:v10+s10+$0x0], $0xffff  }
0x172: {  	v1 =	vadd.f32 v5, v1;
	v5 =	vmul.f32 v9, v9;
	v9 =	vld.idx.msk [tilespmem:v15+s10+$0x0], $0xffff;
	v15 =	vor.u32 v34, v2  }
0x173: {  	v8 =	vld.idx.msk [tilespmem:v8+s10+$0x0], $0xffff;
	v14 =	vadd.f32 v14, v4;
	v3 =	vadd.f32 v6, v3;
	v4 =	vor.u32 v35, v0  }
0x174: {  	v1 =	vadd.f32 v5, v1;
	v5 =	vmul.f32 v11, v11;
	v13 =	vld.idx.msk [tilespmem:v13+s10+$0x0], $0xffff;
	v6 =	vor.u32 v36, v2  }
0x175: {  	v18 =	vor.u32 v38, v2;
	v12 =	vld.idx.msk [tilespmem:v12+s10+$0x0], $0xffff;
	v11 =	vmul.f32 v7, v11;
	v7 =	vmul.f32 v7, v7  }
0x176: {  	v21 =	vor.u32 v40, v2;
	v16 =	vld.idx.msk [tilespmem:v16+s10+$0x0], $0xffff;
	v3 =	vadd.f32 v5, v3;
	v5 =	vmul.f32 v10, v10  }
0x177: {  	v19 =	vor.u32 v39, v0;
	v15 =	vld.idx.msk [tilespmem:v15+s10+$0x0], $0xffff;
	v1 =	vadd.f32 v7, v1;
	v7 =	vmul.f32 v9, v9  }
0x178: {  	v23 =	vor.u32 v42, v2;
	v3 =	vadd.f32 v5, v3;
	v5 =	vmul.f32 v8, v8;
	v20 =	vld.idx.msk [tilespmem:v4+s10+$0x0], $0xffff  }
0x179: {  	v22 =	vor.u32 v41, v0;
	v4 =	vld.idx.msk [tilespmem:v6+s10+$0x0], $0xffff;
	v1 =	vadd.f32 v7, v1;
	v7 =	vmul.f32 v13, v13  }
0x17a: {  	v17 =	vld.idx.msk [tilespmem:v17+s10+$0x0], $0xffff;
	v29 =	vor.u32 v49, v0;
	v3 =	vadd.f32 v5, v3;
	v5 =	vmul.f32 v12, v12  }
0x17b: {  	v24 =	vmul.f32 v16, v16;
	v7 =	vadd.f32 v7, v1;
	v1 =	vld.idx.msk [tilespmem:v18+s10+$0x0], $0xffff;
	v18 =	vor.u32 v43, v0  }
0x17c: {  	v6 =	vld.idx.msk [tilespmem:v19+s10+$0x0], $0xffff;
	v19 =	vor.u32 v44, v2;
	v25 =	vmul.f32 v15, v15;
	v5 =	vadd.f32 v5, v3  }
0x17d: {  	v3 =	vld.idx.msk [tilespmem:v21+s10+$0x0], $0xffff;
	v21 =	vor.u32 v45, v0;
	v24 =	vadd.f32 v24, v7;
	v26 =	vmul.f32 v20, v20  }
0x17e: {  	v27 =	vmul.f32 v4, v4;
	v7 =	vld.idx.msk [tilespmem:v22+s10+$0x0], $0xffff;
	v22 =	vor.u32 v46, v2;
	v25 =	vadd.f32 v25, v5  }
0x17f: {  	v5 =	vld.idx.msk [tilespmem:v23+s10+$0x0], $0xffff;
	v23 =	vor.u32 v47, v0;
	v24 =	vadd.f32 v26, v24;
	v26 =	vmul.f32 v17, v17  }
0x180: {  	v28 =	vor.u32 v48, v2;
	v25 =	vadd.f32 v27, v25;
	v27 =	vmul.f32 v1, v1;
	v18 =	vld.idx.msk [tilespmem:v18+s10+$0x0], $0xffff  }
0x181: {  	v30 =	vor.u32 $0x6C00, v58;
	v19 =	vld.idx.msk [tilespmem:v19+s10+$0x0], $0xffff;
	v24 =	vadd.f32 v26, v24;
	v26 =	vmul.f32 v6, v6  }
0x182: {  	v11 =	vadd.f32 v11, v14;
	v21 =	vld.idx.msk [tilespmem:v21+s10+$0x0], $0xffff;
	v14 =	vadd.f32 v27, v25;
	v25 =	vmul.f32 v3, v3  }
0x183: {  	v9 =	vmul.f32 v9, v10;
	v22 =	vld.idx.msk [tilespmem:v22+s10+$0x0], $0xffff;
	v10 =	vadd.f32 v26, v24;
	v24 =	vmul.f32 v7, v7  }
0x184: {  	v23 =	vld.idx.msk [tilespmem:v23+s10+$0x0], $0xffff;
	v26 =	vor.u32 v50, v2;
	v14 =	vadd.f32 v25, v14;
	v25 =	vmul.f32 v5, v5  }
0x185: {  	v27 =	vld.idx.msk [tilespmem:v28+s10+$0x0], $0xffff;
	v28 =	vor.u32 v51, v0;
	v10 =	vadd.f32 v24, v10;
	v24 =	vmul.f32 v18, v18  }
0x186: {  	v9 =	vadd.f32 v9, v11;
	v11 =	vadd.f32 v25, v14;
	v14 =	vmul.f32 v19, v19;
	v25 =	vld.idx.msk [tilespmem:v29+s10+$0x0], $0xffff  }
0x187: {  	v8 =	vmul.f32 v13, v8;
	v13 =	vmul.f32 v21, v21;
	v10 =	vadd.f32 v24, v10  }
0x188: {  	v24 =	vor.u32 v52, v2;
	v11 =	vadd.f32 v14, v11;
	v14 =	vmul.f32 v22, v22  }
0x189: {  	v29 =	vor.u32 v53, v0;
	v26 =	vld.idx.msk [tilespmem:v26+s10+$0x0], $0xffff;
	v10 =	vadd.f32 v13, v10;
	v13 =	vmul.f32 v23, v23  }
0x18a: {  	v8 =	vadd.f32 v8, v9;
	v9 =	vmul.f32 v16, v12;
	v12 =	vld.idx.msk [tilespmem:v28+s10+$0x0], $0xffff;
	v11 =	vadd.f32 v14, v11  }
0x18b: {  	v10 =	vadd.f32 v13, v10;
	v13 =	vmul.f32 v27, v27;
	v14 =	vmul.f32 v25, v25  }
0x18c: {  	v8 =	vadd.f32 v9, v8;
	v9 =	vmul.f32 v20, v15;
	v15 =	vor.u32 v54, v2  }
0x18d: {  	v11 =	vadd.f32 v13, v11;
	v10 =	vadd.f32 v14, v10;
	v13 =	vld.idx.msk [tilespmem:v24+s10+$0x0], $0xffff;
	v14 =	vor.u32 v55, v0  }
0x18e: {  	v20 =	vld.idx.msk [tilespmem:v29+s10+$0x0], $0xffff;
	v29 =	vor.u32 $0x6810, v58;
	v16 =	vmul.f32 v26, v26;
	v24 =	vor.u32 v56, v2  }
0x18f: {  	v31 =	vor.u32 $0x7000, v58;
	[tilespmem:$0x1F950] =	vst v29;
	v28 =	vmul.f32 v12, v12;
	v29 =	vor.u32 v29, v0  }
0x190: {  	[tilespmem:$0x1F960] =	vst v30;
	v11 =	vadd.f32 v16, v11;
	v16 =	vor.u32 v30, v2;
	v30 =	vor.u32 $0x6C10, v58  }
0x191: {  	v59 =	vor.u32 $0x7400, v58;
	[tilespmem:$0x1F980] =	vst v31;
	v15 =	vld.idx.msk [tilespmem:v15+s10+$0x0], $0xffff;
	v10 =	vadd.f32 v28, v10;
	v28 =	vor.u32 v30, v0  }
0x192: {  	v31 =	vor.u32 v31, v2;
	v54 =	vor.u32 $0x7010, v58;
	[tilespmem:$0x1F970] =	vst v30;
	v30 =	vmul.f32 v13, v13;
	v14 =	vld.idx.msk [tilespmem:v14+s10+$0x0], $0xffff  }
0x193: {  	v60 =	vor.u32 $0x7410, v58;
	[tilespmem:$0x1F9A0] =	vst v59;
	v33 =	vor.u32 v54, v0;
	v24 =	vld.idx.msk [tilespmem:v24+s10+$0x0], $0xffff  }
0x194: {  	v61 =	vor.u32 $0x7800, v58;
	[tilespmem:$0x1F9B0] =	vst v60;
	v29 =	vld.idx.msk [tilespmem:v29+s10+$0x0], $0xffff;
	v11 =	vadd.f32 v30, v11;
	v30 =	vor.u32 v59, v2  }
0x195: {  	[tilespmem:$0x1F9C0] =	vst v61;
	v63 =	vor.u32 $0x7810, v58;
	v32 =	vor.u32 v60, v0;
	v56 =	vmul.f32 v20, v20;
	v16 =	vld.idx.msk [tilespmem:v16+s10+$0x0], $0xffff  }
0x196: {  	v37 =	vor.u32 v63, v0;
	v35 =	vor.u32 v61, v2;
	v62 =	vmul.f32 v15, v15;
	v28 =	vld.idx.msk [tilespmem:v28+s10+$0x0], $0xffff  }
0x197: {  	v31 =	vld.idx.msk [tilespmem:v31+s10+$0x0], $0xffff;
	[tilespmem:$0x1F990] =	vst v54;
	v10 =	vadd.f32 v56, v10;
	v56 =	vor.u32 $0x7C00, v58;
	v54 =	vmul.f32 v14, v14  }
0x198: {  	v33 =	vld.idx.msk [tilespmem:v33+s10+$0x0], $0xffff;
	v2 =	vor.u32 v56, v2;
	v11 =	vadd.f32 v62, v11;
	v59 =	vmul.f32 v24, v24  }
0x199: {  	[tilespmem:$0x1F9D0] =	vst v63;
	v61 =	vor.u32 $0x7C10, v58;
	v60 =	vmul.f32 v29, v29;
	v10 =	vadd.f32 v54, v10;
	v30 =	vld.idx.msk [tilespmem:v30+s10+$0x0], $0xffff  }
0x19a: {  	v32 =	vld.idx.msk [tilespmem:v32+s10+$0x0], $0xffff;
	v0 =	vor.u32 v61, v0;
	v11 =	vadd.f32 v59, v11;
	v62 =	vmul.f32 v16, v16  }
0x19b: {  	v35 =	vld.idx.msk [tilespmem:v35+s10+$0x0], $0xffff;
	v8 =	vadd.f32 v9, v8;
	v9 =	vadd.f32 v60, v10;
	v10 =	vmul.f32 v28, v28  }
0x19c: {  	v63 =	vld.idx.msk [tilespmem:v37+s10+$0x0], $0xffff;
	v4 =	vmul.f32 v17, v4;
	v17 =	vmul.f32 v31, v31;
	v11 =	vadd.f32 v62, v11  }
0x19d: {  	v2 =	vld.idx.msk [tilespmem:v2+s10+$0x0], $0xffff;
	v9 =	vadd.f32 v10, v9;
	v10 =	vmul.f32 v33, v33  }
0x19e: {  	v4 =	vadd.f32 v4, v8;
	v8 =	vadd.f32 v17, v11;
	v11 =	vmul.f32 v30, v30  }
0x19f: {  	v1 =	vmul.f32 v6, v1;
	v0 =	vld.idx.msk [tilespmem:v0+s10+$0x0], $0xffff;
	v6 =	vadd.f32 v10, v9  }
0x1a0: {  	v9 =	vmul.f32 v32, v32;
	v10 =	vmul.f32 v35, v35;
	v8 =	vadd.f32 v11, v8  }
0x1a1: {  	v3 =	vmul.f32 v7, v3;
	v1 =	vadd.f32 v1, v4;
	v7 =	vmul.f32 v63, v63  }
0x1a2: {  	v4 =	vadd.f32 v9, v6;
	v6 =	vadd.f32 v10, v8;
	v8 =	vmul.f32 v2, v2  }
0x1a3: {  	v1 =	vadd.f32 v3, v1;
	v3 =	vmul.f32 v18, v5  }
0x1a4: {  	v4 =	vadd.f32 v7, v4;
	v5 =	vadd.f32 v8, v6;
	v6 =	vmul.f32 v0, v0  }
0x1a5: {  	v1 =	vadd.f32 v3, v1;
	v3 =	vmul.f32 v21, v19  }
0x1a6: {  	v4 =	vadd.f32 v6, v4;
	v5 =	vmax.f32 v5, $1.000000020e-16  }
0x1a7: {  	v1 =	vadd.f32 v3, v1;
	v3 =	vshra.s32 v5, $0x1;
	v5 =	vmul.f32 $5.000000000e-01, v5  }
0x1a8: {  	v6 =	vmul.f32 v23, v22;
	v3 =	vsub.s32 $0x5F3759DF, v3;
	v4 =	vmax.f32 v4, $1.000000020e-16  }
0x1a9: {  	v7 =	vmul.f32 v3, v5;
	v8 =	vshra.s32 v4, $0x1;
	v4 =	vmul.f32 $5.000000000e-01, v4  }
0x1aa: {  	v1 =	vadd.f32 v6, v1;
	v6 =	vmul.f32 v25, v27;
	v8 =	vsub.s32 $0x5F3759DF, v8  }
0x1ab: {  	v7 =	vmul.f32 v3, v7;
	v9 =	vmul.f32 v8, v4  }
0x1ac: {  	v1 =	vadd.f32 v6, v1;
	v6 =	vmul.f32 v12, v26  }
0x1ad: {  	v7 =	vsub.f32 $1.500000000e+00, v7;
	v9 =	vmul.f32 v8, v9  }
0x1ae: {  	v1 =	vadd.f32 v6, v1;
	v6 =	vmul.f32 v20, v13  }
0x1af: {  	v3 =	vmul.f32 v3, v7;
	v7 =	vsub.f32 $1.500000000e+00, v9  }
0x1b0: {  	v1 =	vadd.f32 v6, v1;
	v6 =	vmul.f32 v14, v15  }
0x1b1: {  	v9 =	vmul.f32 v3, v5;
	v7 =	vmul.f32 v8, v7  }
0x1b2: {  	v1 =	vadd.f32 v6, v1;
	v6 =	vmul.f32 v29, v24  }
0x1b3: {  	v8 =	vmul.f32 v9, v3;
	v9 =	vmul.f32 v7, v4  }
0x1b4: {  	v1 =	vadd.f32 v6, v1;
	v6 =	vmul.f32 v28, v16  }
0x1b5: {  	v8 =	vsub.f32 $1.500000000e+00, v8;
	v9 =	vmul.f32 v9, v7  }
0x1b6: {  	v1 =	vadd.f32 v6, v1;
	v6 =	vmul.f32 v33, v31  }
0x1b7: {  	v3 =	vmul.f32 v8, v3;
	v8 =	vsub.f32 $1.500000000e+00, v9  }
0x1b8: {  	v1 =	vadd.f32 v6, v1;
	v6 =	vmul.f32 v32, v30  }
0x1b9: {  	v5 =	vmul.f32 v3, v5;
	v7 =	vmul.f32 v8, v7  }
0x1ba: {  	v1 =	vadd.f32 v6, v1;
	v6 =	vmul.f32 v63, v35  }
0x1bb: {  	v5 =	vmul.f32 v5, v3;
	v4 =	vmul.f32 v7, v4  }
0x1bc: {  	v0 =	vmul.f32 v0, v2  }
0x1bd: {  	v1 =	vadd.f32 v6, v1;
	v32 =	vsub.f32 $1.500000000e+00, v5;
	v4 =	vmul.f32 v4, v7;
	_ =	sdelay $0x1  }
0x1be: {  	v0 =	vadd.f32 v0, v1;
	v33 =	vmul.f32 v32, v3;
	v34 =	vsub.f32 $1.500000000e+00, v4;
	_ =	sdelay $0x1  }
0x1bf: {  	v0 =	vmul.f32 v33, v0;
	v35 =	vmul.f32 v34, v7;
	_ =	sdelay $0x1  }
0x1c0: {  	v0 =	vmul.f32 v35, v0  }
0x1c1: {  	v36 =	vor.u32 $0x20, v57  }
0x1c2: {  	v37 =	vor.u32 $0x21, v57;
	v1 =	vor.u32 s19, v36;
	v0 =	vmul.f32 $5.000000000e-01, v0  }
0x1c3: {  	v2 =	vor.u32 s19, v37  }
0x1c4: {  	v0 =	vadd.f32 $5.000000000e-01, v0;
	_ =	sdelay $0x1  }
0x1c5: {  	[tilespmem:s17+$0xFFFFFFE0] =	vst v0  }
0x1c6: {  	v0 =	vld.idx.msk [tilespmem:v1+s2+$0x0], $0xffff  }
0x1c7: {  	v38 =	vld.idx.msk [tilespmem:v2+s2+$0x0], $0xffff;
	_ =	sdelay $0x3  }
0x1c8: {  	v39 =	vor.u32 $0x200, v58;
	v5 =	vand.u32 $0xF, v0  }
0x1c9: {  	[tilespmem:$0x1F9E0] =	vst v56;
	v56 =	vor.u32 $0x210, v58;
	v0 =	vand.u32 $0xF, v38;
	v54 =	vor.u32 v39, v5  }
0x1ca: {  	v3 =	vor.u32 $0x600, v58;
	v1 =	vor.u32 v56, v0  }
0x1cb: {  	v4 =	vor.u32 $0x610, v58;
	[tilespmem:$0x1FA40] =	vst v3;
	v3 =	vor.u32 v3, v5  }
0x1cc: {  	v6 =	vor.u32 $0xA00, v58;
	[tilespmem:$0x1FA50] =	vst v4;
	v4 =	vor.u32 v4, v0  }
0x1cd: {  	[tilespmem:$0x1FA60] =	vst v6;
	v7 =	vor.u32 $0xA10, v58;
	v6 =	vor.u32 v6, v5  }
0x1ce: {  	[tilespmem:$0x1FA70] =	vst v7;
	v7 =	vor.u32 v7, v0;
	v2 =	vld.idx.msk [tilespmem:v54+s10+$0x0], $0xffff  }
0x1cf: {  	v1 =	vld.idx.msk [tilespmem:v1+s10+$0x0], $0xffff  }
0x1d0: {  	v3 =	vld.idx.msk [tilespmem:v3+s10+$0x0], $0xffff  }
0x1d1: {  	v4 =	vld.idx.msk [tilespmem:v4+s10+$0x0], $0xffff  }
0x1d2: {  	v8 =	vor.u32 $0xE00, v58;
	v6 =	vld.idx.msk [tilespmem:v6+s10+$0x0], $0xffff  }
0x1d3: {  	v10 =	vor.u32 $0xE10, v58;
	[tilespmem:$0x1FA80] =	vst v8;
	v8 =	vor.u32 v8, v5;
	v7 =	vld.idx.msk [tilespmem:v7+s10+$0x0], $0xffff  }
0x1d4: {  	[tilespmem:$0x1FA90] =	vst v10;
	v12 =	vor.u32 $0x1200, v58;
	v10 =	vor.u32 v10, v0  }
0x1d5: {  	v13 =	vor.u32 $0x1210, v58;
	v9 =	vmul.f32 v1, v2;
	v2 =	vmul.f32 v2, v2  }
0x1d6: {  	[tilespmem:$0x1FAA0] =	vst v12;
	v12 =	vor.u32 v12, v5;
	v11 =	vmul.f32 v4, v3;
	v3 =	vmul.f32 v3, v3  }
0x1d7: {  	[tilespmem:$0x1FAB0] =	vst v13;
	v13 =	vor.u32 v13, v0;
	v1 =	vmul.f32 v1, v1;
	v9 =	vadd.f32 $0.0e+00, v9  }
0x1d8: {  	v8 =	vld.idx.msk [tilespmem:v8+s10+$0x0], $0xffff;
	v2 =	vadd.f32 v3, v2;
	v3 =	vmul.f32 v4, v4;
	v4 =	vmul.f32 v7, v6  }
0x1d9: {  	v10 =	vld.idx.msk [tilespmem:v10+s10+$0x0], $0xffff;
	v6 =	vmul.f32 v6, v6;
	v9 =	vadd.f32 v11, v9;
	v11 =	vor.u32 $0x1600, v58  }
0x1da: {  	v1 =	vadd.f32 v3, v1;
	[tilespmem:$0x1FAC0] =	vst v11;
	v3 =	vor.u32 v11, v5;
	v11 =	vor.u32 $0x1610, v58  }
0x1db: {  	v2 =	vadd.f32 v6, v2;
	v6 =	vld.idx.msk [tilespmem:v12+s10+$0x0], $0xffff;
	v4 =	vadd.f32 v4, v9;
	v9 =	vor.u32 v11, v0  }
0x1dc: {  	[tilespmem:$0x1F9F0] =	vst v61;
	v12 =	vld.idx.msk [tilespmem:v13+s10+$0x0], $0xffff;
	v13 =	vor.u32 $0x1A00, v58  }
0x1dd: {  	v18 =	vor.u32 $0x4600, v58;
	v14 =	vor.u32 $0x1A10, v58;
	v7 =	vmul.f32 v7, v7;
	[tilespmem:$0x1FAE0] =	vst v13  }
0x1de: {  	v13 =	vor.u32 v13, v5;
	[tilespmem:$0x1FAD0] =	vst v11;
	v11 =	vmul.f32 v10, v8;
	v8 =	vmul.f32 v8, v8  }
0x1df: {  	[tilespmem:$0x1FAF0] =	vst v14;
	v1 =	vadd.f32 v7, v1;
	v7 =	vor.u32 v14, v0;
	v14 =	vor.u32 $0x1E10, v58;
	v3 =	vld.idx.msk [tilespmem:v3+s10+$0x0], $0xffff  }
0x1e0: {  	v61 =	vor.u32 $0x5A00, v58;
	[tilespmem:$0x1FB10] =	vst v14;
	v14 =	vor.u32 v14, v0;
	v4 =	vadd.f32 v11, v4;
	v9 =	vld.idx.msk [tilespmem:v9+s10+$0x0], $0xffff  }
0x1e1: {  	v2 =	vadd.f32 v8, v2;
	v11 =	vor.u32 $0x1E00, v58;
	v8 =	vmul.f32 v10, v10  }
0x1e2: {  	[tilespmem:$0x1FB00] =	vst v11;
	v10 =	vor.u32 v11, v5;
	v11 =	vmul.f32 v12, v6;
	v6 =	vmul.f32 v6, v6  }
0x1e3: {  	[tilespmem:$0x1FA10] =	vst v37;
	v59 =	vor.u32 $0x5600, v58;
	v1 =	vadd.f32 v8, v1;
	v8 =	vld.idx.msk [tilespmem:v13+s10+$0x0], $0xffff;
	v13 =	vor.u32 $0x2210, v58  }
0x1e4: {  	[tilespmem:$0x1FA20] =	vst v39;
	v4 =	vadd.f32 v11, v4;
	v2 =	vadd.f32 v6, v2;
	v6 =	vld.idx.msk [tilespmem:v7+s10+$0x0], $0xffff;
	v11 =	vor.u32 $0x2200, v58  }
0x1e5: {  	v7 =	vmul.f32 v12, v12;
	[tilespmem:$0x1FB20] =	vst v11;
	v11 =	vor.u32 v11, v5;
	v12 =	vmul.f32 v9, v3  }
0x1e6: {  	v60 =	vor.u32 $0x5610, v58;
	[tilespmem:$0x1FB30] =	vst v13;
	v13 =	vor.u32 v13, v0;
	v3 =	vmul.f32 v3, v3  }
0x1e7: {  	[tilespmem:$0x1FA00] =	vst v36;
	v62 =	vor.u32 $0x5A10, v58;
	v1 =	vadd.f32 v7, v1;
	v7 =	vld.idx.msk [tilespmem:v14+s10+$0x0], $0xffff;
	v4 =	vadd.f32 v12, v4  }
0x1e8: {  	[tilespmem:$0x1FA30] =	vst v56;
	v10 =	vld.idx.msk [tilespmem:v10+s10+$0x0], $0xffff;
	v2 =	vadd.f32 v3, v2;
	v3 =	vmul.f32 v9, v9;
	v12 =	vor.u32 $0x2600, v58  }
0x1e9: {  	v17 =	vor.u32 $0x3E00, v58;
	v9 =	vmul.f32 v6, v8;
	v8 =	vmul.f32 v8, v8;
	[tilespmem:$0x1FB40] =	vst v12  }
0x1ea: {  	v1 =	vadd.f32 v3, v1;
	v3 =	vld.idx.msk [tilespmem:v11+s10+$0x0], $0xffff;
	v11 =	vor.u32 v12, v5;
	v12 =	vor.u32 $0x2610, v58  }
0x1eb: {  	v4 =	vadd.f32 v9, v4;
	v2 =	vadd.f32 v8, v2;
	v8 =	vld.idx.msk [tilespmem:v13+s10+$0x0], $0xffff;
	v9 =	vor.u32 v12, v0  }
0x1ec: {  	v14 =	vor.u32 $0x2A10, v58;
	v6 =	vmul.f32 v6, v6;
	v13 =	vor.u32 $0x2A00, v58;
	[tilespmem:$0x1FB50] =	vst v12  }
0x1ed: {  	v12 =	vmul.f32 v7, v10;
	[tilespmem:$0x1FB60] =	vst v13;
	v10 =	vmul.f32 v10, v10;
	v13 =	vor.u32 v13, v5  }
0x1ee: {  	v15 =	vor.u32 $0x3200, v58;
	v1 =	vadd.f32 v6, v1;
	v6 =	vor.u32 v14, v0  }
0x1ef: {  	[tilespmem:$0x1FB70] =	vst v14;
	v7 =	vmul.f32 v7, v7;
	v14 =	vor.u32 $0x2E10, v58;
	v2 =	vadd.f32 v10, v2;
	v10 =	vld.idx.msk [tilespmem:v11+s10+$0x0], $0xffff  }
0x1f0: {  	v4 =	vadd.f32 v12, v4;
	v12 =	vor.u32 $0x2E00, v58;
	[tilespmem:$0x1FB90] =	vst v14;
	v11 =	vmul.f32 v8, v3;
	v9 =	vld.idx.msk [tilespmem:v9+s10+$0x0], $0xffff  }
0x1f1: {  	v14 =	vor.u32 v14, v0;
	[tilespmem:$0x1FB80] =	vst v12;
	v12 =	vor.u32 v12, v5;
	v3 =	vmul.f32 v3, v3  }
0x1f2: {  	v1 =	vadd.f32 v7, v1;
	v7 =	vld.idx.msk [tilespmem:v13+s10+$0x0], $0xffff;
	v13 =	vor.u32 $0x3210, v58;
	v4 =	vadd.f32 v11, v4  }
0x1f3: {  	v11 =	vor.u32 v15, v5;
	v2 =	vadd.f32 v3, v2;
	v3 =	vmul.f32 v8, v8;
	v6 =	vld.idx.msk [tilespmem:v6+s10+$0x0], $0xffff  }
0x1f4: {  	v16 =	vor.u32 $0x3A00, v58;
	[tilespmem:$0x1FBB0] =	vst v13;
	v13 =	vor.u32 v13, v0;
	v8 =	vmul.f32 v10, v10  }
0x1f5: {  	v56 =	vmovc v55;
	[tilespmem:$0x1FBA0] =	vst v15;
	v15 =	vor.u32 $0x3600, v58;
	v1 =	vadd.f32 v3, v1;
	v3 =	vmul.f32 v9, v10  }
0x1f6: {  	[tilespmem:$0x1FBC0] =	vst v15;
	v10 =	vld.idx.msk [tilespmem:v12+s10+$0x0], $0xffff;
	v12 =	vor.u32 v15, v5;
	v15 =	vor.u32 $0x3610, v58;
	v2 =	vadd.f32 v8, v2  }
0x1f7: {  	v55 =	vmov v53;
	v8 =	vmul.f32 v9, v9;
	v9 =	vld.idx.msk [tilespmem:v14+s10+$0x0], $0xffff;
	[tilespmem:$0x1FBD0] =	vst v15;
	v14 =	vmul.f32 v7, v7  }
0x1f8: {  	v11 =	vld.idx.msk [tilespmem:v11+s10+$0x0], $0xffff;
	v15 =	vor.u32 v15, v0;
	v3 =	vadd.f32 v3, v4;
	v4 =	vmul.f32 v6, v7  }
0x1f9: {  	[tilespmem:$0x1FBE0] =	vst v16;
	v1 =	vadd.f32 v8, v1;
	v8 =	vmul.f32 v6, v6;
	v6 =	vld.idx.msk [tilespmem:v13+s10+$0x0], $0xffff;
	v13 =	vor.u32 $0x3A10, v58  }
0x1fa: {  	v53 =	vmovc v52;
	v52 =	vmov v51;
	v16 =	vor.u32 v16, v5;
	v2 =	vadd.f32 v14, v2;
	[tilespmem:$0x1FBF0] =	vst v13  }
0x1fb: {  	v13 =	vor.u32 v13, v0;
	v3 =	vadd.f32 v4, v3;
	v7 =	vmul.f32 v10, v10;
	v12 =	vld.idx.msk [tilespmem:v12+s10+$0x0], $0xffff  }
0x1fc: {  	v51 =	vmovc v50;
	v1 =	vadd.f32 v8, v1;
	v8 =	vmul.f32 v9, v9;
	v4 =	vmul.f32 v9, v10  }
0x1fd: {  	v50 =	vmovc v49;
	v49 =	vmovc v48;
	v9 =	vor.u32 $0x3E10, v58;
	v2 =	vadd.f32 v7, v2;
	v7 =	vmul.f32 v11, v11  }
0x1fe: {  	v48 =	vmov v47;
	v14 =	vld.idx.msk [tilespmem:v15+s10+$0x0], $0xffff;
	v15 =	vor.u32 v17, v5;
	[tilespmem:$0x1FC10] =	vst v9;
	v9 =	vor.u32 v9, v0  }
0x1ff: {  	v16 =	vld.idx.msk [tilespmem:v16+s10+$0x0], $0xffff;
	v1 =	vadd.f32 v8, v1;
	v2 =	vadd.f32 v7, v2;
	v7 =	vmul.f32 v6, v6  }
0x200: {  	v47 =	vmovc v46;
	v46 =	vmovc v45;
	v45 =	vmov v44;
	v10 =	vor.u32 $0x4200, v58;
	v8 =	vmul.f32 v12, v12  }
0x201: {  	[tilespmem:$0x1FC20] =	vst v10;
	v13 =	vld.idx.msk [tilespmem:v13+s10+$0x0], $0xffff;
	v1 =	vadd.f32 v7, v1;
	v7 =	vor.u32 v10, v5;
	v10 =	vor.u32 $0x4210, v58  }
0x202: {  	[tilespmem:$0x1FC00] =	vst v17;
	v3 =	vadd.f32 v4, v3;
	v2 =	vadd.f32 v8, v2;
	v8 =	vor.u32 v10, v0  }
0x203: {  	v44 =	vmov v43;
	v4 =	vmul.f32 v6, v11;
	v15 =	vld.idx.msk [tilespmem:v15+s10+$0x0], $0xffff;
	[tilespmem:$0x1FC30] =	vst v10;
	v10 =	vmul.f32 v14, v14  }
0x204: {  	v43 =	vmov v42;
	[tilespmem:$0x1FC40] =	vst v18;
	v18 =	vor.u32 v18, v5;
	v17 =	vmul.f32 v16, v16;
	v11 =	vld.idx.msk [tilespmem:v9+s10+$0x0], $0xffff  }
0x205: {  	v42 =	vmovc v41;
	v41 =	vmovc v40;
	v20 =	vadd.f32 v4, v3;
	v9 =	vor.u32 $0x4610, v58;
	v1 =	vadd.f32 v10, v1  }
0x206: {  	[tilespmem:$0x1FC50] =	vst v9;
	v6 =	vmul.f32 v13, v13;
	v40 =	vld.idx.msk [tilespmem:v7+s10+$0x0], $0xffff;
	v7 =	vor.u32 v9, v0;
	v9 =	vor.u32 $0x4A00, v58  }
0x207: {  	v12 =	vmul.f32 v14, v12;
	v2 =	vadd.f32 v17, v2;
	v38 =	vld.idx.msk [tilespmem:v8+s10+$0x0], $0xffff;
	v19 =	vor.u32 v9, v5  }
0x208: {  	v17 =	vmul.f32 v15, v15;
	v1 =	vadd.f32 v6, v1;
	v8 =	vor.u32 $0x4A10, v58  }
0x209: {  	v6 =	vor.u32 $0x4E00, v58;
	v4 =	vmul.f32 v11, v11;
	v3 =	vor.u32 v8, v0  }
0x20a: {  	v39 =	vld.idx.msk [tilespmem:v18+s10+$0x0], $0xffff;
	[tilespmem:$0x1FC80] =	vst v6;
	v14 =	vor.u32 v6, v5;
	v6 =	vor.u32 $0x4E10, v58;
	v2 =	vadd.f32 v17, v2  }
0x20b: {  	[tilespmem:$0x1FC90] =	vst v6;
	v18 =	vor.u32 v6, v0;
	v6 =	vor.u32 $0x5200, v58;
	v1 =	vadd.f32 v4, v1;
	v36 =	vld.idx.msk [tilespmem:v7+s10+$0x0], $0xffff  }
0x20c: {  	v21 =	vor.u32 v6, v5;
	v17 =	vmul.f32 v40, v40;
	v37 =	vld.idx.msk [tilespmem:v19+s10+$0x0], $0xffff;
	v19 =	vmul.f32 v38, v38  }
0x20d: {  	v23 =	vor.u32 v60, v0;
	v24 =	vor.u32 v61, v5;
	v4 =	vor.u32 $0x5210, v58  }
0x20e: {  	v2 =	vadd.f32 v17, v2;
	v35 =	vld.idx.msk [tilespmem:v3+s10+$0x0], $0xffff;
	v17 =	vadd.f32 v19, v1;
	v19 =	vor.u32 v4, v0  }
0x20f: {  	v63 =	vor.u32 v62, v0;
	v54 =	vor.u32 $0x6600, v58;
	[tilespmem:$0x1FCD0] =	vst v60;
	v34 =	vld.idx.msk [tilespmem:v14+s10+$0x0], $0xffff;
	v14 =	vor.u32 v59, v5  }
0x210: {  	[tilespmem:$0x1FCE0] =	vst v61;
	v60 =	vor.u32 $0x5E10, v58;
	v61 =	vor.u32 $0x6200, v58;
	v3 =	vmul.f32 v39, v39;
	v32 =	vld.idx.msk [tilespmem:v18+s10+$0x0], $0xffff  }
0x211: {  	[tilespmem:$0x1FCF0] =	vst v62;
	v62 =	vor.u32 $0x6210, v58;
	v12 =	vadd.f32 v12, v20;
	v33 =	vld.idx.msk [tilespmem:v21+s10+$0x0], $0xffff;
	v18 =	vmul.f32 v36, v36  }
0x212: {  	v28 =	vld.idx.msk [tilespmem:v23+s10+$0x0], $0xffff;
	v20 =	vor.u32 v60, v0;
	v22 =	vadd.f32 v3, v2;
	v21 =	vmul.f32 v37, v37  }
0x213: {  	v13 =	vmul.f32 v13, v16;
	v17 =	vadd.f32 v18, v17;
	v18 =	vmul.f32 v35, v35;
	v27 =	vld.idx.msk [tilespmem:v19+s10+$0x0], $0xffff  }
0x214: {  	[tilespmem:$0x1FCC0] =	vst v59;
	v59 =	vor.u32 $0x5E00, v58;
	v30 =	vld.idx.msk [tilespmem:v14+s10+$0x0], $0xffff;
	v14 =	vmul.f32 v34, v34;
	v16 =	vadd.f32 v21, v22  }
0x215: {  	v29 =	vld.idx.msk [tilespmem:v24+s10+$0x0], $0xffff;
	v19 =	vor.u32 v59, v5;
	v17 =	vadd.f32 v18, v17;
	v18 =	vmul.f32 v32, v32  }
0x216: {  	v26 =	vld.idx.msk [tilespmem:v63+s10+$0x0], $0xffff;
	v63 =	vor.u32 $0x6610, v58;
	v14 =	vadd.f32 v14, v16;
	v16 =	vmul.f32 v33, v33  }
0x217: {  	[tilespmem:$0x1FD10] =	vst v60;
	v60 =	vor.u32 $0x6A10, v58;
	v31 =	vadd.f32 v13, v12;
	v12 =	vadd.f32 v18, v17  }
0x218: {  	[tilespmem:$0x1FD20] =	vst v61;
	v18 =	vor.u32 v62, v0;
	v13 =	vadd.f32 v16, v14;
	v14 =	vmul.f32 v27, v27  }
0x219: {  	v1 =	vor.u32 v60, v0;
	v22 =	vld.idx.msk [tilespmem:v20+s10+$0x0], $0xffff;
	v17 =	vor.u32 v61, v5;
	v16 =	vmul.f32 v30, v30  }
0x21a: {  	v25 =	vld.idx.msk [tilespmem:v19+s10+$0x0], $0xffff;
	v19 =	vor.u32 v54, v5;
	v12 =	vadd.f32 v14, v12;
	v14 =	vmul.f32 v28, v28  }
0x21b: {  	[tilespmem:$0x1FD30] =	vst v62;
	v21 =	vmul.f32 v11, v15;
	v15 =	vmul.f32 v29, v29;
	v13 =	vadd.f32 v16, v13  }
0x21c: {  	[tilespmem:$0x1FD00] =	vst v59;
	v59 =	vor.u32 $0x6A00, v58;
	v16 =	vmul.f32 v26, v26;
	v12 =	vadd.f32 v14, v12  }
0x21d: {  	[tilespmem:$0x1FD40] =	vst v63;
	v24 =	vor.u32 v59, v5;
	v61 =	vor.u32 $0x6E00, v58;
	v13 =	vadd.f32 v15, v13;
	v15 =	vld.idx.msk [tilespmem:v18+s10+$0x0], $0xffff  }
0x21e: {  	v23 =	vmul.f32 v22, v22;
	v20 =	vadd.f32 v16, v12;
	v16 =	vld.idx.msk [tilespmem:v17+s10+$0x0], $0xffff;
	v17 =	vor.u32 v63, v0  }
0x21f: {  	[tilespmem:$0x1FC70] =	vst v8;
	v3 =	vor.u32 $0x6E10, v58;
	v2 =	vor.u32 v61, v5;
	v18 =	vmul.f32 v25, v25;
	v14 =	vld.idx.msk [tilespmem:v19+s10+$0x0], $0xffff  }
0x220: {  	[tilespmem:$0x1FD80] =	vst v3;
	v63 =	vor.u32 v3, v0;
	v20 =	vadd.f32 v23, v20;
	v23 =	vor.u32 $0x7200, v58  }
0x221: {  	v11 =	vld.idx.msk [tilespmem:v1+s10+$0x0], $0xffff;
	[tilespmem:$0x1FD70] =	vst v61;
	v3 =	vor.u32 $0x7210, v58;
	v61 =	vor.u32 v23, v5  }
0x222: {  	v24 =	vld.idx.msk [tilespmem:v24+s10+$0x0], $0xffff;
	v13 =	vadd.f32 v18, v13;
	[tilespmem:$0x1FD90] =	vst v3;
	v18 =	vor.u32 $0x7600, v58;
	v62 =	vmul.f32 v15, v15  }
0x223: {  	v3 =	vor.u32 v3, v0;
	v1 =	vor.u32 v18, v5;
	v12 =	vld.idx.msk [tilespmem:v17+s10+$0x0], $0xffff;
	v19 =	vmul.f32 v16, v16  }
0x224: {  	[tilespmem:$0x1FD50] =	vst v59;
	v10 =	vld.idx.msk [tilespmem:v2+s10+$0x0], $0xffff;
	v62 =	vadd.f32 v62, v20;
	v20 =	vor.u32 $0x7A00, v58;
	v59 =	vmul.f32 v14, v14  }
0x225: {  	[tilespmem:$0x1FCB0] =	vst v4;
	v8 =	vld.idx.msk [tilespmem:v63+s10+$0x0], $0xffff;
	v4 =	vor.u32 v20, v5;
	v13 =	vadd.f32 v19, v13;
	v19 =	vor.u32 $0x7610, v58  }
0x226: {  	[tilespmem:$0x1FC60] =	vst v9;
	v63 =	vor.u32 $0x7A10, v58;
	v2 =	vor.u32 v19, v0;
	v9 =	vld.idx.msk [tilespmem:v61+s10+$0x0], $0xffff;
	v61 =	vor.u32 $0x7E00, v58  }
0x227: {  	[tilespmem:$0x1FD60] =	vst v60;
	v13 =	vadd.f32 v59, v13;
	v59 =	vor.u32 v61, v5;
	v5 =	vmul.f32 v24, v24  }
0x228: {  	[tilespmem:$0x1FCA0] =	vst v6;
	v6 =	vor.u32 v63, v0;
	v60 =	vmul.f32 v12, v12  }
0x229: {  	v7 =	vld.idx.msk [tilespmem:v1+s10+$0x0], $0xffff;
	v1 =	vmul.f32 v11, v11;
	v5 =	vadd.f32 v5, v13  }
0x22a: {  	v3 =	vld.idx.msk [tilespmem:v3+s10+$0x0], $0xffff;
	v13 =	vmul.f32 v10, v10;
	v62 =	vadd.f32 v60, v62;
	v60 =	vor.u32 $0x7E10, v58  }
0x22b: {  	v21 =	vadd.f32 v21, v31;
	v4 =	vld.idx.msk [tilespmem:v4+s10+$0x0], $0xffff;
	v31 =	vmul.f32 v8, v8;
	v0 =	vor.u32 v60, v0  }
0x22c: {  	v2 =	vld.idx.msk [tilespmem:v2+s10+$0x0], $0xffff;
	v5 =	vadd.f32 v13, v5;
	v13 =	vmul.f32 v9, v9;
	v1 =	vadd.f32 v1, v62  }
0x22d: {  	v38 =	vmul.f32 v38, v40;
	v6 =	vld.idx.msk [tilespmem:v6+s10+$0x0], $0xffff  }
0x22e: {  	v5 =	vadd.f32 v13, v5;
	v13 =	vmul.f32 v7, v7;
	v1 =	vadd.f32 v31, v1;
	v31 =	vld.idx.msk [tilespmem:v59+s10+$0x0], $0xffff  }
0x22f: {  	v36 =	vmul.f32 v36, v39;
	v62 =	vmul.f32 v3, v3  }
0x230: {  	v21 =	vadd.f32 v38, v21;
	v5 =	vadd.f32 v13, v5;
	v13 =	vmul.f32 v4, v4;
	v0 =	vld.idx.msk [tilespmem:v0+s10+$0x0], $0xffff  }
0x231: {  	v1 =	vadd.f32 v62, v1;
	v59 =	vmul.f32 v2, v2  }
0x232: {  	v35 =	vmul.f32 v35, v37;
	v21 =	vadd.f32 v36, v21;
	v5 =	vadd.f32 v13, v5  }
0x233: {  	v13 =	vmul.f32 v6, v6;
	v1 =	vadd.f32 v59, v1;
	v62 =	vmul.f32 v31, v31  }
0x234: {  	v32 =	vmul.f32 v32, v34;
	v21 =	vadd.f32 v35, v21  }
0x235: {  	v1 =	vadd.f32 v13, v1;
	v5 =	vadd.f32 v62, v5;
	v13 =	vmul.f32 v0, v0  }
0x236: {  	v27 =	vmul.f32 v27, v33;
	v21 =	vadd.f32 v32, v21  }
0x237: {  	v1 =	vadd.f32 v13, v1;
	v5 =	vmax.f32 v5, $1.000000020e-16  }
0x238: {  	v13 =	vadd.f32 v27, v21;
	v21 =	vshra.s32 v5, $0x1;
	v5 =	vmul.f32 $5.000000000e-01, v5  }
0x239: {  	v27 =	vmul.f32 v28, v30;
	v21 =	vsub.s32 $0x5F3759DF, v21;
	v1 =	vmax.f32 v1, $1.000000020e-16  }
0x23a: {  	v28 =	vshra.s32 v1, $0x1;
	v1 =	vmul.f32 $5.000000000e-01, v1;
	v30 =	vmul.f32 v21, v5  }
0x23b: {  	v26 =	vmul.f32 v26, v29;
	v13 =	vadd.f32 v27, v13;
	v27 =	vsub.s32 $0x5F3759DF, v28  }
0x23c: {  	v28 =	vmul.f32 v21, v30;
	v29 =	vmul.f32 v27, v1  }
0x23d: {  	v22 =	vmul.f32 v22, v25;
	v13 =	vadd.f32 v26, v13  }
0x23e: {  	v25 =	vsub.f32 $1.500000000e+00, v28;
	v26 =	vmul.f32 v27, v29  }
0x23f: {  	v15 =	vmul.f32 v15, v16;
	v13 =	vadd.f32 v22, v13  }
0x240: {  	v16 =	vmul.f32 v21, v25;
	v21 =	vsub.f32 $1.500000000e+00, v26  }
0x241: {  	v12 =	vmul.f32 v12, v14;
	v13 =	vadd.f32 v15, v13  }
0x242: {  	v14 =	vmul.f32 v27, v21;
	v15 =	vmul.f32 v16, v5  }
0x243: {  	v11 =	vmul.f32 v11, v24;
	v12 =	vadd.f32 v12, v13  }
0x244: {  	v13 =	vmul.f32 v15, v16;
	v15 =	vmul.f32 v14, v1  }
0x245: {  	v8 =	vmul.f32 v8, v10;
	v11 =	vadd.f32 v11, v12  }
0x246: {  	v10 =	vsub.f32 $1.500000000e+00, v13;
	v12 =	vmul.f32 v15, v14  }
0x247: {  	v3 =	vmul.f32 v3, v9;
	v8 =	vadd.f32 v8, v11  }
0x248: {  	v9 =	vmul.f32 v10, v16;
	v10 =	vsub.f32 $1.500000000e+00, v12  }
0x249: {  	v2 =	vmul.f32 v2, v7;
	v3 =	vadd.f32 v3, v8  }
0x24a: {  	v7 =	vmul.f32 v10, v14;
	v5 =	vmul.f32 v9, v5  }
0x24b: {  	v2 =	vadd.f32 v2, v3;
	v3 =	vmul.f32 v6, v4  }
0x24c: {  	v4 =	vmul.f32 v5, v9;
	v1 =	vmul.f32 v7, v1  }
0x24d: {  	v0 =	vmul.f32 v0, v31  }
0x24e: {  	v2 =	vadd.f32 v3, v2;
	v3 =	vsub.f32 $1.500000000e+00, v4;
	v1 =	vmul.f32 v1, v7;
	_ =	sdelay $0x1  }
0x24f: {  	v0 =	vadd.f32 v0, v2;
	v37 =	vmul.f32 v3, v9;
	v1 =	vsub.f32 $1.500000000e+00, v1;
	_ =	sdelay $0x1  }
0x250: {  	v0 =	vmul.f32 v37, v0;
	v1 =	vmul.f32 v1, v7;
	_ =	sdelay $0x1  }
0x251: {  	v0 =	vmul.f32 v1, v0;
	_ =	sdelay $0x1  }
0x252: {  	v0 =	vmul.f32 $5.000000000e-01, v0;
	_ =	sdelay $0x1  }
0x253: {  	v0 =	vadd.f32 $5.000000000e-01, v0  }
0x254: {  	s20 =	sadd.s32 $0x80, s19  }
0x255: {  	s21 =	sand.u32 $0x380, s20;
	[tilespmem:s17+$0xFFFFFFF0] =	vst v0  }
0x256: {  	v0 =	vld [tilespmem:s21+$0x0];
	_ =	sdelay $0x4  }
0x257: {  	v38 =	vshll.u32 v0, $0x1;
	v0 =	vshrl.u32 v0, $0x4  }
0x258: {  	v1 =	vand.u32 $0xFFFF0000, v38;
	v0 =	vand.u32 $0x7FF, v0  }
0x259: {  	v0 =	vor.u32 v0, v1  }
0x25a: {  	v1 =	vor.u32 $0x800, v0;
	[tilespmem:$0x400] =	vst v0  }
0x25b: {  	v39 =	vor.u32 $0x1000, v0;
	[tilespmem:$0x440] =	vst v1  }
0x25c: {  	v40 =	vor.u32 $0x1800, v0;
	[tilespmem:$0x480] =	vst v39  }
0x25d: {  	v59 =	vor.u32 $0x2000, v0;
	[tilespmem:$0x4C0] =	vst v40  }
0x25e: {  	v62 =	vor.u32 $0x2800, v0;
	[tilespmem:$0x500] =	vst v59  }
0x25f: {  	v32 =	vor.u32 $0x3000, v0;
	[tilespmem:$0x540] =	vst v62  }
0x260: {  	v33 =	vor.u32 $0x3800, v0;
	[tilespmem:$0x580] =	vst v32  }
0x261: {  	v34 =	vor.u32 $0x4000, v0;
	[tilespmem:$0x5C0] =	vst v33  }
0x262: {  	v35 =	vor.u32 $0x4800, v0;
	[tilespmem:$0x600] =	vst v34  }
0x263: {  	v36 =	vor.u32 $0x5000, v0;
	[tilespmem:$0x640] =	vst v35  }
0x264: {  	v37 =	vor.u32 $0x5800, v0;
	[tilespmem:$0x680] =	vst v36  }
0x265: {  	v38 =	vor.u32 $0x6000, v0;
	[tilespmem:$0x6C0] =	vst v37  }
0x266: {  	[tilespmem:$0x700] =	vst v38;
	v39 =	vor.u32 $0x6800, v0  }
0x267: {  	v40 =	vor.u32 $0x7000, v0;
	[tilespmem:$0x740] =	vst v39  }
0x268: {  	v59 =	vor.u32 $0x7800, v0;
	[tilespmem:$0x780] =	vst v40  }
0x269: {  	v62 =	vor.u32 $0x8000, v0;
	[tilespmem:$0x7C0] =	vst v59  }
0x26a: {  	v32 =	vor.u32 $0x8800, v0;
	[tilespmem:$0x800] =	vst v62  }
0x26b: {  	v33 =	vor.u32 $0x9000, v0;
	[tilespmem:$0x840] =	vst v32  }
0x26c: {  	v34 =	vor.u32 $0x9800, v0;
	[tilespmem:$0x880] =	vst v33  }
0x26d: {  	v35 =	vor.u32 $0xA000, v0;
	[tilespmem:$0x8C0] =	vst v34  }
0x26e: {  	v36 =	vor.u32 $0xA800, v0;
	[tilespmem:$0x900] =	vst v35  }
0x26f: {  	v37 =	vor.u32 $0xB000, v0;
	[tilespmem:$0x940] =	vst v36  }
0x270: {  	v38 =	vor.u32 $0xB800, v0;
	[tilespmem:$0x980] =	vst v37  }
0x271: {  	[tilespmem:$0x9C0] =	vst v38;
	v39 =	vor.u32 $0xC000, v0  }
0x272: {  	v40 =	vor.u32 $0xC800, v0;
	[tilespmem:$0xA00] =	vst v39  }
0x273: {  	v59 =	vor.u32 $0xD000, v0;
	[tilespmem:$0xA40] =	vst v40  }
0x274: {  	v62 =	vor.u32 $0xD800, v0;
	[tilespmem:$0xA80] =	vst v59  }
0x275: {  	v32 =	vor.u32 $0xE000, v0;
	[tilespmem:$0xAC0] =	vst v62  }
0x276: {  	v33 =	vor.u32 $0xE800, v0;
	[tilespmem:$0xB00] =	vst v32  }
0x277: {  	v34 =	vor.u32 $0xF000, v0;
	[tilespmem:$0xB40] =	vst v33  }
0x278: {  	v0 =	vor.u32 $0xF800, v0;
	[tilespmem:$0xB80] =	vst v34  }
0x279: {  	[tilespmem:$0xBC0] =	vst v0  }
0x27a: {  	v0 =	vld [tilespmem:s21+$0x10];
	_ =	sdelay $0x4  }
0x27b: {  	v35 =	vshll.u32 v0, $0x1;
	v0 =	vshrl.u32 v0, $0x4  }
0x27c: {  	v1 =	vand.u32 $0xFFFF0000, v35;
	v0 =	vand.u32 $0x7FF, v0  }
0x27d: {  	v0 =	vor.u32 v0, v1  }
0x27e: {  	v1 =	vor.u32 $0x800, v0;
	[tilespmem:$0x410] =	vst v0  }
0x27f: {  	v36 =	vor.u32 $0x1000, v0;
	[tilespmem:$0x450] =	vst v1  }
0x280: {  	v37 =	vor.u32 $0x1800, v0;
	[tilespmem:$0x490] =	vst v36  }
0x281: {  	v38 =	vor.u32 $0x2000, v0;
	[tilespmem:$0x4D0] =	vst v37  }
0x282: {  	v39 =	vor.u32 $0x2800, v0;
	[tilespmem:$0x510] =	vst v38  }
0x283: {  	v40 =	vor.u32 $0x3000, v0;
	[tilespmem:$0x550] =	vst v39  }
0x284: {  	v59 =	vor.u32 $0x3800, v0;
	[tilespmem:$0x590] =	vst v40  }
0x285: {  	v62 =	vor.u32 $0x4000, v0;
	[tilespmem:$0x5D0] =	vst v59  }
0x286: {  	v32 =	vor.u32 $0x4800, v0;
	[tilespmem:$0x610] =	vst v62  }
0x287: {  	v33 =	vor.u32 $0x5000, v0;
	[tilespmem:$0x650] =	vst v32  }
0x288: {  	v34 =	vor.u32 $0x5800, v0;
	[tilespmem:$0x690] =	vst v33  }
0x289: {  	v35 =	vor.u32 $0x6000, v0;
	[tilespmem:$0x6D0] =	vst v34  }
0x28a: {  	[tilespmem:$0x710] =	vst v35;
	v36 =	vor.u32 $0x6800, v0  }
0x28b: {  	v37 =	vor.u32 $0x7000, v0;
	[tilespmem:$0x750] =	vst v36  }
0x28c: {  	v38 =	vor.u32 $0x7800, v0;
	[tilespmem:$0x790] =	vst v37  }
0x28d: {  	v39 =	vor.u32 $0x8000, v0;
	[tilespmem:$0x7D0] =	vst v38  }
0x28e: {  	v40 =	vor.u32 $0x8800, v0;
	[tilespmem:$0x810] =	vst v39  }
0x28f: {  	v59 =	vor.u32 $0x9000, v0;
	[tilespmem:$0x850] =	vst v40  }
0x290: {  	v62 =	vor.u32 $0x9800, v0;
	[tilespmem:$0x890] =	vst v59  }
0x291: {  	v32 =	vor.u32 $0xA000, v0;
	[tilespmem:$0x8D0] =	vst v62  }
0x292: {  	v33 =	vor.u32 $0xA800, v0;
	[tilespmem:$0x910] =	vst v32  }
0x293: {  	v34 =	vor.u32 $0xB000, v0;
	[tilespmem:$0x950] =	vst v33  }
0x294: {  	v35 =	vor.u32 $0xB800, v0;
	[tilespmem:$0x990] =	vst v34  }
0x295: {  	[tilespmem:$0x9D0] =	vst v35;
	v36 =	vor.u32 $0xC000, v0  }
0x296: {  	v37 =	vor.u32 $0xC800, v0;
	[tilespmem:$0xA10] =	vst v36  }
0x297: {  	v38 =	vor.u32 $0xD000, v0;
	[tilespmem:$0xA50] =	vst v37  }
0x298: {  	v39 =	vor.u32 $0xD800, v0;
	[tilespmem:$0xA90] =	vst v38  }
0x299: {  	v40 =	vor.u32 $0xE000, v0;
	[tilespmem:$0xAD0] =	vst v39  }
0x29a: {  	v59 =	vor.u32 $0xE800, v0;
	[tilespmem:$0xB10] =	vst v40  }
0x29b: {  	v62 =	vor.u32 $0xF000, v0;
	[tilespmem:$0xB50] =	vst v59  }
0x29c: {  	v0 =	vor.u32 $0xF800, v0;
	[tilespmem:$0xB90] =	vst v62  }
0x29d: {  	[tilespmem:$0xBD0] =	vst v0  }
0x29e: {  	v0 =	vld [tilespmem:s21+$0x20];
	_ =	sdelay $0x4  }
0x29f: {  	v32 =	vshll.u32 v0, $0x1;
	v0 =	vshrl.u32 v0, $0x4  }
0x2a0: {  	v1 =	vand.u32 $0xFFFF0000, v32;
	v0 =	vand.u32 $0x7FF, v0  }
0x2a1: {  	v0 =	vor.u32 v0, v1  }
0x2a2: {  	v1 =	vor.u32 $0x800, v0;
	[tilespmem:$0x420] =	vst v0  }
0x2a3: {  	v33 =	vor.u32 $0x1000, v0;
	[tilespmem:$0x460] =	vst v1  }
0x2a4: {  	v34 =	vor.u32 $0x1800, v0;
	[tilespmem:$0x4A0] =	vst v33  }
0x2a5: {  	v35 =	vor.u32 $0x2000, v0;
	[tilespmem:$0x4E0] =	vst v34  }
0x2a6: {  	v36 =	vor.u32 $0x2800, v0;
	[tilespmem:$0x520] =	vst v35  }
0x2a7: {  	v37 =	vor.u32 $0x3000, v0;
	[tilespmem:$0x560] =	vst v36  }
0x2a8: {  	v38 =	vor.u32 $0x3800, v0;
	[tilespmem:$0x5A0] =	vst v37  }
0x2a9: {  	v39 =	vor.u32 $0x4000, v0;
	[tilespmem:$0x5E0] =	vst v38  }
0x2aa: {  	v40 =	vor.u32 $0x4800, v0;
	[tilespmem:$0x620] =	vst v39  }
0x2ab: {  	v59 =	vor.u32 $0x5000, v0;
	[tilespmem:$0x660] =	vst v40  }
0x2ac: {  	v62 =	vor.u32 $0x5800, v0;
	[tilespmem:$0x6A0] =	vst v59  }
0x2ad: {  	v32 =	vor.u32 $0x6000, v0;
	[tilespmem:$0x6E0] =	vst v62  }
0x2ae: {  	[tilespmem:$0x720] =	vst v32;
	v33 =	vor.u32 $0x6800, v0  }
0x2af: {  	v34 =	vor.u32 $0x7000, v0;
	[tilespmem:$0x760] =	vst v33  }
0x2b0: {  	v35 =	vor.u32 $0x7800, v0;
	[tilespmem:$0x7A0] =	vst v34  }
0x2b1: {  	v36 =	vor.u32 $0x8000, v0;
	[tilespmem:$0x7E0] =	vst v35  }
0x2b2: {  	v37 =	vor.u32 $0x8800, v0;
	[tilespmem:$0x820] =	vst v36  }
0x2b3: {  	v38 =	vor.u32 $0x9000, v0;
	[tilespmem:$0x860] =	vst v37  }
0x2b4: {  	v39 =	vor.u32 $0x9800, v0;
	[tilespmem:$0x8A0] =	vst v38  }
0x2b5: {  	v40 =	vor.u32 $0xA000, v0;
	[tilespmem:$0x8E0] =	vst v39  }
0x2b6: {  	v59 =	vor.u32 $0xA800, v0;
	[tilespmem:$0x920] =	vst v40  }
0x2b7: {  	v62 =	vor.u32 $0xB000, v0;
	[tilespmem:$0x960] =	vst v59  }
0x2b8: {  	v32 =	vor.u32 $0xB800, v0;
	[tilespmem:$0x9A0] =	vst v62  }
0x2b9: {  	[tilespmem:$0x9E0] =	vst v32;
	v33 =	vor.u32 $0xC000, v0  }
0x2ba: {  	v34 =	vor.u32 $0xC800, v0;
	[tilespmem:$0xA20] =	vst v33  }
0x2bb: {  	v35 =	vor.u32 $0xD000, v0;
	[tilespmem:$0xA60] =	vst v34  }
0x2bc: {  	v36 =	vor.u32 $0xD800, v0;
	[tilespmem:$0xAA0] =	vst v35  }
0x2bd: {  	v37 =	vor.u32 $0xE000, v0;
	[tilespmem:$0xAE0] =	vst v36  }
0x2be: {  	v38 =	vor.u32 $0xE800, v0;
	[tilespmem:$0xB20] =	vst v37  }
0x2bf: {  	v39 =	vor.u32 $0xF000, v0;
	[tilespmem:$0xB60] =	vst v38  }
0x2c0: {  	v0 =	vor.u32 $0xF800, v0;
	[tilespmem:$0xBA0] =	vst v39  }
0x2c1: {  	[tilespmem:$0xBE0] =	vst v0  }
0x2c2: {  	v0 =	vld [tilespmem:s21+$0x30];
	_ =	sdelay $0x4  }
0x2c3: {  	v40 =	vshll.u32 v0, $0x1;
	v0 =	vshrl.u32 v0, $0x4  }
0x2c4: {  	v1 =	vand.u32 $0xFFFF0000, v40;
	v0 =	vand.u32 $0x7FF, v0  }
0x2c5: {  	v0 =	vor.u32 v0, v1  }
0x2c6: {  	v1 =	vor.u32 $0x800, v0;
	[tilespmem:$0x430] =	vst v0  }
0x2c7: {  	v59 =	vor.u32 $0x1000, v0;
	[tilespmem:$0x470] =	vst v1  }
0x2c8: {  	v62 =	vor.u32 $0x1800, v0;
	[tilespmem:$0x4B0] =	vst v59  }
0x2c9: {  	v32 =	vor.u32 $0x2000, v0;
	[tilespmem:$0x4F0] =	vst v62  }
0x2ca: {  	v33 =	vor.u32 $0x2800, v0;
	[tilespmem:$0x530] =	vst v32  }
0x2cb: {  	v34 =	vor.u32 $0x3000, v0;
	[tilespmem:$0x570] =	vst v33  }
0x2cc: {  	v35 =	vor.u32 $0x3800, v0;
	[tilespmem:$0x5B0] =	vst v34  }
0x2cd: {  	v36 =	vor.u32 $0x4000, v0;
	[tilespmem:$0x5F0] =	vst v35  }
0x2ce: {  	v37 =	vor.u32 $0x4800, v0;
	[tilespmem:$0x630] =	vst v36  }
0x2cf: {  	v38 =	vor.u32 $0x5000, v0;
	[tilespmem:$0x670] =	vst v37  }
0x2d0: {  	v39 =	vor.u32 $0x5800, v0;
	[tilespmem:$0x6B0] =	vst v38  }
0x2d1: {  	v40 =	vor.u32 $0x6000, v0;
	[tilespmem:$0x6F0] =	vst v39  }
0x2d2: {  	[tilespmem:$0x730] =	vst v40;
	v59 =	vor.u32 $0x6800, v0  }
0x2d3: {  	v62 =	vor.u32 $0x7000, v0;
	[tilespmem:$0x770] =	vst v59  }
0x2d4: {  	v32 =	vor.u32 $0x7800, v0;
	[tilespmem:$0x7B0] =	vst v62  }
0x2d5: {  	v33 =	vor.u32 $0x8000, v0;
	[tilespmem:$0x7F0] =	vst v32  }
0x2d6: {  	v34 =	vor.u32 $0x8800, v0;
	[tilespmem:$0x830] =	vst v33  }
0x2d7: {  	v35 =	vor.u32 $0x9000, v0;
	[tilespmem:$0x870] =	vst v34  }
0x2d8: {  	v36 =	vor.u32 $0x9800, v0;
	[tilespmem:$0x8B0] =	vst v35  }
0x2d9: {  	v37 =	vor.u32 $0xA000, v0;
	[tilespmem:$0x8F0] =	vst v36  }
0x2da: {  	v38 =	vor.u32 $0xA800, v0;
	[tilespmem:$0x930] =	vst v37  }
0x2db: {  	v39 =	vor.u32 $0xB000, v0;
	[tilespmem:$0x970] =	vst v38  }
0x2dc: {  	v40 =	vor.u32 $0xB800, v0;
	[tilespmem:$0x9B0] =	vst v39  }
0x2dd: {  	[tilespmem:$0x9F0] =	vst v40;
	v59 =	vor.u32 $0xC000, v0  }
0x2de: {  	v62 =	vor.u32 $0xC800, v0;
	[tilespmem:$0xA30] =	vst v59  }
0x2df: {  	v32 =	vor.u32 $0xD000, v0;
	[tilespmem:$0xA70] =	vst v62  }
0x2e0: {  	v33 =	vor.u32 $0xD800, v0;
	[tilespmem:$0xAB0] =	vst v32  }
0x2e1: {  	v34 =	vor.u32 $0xE000, v0;
	[tilespmem:$0xAF0] =	vst v33  }
0x2e2: {  	v35 =	vor.u32 $0xE800, v0;
	v38 =	vld [tilespmem:$0x1FDA0];
	[tilespmem:$0xB30] =	vst v34  }
0x2e3: {  	v36 =	vor.u32 $0xF000, v0;
	[tilespmem:$0xB70] =	vst v35  }
0x2e4: {  	s31 =	sadd.s32 $0x40, s19;
	v0 =	vor.u32 $0xF800, v0;
	[tilespmem:$0xBB0] =	vst v36  }
0x2e5: {  	v37 =	vor.u32 s31, v57;
	[tilespmem:$0xBF0] =	vst v0  }
0x2e6: {  	[tilespmem:s10], [sflag:$0x1] =	stream.indirect.gather [hbm4b:s3+s8], $0x10, s9, s8, $0xb8;
	[tilespmem:$0x11600] =	vst v63  }
0x2e7: {  	_ =	swait.ge [sflag:s14], $0x8000;
	v1 =	vor.u32 s31, v38  }
0x2e8: {  	[sflag:s14] =	ssyncset.done $0x0  }
0x2e9: {  	[sflag:s14] =	ssyncadd.s32 $0xFFFF8000  }
0x2ea: {  	v0 =	vld.idx.msk [tilespmem:v37+s2+$0x0], $0xffff  }
0x2eb: {  	v4 =	vld [tilespmem:$0x1FDC0]  }
0x2ec: {  	v39 =	vld.idx.msk [tilespmem:v1+s2+$0x0], $0xffff  }
0x2ed: {  	v3 =	vld [tilespmem:$0x1FDB0]  }
0x2ee: {  	v5 =	vld [tilespmem:$0x1FDD0]  }
0x2ef: {  	v1 =	vand.u32 $0xF, v0  }
0x2f0: {  	v6 =	vld [tilespmem:$0x1FDE0];
	v40 =	vor.u32 v58, v1  }
0x2f1: {  	v7 =	vld [tilespmem:$0x1FDF0];
	v4 =	vor.u32 v4, v1;
	v0 =	vand.u32 $0xF, v39  }
0x2f2: {  	v8 =	vld [tilespmem:$0x1FE00];
	v3 =	vor.u32 v3, v0  }
0x2f3: {  	v9 =	vld [tilespmem:$0x1FE10];
	v5 =	vor.u32 v5, v0  }
0x2f4: {  	v11 =	vld [tilespmem:$0x1FE20]  }
0x2f5: {  	v2 =	vld.idx.msk [tilespmem:v40+s12+$0x0], $0xffff  }
0x2f6: {  	v4 =	vld.idx.msk [tilespmem:v4+s12+$0x0], $0xffff  }
0x2f7: {  	v6 =	vor.u32 v6, v1;
	v3 =	vld.idx.msk [tilespmem:v3+s12+$0x0], $0xffff  }
0x2f8: {  	v7 =	vor.u32 v7, v0;
	v5 =	vld.idx.msk [tilespmem:v5+s12+$0x0], $0xffff;
	_ =	sdelay $0x1  }
0x2f9: {  	v14 =	vld [tilespmem:$0x1FE40];
	v11 =	vor.u32 v11, v1  }
0x2fa: {  	v12 =	vld [tilespmem:$0x1FE30]  }
0x2fb: {  	v8 =	vor.u32 v8, v1;
	v6 =	vld.idx.msk [tilespmem:v6+s12+$0x0], $0xffff;
	v10 =	vmul.f32 v3, v2;
	v2 =	vmul.f32 v2, v2  }
0x2fc: {  	v9 =	vor.u32 v9, v0;
	v7 =	vld.idx.msk [tilespmem:v7+s12+$0x0], $0xffff;
	v13 =	vmul.f32 v5, v4;
	v4 =	vmul.f32 v4, v4  }
0x2fd: {  	v15 =	vld [tilespmem:$0x1FE50]  }
0x2fe: {  	v14 =	vor.u32 v14, v1;
	v2 =	vadd.f32 v4, v2;
	v4 =	vld.idx.msk [tilespmem:v11+s12+$0x0], $0xffff  }
0x2ff: {  	v3 =	vmul.f32 v3, v3;
	v5 =	vmul.f32 v5, v5;
	v10 =	vadd.f32 $0.0e+00, v10;
	v11 =	vld [tilespmem:$0x1FE60]  }
0x300: {  	v12 =	vor.u32 v12, v0;
	v8 =	vld.idx.msk [tilespmem:v8+s12+$0x0], $0xffff  }
0x301: {  	v9 =	vld.idx.msk [tilespmem:v9+s12+$0x0], $0xffff;
	v3 =	vadd.f32 v5, v3;
	v5 =	vmul.f32 v7, v6;
	v10 =	vadd.f32 v13, v10  }
0x302: {  	v15 =	vor.u32 v15, v0;
	v13 =	vld [tilespmem:$0x1FE70]  }
0x303: {  	v5 =	vadd.f32 v5, v10;
	v10 =	vld.idx.msk [tilespmem:v14+s12+$0x0], $0xffff  }
0x304: {  	v6 =	vmul.f32 v6, v6;
	v14 =	vld [tilespmem:$0x1FE80];
	v11 =	vor.u32 v11, v1  }
0x305: {  	v7 =	vmul.f32 v7, v7  }
0x306: {  	v12 =	vld.idx.msk [tilespmem:v12+s12+$0x0], $0xffff;
	v2 =	vadd.f32 v6, v2  }
0x307: {  	v3 =	vadd.f32 v7, v3;
	v6 =	vld.idx.msk [tilespmem:v15+s12+$0x0], $0xffff;
	v7 =	vmul.f32 v9, v8;
	v13 =	vor.u32 v13, v0  }
0x308: {  	v15 =	vld [tilespmem:$0x1FEB0]  }
0x309: {  	v9 =	vmul.f32 v9, v9;
	v5 =	vadd.f32 v7, v5;
	v14 =	vor.u32 v14, v1;
	v7 =	vld.idx.msk [tilespmem:v11+s12+$0x0], $0xffff  }
0x30a: {  	v8 =	vmul.f32 v8, v8;
	v11 =	vld [tilespmem:$0x1FE90]  }
0x30b: {  	v3 =	vadd.f32 v9, v3;
	v9 =	vmul.f32 v12, v4  }
0x30c: {  	v2 =	vadd.f32 v8, v2;
	v4 =	vmul.f32 v4, v4;
	v8 =	vld.idx.msk [tilespmem:v13+s12+$0x0], $0xffff  }
0x30d: {  	v15 =	vor.u32 v15, v0;
	v5 =	vadd.f32 v9, v5;
	v9 =	vmul.f32 v6, v10;
	v13 =	vld [tilespmem:$0x1FEA0]  }
0x30e: {  	v12 =	vmul.f32 v12, v12;
	v2 =	vadd.f32 v4, v2;
	v4 =	vld.idx.msk [tilespmem:v14+s12+$0x0], $0xffff  }
0x30f: {  	v5 =	vadd.f32 v9, v5;
	v9 =	vmul.f32 v10, v10;
	v14 =	vld [tilespmem:$0x1FED0];
	v11 =	vor.u32 v11, v0  }
0x310: {  	v3 =	vadd.f32 v12, v3;
	v6 =	vmul.f32 v6, v6  }
0x311: {  	v2 =	vadd.f32 v9, v2;
	v12 =	vmul.f32 v8, v7;
	v7 =	vmul.f32 v7, v7  }
0x312: {  	v3 =	vadd.f32 v6, v3;
	v6 =	vld.idx.msk [tilespmem:v15+s12+$0x0], $0xffff  }
0x313: {  	v13 =	vor.u32 v13, v1;
	v2 =	vadd.f32 v7, v2;
	v7 =	vmul.f32 v8, v8;
	v8 =	vld [tilespmem:$0x1FEF0]  }
0x314: {  	v14 =	vor.u32 v14, v0;
	v10 =	vld.idx.msk [tilespmem:v11+s12+$0x0], $0xffff  }
0x315: {  	v11 =	vld [tilespmem:$0x1FEC0]  }
0x316: {  	v5 =	vadd.f32 v12, v5;
	v12 =	vld [tilespmem:$0x1FEE0]  }
0x317: {  	v15 =	vld [tilespmem:$0x1FF00]  }
0x318: {  	v9 =	vld.idx.msk [tilespmem:v13+s12+$0x0], $0xffff  }
0x319: {  	v3 =	vadd.f32 v7, v3;
	v8 =	vor.u32 v8, v0;
	v7 =	vld.idx.msk [tilespmem:v14+s12+$0x0], $0xffff  }
0x31a: {  	v14 =	vld [tilespmem:$0x1FF10];
	v11 =	vor.u32 v11, v1;
	v13 =	vmul.f32 v10, v4;
	v4 =	vmul.f32 v4, v4  }
0x31b: {  	v12 =	vor.u32 v12, v1  }
0x31c: {  	v5 =	vadd.f32 v13, v5;
	v2 =	vadd.f32 v4, v2;
	v4 =	vmul.f32 v10, v10;
	v13 =	vld [tilespmem:$0x1FF20]  }
0x31d: {  	v15 =	vor.u32 v15, v1  }
0x31e: {  	v3 =	vadd.f32 v4, v3;
	v4 =	vld.idx.msk [tilespmem:v8+s12+$0x0], $0xffff  }
0x31f: {  	v14 =	vor.u32 v14, v0;
	v11 =	vld.idx.msk [tilespmem:v11+s12+$0x0], $0xffff  }
0x320: {  	v10 =	vmul.f32 v6, v9;
	v9 =	vmul.f32 v9, v9;
	v8 =	vld [tilespmem:$0x1FF30]  }
0x321: {  	v12 =	vld.idx.msk [tilespmem:v12+s12+$0x0], $0xffff;
	v13 =	vor.u32 v13, v1  }
0x322: {  	v6 =	vmul.f32 v6, v6;
	v2 =	vadd.f32 v9, v2;
	v9 =	vld.idx.msk [tilespmem:v15+s12+$0x0], $0xffff  }
0x323: {  	v15 =	vld [tilespmem:$0x1FF40]  }
0x324: {  	v5 =	vadd.f32 v10, v5;
	v3 =	vadd.f32 v6, v3;
	v14 =	vld.idx.msk [tilespmem:v14+s12+$0x0], $0xffff;
	v10 =	vmul.f32 v7, v11  }
0x325: {  	v6 =	vmul.f32 v7, v7;
	v8 =	vor.u32 v8, v0;
	v11 =	vmul.f32 v11, v11;
	v7 =	vld [tilespmem:$0x1FF50]  }
0x326: {  	v5 =	vadd.f32 v10, v5;
	v10 =	vld.idx.msk [tilespmem:v13+s12+$0x0], $0xffff  }
0x327: {  	v2 =	vadd.f32 v11, v2;
	v11 =	vld [tilespmem:$0x1FF60]  }
0x328: {  	v15 =	vor.u32 v15, v1;
	v13 =	vld [tilespmem:$0x1FF70];
	_ =	sdelay $0x1  }
0x329: {  	v3 =	vadd.f32 v6, v3;
	v6 =	vld.idx.msk [tilespmem:v8+s12+$0x0], $0xffff;
	v8 =	vmul.f32 v4, v12;
	v12 =	vmul.f32 v12, v12  }
0x32a: {  	v7 =	vor.u32 v7, v0  }
0x32b: {  	v4 =	vmul.f32 v4, v4;
	v2 =	vadd.f32 v12, v2;
	v12 =	vld [tilespmem:$0x1FF80];
	v11 =	vor.u32 v11, v1  }
0x32c: {  	v5 =	vadd.f32 v8, v5;
	v8 =	vld.idx.msk [tilespmem:v15+s12+$0x0], $0xffff;
	v15 =	vmul.f32 v14, v9;
	v13 =	vor.u32 v13, v0  }
0x32d: {  	v3 =	vadd.f32 v4, v3;
	v4 =	vmul.f32 v9, v9;
	v9 =	vmul.f32 v14, v14;
	v14 =	vld [tilespmem:$0x1FF90]  }
0x32e: {  	v5 =	vadd.f32 v15, v5;
	v15 =	vld [tilespmem:$0x1FFC0]  }
0x32f: {  	v7 =	vld.idx.msk [tilespmem:v7+s12+$0x0], $0xffff  }
0x330: {  	v2 =	vadd.f32 v4, v2;
	v12 =	vor.u32 v12, v1;
	v4 =	vld.idx.msk [tilespmem:v11+s12+$0x0], $0xffff  }
0x331: {  	v3 =	vadd.f32 v9, v3;
	v9 =	vmul.f32 v10, v10;
	v11 =	vmul.f32 v6, v10;
	v10 =	vld.idx.msk [tilespmem:v13+s12+$0x0], $0xffff  }
0x332: {  	v13 =	vld [tilespmem:$0x1FFA0]  }
0x333: {  	v6 =	vmul.f32 v6, v6;
	v5 =	vadd.f32 v11, v5;
	v11 =	vld [tilespmem:$0x1FFB0]  }
0x334: {  	v2 =	vadd.f32 v9, v2;
	v15 =	vor.u32 v15, v1  }
0x335: {  	v3 =	vadd.f32 v6, v3;
	v6 =	vmul.f32 v8, v8;
	v9 =	vmul.f32 v7, v8;
	v8 =	vld.idx.msk [tilespmem:v12+s12+$0x0], $0xffff  }
0x336: {  	v14 =	vor.u32 v14, v0;
	v12 =	vld [tilespmem:$0x1FFE0]  }
0x337: {  	v13 =	vor.u32 v13, v1  }
0x338: {  	v11 =	vor.u32 v11, v0;
	_ =	sdelay $0x1  }
0x339: {  	v7 =	vmul.f32 v7, v7;
	v17 =	vld.idx.msk [tilespmem:v15+s12+$0x0], $0xffff;
	v15 =	vor.u32 v44, v0  }
0x33a: {  	v2 =	vadd.f32 v6, v2;
	v5 =	vadd.f32 v9, v5;
	v9 =	vld.idx.msk [tilespmem:v14+s12+$0x0], $0xffff;
	v12 =	vor.u32 v12, v0  }
0x33b: {  	v14 =	vor.u32 v41, v1;
	v6 =	vld.idx.msk [tilespmem:v13+s12+$0x0], $0xffff;
	v13 =	vmul.f32 v10, v4;
	v4 =	vmul.f32 v4, v4  }
0x33c: {  	v16 =	vor.u32 v42, v0;
	v3 =	vadd.f32 v7, v3;
	v7 =	vld.idx.msk [tilespmem:v11+s12+$0x0], $0xffff  }
0x33d: {  	v2 =	vadd.f32 v4, v2;
	v4 =	vld [tilespmem:$0x1FFD0]  }
0x33e: {  	v10 =	vmul.f32 v10, v10;
	v15 =	vld.idx.msk [tilespmem:v15+s12+$0x0], $0xffff;
	v11 =	vor.u32 v43, v1  }
0x33f: {  	v21 =	vor.u32 v45, v1;
	v5 =	vadd.f32 v13, v5;
	v13 =	vld.idx.msk [tilespmem:v12+s12+$0x0], $0xffff;
	v12 =	vmul.f32 v8, v8  }
0x340: {  	v22 =	vor.u32 v46, v0;
	v3 =	vadd.f32 v10, v3;
	v10 =	vld.idx.msk [tilespmem:v14+s12+$0x0], $0xffff;
	v14 =	vmul.f32 v9, v9  }
0x341: {  	v24 =	vor.u32 v47, v1;
	v2 =	vadd.f32 v12, v2;
	v12 =	vld.idx.msk [tilespmem:v16+s12+$0x0], $0xffff;
	v16 =	vmul.f32 v6, v6  }
0x342: {  	v3 =	vadd.f32 v14, v3;
	v14 =	vmul.f32 v7, v7;
	v59 =	vor.u32 v4, v1;
	v4 =	vld [tilespmem:$0x1FFF0]  }
0x343: {  	v26 =	vor.u32 v49, v1;
	v11 =	vld.idx.msk [tilespmem:v11+s12+$0x0], $0xffff;
	v2 =	vadd.f32 v16, v2;
	v16 =	vmul.f32 v17, v17  }
0x344: {  	v25 =	vor.u32 v48, v0;
	v3 =	vadd.f32 v14, v3;
	v14 =	vld.idx.msk [tilespmem:v21+s12+$0x0], $0xffff;
	v21 =	vmul.f32 v13, v13  }
0x345: {  	v28 =	vor.u32 v51, v1;
	v2 =	vadd.f32 v16, v2;
	v16 =	vld.idx.msk [tilespmem:v22+s12+$0x0], $0xffff  }
0x346: {  	v27 =	vor.u32 v50, v0;
	v3 =	vadd.f32 v21, v3;
	v21 =	vld.idx.msk [tilespmem:v24+s12+$0x0], $0xffff;
	v24 =	vmul.f32 v12, v12  }
0x347: {  	v30 =	vor.u32 v53, v1;
	v22 =	vmul.f32 v10, v10;
	v34 =	vor.u32 v4, v1;
	v4 =	vld [tilespmem:$0x1F950]  }
0x348: {  	v3 =	vadd.f32 v24, v3;
	v24 =	vld.idx.msk [tilespmem:v26+s12+$0x0], $0xffff;
	v26 =	vmul.f32 v15, v15  }
0x349: {  	v2 =	vadd.f32 v22, v2;
	v22 =	vld.idx.msk [tilespmem:v25+s12+$0x0], $0xffff;
	v25 =	vmul.f32 v11, v11  }
0x34a: {  	v29 =	vor.u32 v52, v0;
	v3 =	vadd.f32 v26, v3;
	v26 =	vld.idx.msk [tilespmem:v28+s12+$0x0], $0xffff;
	v28 =	vmul.f32 v16, v16  }
0x34b: {  	v2 =	vadd.f32 v25, v2;
	v25 =	vld.idx.msk [tilespmem:v27+s12+$0x0], $0xffff  }
0x34c: {  	v31 =	vor.u32 v55, v0;
	v3 =	vadd.f32 v28, v3;
	v28 =	vld.idx.msk [tilespmem:v30+s12+$0x0], $0xffff  }
0x34d: {  	v27 =	vmul.f32 v14, v14;
	v30 =	vor.u32 v4, v0;
	v4 =	vld [tilespmem:$0x1F960];
	_ =	sdelay $0x1  }
0x34e: {  	v2 =	vadd.f32 v27, v2;
	v27 =	vld.idx.msk [tilespmem:v29+s12+$0x0], $0xffff;
	v29 =	vmul.f32 v21, v21;
	_ =	sdelay $0x1  }
0x34f: {  	v2 =	vadd.f32 v29, v2;
	v29 =	vld.idx.msk [tilespmem:v31+s12+$0x0], $0xffff  }
0x350: {  	v31 =	vor.u32 v4, v1;
	v4 =	vld [tilespmem:$0x1F970];
	_ =	sdelay $0x4  }
0x351: {  	v35 =	vor.u32 v4, v0;
	v4 =	vld [tilespmem:$0x1F980];
	_ =	sdelay $0x4  }
0x352: {  	v36 =	vor.u32 v4, v1;
	v4 =	vld [tilespmem:$0x1F990];
	_ =	sdelay $0x4  }
0x353: {  	v37 =	vor.u32 v4, v0;
	v4 =	vld [tilespmem:$0x1F9A0];
	_ =	sdelay $0x1  }
0x354: {  	v62 =	vmul.f32 v22, v22  }
0x355: {  	v40 =	vmul.f32 v24, v24  }
0x356: {  	v32 =	vld.idx.msk [tilespmem:v59+s12+$0x0], $0xffff;
	v3 =	vadd.f32 v62, v3  }
0x357: {  	v2 =	vadd.f32 v40, v2;
	v62 =	vmul.f32 v26, v26;
	v38 =	vor.u32 v4, v1;
	v4 =	vld [tilespmem:$0x1F9B0];
	_ =	sdelay $0x1  }
0x358: {  	v2 =	vadd.f32 v62, v2;
	v62 =	vmul.f32 v28, v28  }
0x359: {  	v33 =	vor.u32 v56, v0  }
0x35a: {  	v34 =	vld.idx.msk [tilespmem:v34+s12+$0x0], $0xffff;
	v2 =	vadd.f32 v62, v2;
	v62 =	vmul.f32 v32, v32  }
0x35b: {  	v39 =	vor.u32 v4, v0;
	v4 =	vld [tilespmem:$0x1F9C0]  }
0x35c: {  	v2 =	vadd.f32 v62, v2;
	v62 =	vld [tilespmem:$0x1F9E0];
	_ =	sdelay $0x1  }
0x35d: {  	v33 =	vld.idx.msk [tilespmem:v33+s12+$0x0], $0xffff;
	v59 =	vmul.f32 v25, v25  }
0x35e: {  	v30 =	vld.idx.msk [tilespmem:v30+s12+$0x0], $0xffff  }
0x35f: {  	v3 =	vadd.f32 v59, v3;
	v40 =	vor.u32 v4, v1;
	v4 =	vld [tilespmem:$0x1F9D0]  }
0x360: {  	v59 =	vmul.f32 v27, v27;
	v31 =	vld.idx.msk [tilespmem:v31+s12+$0x0], $0xffff;
	v1 =	vor.u32 v62, v1;
	v62 =	vmul.f32 v34, v34  }
0x361: {  	v35 =	vld.idx.msk [tilespmem:v35+s12+$0x0], $0xffff  }
0x362: {  	v3 =	vadd.f32 v59, v3;
	v59 =	vmul.f32 v29, v29;
	v2 =	vadd.f32 v62, v2;
	v62 =	vld [tilespmem:$0x1F9F0]  }
0x363: {  	v36 =	vld.idx.msk [tilespmem:v36+s12+$0x0], $0xffff  }
0x364: {  	v8 =	vmul.f32 v9, v8;
	v3 =	vadd.f32 v59, v3;
	v37 =	vld.idx.msk [tilespmem:v37+s12+$0x0], $0xffff;
	v59 =	vor.u32 v4, v0  }
0x365: {  	v9 =	vld.idx.msk [tilespmem:v38+s12+$0x0], $0xffff;
	v4 =	vmov v57;
	v57 =	vmul.f32 v33, v33  }
0x366: {  	v5 =	vadd.f32 v8, v5;
	v38 =	vmul.f32 v30, v30;
	v39 =	vld.idx.msk [tilespmem:v39+s12+$0x0], $0xffff  }
0x367: {  	v8 =	vld.idx.msk [tilespmem:v40+s12+$0x0], $0xffff;
	v3 =	vadd.f32 v57, v3;
	v0 =	vor.u32 v62, v0;
	v57 =	vmul.f32 v31, v31  }
0x368: {  	v6 =	vmul.f32 v7, v6;
	v1 =	vld.idx.msk [tilespmem:v1+s12+$0x0], $0xffff;
	v62 =	vmul.f32 v35, v35  }
0x369: {  	v3 =	vadd.f32 v38, v3;
	v2 =	vadd.f32 v57, v2;
	v7 =	vld.idx.msk [tilespmem:v59+s12+$0x0], $0xffff;
	v59 =	vmul.f32 v36, v36  }
0x36a: {  	v5 =	vadd.f32 v6, v5;
	v6 =	vmul.f32 v9, v9  }
0x36b: {  	v3 =	vadd.f32 v62, v3;
	v62 =	vmul.f32 v37, v37;
	v2 =	vadd.f32 v59, v2  }
0x36c: {  	v57 =	vmov v4;
	v4 =	vmul.f32 v13, v17;
	v13 =	vmul.f32 v39, v39;
	v0 =	vld.idx.msk [tilespmem:v0+s12+$0x0], $0xffff  }
0x36d: {  	v3 =	vadd.f32 v62, v3;
	v2 =	vadd.f32 v6, v2;
	v6 =	vmul.f32 v8, v8  }
0x36e: {  	v4 =	vadd.f32 v4, v5;
	v5 =	vmul.f32 v12, v10;
	v10 =	vmul.f32 v1, v1  }
0x36f: {  	v3 =	vadd.f32 v13, v3;
	v2 =	vadd.f32 v6, v2;
	v6 =	vmul.f32 v7, v7  }
0x370: {  	v4 =	vadd.f32 v5, v4;
	v5 =	vmul.f32 v15, v11  }
0x371: {  	v3 =	vadd.f32 v6, v3;
	v2 =	vadd.f32 v10, v2;
	v6 =	vmul.f32 v0, v0  }
0x372: {  	v4 =	vadd.f32 v5, v4;
	v5 =	vmul.f32 v16, v14  }
0x373: {  	v3 =	vadd.f32 v6, v3;
	v2 =	vmax.f32 v2, $1.000000020e-16  }
0x374: {  	v4 =	vadd.f32 v5, v4;
	v5 =	vshra.s32 v2, $0x1;
	v2 =	vmul.f32 $5.000000000e-01, v2  }
0x375: {  	v6 =	vmul.f32 v22, v21;
	v5 =	vsub.s32 $0x5F3759DF, v5;
	v3 =	vmax.f32 v3, $1.000000020e-16  }
0x376: {  	v10 =	vshra.s32 v3, $0x1;
	v3 =	vmul.f32 $5.000000000e-01, v3;
	v11 =	vmul.f32 v5, v2  }
0x377: {  	v4 =	vadd.f32 v6, v4;
	v6 =	vmul.f32 v25, v24;
	v10 =	vsub.s32 $0x5F3759DF, v10  }
0x378: {  	v11 =	vmul.f32 v5, v11;
	v12 =	vmul.f32 v10, v3  }
0x379: {  	v4 =	vadd.f32 v6, v4;
	v6 =	vmul.f32 v27, v26  }
0x37a: {  	v11 =	vsub.f32 $1.500000000e+00, v11;
	v12 =	vmul.f32 v10, v12  }
0x37b: {  	v4 =	vadd.f32 v6, v4;
	v6 =	vmul.f32 v29, v28  }
0x37c: {  	v5 =	vmul.f32 v5, v11;
	v11 =	vsub.f32 $1.500000000e+00, v12  }
0x37d: {  	v4 =	vadd.f32 v6, v4;
	v6 =	vmul.f32 v33, v32  }
0x37e: {  	v10 =	vmul.f32 v10, v11;
	v11 =	vmul.f32 v5, v2  }
0x37f: {  	v4 =	vadd.f32 v6, v4;
	v6 =	vmul.f32 v30, v34  }
0x380: {  	v11 =	vmul.f32 v11, v5;
	v12 =	vmul.f32 v10, v3  }
0x381: {  	v4 =	vadd.f32 v6, v4;
	v6 =	vmul.f32 v35, v31  }
0x382: {  	v11 =	vsub.f32 $1.500000000e+00, v11;
	v12 =	vmul.f32 v12, v10  }
0x383: {  	v4 =	vadd.f32 v6, v4;
	v6 =	vmul.f32 v37, v36  }
0x384: {  	v5 =	vmul.f32 v11, v5;
	v11 =	vsub.f32 $1.500000000e+00, v12  }
0x385: {  	v4 =	vadd.f32 v6, v4;
	v6 =	vmul.f32 v39, v9  }
0x386: {  	v9 =	vmul.f32 v11, v10;
	v2 =	vmul.f32 v5, v2  }
0x387: {  	v4 =	vadd.f32 v6, v4;
	v6 =	vmul.f32 v7, v8  }
0x388: {  	v2 =	vmul.f32 v2, v5;
	v3 =	vmul.f32 v9, v3  }
0x389: {  	v0 =	vmul.f32 v0, v1  }
0x38a: {  	v4 =	vadd.f32 v6, v4;
	v33 =	vsub.f32 $1.500000000e+00, v2;
	v34 =	vmul.f32 v3, v9;
	_ =	sdelay $0x1  }
0x38b: {  	v0 =	vadd.f32 v0, v4;
	v1 =	vmul.f32 v33, v5;
	v2 =	vsub.f32 $1.500000000e+00, v34  }
0x38c: {  	v36 =	vld [tilespmem:$0x1FA00]  }
0x38d: {  	v37 =	vld [tilespmem:$0x1FA10];
	v0 =	vmul.f32 v1, v0;
	v35 =	vmul.f32 v2, v9;
	_ =	sdelay $0x1  }
0x38e: {  	v0 =	vmul.f32 v35, v0  }
0x38f: {  	v38 =	vld [tilespmem:$0x1FA20]  }
0x390: {  	v17 =	vld [tilespmem:$0x1FCA0];
	v1 =	vor.u32 s31, v36;
	v0 =	vmul.f32 $5.000000000e-01, v0  }
0x391: {  	v59 =	vld [tilespmem:$0x1FA30];
	v2 =	vor.u32 s31, v37  }
0x392: {  	v15 =	vld [tilespmem:$0x1FAD0];
	v0 =	vadd.f32 $5.000000000e-01, v0  }
0x393: {  	v14 =	vld [tilespmem:$0x1FAC0]  }
0x394: {  	v16 =	vld [tilespmem:$0x1FC70];
	[tilespmem:s17+$0x0] =	vst v0  }
0x395: {  	v0 =	vld.idx.msk [tilespmem:v1+s2+$0x0], $0xffff  }
0x396: {  	v2 =	vld.idx.msk [tilespmem:v2+s2+$0x0], $0xffff  }
0x397: {  	v12 =	vld [tilespmem:$0x1FAB0]  }
0x398: {  	v4 =	vld [tilespmem:$0x1FA40]  }
0x399: {  	v5 =	vld [tilespmem:$0x1FA50]  }
0x39a: {  	v6 =	vld [tilespmem:$0x1FA60];
	v1 =	vand.u32 $0xF, v0  }
0x39b: {  	v7 =	vld [tilespmem:$0x1FA70];
	v0 =	vand.u32 $0xF, v2;
	v3 =	vor.u32 v38, v1  }
0x39c: {  	v8 =	vld [tilespmem:$0x1FA80];
	v2 =	vor.u32 v59, v0  }
0x39d: {  	v11 =	vld [tilespmem:$0x1FAA0];
	v4 =	vor.u32 v4, v1  }
0x39e: {  	v9 =	vld [tilespmem:$0x1FA90];
	v5 =	vor.u32 v5, v0  }
0x39f: {  	v6 =	vor.u32 v6, v1;
	v21 =	vor.u32 v17, v1;
	v17 =	vld [tilespmem:$0x1FCB0]  }
0x3a0: {  	v7 =	vor.u32 v7, v0;
	v3 =	vld.idx.msk [tilespmem:v3+s12+$0x0], $0xffff  }
0x3a1: {  	v2 =	vld.idx.msk [tilespmem:v2+s12+$0x0], $0xffff  }
0x3a2: {  	v8 =	vor.u32 v8, v1;
	v4 =	vld.idx.msk [tilespmem:v4+s12+$0x0], $0xffff  }
0x3a3: {  	v9 =	vor.u32 v9, v0;
	v5 =	vld.idx.msk [tilespmem:v5+s12+$0x0], $0xffff  }
0x3a4: {  	v12 =	vor.u32 v12, v0;
	v6 =	vld.idx.msk [tilespmem:v6+s12+$0x0], $0xffff  }
0x3a5: {  	v16 =	vor.u32 v16, v0;
	v7 =	vld.idx.msk [tilespmem:v7+s12+$0x0], $0xffff  }
0x3a6: {  	v22 =	vor.u32 v17, v0;
	v17 =	vld [tilespmem:$0x1FCC0]  }
0x3a7: {  	v11 =	vor.u32 v11, v1;
	v8 =	vld.idx.msk [tilespmem:v8+s12+$0x0], $0xffff  }
0x3a8: {  	v9 =	vld.idx.msk [tilespmem:v9+s12+$0x0], $0xffff  }
0x3a9: {  	v12 =	vld.idx.msk [tilespmem:v12+s12+$0x0], $0xffff;
	v10 =	vmul.f32 v2, v3;
	v3 =	vmul.f32 v3, v3  }
0x3aa: {  	v15 =	vor.u32 v15, v0;
	v16 =	vld.idx.msk [tilespmem:v16+s12+$0x0], $0xffff;
	v13 =	vmul.f32 v5, v4;
	v4 =	vmul.f32 v4, v4  }
0x3ab: {  	v2 =	vmul.f32 v2, v2;
	v5 =	vmul.f32 v5, v5;
	v24 =	vor.u32 v17, v1;
	v17 =	vld [tilespmem:$0x1FCD0]  }
0x3ac: {  	v14 =	vor.u32 v14, v1;
	v10 =	vadd.f32 $0.0e+00, v10;
	v3 =	vadd.f32 v4, v3;
	v4 =	vld.idx.msk [tilespmem:v11+s12+$0x0], $0xffff  }
0x3ad: {  	v2 =	vadd.f32 v5, v2;
	v5 =	vld [tilespmem:$0x1FAE0];
	v11 =	vmul.f32 v7, v6;
	v7 =	vmul.f32 v7, v7  }
0x3ae: {  	v6 =	vmul.f32 v6, v6;
	v10 =	vadd.f32 v13, v10;
	v13 =	vld [tilespmem:$0x1FAF0]  }
0x3af: {  	v2 =	vadd.f32 v7, v2;
	v7 =	vld.idx.msk [tilespmem:v15+s12+$0x0], $0xffff  }
0x3b0: {  	v3 =	vadd.f32 v6, v3;
	v25 =	vor.u32 v17, v0;
	v17 =	vld [tilespmem:$0x1FCE0]  }
0x3b1: {  	v6 =	vmul.f32 v9, v8;
	v8 =	vmul.f32 v8, v8;
	v10 =	vadd.f32 v11, v10;
	v11 =	vld.idx.msk [tilespmem:v14+s12+$0x0], $0xffff  }
0x3b2: {  	v14 =	vld [tilespmem:$0x1FB00];
	v5 =	vor.u32 v5, v1  }
0x3b3: {  	v21 =	vld.idx.msk [tilespmem:v21+s12+$0x0], $0xffff;
	v3 =	vadd.f32 v8, v3  }
0x3b4: {  	v15 =	vld [tilespmem:$0x1FB30];
	v8 =	vmul.f32 v12, v4;
	v6 =	vadd.f32 v6, v10;
	v13 =	vor.u32 v13, v0  }
0x3b5: {  	v10 =	vld [tilespmem:$0x1FB10]  }
0x3b6: {  	v6 =	vadd.f32 v8, v6;
	v26 =	vor.u32 v17, v1;
	v17 =	vld [tilespmem:$0x1FCF0];
	v8 =	vmul.f32 v7, v11  }
0x3b7: {  	v9 =	vmul.f32 v9, v9;
	v14 =	vor.u32 v14, v1;
	v5 =	vld.idx.msk [tilespmem:v5+s12+$0x0], $0xffff  }
0x3b8: {  	v6 =	vadd.f32 v8, v6;
	v8 =	vmul.f32 v11, v11;
	v11 =	vld [tilespmem:$0x1FB40]  }
0x3b9: {  	v2 =	vadd.f32 v9, v2;
	v15 =	vor.u32 v15, v0;
	v9 =	vld.idx.msk [tilespmem:v13+s12+$0x0], $0xffff  }
0x3ba: {  	v4 =	vmul.f32 v4, v4;
	v12 =	vmul.f32 v12, v12;
	v10 =	vor.u32 v10, v0;
	v13 =	vld [tilespmem:$0x1FB20]  }
0x3bb: {  	v27 =	vor.u32 v17, v0;
	v17 =	vld [tilespmem:$0x1FD00]  }
0x3bc: {  	v3 =	vadd.f32 v4, v3;
	v2 =	vadd.f32 v12, v2;
	v7 =	vmul.f32 v7, v7;
	v4 =	vld.idx.msk [tilespmem:v14+s12+$0x0], $0xffff  }
0x3bd: {  	v14 =	vld [tilespmem:$0x1FB50]  }
0x3be: {  	v2 =	vadd.f32 v7, v2;
	v7 =	vld.idx.msk [tilespmem:v15+s12+$0x0], $0xffff  }
0x3bf: {  	v10 =	vld.idx.msk [tilespmem:v10+s12+$0x0], $0xffff;
	v11 =	vor.u32 v11, v1;
	v12 =	vmul.f32 v9, v5  }
0x3c0: {  	v3 =	vadd.f32 v8, v3;
	v5 =	vmul.f32 v5, v5;
	v28 =	vor.u32 v17, v1;
	v17 =	vld [tilespmem:$0x1FD10]  }
0x3c1: {  	v13 =	vor.u32 v13, v1;
	v6 =	vadd.f32 v12, v6;
	v12 =	vld [tilespmem:$0x1FB60]  }
0x3c2: {  	v14 =	vor.u32 v14, v0;
	v3 =	vadd.f32 v5, v3;
	v5 =	vmul.f32 v9, v9;
	v9 =	vld [tilespmem:$0x1FB70]  }
0x3c3: {  	v15 =	vld [tilespmem:$0x1FB80]  }
0x3c4: {  	v11 =	vld.idx.msk [tilespmem:v11+s12+$0x0], $0xffff  }
0x3c5: {  	v29 =	vor.u32 v17, v0;
	v17 =	vld [tilespmem:$0x1FD20]  }
0x3c6: {  	v8 =	vld.idx.msk [tilespmem:v13+s12+$0x0], $0xffff;
	v12 =	vor.u32 v12, v1  }
0x3c7: {  	v2 =	vadd.f32 v5, v2;
	v13 =	vmul.f32 v10, v4;
	v9 =	vor.u32 v9, v0;
	v5 =	vld.idx.msk [tilespmem:v14+s12+$0x0], $0xffff  }
0x3c8: {  	v4 =	vmul.f32 v4, v4;
	v14 =	vld [tilespmem:$0x1FB90]  }
0x3c9: {  	v15 =	vor.u32 v15, v1;
	v6 =	vadd.f32 v13, v6;
	v13 =	vld [tilespmem:$0x1FBA0]  }
0x3ca: {  	v3 =	vadd.f32 v4, v3;
	v4 =	vmul.f32 v10, v10;
	v30 =	vor.u32 v17, v1;
	v17 =	vld [tilespmem:$0x1FD30]  }
0x3cb: {  	v12 =	vld.idx.msk [tilespmem:v12+s12+$0x0], $0xffff  }
0x3cc: {  	v2 =	vadd.f32 v4, v2;
	v10 =	vmul.f32 v7, v8;
	v8 =	vmul.f32 v8, v8;
	v4 =	vld.idx.msk [tilespmem:v9+s12+$0x0], $0xffff  }
0x3cd: {  	v7 =	vmul.f32 v7, v7;
	v9 =	vld [tilespmem:$0x1FBB0]  }
0x3ce: {  	v14 =	vor.u32 v14, v0;
	v13 =	vor.u32 v13, v1;
	v3 =	vadd.f32 v8, v3;
	v8 =	vld.idx.msk [tilespmem:v15+s12+$0x0], $0xffff  }
0x3cf: {  	v6 =	vadd.f32 v10, v6;
	v10 =	vmul.f32 v5, v11;
	v11 =	vmul.f32 v11, v11;
	v15 =	vld [tilespmem:$0x1FBC0]  }
0x3d0: {  	v2 =	vadd.f32 v7, v2;
	v7 =	vld [tilespmem:$0x1FBD0]  }
0x3d1: {  	v62 =	vor.u32 v54, v1;
	v3 =	vadd.f32 v11, v3;
	v11 =	vld [tilespmem:$0x1FBE0]  }
0x3d2: {  	v5 =	vmul.f32 v5, v5;
	v31 =	vor.u32 v17, v0;
	v17 =	vld [tilespmem:$0x1FD40]  }
0x3d3: {  	v14 =	vld.idx.msk [tilespmem:v14+s12+$0x0], $0xffff  }
0x3d4: {  	v6 =	vadd.f32 v10, v6;
	v2 =	vadd.f32 v5, v2;
	v9 =	vor.u32 v9, v0;
	v10 =	vld.idx.msk [tilespmem:v13+s12+$0x0], $0xffff  }
0x3d5: {  	v15 =	vor.u32 v15, v1;
	v5 =	vmul.f32 v4, v12;
	v12 =	vmul.f32 v12, v12;
	v13 =	vld [tilespmem:$0x1FBF0]  }
0x3d6: {  	v32 =	vld.idx.msk [tilespmem:v62+s12+$0x0], $0xffff;
	v7 =	vor.u32 v7, v0  }
0x3d7: {  	v3 =	vadd.f32 v12, v3;
	v12 =	vld [tilespmem:$0x1FC10]  }
0x3d8: {  	v33 =	vor.u32 v17, v0;
	v17 =	vld [tilespmem:$0x1FD50]  }
0x3d9: {  	v4 =	vmul.f32 v4, v4;
	v11 =	vor.u32 v11, v1;
	v9 =	vld.idx.msk [tilespmem:v9+s12+$0x0], $0xffff  }
0x3da: {  	v5 =	vadd.f32 v5, v6;
	v13 =	vor.u32 v13, v0;
	v6 =	vmul.f32 v14, v8;
	v15 =	vld.idx.msk [tilespmem:v15+s12+$0x0], $0xffff  }
0x3db: {  	v2 =	vadd.f32 v4, v2;
	v7 =	vld.idx.msk [tilespmem:v7+s12+$0x0], $0xffff  }
0x3dc: {  	v4 =	vmul.f32 v8, v8;
	v5 =	vadd.f32 v6, v5;
	v6 =	vmul.f32 v14, v14;
	v14 =	vld [tilespmem:$0x1FC40]  }
0x3dd: {  	v8 =	vld [tilespmem:$0x1FC00]  }
0x3de: {  	v3 =	vadd.f32 v4, v3;
	v11 =	vld.idx.msk [tilespmem:v11+s12+$0x0], $0xffff;
	v12 =	vor.u32 v12, v0;
	v4 =	vmul.f32 v9, v10  }
0x3df: {  	v2 =	vadd.f32 v6, v2;
	v6 =	vmul.f32 v10, v10;
	v10 =	vld.idx.msk [tilespmem:v13+s12+$0x0], $0xffff  }
0x3e0: {  	v13 =	vld [tilespmem:$0x1FC20];
	v4 =	vadd.f32 v4, v5;
	v5 =	vmul.f32 v9, v9  }
0x3e1: {  	v3 =	vadd.f32 v6, v3;
	v6 =	vmul.f32 v7, v15;
	v9 =	vld [tilespmem:$0x1FC30];
	v14 =	vor.u32 v14, v1  }
0x3e2: {  	v2 =	vadd.f32 v5, v2;
	v5 =	vmul.f32 v15, v15;
	v15 =	vld [tilespmem:$0x1FC50]  }
0x3e3: {  	v8 =	vor.u32 v8, v1;
	v4 =	vadd.f32 v6, v4;
	v6 =	vmul.f32 v7, v7;
	v7 =	vld.idx.msk [tilespmem:v12+s12+$0x0], $0xffff  }
0x3e4: {  	v12 =	vld [tilespmem:$0x1FC60];
	v3 =	vadd.f32 v5, v3;
	v5 =	vmul.f32 v10, v11  }
0x3e5: {  	v13 =	vor.u32 v13, v1;
	v2 =	vadd.f32 v6, v2;
	v6 =	vmul.f32 v11, v11;
	v11 =	vld [tilespmem:$0x1FC80]  }
0x3e6: {  	v9 =	vor.u32 v9, v0;
	v4 =	vadd.f32 v5, v4;
	v5 =	vmul.f32 v10, v10;
	v10 =	vld.idx.msk [tilespmem:v14+s12+$0x0], $0xffff  }
0x3e7: {  	v14 =	vld [tilespmem:$0x1FC90]  }
0x3e8: {  	v8 =	vld.idx.msk [tilespmem:v8+s12+$0x0], $0xffff;
	v15 =	vor.u32 v15, v0  }
0x3e9: {  	v34 =	vor.u32 v17, v1;
	v17 =	vld [tilespmem:$0x1FD60];
	v12 =	vor.u32 v12, v1  }
0x3ea: {  	v13 =	vld.idx.msk [tilespmem:v13+s12+$0x0], $0xffff  }
0x3eb: {  	v11 =	vor.u32 v11, v1;
	v9 =	vld.idx.msk [tilespmem:v9+s12+$0x0], $0xffff  }
0x3ec: {  	v22 =	vld.idx.msk [tilespmem:v22+s12+$0x0], $0xffff;
	v14 =	vor.u32 v14, v0  }
0x3ed: {  	v3 =	vadd.f32 v6, v3;
	v6 =	vmul.f32 v8, v8;
	v15 =	vld.idx.msk [tilespmem:v15+s12+$0x0], $0xffff  }
0x3ee: {  	v2 =	vadd.f32 v5, v2;
	v5 =	vmul.f32 v7, v7;
	v12 =	vld.idx.msk [tilespmem:v12+s12+$0x0], $0xffff  }
0x3ef: {  	v35 =	vor.u32 v17, v0;
	v17 =	vld [tilespmem:$0x1FD70];
	v3 =	vadd.f32 v6, v3;
	v6 =	vmul.f32 v13, v13  }
0x3f0: {  	v2 =	vadd.f32 v5, v2;
	v11 =	vld.idx.msk [tilespmem:v11+s12+$0x0], $0xffff;
	v5 =	vmul.f32 v9, v9  }
0x3f1: {  	v3 =	vadd.f32 v6, v3;
	v6 =	vmul.f32 v10, v10;
	v14 =	vld.idx.msk [tilespmem:v14+s12+$0x0], $0xffff  }
0x3f2: {  	v24 =	vld.idx.msk [tilespmem:v24+s12+$0x0], $0xffff;
	v2 =	vadd.f32 v5, v2;
	v5 =	vmul.f32 v15, v15  }
0x3f3: {  	v25 =	vld.idx.msk [tilespmem:v25+s12+$0x0], $0xffff;
	v3 =	vadd.f32 v6, v3;
	v6 =	vmul.f32 v12, v12  }
0x3f4: {  	v59 =	vor.u32 v17, v1;
	v17 =	vld [tilespmem:$0x1FD80];
	v2 =	vadd.f32 v5, v2;
	v5 =	vmul.f32 v16, v16  }
0x3f5: {  	v26 =	vld.idx.msk [tilespmem:v26+s12+$0x0], $0xffff;
	v3 =	vadd.f32 v6, v3;
	v6 =	vmul.f32 v11, v11  }
0x3f6: {  	v27 =	vld.idx.msk [tilespmem:v27+s12+$0x0], $0xffff;
	v2 =	vadd.f32 v5, v2;
	v5 =	vmul.f32 v14, v14  }
0x3f7: {  	v28 =	vld.idx.msk [tilespmem:v28+s12+$0x0], $0xffff;
	v3 =	vadd.f32 v6, v3;
	v6 =	vmul.f32 v21, v21  }
0x3f8: {  	v29 =	vld.idx.msk [tilespmem:v29+s12+$0x0], $0xffff;
	v2 =	vadd.f32 v5, v2;
	v5 =	vmul.f32 v22, v22  }
0x3f9: {  	v62 =	vor.u32 v17, v0;
	v17 =	vld [tilespmem:$0x1FD90];
	v3 =	vadd.f32 v6, v3;
	v6 =	vmul.f32 v24, v24  }
0x3fa: {  	v30 =	vld.idx.msk [tilespmem:v30+s12+$0x0], $0xffff;
	v2 =	vadd.f32 v5, v2;
	v5 =	vmul.f32 v25, v25  }
0x3fb: {  	v31 =	vld.idx.msk [tilespmem:v31+s12+$0x0], $0xffff;
	v3 =	vadd.f32 v6, v3;
	v6 =	vmul.f32 v26, v26  }
0x3fc: {  	v2 =	vadd.f32 v5, v2;
	v5 =	vmul.f32 v27, v27  }
0x3fd: {  	v23 =	vor.u32 v23, v1;
	v33 =	vld.idx.msk [tilespmem:v33+s12+$0x0], $0xffff;
	v3 =	vadd.f32 v6, v3;
	v6 =	vmul.f32 v28, v28  }
0x3fe: {  	v34 =	vld.idx.msk [tilespmem:v34+s12+$0x0], $0xffff;
	v17 =	vor.u32 v17, v0;
	v2 =	vadd.f32 v5, v2;
	v5 =	vmul.f32 v29, v29  }
0x3ff: {  	v18 =	vor.u32 v18, v1;
	v35 =	vld.idx.msk [tilespmem:v35+s12+$0x0], $0xffff;
	v3 =	vadd.f32 v6, v3;
	v6 =	vmul.f32 v30, v30  }
0x400: {  	v19 =	vor.u32 v19, v0;
	v36 =	vld.idx.msk [tilespmem:v59+s12+$0x0], $0xffff;
	v2 =	vadd.f32 v5, v2;
	v5 =	vmul.f32 v31, v31  }
0x401: {  	v20 =	vor.u32 v20, v1;
	v37 =	vld.idx.msk [tilespmem:v62+s12+$0x0], $0xffff;
	v3 =	vadd.f32 v6, v3;
	v6 =	vmul.f32 v32, v32  }
0x402: {  	v23 =	vld.idx.msk [tilespmem:v23+s12+$0x0], $0xffff;
	v1 =	vor.u32 v61, v1;
	v2 =	vadd.f32 v5, v2;
	v5 =	vmul.f32 v33, v33  }
0x403: {  	v59 =	vor.u32 v63, v0;
	v17 =	vld.idx.msk [tilespmem:v17+s12+$0x0], $0xffff;
	v3 =	vadd.f32 v6, v3;
	v6 =	vmul.f32 v34, v34  }
0x404: {  	v7 =	vmul.f32 v7, v8;
	v8 =	vld.idx.msk [tilespmem:v18+s12+$0x0], $0xffff;
	v2 =	vadd.f32 v5, v2;
	v5 =	vmul.f32 v35, v35  }
0x405: {  	v18 =	vld.idx.msk [tilespmem:v19+s12+$0x0], $0xffff;
	v0 =	vor.u32 v60, v0;
	v3 =	vadd.f32 v6, v3;
	v6 =	vmul.f32 v36, v36  }
0x406: {  	v4 =	vadd.f32 v7, v4;
	v7 =	vld.idx.msk [tilespmem:v20+s12+$0x0], $0xffff;
	v2 =	vadd.f32 v5, v2;
	v5 =	vmul.f32 v37, v37  }
0x407: {  	v1 =	vld.idx.msk [tilespmem:v1+s12+$0x0], $0xffff;
	v9 =	vmul.f32 v9, v13;
	v3 =	vadd.f32 v6, v3;
	v6 =	vmul.f32 v23, v23  }
0x408: {  	v40 =	vmovc v41;
	v41 =	vmov v42;
	v13 =	vld.idx.msk [tilespmem:v59+s12+$0x0], $0xffff;
	v2 =	vadd.f32 v5, v2;
	v5 =	vmul.f32 v17, v17  }
0x409: {  	v42 =	vmovc v43;
	v4 =	vadd.f32 v9, v4;
	v3 =	vadd.f32 v6, v3;
	v6 =	vmul.f32 v8, v8  }
0x40a: {  	v9 =	vmul.f32 v15, v10;
	v0 =	vld.idx.msk [tilespmem:v0+s12+$0x0], $0xffff;
	v2 =	vadd.f32 v5, v2;
	v5 =	vmul.f32 v18, v18  }
0x40b: {  	v43 =	vmovc v44;
	v44 =	vmovc v45;
	v45 =	vmov v46;
	v3 =	vadd.f32 v6, v3;
	v6 =	vmul.f32 v7, v7  }
0x40c: {  	v46 =	vmovc v47;
	v4 =	vadd.f32 v9, v4;
	v9 =	vmul.f32 v16, v12;
	v2 =	vadd.f32 v5, v2  }
0x40d: {  	v47 =	vmovc v48;
	v3 =	vadd.f32 v6, v3;
	v5 =	vmul.f32 v13, v13;
	v6 =	vmul.f32 v1, v1  }
0x40e: {  	v48 =	vmovc v49;
	v49 =	vmovc v50;
	v50 =	vmov v51;
	v4 =	vadd.f32 v9, v4;
	v9 =	vmul.f32 v14, v11  }
0x40f: {  	v51 =	vmovc v52;
	v2 =	vadd.f32 v5, v2;
	v3 =	vadd.f32 v6, v3;
	v5 =	vmul.f32 v0, v0  }
0x410: {  	v52 =	vmovc v53;
	v53 =	vmovc v55;
	v55 =	vmov v56;
	v56 =	vld [tilespmem:$0x1FFF0];
	v4 =	vadd.f32 v9, v4;
	v6 =	vmul.f32 v22, v21  }
0x411: {  	v39 =	vld [tilespmem:$0x1FFE0];
	v2 =	vadd.f32 v5, v2;
	v3 =	vmax.f32 v3, $1.000000020e-16  }
0x412: {  	v54 =	vld [tilespmem:$0x1FFD0];
	v4 =	vadd.f32 v6, v4;
	v5 =	vshra.s32 v3, $0x1;
	v3 =	vmul.f32 $5.000000000e-01, v3  }
0x413: {  	v38 =	vld [tilespmem:$0x1FFC0];
	v6 =	vmul.f32 v25, v24;
	v5 =	vsub.s32 $0x5F3759DF, v5;
	v2 =	vmax.f32 v2, $1.000000020e-16  }
0x414: {  	v19 =	vld [tilespmem:$0x1FE90];
	v9 =	vmul.f32 v5, v3;
	v10 =	vshra.s32 v2, $0x1;
	v2 =	vmul.f32 $5.000000000e-01, v2  }
0x415: {  	v20 =	vld [tilespmem:$0x1FEA0];
	v4 =	vadd.f32 v6, v4;
	v6 =	vmul.f32 v27, v26;
	v10 =	vsub.s32 $0x5F3759DF, v10  }
0x416: {  	v15 =	vld [tilespmem:$0x1FE50];
	v9 =	vmul.f32 v5, v9;
	v11 =	vmul.f32 v10, v2  }
0x417: {  	v16 =	vld [tilespmem:$0x1FE60];
	v4 =	vadd.f32 v6, v4;
	v6 =	vmul.f32 v29, v28  }
0x418: {  	v12 =	vld [tilespmem:$0x1FE20];
	v9 =	vsub.f32 $1.500000000e+00, v9;
	v11 =	vmul.f32 v10, v11  }
0x419: {  	v22 =	vld [tilespmem:$0x1FEC0];
	v4 =	vadd.f32 v6, v4;
	v6 =	vmul.f32 v31, v30  }
0x41a: {  	v21 =	vld [tilespmem:$0x1FEB0];
	v5 =	vmul.f32 v5, v9;
	v9 =	vsub.f32 $1.500000000e+00, v11  }
0x41b: {  	v25 =	vld [tilespmem:$0x1FEF0];
	v4 =	vadd.f32 v6, v4;
	v6 =	vmul.f32 v33, v32  }
0x41c: {  	v24 =	vld [tilespmem:$0x1FEE0];
	v9 =	vmul.f32 v10, v9;
	v10 =	vmul.f32 v5, v3  }
0x41d: {  	v27 =	vld [tilespmem:$0x1FF10];
	v4 =	vadd.f32 v6, v4;
	v6 =	vmul.f32 v35, v34  }
0x41e: {  	v26 =	vld [tilespmem:$0x1FF00];
	v10 =	vmul.f32 v10, v5;
	v11 =	vmul.f32 v9, v2  }
0x41f: {  	v29 =	vld [tilespmem:$0x1FF30];
	v4 =	vadd.f32 v6, v4;
	v6 =	vmul.f32 v37, v36  }
0x420: {  	v28 =	vld [tilespmem:$0x1FF20];
	v10 =	vsub.f32 $1.500000000e+00, v10;
	v11 =	vmul.f32 v11, v9  }
0x421: {  	v31 =	vld [tilespmem:$0x1FF50];
	v4 =	vadd.f32 v6, v4;
	v6 =	vmul.f32 v17, v23  }
0x422: {  	v30 =	vld [tilespmem:$0x1FF40];
	v5 =	vmul.f32 v10, v5;
	v10 =	vsub.f32 $1.500000000e+00, v11  }
0x423: {  	v33 =	vld [tilespmem:$0x1FF70];
	v4 =	vadd.f32 v6, v4;
	v6 =	vmul.f32 v18, v8  }
0x424: {  	v32 =	vld [tilespmem:$0x1FF60];
	v8 =	vmul.f32 v10, v9;
	v3 =	vmul.f32 v5, v3  }
0x425: {  	v35 =	vld [tilespmem:$0x1FF90];
	v4 =	vadd.f32 v6, v4;
	v6 =	vmul.f32 v13, v7  }
0x426: {  	v34 =	vld [tilespmem:$0x1FF80];
	v3 =	vmul.f32 v3, v5;
	v2 =	vmul.f32 v8, v2  }
0x427: {  	v0 =	vmul.f32 v0, v1;
	v37 =	vld [tilespmem:$0x1FFB0]  }
0x428: {  	v36 =	vld [tilespmem:$0x1FFA0];
	v4 =	vadd.f32 v6, v4;
	v62 =	vsub.f32 $1.500000000e+00, v3;
	v2 =	vmul.f32 v2, v8  }
0x429: {  	v23 =	vld [tilespmem:$0x1FED0]  }
0x42a: {  	v17 =	vld [tilespmem:$0x1FE70];
	v0 =	vadd.f32 v0, v4;
	v1 =	vmul.f32 v62, v5;
	v2 =	vsub.f32 $1.500000000e+00, v2  }
0x42b: {  	v18 =	vld [tilespmem:$0x1FE80]  }
0x42c: {  	v11 =	vld [tilespmem:$0x1FE10];
	v0 =	vmul.f32 v1, v0;
	v63 =	vmul.f32 v2, v8  }
0x42d: {  	v13 =	vld [tilespmem:$0x1FE30]  }
0x42e: {  	v7 =	vld [tilespmem:$0x1FDD0];
	v0 =	vmul.f32 v63, v0  }
0x42f: {  	p0 =	sne.s32 s19, $0x380;
	v10 =	vld [tilespmem:$0x1FE00]  }
.Ltmp0:
0x430: {  	v9 =	vld [tilespmem:$0x1FDF0];
	v0 =	vmul.f32 $5.000000000e-01, v0;
	(pc) =	sbr.rel @p0 .LBB2_2-.Ltmp0, $4  }
0x431: {  	v6 =	vld [tilespmem:$0x1FDC0]  }
0x432: {  	v4 =	vld [tilespmem:$0x1FDA0];
	v0 =	vadd.f32 $5.000000000e-01, v0  }
0x433: {  	v5 =	vld [tilespmem:$0x1FDB0]  }
0x434: {  	s18 =	sadd.s32 $0x80, s18;
	s19 =	smov.u32 s20;
	v8 =	vld [tilespmem:$0x1FDE0];
	[tilespmem:s17+$0x10] =	vst v0;
	s17 =	sadd.s32 $0x40, s17  }
0x435: {  	_ =	swait.ge [sflag:s13], $0x8000;
	s16 =	sadd.s32 $0x1, s16  }
0x436: {  	[sflag:s13] =	ssyncset.done $0x0;
	p0 =	sne.s32 s16, s6  }
.Ltmp1:
0x437: {  	[sflag:s13] =	ssyncadd.s32 $0xFFFF8000;
	(pc) =	sbr.rel @p0 .LBB2_1-.Ltmp1, $4  }
0x438: {  	[hbm4b:s5+s2] =	stream.linear.scatter [tilespmem:s15], [sflag:$0x3], $0x200, $0x38;
	[tilespmem:$0x11600] =	vst v63  }
0x439: {  	_ =	swait.ge [sflag:s7], $0x200  }
0x43a: {  	[sflag:s7] =	ssyncset.done $0x0  }
0x43b: {  	[sflag:s7] =	ssyncadd.s32 $0xFFFFFE00  }
0x43c: {  	_ =	sfence.sel $0x180000  }
0x43d: {  	[bflag:$0x0] =	sbarrier.arrive $0xFFFF  }
0x43e: {  	p0 =	sne.s32 s1, $0x0;
	_ =	strace $0x90000047  }
0x43f: {  	s0 =	sadd.s32 @!p0 $0x100000, s0;
	[bflag:$0x2] =	sbarrier.arrive $0xFFFF  }
0x440: {  	[sflag:s0] =	ssyncadd.tile.s32 @!p0 $0x1;
	_ =	shalt  }
.Lfunc_end2:
_tile_overlayer_lowered:
.L_overlay_start_2:
0x441: {  	(tag) =	ssettag $0x2  }
0x442: {  	s0 =	rddreg [dreg:$0x0];
	s2 =	stileid.u32  }
0x443: {  	s1 =	rddreg [dreg:$0x1];
	p0 =	sne.s32 s2, $0x0  }
0x444: {  	s3 =	rddreg [dreg:$0x2];
	[bflag:$0x3] =	sbarrier.arrive $0xFFFF;
	s2 =	simm.s32 @!p0 $0x1C03  }
0x445: {  	[timem:s3], [sflag:s2] =	dma.local @!p0 [hbm:s0], s1  }
0x446: {  	s0 =	simm.s32 @!p0 $0x3  }
0x447: {  	_ =	swait.ge @!p0 [sflag:s0], s1  }
0x448: {  	s1 =	ssub.s32 @!p0 $0x0, s1;
	[sflag:s0] =	ssyncset.done @!p0 $0x0  }
0x449: {  	[sflag:s0] =	ssyncadd.s32 @!p0 s1  }
0x44a: {  	[bflag:$0x3] =	sbarrier.arrive $0xFFFF  }
0x44b: {  	_ =	shalt  }

</sc_bundles>
